<compile_context>
chip_gen: v7x
topology: tpu7x:2x2x1
jax: 0.10.2.dev20260603
libtpu: 0.0.44.dev20260713+nightly
codegen_flags: <defaults>
</compile_context>

<pallas_src>
import functools

import jax
import jax.numpy as jnp
from jax import lax
from jax.experimental import pallas as pl
from jax.experimental.pallas import tpu as pltpu
from jax.experimental.pallas import tpu_sc as plsc

N, E, D, H = 10000, 160000, 256, 256
HALF = H // 2
NC, NS = 2, 16
NW = NC * NS
L = 16
CHUNK = 128
NCH = 40
EWP = NCH * CHUNK
EP = NW * EWP
RPS = 640
NPAD = NS * RPS

_mesh = plsc.VectorSubcoreMesh(core_axis_name="c", subcore_axis_name="s")


def _zero_acc(rows, acc, base):
    zeros16 = jnp.zeros((L,), jnp.float32)

    @pl.loop(0, CHUNK)
    def _(r):
        @pl.loop(0, HALF // L)
        def _(j):
            rows[1, r, pl.ds(j * L, L)] = zeros16

    for k in range(RPS // CHUNK):
        pltpu.sync_copy(rows.at[1], acc.at[pl.ds(base + k * CHUNK, CHUNK)])


def _sc_agg_body(compute_deg, ylo, yhi, srcr, dst2, *rest):
    if compute_deg:
        out, deg, src_v, dst2_v, rows, acc, sga, sgb, ssa, ssb = rest
    else:
        out, src_v, dst2_v, rows, acc, sga, sgb, ssa, ssb = rest

    cid = lax.axis_index("c")
    sid = lax.axis_index("s")
    base = sid * RPS

    def gath(tab, c, b, sem):
        pltpu.async_copy(tab.at[src_v.at[c]], rows.at[b], sem)

    def gath_wait(b, sem):
        pltpu.make_async_copy(ylo.at[pl.ds(0, CHUNK)], rows.at[b], sem).wait()

    def scat(c, b, sem):
        pltpu.async_copy(rows.at[b], acc.at[dst2_v.at[c]], sem, add=True)

    def scat_wait(b, sem):
        pltpu.make_async_copy(rows.at[b], acc.at[pl.ds(0, CHUNK)], sem).wait()

    def run_edges(tab):
        @pl.loop(0, 2)
        def _(seg):
            pltpu.sync_copy(srcr.at[seg, sid], src_v)
            pltpu.sync_copy(dst2.at[seg, sid], dst2_v)
            gath(tab, 0, 0, sga)

            @pl.loop(0, NCH, step=2)
            def _(c):
                gath(tab, c + 1, 1, sgb)
                gath_wait(0, sga)
                scat(c, 0, ssa)
                scat_wait(0, ssa)

                @pl.when(c + 2 < NCH)
                def _():
                    gath(tab, c + 2, 0, sga)

                gath_wait(1, sgb)
                scat(c + 1, 1, ssb)
                scat_wait(1, ssb)

    _zero_acc(rows, acc, base)
    plsc.subcore_barrier()

    @pl.when(cid == 0)
    def _():
        run_edges(ylo)

    @pl.when(cid == 1)
    def _():
        run_edges(yhi)

    plsc.subcore_barrier()
    pltpu.sync_copy(acc.at[pl.ds(base, RPS)], out.at[cid, pl.ds(base, RPS)])

    if compute_deg:
        _zero_acc(rows, acc, base)
        ones16 = jnp.ones((L,), jnp.float32)

        @pl.loop(0, CHUNK)
        def _(r):
            @pl.loop(0, HALF // L)
            def _(j):
                rows[0, r, pl.ds(j * L, L)] = ones16

        plsc.subcore_barrier()

        @pl.when(cid == 0)
        def _():
            @pl.loop(0, 2)
            def _(seg):
                pltpu.sync_copy(dst2.at[seg, sid], dst2_v)

                @pl.loop(0, NCH, step=4)
                def _(c):
                    for b in range(4):
                        scat(c + b, 0, ssa)
                    for b in range(4):
                        scat_wait(0, ssa)

            plsc.subcore_barrier()
            pltpu.sync_copy(acc.at[pl.ds(base, RPS)], deg.at[pl.ds(base, RPS)])


def _make_sc_agg(compute_deg):
    out_type = jax.ShapeDtypeStruct((NC, NPAD, HALF), jnp.float32)
    if compute_deg:
        out_type = [out_type, jax.ShapeDtypeStruct((NPAD, HALF), jnp.float32)]
    return pl.kernel(
        functools.partial(_sc_agg_body, compute_deg),
        out_type=out_type,
        mesh=_mesh,
        scratch_types=[
            pltpu.VMEM((EWP // 128, 128), jnp.int32),
            pltpu.VMEM((NCH, CHUNK), jnp.int32),
            pltpu.VMEM((2, CHUNK, HALF), jnp.float32),
            pltpu.VMEM_SHARED((NPAD, HALF), jnp.float32),
            pltpu.SemaphoreType.DMA,
            pltpu.SemaphoreType.DMA,
            pltpu.SemaphoreType.DMA,
            pltpu.SemaphoreType.DMA,
        ],
        compiler_params=pltpu.CompilerParams(needs_layout_passes=False),
        name=f"sage_sc_agg_deg{int(compute_deg)}",
    )


_sc_agg_deg = _make_sc_agg(True)
_sc_agg = _make_sc_agg(False)

BN = 2000


def _mm_body(x_ref, ws_ref, wn_ref, ys_ref, ylo_ref, yhi_ref):
    x = x_ref[...]
    ys_ref[...] = jnp.dot(x, ws_ref[...], preferred_element_type=jnp.float32)
    yn = jnp.dot(x, wn_ref[...], preferred_element_type=jnp.float32)
    ylo_ref[...] = yn[:, :HALF]
    yhi_ref[...] = yn[:, HALF:]


_MM_OUT_SPECS = [
    pl.BlockSpec((BN, H), lambda i: (i, 0)),
    pl.BlockSpec((BN, HALF), lambda i: (i, 0)),
    pl.BlockSpec((BN, HALF), lambda i: (i, 0)),
]
_MM_OUT_SHAPE = [
    jax.ShapeDtypeStruct((N, H), jnp.float32),
    jax.ShapeDtypeStruct((N, HALF), jnp.float32),
    jax.ShapeDtypeStruct((N, HALF), jnp.float32),
]

_mm = pl.pallas_call(
    _mm_body,
    grid=(N // BN,),
    in_specs=[
        pl.BlockSpec((BN, D), lambda i: (i, 0)),
        pl.BlockSpec((D, H), lambda i: (0, 0)),
        pl.BlockSpec((D, H), lambda i: (0, 0)),
    ],
    out_specs=_MM_OUT_SPECS,
    out_shape=_MM_OUT_SHAPE,
)


def _comb_core(ys_ref, a_ref, deg_ref, b_ref):
    a = a_ref[...]
    mean = jnp.concatenate([a[0], a[1]], axis=-1)
    recip = 1.0 / jnp.maximum(deg_ref[...], 1.0)
    return ys_ref[...] + mean * recip + b_ref[...]


def _comb_mm_body(with_scale, *refs):
    if with_scale:
        ys_ref, a_ref, deg_ref, b_ref, scale_ref, ws_ref, wn_ref, ys_o, ylo_o, yhi_o = refs
    else:
        ys_ref, a_ref, deg_ref, b_ref, ws_ref, wn_ref, ys_o, ylo_o, yhi_o = refs
    hv = jnp.tanh(_comb_core(ys_ref, a_ref, deg_ref, b_ref))
    if with_scale:
        hv = hv * scale_ref[...]
    ys_o[...] = jnp.dot(hv, ws_ref[...], preferred_element_type=jnp.float32)
    yn = jnp.dot(hv, wn_ref[...], preferred_element_type=jnp.float32)
    ylo_o[...] = yn[:, :HALF]
    yhi_o[...] = yn[:, HALF:]


def _comb_final_body(ys_ref, a_ref, deg_ref, b_ref, out_ref):
    out_ref[...] = _comb_core(ys_ref, a_ref, deg_ref, b_ref)


_COMB_IN_SPECS = [
    pl.BlockSpec((BN, H), lambda i: (i, 0)),
    pl.BlockSpec((NC, BN, HALF), lambda i: (0, i, 0)),
    pl.BlockSpec((BN, 1), lambda i: (i, 0)),
    pl.BlockSpec((H,), lambda i: (0,)),
]


def _make_comb_mm(with_scale):
    extra = [pl.BlockSpec((BN, H), lambda i: (i, 0))] if with_scale else []
    return pl.pallas_call(
        functools.partial(_comb_mm_body, with_scale),
        grid=(N // BN,),
        in_specs=_COMB_IN_SPECS + extra + [
            pl.BlockSpec((H, H), lambda i: (0, 0)),
            pl.BlockSpec((H, H), lambda i: (0, 0)),
        ],
        out_specs=_MM_OUT_SPECS,
        out_shape=_MM_OUT_SHAPE,
    )


_comb_mm_drop = _make_comb_mm(True)
_comb_mm = _make_comb_mm(False)

_comb_final = pl.pallas_call(
    _comb_final_body,
    grid=(N // BN,),
    in_specs=_COMB_IN_SPECS,
    out_specs=pl.BlockSpec((BN, H), lambda i: (i, 0)),
    out_shape=jax.ShapeDtypeStruct((N, H), jnp.float32),
)


def kernel(in_feat, edge_index, Ws1, Wn1, b1, Ws2, Wn2, b2, Ws3, Wn3, b3):
    src = edge_index[0]
    dst = edge_index[1]
    pad = EP - E
    spread = jnp.arange(pad, dtype=jnp.int32)
    src_p = jnp.concatenate([src, spread % N])
    dst_p = jnp.concatenate([dst, N + spread % (NPAD - N)])
    srcr = src_p.reshape(2, NS, EWP // 128, 128)
    dst2 = dst_p.reshape(2, NS, NCH, CHUNK)

    mask = jax.random.bernoulli(jax.random.key(42), 0.5, (N, H))
    scale = mask.astype(jnp.float32) * 2.0

    y1s, y1lo, y1hi = _mm(in_feat, Ws1, Wn1)
    agg1, degp = _sc_agg_deg(y1lo, y1hi, srcr, dst2)
    deg = degp[:N, :1]
    y2s, y2lo, y2hi = _comb_mm_drop(y1s, agg1, deg, b1, scale, Ws2, Wn2)
    agg2 = _sc_agg(y2lo, y2hi, srcr, dst2)
    y3s, y3lo, y3hi = _comb_mm(y2s, agg2, deg, b2, Ws3, Wn3)
    agg3 = _sc_agg(y3lo, y3hi, srcr, dst2)
    return _comb_final(y3s, agg3, deg, b3)

# --- scband reference (transcript-rebuilt; emitter-appended) ---
"""Pipeline reference for scband-graph-sage-72198400246355 (READ-ONLY COPY).

The authoritative reference and input builder live on the scoring server;
editing this copy changes nothing except your own understanding.
"""

import jax, jax.numpy as jnp
import numpy as np

N, E, D, H = 10000, 160000, 256, 256

def adaptive_max_pool1d(x, out_size):
    L = x.shape[-1]
    cols = []
    for i in range(out_size):
        s = (i * L) // out_size
        e = -(-((i + 1) * L) // out_size)
        cols.append(jnp.max(x[..., s:e], axis=-1))
    return jnp.stack(cols, axis=-1)

def sage_conv(x, edge_index, Wself, Wneigh, b):
    src = edge_index[0]
    dst = edge_index[1]
    n = x.shape[0]
    msg = x[src]
    summed = jax.ops.segment_sum(msg, dst, num_segments=n)
    deg = jax.ops.segment_sum(jnp.ones((src.shape[0],), x.dtype), dst, num_segments=n)
    mean = summed / jnp.clip(deg, 1.0)[:, None]
    return x @ Wself + mean @ Wneigh + b

def setup_inputs(seed: int = 0):
    key = jax.random.key(seed)
    ks = jax.random.split(key, 12)
    inp = {}
    inp['in_feat'] = jax.random.normal(ks[0], (N, D), dtype=jnp.float32)
    inp['edge_index'] = jax.random.randint(ks[1], (2, E), 0, N, dtype=jnp.int32)
    inp['Ws1'] = jax.random.normal(ks[2], (D, H), dtype=jnp.float32) * 0.05
    inp['Wn1'] = jax.random.normal(ks[3], (D, H), dtype=jnp.float32) * 0.05
    inp['b1'] = jnp.zeros((H,), dtype=jnp.float32)
    inp['Ws2'] = jax.random.normal(ks[4], (H, H), dtype=jnp.float32) * 0.05
    inp['Wn2'] = jax.random.normal(ks[5], (H, H), dtype=jnp.float32) * 0.05
    inp['b2'] = jnp.zeros((H,), dtype=jnp.float32)
    inp['Ws3'] = jax.random.normal(ks[6], (H, H), dtype=jnp.float32) * 0.05
    inp['Wn3'] = jax.random.normal(ks[7], (H, H), dtype=jnp.float32) * 0.05
    inp['b3'] = jnp.zeros((H,), dtype=jnp.float32)
    return inp

def reference(in_feat, edge_index, Ws1, Wn1, b1, Ws2, Wn2, b2, Ws3, Wn3, b3):
    # conv0: AdaptiveMaxPool1d(in_feats) on [N, D]; with L == out_size this is identity
    h = adaptive_max_pool1d(in_feat, D)
    # conv1 (SAGEConv mean)
    h = sage_conv(h, edge_index, Ws1, Wn1, b1)
    h = jnp.tanh(h)
    # F.dropout(h, 0.5) with fixed key for deterministic reference
    mask = jax.random.bernoulli(jax.random.key(42), 0.5, h.shape)
    h = jnp.where(mask, h / 0.5, 0.0)
    # conv2
    h = sage_conv(h, edge_index, Ws2, Wn2, b2)
    h = jnp.tanh(h)
    # conv3
    h = sage_conv(h, edge_index, Ws3, Wn3, b3)
    return h

if __name__ == "__main__":
    import jax
    _d = setup_inputs()
    print(jax.jit(kernel)(*tuple(_d.values())))

</pallas_src>

<mosaic_0001>
#map = affine_map<(d0, d1) -> (0, 0)>
#map1 = affine_map<(d0, d1) -> (0, 0, 0, 0)>
#map2 = affine_map<(d0, d1) -> (0, 0, 0)>
module attributes {stable_mosaic.version = 14 : i64} {
  func.func @sage_sc_agg_deg0(%arg0: i32, %arg1: i32, %arg2: memref<10000x128xf32, #tpu.memory_space<hbm>>, %arg3: memref<10000x128xf32, #tpu.memory_space<hbm>>, %arg4: memref<2x16x40x128xi32, #tpu.memory_space<hbm>>, %arg5: memref<2x16x40x128xi32, #tpu.memory_space<hbm>>, %arg6: memref<2x10240x128xf32, #tpu.memory_space<hbm>>, %arg7: memref<40x128xi32, #tpu.memory_space<vmem>>, %arg8: memref<40x128xi32, #tpu.memory_space<vmem>>, %arg9: memref<2x128x128xf32, #tpu.memory_space<vmem>>, %arg10: memref<10240x128xf32, #tpu.memory_space<vmem_shared>>, %arg11: memref<!tpu.dma_semaphore, #tpu.memory_space<semaphore_mem>>, %arg12: memref<!tpu.dma_semaphore, #tpu.memory_space<semaphore_mem>>, %arg13: memref<!tpu.dma_semaphore, #tpu.memory_space<semaphore_mem>>, %arg14: memref<!tpu.dma_semaphore, #tpu.memory_space<semaphore_mem>>) attributes {dimension_semantics = [#tpu.dimension_semantics<core_parallel>, #tpu.dimension_semantics<subcore_parallel>], iteration_bounds = array<i64: 2, 16>, scalar_prefetch = 0 : i64, scratch_operands = 8 : i64, tpu.core_type = #tpu.core_type<sc_vector_subcore>, window_params = [{transform_indices = #map}, {transform_indices = #map}, {transform_indices = #map1}, {transform_indices = #map1}, {transform_indices = #map2}]} {
    %mul3A = arith.constant 640 : i32
    %mul3A_0 = arith.muli %arg1, %mul3A : i32
    %broadcast_in_dim3A = arith.constant 0.000000e+00 : f32
    %broadcast_in_dim3A_1 = vector.broadcast %broadcast_in_dim3A : f32 to vector<16xf32>
    %scan3A = arith.constant 0 : i32
    %scan3A_2 = arith.constant 128 : i32
    %scan3A_3 = arith.addi %scan3A, %scan3A_2 : i32
    %scan3A_4 = arith.constant 1 : i32
    scf.for %scan3A_27 = %scan3A to %scan3A_3 step %scan3A_4  : i32 {
      %mul3A_28 = arith.constant 1 : i32
      %mul3A_29 = arith.muli %scan3A_27, %mul3A_28 : i32
      %add3A_30 = arith.constant 0 : i32
      %add3A_31 = arith.addi %add3A_30, %mul3A_29 : i32
      %scan3A_32 = arith.constant 0 : i32
      %scan3A_33 = arith.constant 8 : i32
      %scan3A_34 = arith.addi %scan3A_32, %scan3A_33 : i32
      %scan3A_35 = arith.constant 1 : i32
      scf.for %scan3A_37 = %scan3A_32 to %scan3A_34 step %scan3A_35  : i32 {
        %mul3A_38 = arith.constant 1 : i32
        %mul3A_39 = arith.muli %scan3A_37, %mul3A_38 : i32
        %add3A_40 = arith.constant 0 : i32
        %add3A_41 = arith.addi %add3A_40, %mul3A_39 : i32
        %mul3A_42 = arith.constant 16 : i32
        %mul3A_43 = arith.muli %add3A_41, %mul3A_42 : i32
        %swap3A = arith.constant 1 : i32
        %swap3A_44 = arith.index_cast %swap3A : i32 to index
        %swap3A_45 = arith.index_cast %add3A_31 : i32 to index
        %swap3A_46 = arith.index_cast %mul3A_43 : i32 to index
        %swap3A_47 = tpu.vector_load %arg9[%swap3A_44, %swap3A_45, %swap3A_46] {strides = array<i32>} : memref<2x128x128xf32, #tpu.memory_space<vmem>>, vector<16xf32>,
        tpu.vector_store %arg9[%swap3A_44, %swap3A_45, %swap3A_46], %broadcast_in_dim3A_1 {strides = array<i32>} : memref<2x128x128xf32, #tpu.memory_space<vmem>>, vector<16xf32>,
      }
      %scan3A_36 = arith.constant 8 : i32
    }
    %scan3A_5 = arith.constant 128 : i32
    %add3A = arith.constant 0 : i32
    %add3A_6 = arith.addi %mul3A_0, %add3A : i32
    %run_scoped3A = arith.constant 1 : i32
    "tpu.region"() ({
      %run_scoped3A_27 = tpu.sem_alloc : memref<!tpu.dma_semaphore, #tpu.memory_space<semaphore_mem>>
      %dma_start3A = arith.constant 0 : i32
      %dma_start3A_28 = arith.constant 0 : i32
      %dma_start3A_29 = tpu.memref_slice %arg9[%run_scoped3A, %dma_start3A, %dma_start3A_28] : memref<2x128x128xf32, #tpu.memory_space<vmem>> -> memref<1x128x128xf32, #tpu.memory_space<vmem>>
      %dma_start3A_30 = tpu.memref_squeeze %dma_start3A_29 : memref<1x128x128xf32, #tpu.memory_space<vmem>> -> memref<128x128xf32, #tpu.memory_space<vmem>>
      %dma_start3A_31 = arith.constant 0 : i32
      %dma_start3A_32 = tpu.memref_slice %arg10[%add3A_6, %dma_start3A_31] : memref<10240x128xf32, #tpu.memory_space<vmem_shared>> -> memref<128x128xf32, #tpu.memory_space<vmem_shared>>
      %dma_start3A_33 = arith.constant 0 : i32
      %dma_start3A_34 = tpu.memref_slice %arg10[%add3A_6, %dma_start3A_33] : memref<10240x128xf32, #tpu.memory_space<vmem_shared>> -> memref<128x128xf32, #tpu.memory_space<vmem_shared>>
      %dma_start3A_35 = arith.constant 0 : i32
      %dma_start3A_36 = arith.constant 0 : i32
      %dma_start3A_37 = tpu.memref_slice %arg9[%run_scoped3A, %dma_start3A_35, %dma_start3A_36] : memref<2x128x128xf32, #tpu.memory_space<vmem>> -> memref<1x128x128xf32, #tpu.memory_space<vmem>>
      %dma_start3A_38 = tpu.memref_squeeze %dma_start3A_37 : memref<1x128x128xf32, #tpu.memory_space<vmem>> -> memref<128x128xf32, #tpu.memory_space<vmem>>
      tpu.enqueue_dma source(%dma_start3A_38 : memref<128x128xf32, #tpu.memory_space<vmem>>) target(%dma_start3A_34 : memref<128x128xf32, #tpu.memory_space<vmem_shared>>) target_semaphore(%run_scoped3A_27 : memref<!tpu.dma_semaphore, #tpu.memory_space<semaphore_mem>>)
      %dma_wait3A = arith.constant 0 : i32
      %dma_wait3A_39 = arith.constant 0 : i32
      %dma_wait3A_40 = tpu.memref_slice %arg9[%run_scoped3A, %dma_wait3A, %dma_wait3A_39] : memref<2x128x128xf32, #tpu.memory_space<vmem>> -> memref<1x128x128xf32, #tpu.memory_space<vmem>>
      %dma_wait3A_41 = tpu.memref_squeeze %dma_wait3A_40 : memref<1x128x128xf32, #tpu.memory_space<vmem>> -> memref<128x128xf32, #tpu.memory_space<vmem>>
      %dma_wait3A_42 = arith.constant 0 : i32
      %dma_wait3A_43 = tpu.memref_slice %arg10[%add3A_6, %dma_wait3A_42] : memref<10240x128xf32, #tpu.memory_space<vmem_shared>> -> memref<128x128xf32, #tpu.memory_space<vmem_shared>>
      %dma_wait3A_44 = arith.constant 0 : i32
      %dma_wait3A_45 = tpu.memref_slice %arg10[%add3A_6, %dma_wait3A_44] : memref<10240x128xf32, #tpu.memory_space<vmem_shared>> -> memref<128x128xf32, #tpu.memory_space<vmem_shared>>
      %dma_wait3A_46 = arith.constant 0 : i32
      %dma_wait3A_47 = arith.constant 0 : i32
      %dma_wait3A_48 = tpu.memref_slice %arg9[%run_scoped3A, %dma_wait3A_46, %dma_wait3A_47] : memref<2x128x128xf32, #tpu.memory_space<vmem>> -> memref<1x128x128xf32, #tpu.memory_space<vmem>>
      %dma_wait3A_49 = tpu.memref_squeeze %dma_wait3A_48 : memref<1x128x128xf32, #tpu.memory_space<vmem>> -> memref<128x128xf32, #tpu.memory_space<vmem>>
      tpu.wait_dma2 semaphore(%run_scoped3A_27 : memref<!tpu.dma_semaphore, #tpu.memory_space<semaphore_mem>>) src(%dma_wait3A_49 : memref<128x128xf32, #tpu.memory_space<vmem>>) dst(%dma_wait3A_45 : memref<128x128xf32, #tpu.memory_space<vmem_shared>>)
      tpu.yield
    }) : () -> ()
    %add3A_7 = arith.constant 128 : i32
    %add3A_8 = arith.addi %mul3A_0, %add3A_7 : i32
    %run_scoped3A_9 = arith.constant 1 : i32
    "tpu.region"() ({
      %run_scoped3A_27 = tpu.sem_alloc : memref<!tpu.dma_semaphore, #tpu.memory_space<semaphore_mem>>
      %dma_start3A = arith.constant 0 : i32
      %dma_start3A_28 = arith.constant 0 : i32
      %dma_start3A_29 = tpu.memref_slice %arg9[%run_scoped3A_9, %dma_start3A, %dma_start3A_28] : memref<2x128x128xf32, #tpu.memory_space<vmem>> -> memref<1x128x128xf32, #tpu.memory_space<vmem>>
      %dma_start3A_30 = tpu.memref_squeeze %dma_start3A_29 : memref<1x128x128xf32, #tpu.memory_space<vmem>> -> memref<128x128xf32, #tpu.memory_space<vmem>>
      %dma_start3A_31 = arith.constant 0 : i32
      %dma_start3A_32 = tpu.memref_slice %arg10[%add3A_8, %dma_start3A_31] : memref<10240x128xf32, #tpu.memory_space<vmem_shared>> -> memref<128x128xf32, #tpu.memory_space<vmem_shared>>
      %dma_start3A_33 = arith.constant 0 : i32
      %dma_start3A_34 = tpu.memref_slice %arg10[%add3A_8, %dma_start3A_33] : memref<10240x128xf32, #tpu.memory_space<vmem_shared>> -> memref<128x128xf32, #tpu.memory_space<vmem_shared>>
      %dma_start3A_35 = arith.constant 0 : i32
      %dma_start3A_36 = arith.constant 0 : i32
      %dma_start3A_37 = tpu.memref_slice %arg9[%run_scoped3A_9, %dma_start3A_35, %dma_start3A_36] : memref<2x128x128xf32, #tpu.memory_space<vmem>> -> memref<1x128x128xf32, #tpu.memory_space<vmem>>
      %dma_start3A_38 = tpu.memref_squeeze %dma_start3A_37 : memref<1x128x128xf32, #tpu.memory_space<vmem>> -> memref<128x128xf32, #tpu.memory_space<vmem>>
      tpu.enqueue_dma source(%dma_start3A_38 : memref<128x128xf32, #tpu.memory_space<vmem>>) target(%dma_start3A_34 : memref<128x128xf32, #tpu.memory_space<vmem_shared>>) target_semaphore(%run_scoped3A_27 : memref<!tpu.dma_semaphore, #tpu.memory_space<semaphore_mem>>)
      %dma_wait3A = arith.constant 0 : i32
      %dma_wait3A_39 = arith.constant 0 : i32
      %dma_wait3A_40 = tpu.memref_slice %arg9[%run_scoped3A_9, %dma_wait3A, %dma_wait3A_39] : memref<2x128x128xf32, #tpu.memory_space<vmem>> -> memref<1x128x128xf32, #tpu.memory_space<vmem>>
      %dma_wait3A_41 = tpu.memref_squeeze %dma_wait3A_40 : memref<1x128x128xf32, #tpu.memory_space<vmem>> -> memref<128x128xf32, #tpu.memory_space<vmem>>
      %dma_wait3A_42 = arith.constant 0 : i32
      %dma_wait3A_43 = tpu.memref_slice %arg10[%add3A_8, %dma_wait3A_42] : memref<10240x128xf32, #tpu.memory_space<vmem_shared>> -> memref<128x128xf32, #tpu.memory_space<vmem_shared>>
      %dma_wait3A_44 = arith.constant 0 : i32
      %dma_wait3A_45 = tpu.memref_slice %arg10[%add3A_8, %dma_wait3A_44] : memref<10240x128xf32, #tpu.memory_space<vmem_shared>> -> memref<128x128xf32, #tpu.memory_space<vmem_shared>>
      %dma_wait3A_46 = arith.constant 0 : i32
      %dma_wait3A_47 = arith.constant 0 : i32
      %dma_wait3A_48 = tpu.memref_slice %arg9[%run_scoped3A_9, %dma_wait3A_46, %dma_wait3A_47] : memref<2x128x128xf32, #tpu.memory_space<vmem>> -> memref<1x128x128xf32, #tpu.memory_space<vmem>>
      %dma_wait3A_49 = tpu.memref_squeeze %dma_wait3A_48 : memref<1x128x128xf32, #tpu.memory_space<vmem>> -> memref<128x128xf32, #tpu.memory_space<vmem>>
      tpu.wait_dma2 semaphore(%run_scoped3A_27 : memref<!tpu.dma_semaphore, #tpu.memory_space<semaphore_mem>>) src(%dma_wait3A_49 : memref<128x128xf32, #tpu.memory_space<vmem>>) dst(%dma_wait3A_45 : memref<128x128xf32, #tpu.memory_space<vmem_shared>>)
      tpu.yield
    }) : () -> ()
    %add3A_10 = arith.constant 256 : i32
    %add3A_11 = arith.addi %mul3A_0, %add3A_10 : i32
    %run_scoped3A_12 = arith.constant 1 : i32
    "tpu.region"() ({
      %run_scoped3A_27 = tpu.sem_alloc : memref<!tpu.dma_semaphore, #tpu.memory_space<semaphore_mem>>
      %dma_start3A = arith.constant 0 : i32
      %dma_start3A_28 = arith.constant 0 : i32
      %dma_start3A_29 = tpu.memref_slice %arg9[%run_scoped3A_12, %dma_start3A, %dma_start3A_28] : memref<2x128x128xf32, #tpu.memory_space<vmem>> -> memref<1x128x128xf32, #tpu.memory_space<vmem>>
      %dma_start3A_30 = tpu.memref_squeeze %dma_start3A_29 : memref<1x128x128xf32, #tpu.memory_space<vmem>> -> memref<128x128xf32, #tpu.memory_space<vmem>>
      %dma_start3A_31 = arith.constant 0 : i32
      %dma_start3A_32 = tpu.memref_slice %arg10[%add3A_11, %dma_start3A_31] : memref<10240x128xf32, #tpu.memory_space<vmem_shared>> -> memref<128x128xf32, #tpu.memory_space<vmem_shared>>
      %dma_start3A_33 = arith.constant 0 : i32
      %dma_start3A_34 = tpu.memref_slice %arg10[%add3A_11, %dma_start3A_33] : memref<10240x128xf32, #tpu.memory_space<vmem_shared>> -> memref<128x128xf32, #tpu.memory_space<vmem_shared>>
      %dma_start3A_35 = arith.constant 0 : i32
      %dma_start3A_36 = arith.constant 0 : i32
      %dma_start3A_37 = tpu.memref_slice %arg9[%run_scoped3A_12, %dma_start3A_35, %dma_start3A_36] : memref<2x128x128xf32, #tpu.memory_space<vmem>> -> memref<1x128x128xf32, #tpu.memory_space<vmem>>
      %dma_start3A_38 = tpu.memref_squeeze %dma_start3A_37 : memref<1x128x128xf32, #tpu.memory_space<vmem>> -> memref<128x128xf32, #tpu.memory_space<vmem>>
      tpu.enqueue_dma source(%dma_start3A_38 : memref<128x128xf32, #tpu.memory_space<vmem>>) target(%dma_start3A_34 : memref<128x128xf32, #tpu.memory_space<vmem_shared>>) target_semaphore(%run_scoped3A_27 : memref<!tpu.dma_semaphore, #tpu.memory_space<semaphore_mem>>)
      %dma_wait3A = arith.constant 0 : i32
      %dma_wait3A_39 = arith.constant 0 : i32
      %dma_wait3A_40 = tpu.memref_slice %arg9[%run_scoped3A_12, %dma_wait3A, %dma_wait3A_39] : memref<2x128x128xf32, #tpu.memory_space<vmem>> -> memref<1x128x128xf32, #tpu.memory_space<vmem>>
      %dma_wait3A_41 = tpu.memref_squeeze %dma_wait3A_40 : memref<1x128x128xf32, #tpu.memory_space<vmem>> -> memref<128x128xf32, #tpu.memory_space<vmem>>
      %dma_wait3A_42 = arith.constant 0 : i32
      %dma_wait3A_43 = tpu.memref_slice %arg10[%add3A_11, %dma_wait3A_42] : memref<10240x128xf32, #tpu.memory_space<vmem_shared>> -> memref<128x128xf32, #tpu.memory_space<vmem_shared>>
      %dma_wait3A_44 = arith.constant 0 : i32
      %dma_wait3A_45 = tpu.memref_slice %arg10[%add3A_11, %dma_wait3A_44] : memref<10240x128xf32, #tpu.memory_space<vmem_shared>> -> memref<128x128xf32, #tpu.memory_space<vmem_shared>>
      %dma_wait3A_46 = arith.constant 0 : i32
      %dma_wait3A_47 = arith.constant 0 : i32
      %dma_wait3A_48 = tpu.memref_slice %arg9[%run_scoped3A_12, %dma_wait3A_46, %dma_wait3A_47] : memref<2x128x128xf32, #tpu.memory_space<vmem>> -> memref<1x128x128xf32, #tpu.memory_space<vmem>>
      %dma_wait3A_49 = tpu.memref_squeeze %dma_wait3A_48 : memref<1x128x128xf32, #tpu.memory_space<vmem>> -> memref<128x128xf32, #tpu.memory_space<vmem>>
      tpu.wait_dma2 semaphore(%run_scoped3A_27 : memref<!tpu.dma_semaphore, #tpu.memory_space<semaphore_mem>>) src(%dma_wait3A_49 : memref<128x128xf32, #tpu.memory_space<vmem>>) dst(%dma_wait3A_45 : memref<128x128xf32, #tpu.memory_space<vmem_shared>>)
      tpu.yield
    }) : () -> ()
    %add3A_13 = arith.constant 384 : i32
    %add3A_14 = arith.addi %mul3A_0, %add3A_13 : i32
    %run_scoped3A_15 = arith.constant 1 : i32
    "tpu.region"() ({
      %run_scoped3A_27 = tpu.sem_alloc : memref<!tpu.dma_semaphore, #tpu.memory_space<semaphore_mem>>
      %dma_start3A = arith.constant 0 : i32
      %dma_start3A_28 = arith.constant 0 : i32
      %dma_start3A_29 = tpu.memref_slice %arg9[%run_scoped3A_15, %dma_start3A, %dma_start3A_28] : memref<2x128x128xf32, #tpu.memory_space<vmem>> -> memref<1x128x128xf32, #tpu.memory_space<vmem>>
      %dma_start3A_30 = tpu.memref_squeeze %dma_start3A_29 : memref<1x128x128xf32, #tpu.memory_space<vmem>> -> memref<128x128xf32, #tpu.memory_space<vmem>>
      %dma_start3A_31 = arith.constant 0 : i32
      %dma_start3A_32 = tpu.memref_slice %arg10[%add3A_14, %dma_start3A_31] : memref<10240x128xf32, #tpu.memory_space<vmem_shared>> -> memref<128x128xf32, #tpu.memory_space<vmem_shared>>
      %dma_start3A_33 = arith.constant 0 : i32
      %dma_start3A_34 = tpu.memref_slice %arg10[%add3A_14, %dma_start3A_33] : memref<10240x128xf32, #tpu.memory_space<vmem_shared>> -> memref<128x128xf32, #tpu.memory_space<vmem_shared>>
      %dma_start3A_35 = arith.constant 0 : i32
      %dma_start3A_36 = arith.constant 0 : i32
      %dma_start3A_37 = tpu.memref_slice %arg9[%run_scoped3A_15, %dma_start3A_35, %dma_start3A_36] : memref<2x128x128xf32, #tpu.memory_space<vmem>> -> memref<1x128x128xf32, #tpu.memory_space<vmem>>
      %dma_start3A_38 = tpu.memref_squeeze %dma_start3A_37 : memref<1x128x128xf32, #tpu.memory_space<vmem>> -> memref<128x128xf32, #tpu.memory_space<vmem>>
      tpu.enqueue_dma source(%dma_start3A_38 : memref<128x128xf32, #tpu.memory_space<vmem>>) target(%dma_start3A_34 : memref<128x128xf32, #tpu.memory_space<vmem_shared>>) target_semaphore(%run_scoped3A_27 : memref<!tpu.dma_semaphore, #tpu.memory_space<semaphore_mem>>)
      %dma_wait3A = arith.constant 0 : i32
      %dma_wait3A_39 = arith.constant 0 : i32
      %dma_wait3A_40 = tpu.memref_slice %arg9[%run_scoped3A_15, %dma_wait3A, %dma_wait3A_39] : memref<2x128x128xf32, #tpu.memory_space<vmem>> -> memref<1x128x128xf32, #tpu.memory_space<vmem>>
      %dma_wait3A_41 = tpu.memref_squeeze %dma_wait3A_40 : memref<1x128x128xf32, #tpu.memory_space<vmem>> -> memref<128x128xf32, #tpu.memory_space<vmem>>
      %dma_wait3A_42 = arith.constant 0 : i32
      %dma_wait3A_43 = tpu.memref_slice %arg10[%add3A_14, %dma_wait3A_42] : memref<10240x128xf32, #tpu.memory_space<vmem_shared>> -> memref<128x128xf32, #tpu.memory_space<vmem_shared>>
      %dma_wait3A_44 = arith.constant 0 : i32
      %dma_wait3A_45 = tpu.memref_slice %arg10[%add3A_14, %dma_wait3A_44] : memref<10240x128xf32, #tpu.memory_space<vmem_shared>> -> memref<128x128xf32, #tpu.memory_space<vmem_shared>>
      %dma_wait3A_46 = arith.constant 0 : i32
      %dma_wait3A_47 = arith.constant 0 : i32
      %dma_wait3A_48 = tpu.memref_slice %arg9[%run_scoped3A_15, %dma_wait3A_46, %dma_wait3A_47] : memref<2x128x128xf32, #tpu.memory_space<vmem>> -> memref<1x128x128xf32, #tpu.memory_space<vmem>>
      %dma_wait3A_49 = tpu.memref_squeeze %dma_wait3A_48 : memref<1x128x128xf32, #tpu.memory_space<vmem>> -> memref<128x128xf32, #tpu.memory_space<vmem>>
      tpu.wait_dma2 semaphore(%run_scoped3A_27 : memref<!tpu.dma_semaphore, #tpu.memory_space<semaphore_mem>>) src(%dma_wait3A_49 : memref<128x128xf32, #tpu.memory_space<vmem>>) dst(%dma_wait3A_45 : memref<128x128xf32, #tpu.memory_space<vmem_shared>>)
      tpu.yield
    }) : () -> ()
    %add3A_16 = arith.constant 512 : i32
    %add3A_17 = arith.addi %mul3A_0, %add3A_16 : i32
    %run_scoped3A_18 = arith.constant 1 : i32
    "tpu.region"() ({
      %run_scoped3A_27 = tpu.sem_alloc : memref<!tpu.dma_semaphore, #tpu.memory_space<semaphore_mem>>
      %dma_start3A = arith.constant 0 : i32
      %dma_start3A_28 = arith.constant 0 : i32
      %dma_start3A_29 = tpu.memref_slice %arg9[%run_scoped3A_18, %dma_start3A, %dma_start3A_28] : memref<2x128x128xf32, #tpu.memory_space<vmem>> -> memref<1x128x128xf32, #tpu.memory_space<vmem>>
      %dma_start3A_30 = tpu.memref_squeeze %dma_start3A_29 : memref<1x128x128xf32, #tpu.memory_space<vmem>> -> memref<128x128xf32, #tpu.memory_space<vmem>>
      %dma_start3A_31 = arith.constant 0 : i32
      %dma_start3A_32 = tpu.memref_slice %arg10[%add3A_17, %dma_start3A_31] : memref<10240x128xf32, #tpu.memory_space<vmem_shared>> -> memref<128x128xf32, #tpu.memory_space<vmem_shared>>
      %dma_start3A_33 = arith.constant 0 : i32
      %dma_start3A_34 = tpu.memref_slice %arg10[%add3A_17, %dma_start3A_33] : memref<10240x128xf32, #tpu.memory_space<vmem_shared>> -> memref<128x128xf32, #tpu.memory_space<vmem_shared>>
      %dma_start3A_35 = arith.constant 0 : i32
      %dma_start3A_36 = arith.constant 0 : i32
      %dma_start3A_37 = tpu.memref_slice %arg9[%run_scoped3A_18, %dma_start3A_35, %dma_start3A_36] : memref<2x128x128xf32, #tpu.memory_space<vmem>> -> memref<1x128x128xf32, #tpu.memory_space<vmem>>
      %dma_start3A_38 = tpu.memref_squeeze %dma_start3A_37 : memref<1x128x128xf32, #tpu.memory_space<vmem>> -> memref<128x128xf32, #tpu.memory_space<vmem>>
      tpu.enqueue_dma source(%dma_start3A_38 : memref<128x128xf32, #tpu.memory_space<vmem>>) target(%dma_start3A_34 : memref<128x128xf32, #tpu.memory_space<vmem_shared>>) target_semaphore(%run_scoped3A_27 : memref<!tpu.dma_semaphore, #tpu.memory_space<semaphore_mem>>)
      %dma_wait3A = arith.constant 0 : i32
      %dma_wait3A_39 = arith.constant 0 : i32
      %dma_wait3A_40 = tpu.memref_slice %arg9[%run_scoped3A_18, %dma_wait3A, %dma_wait3A_39] : memref<2x128x128xf32, #tpu.memory_space<vmem>> -> memref<1x128x128xf32, #tpu.memory_space<vmem>>
      %dma_wait3A_41 = tpu.memref_squeeze %dma_wait3A_40 : memref<1x128x128xf32, #tpu.memory_space<vmem>> -> memref<128x128xf32, #tpu.memory_space<vmem>>
      %dma_wait3A_42 = arith.constant 0 : i32
      %dma_wait3A_43 = tpu.memref_slice %arg10[%add3A_17, %dma_wait3A_42] : memref<10240x128xf32, #tpu.memory_space<vmem_shared>> -> memref<128x128xf32, #tpu.memory_space<vmem_shared>>
      %dma_wait3A_44 = arith.constant 0 : i32
      %dma_wait3A_45 = tpu.memref_slice %arg10[%add3A_17, %dma_wait3A_44] : memref<10240x128xf32, #tpu.memory_space<vmem_shared>> -> memref<128x128xf32, #tpu.memory_space<vmem_shared>>
      %dma_wait3A_46 = arith.constant 0 : i32
      %dma_wait3A_47 = arith.constant 0 : i32
      %dma_wait3A_48 = tpu.memref_slice %arg9[%run_scoped3A_18, %dma_wait3A_46, %dma_wait3A_47] : memref<2x128x128xf32, #tpu.memory_space<vmem>> -> memref<1x128x128xf32, #tpu.memory_space<vmem>>
      %dma_wait3A_49 = tpu.memref_squeeze %dma_wait3A_48 : memref<1x128x128xf32, #tpu.memory_space<vmem>> -> memref<128x128xf32, #tpu.memory_space<vmem>>
      tpu.wait_dma2 semaphore(%run_scoped3A_27 : memref<!tpu.dma_semaphore, #tpu.memory_space<semaphore_mem>>) src(%dma_wait3A_49 : memref<128x128xf32, #tpu.memory_space<vmem>>) dst(%dma_wait3A_45 : memref<128x128xf32, #tpu.memory_space<vmem_shared>>)
      tpu.yield
    }) : () -> ()
    %barrier3A = arith.constant 0 : index
    tpu.barrier barrier_id(%barrier3A)
    %eq3A = arith.constant 0 : i32
    %eq3A_19 = arith.cmpi eq, %arg0, %eq3A : i32
    %convert_element_type3A = arith.extui %eq3A_19 : i1 to i32
    %cond3A = arith.constant 0 : i32
    %cond3A_20 = arith.cmpi ne, %convert_element_type3A, %cond3A : i32
    scf.if %cond3A_20 {
      %scan3A_27 = arith.constant 0 : i32
      %scan3A_28 = arith.constant 2 : i32
      %scan3A_29 = arith.addi %scan3A_27, %scan3A_28 : i32
      %scan3A_30 = arith.constant 1 : i32
      scf.for %scan3A_32 = %scan3A_27 to %scan3A_29 step %scan3A_30  : i32 {
        %mul3A_33 = arith.constant 1 : i32
        %mul3A_34 = arith.muli %scan3A_32, %mul3A_33 : i32
        %add3A_35 = arith.constant 0 : i32
        %add3A_36 = arith.addi %add3A_35, %mul3A_34 : i32
        "tpu.region"() ({
          %run_scoped3A_53 = tpu.sem_alloc : memref<!tpu.dma_semaphore, #tpu.memory_space<semaphore_mem>>
          %dma_start3A_54 = arith.constant 0 : i32
          %dma_start3A_55 = arith.constant 0 : i32
          %dma_start3A_56 = tpu.memref_slice %arg4[%add3A_36, %arg1, %dma_start3A_54, %dma_start3A_55] : memref<2x16x40x128xi32, #tpu.memory_space<hbm>> -> memref<1x1x40x128xi32, #tpu.memory_space<hbm>>
          %dma_start3A_57 = tpu.memref_squeeze %dma_start3A_56 : memref<1x1x40x128xi32, #tpu.memory_space<hbm>> -> memref<40x128xi32, #tpu.memory_space<hbm>>
          %dma_start3A_58 = arith.constant 0 : i32
          %dma_start3A_59 = arith.constant 0 : i32
          %dma_start3A_60 = tpu.memref_slice %arg4[%add3A_36, %arg1, %dma_start3A_58, %dma_start3A_59] : memref<2x16x40x128xi32, #tpu.memory_space<hbm>> -> memref<1x1x40x128xi32, #tpu.memory_space<hbm>>
          %dma_start3A_61 = tpu.memref_squeeze %dma_start3A_60 : memref<1x1x40x128xi32, #tpu.memory_space<hbm>> -> memref<40x128xi32, #tpu.memory_space<hbm>>
          tpu.enqueue_dma source(%dma_start3A_61 : memref<40x128xi32, #tpu.memory_space<hbm>>) target(%arg7 : memref<40x128xi32, #tpu.memory_space<vmem>>) target_semaphore(%run_scoped3A_53 : memref<!tpu.dma_semaphore, #tpu.memory_space<semaphore_mem>>)
          %dma_wait3A = arith.constant 0 : i32
          %dma_wait3A_62 = arith.constant 0 : i32
          %dma_wait3A_63 = tpu.memref_slice %arg4[%add3A_36, %arg1, %dma_wait3A, %dma_wait3A_62] : memref<2x16x40x128xi32, #tpu.memory_space<hbm>> -> memref<1x1x40x128xi32, #tpu.memory_space<hbm>>
          %dma_wait3A_64 = tpu.memref_squeeze %dma_wait3A_63 : memref<1x1x40x128xi32, #tpu.memory_space<hbm>> -> memref<40x128xi32, #tpu.memory_space<hbm>>
          %dma_wait3A_65 = arith.constant 0 : i32
          %dma_wait3A_66 = arith.constant 0 : i32
          %dma_wait3A_67 = tpu.memref_slice %arg4[%add3A_36, %arg1, %dma_wait3A_65, %dma_wait3A_66] : memref<2x16x40x128xi32, #tpu.memory_space<hbm>> -> memref<1x1x40x128xi32, #tpu.memory_space<hbm>>
          %dma_wait3A_68 = tpu.memref_squeeze %dma_wait3A_67 : memref<1x1x40x128xi32, #tpu.memory_space<hbm>> -> memref<40x128xi32, #tpu.memory_space<hbm>>
          tpu.wait_dma2 semaphore(%run_scoped3A_53 : memref<!tpu.dma_semaphore, #tpu.memory_space<semaphore_mem>>) src(%dma_wait3A_68 : memref<40x128xi32, #tpu.memory_space<hbm>>) dst(%arg7 : memref<40x128xi32, #tpu.memory_space<vmem>>)
          tpu.yield
        }) : () -> ()
        "tpu.region"() ({
          %run_scoped3A_53 = tpu.sem_alloc : memref<!tpu.dma_semaphore, #tpu.memory_space<semaphore_mem>>
          %dma_start3A_54 = arith.constant 0 : i32
          %dma_start3A_55 = arith.constant 0 : i32
          %dma_start3A_56 = tpu.memref_slice %arg5[%add3A_36, %arg1, %dma_start3A_54, %dma_start3A_55] : memref<2x16x40x128xi32, #tpu.memory_space<hbm>> -> memref<1x1x40x128xi32, #tpu.memory_space<hbm>>
          %dma_start3A_57 = tpu.memref_squeeze %dma_start3A_56 : memref<1x1x40x128xi32, #tpu.memory_space<hbm>> -> memref<40x128xi32, #tpu.memory_space<hbm>>
          %dma_start3A_58 = arith.constant 0 : i32
          %dma_start3A_59 = arith.constant 0 : i32
          %dma_start3A_60 = tpu.memref_slice %arg5[%add3A_36, %arg1, %dma_start3A_58, %dma_start3A_59] : memref<2x16x40x128xi32, #tpu.memory_space<hbm>> -> memref<1x1x40x128xi32, #tpu.memory_space<hbm>>
          %dma_start3A_61 = tpu.memref_squeeze %dma_start3A_60 : memref<1x1x40x128xi32, #tpu.memory_space<hbm>> -> memref<40x128xi32, #tpu.memory_space<hbm>>
          tpu.enqueue_dma source(%dma_start3A_61 : memref<40x128xi32, #tpu.memory_space<hbm>>) target(%arg8 : memref<40x128xi32, #tpu.memory_space<vmem>>) target_semaphore(%run_scoped3A_53 : memref<!tpu.dma_semaphore, #tpu.memory_space<semaphore_mem>>)
          %dma_wait3A = arith.constant 0 : i32
          %dma_wait3A_62 = arith.constant 0 : i32
          %dma_wait3A_63 = tpu.memref_slice %arg5[%add3A_36, %arg1, %dma_wait3A, %dma_wait3A_62] : memref<2x16x40x128xi32, #tpu.memory_space<hbm>> -> memref<1x1x40x128xi32, #tpu.memory_space<hbm>>
          %dma_wait3A_64 = tpu.memref_squeeze %dma_wait3A_63 : memref<1x1x40x128xi32, #tpu.memory_space<hbm>> -> memref<40x128xi32, #tpu.memory_space<hbm>>
          %dma_wait3A_65 = arith.constant 0 : i32
          %dma_wait3A_66 = arith.constant 0 : i32
          %dma_wait3A_67 = tpu.memref_slice %arg5[%add3A_36, %arg1, %dma_wait3A_65, %dma_wait3A_66] : memref<2x16x40x128xi32, #tpu.memory_space<hbm>> -> memref<1x1x40x128xi32, #tpu.memory_space<hbm>>
          %dma_wait3A_68 = tpu.memref_squeeze %dma_wait3A_67 : memref<1x1x40x128xi32, #tpu.memory_space<hbm>> -> memref<40x128xi32, #tpu.memory_space<hbm>>
          tpu.wait_dma2 semaphore(%run_scoped3A_53 : memref<!tpu.dma_semaphore, #tpu.memory_space<semaphore_mem>>) src(%dma_wait3A_68 : memref<40x128xi32, #tpu.memory_space<hbm>>) dst(%arg8 : memref<40x128xi32, #tpu.memory_space<vmem>>)
          tpu.yield
        }) : () -> ()
        %dma_start3A = arith.constant 0 : i32
        %dma_start3A_37 = arith.constant 0 : i32
        %dma_start3A_38 = arith.constant 0 : i32
        %dma_start3A_39 = arith.constant 0 : i32
        %dma_start3A_40 = tpu.memref_slice %arg9[%dma_start3A_37, %dma_start3A_38, %dma_start3A_39] : memref<2x128x128xf32, #tpu.memory_space<vmem>> -> memref<1x128x128xf32, #tpu.memory_space<vmem>>
        %dma_start3A_41 = tpu.memref_squeeze %dma_start3A_40 : memref<1x128x128xf32, #tpu.memory_space<vmem>> -> memref<128x128xf32, #tpu.memory_space<vmem>>
        %dma_start3A_42 = arith.constant 0 : i32
        %dma_start3A_43 = tpu.memref_slice %arg7[%dma_start3A, %dma_start3A_42] : memref<40x128xi32, #tpu.memory_space<vmem>> -> memref<1x128xi32, #tpu.memory_space<vmem>>
        %dma_start3A_44 = tpu.memref_squeeze %dma_start3A_43 : memref<1x128xi32, #tpu.memory_space<vmem>> -> memref<128xi32, #tpu.memory_space<vmem>>
        %dma_start3A_45 = arith.constant 0 : i32
        %dma_start3A_46 = arith.constant 0 : i32
        %dma_start3A_47 = tpu.memref_slice %arg2[%dma_start3A_45, %dma_start3A_46] : memref<10000x128xf32, #tpu.memory_space<hbm>> -> memref<10000x128xf32, #tpu.memory_space<hbm>>
        tpu.enqueue_indirect_dma source(%dma_start3A_47 : memref<10000x128xf32, #tpu.memory_space<hbm>>) target(%dma_start3A_41 : memref<128x128xf32, #tpu.memory_space<vmem>>) offsets(%dma_start3A_44 : memref<128xi32, #tpu.memory_space<vmem>>) semaphore(%arg11 : memref<!tpu.dma_semaphore, #tpu.memory_space<semaphore_mem>>)
        %scan3A_48 = arith.constant 0 : i32
        %scan3A_49 = arith.constant 20 : i32
        %scan3A_50 = arith.addi %scan3A_48, %scan3A_49 : i32
        %scan3A_51 = arith.constant 1 : i32
        scf.for %scan3A_53 = %scan3A_48 to %scan3A_50 step %scan3A_51  : i32 {
          %mul3A_54 = arith.constant 2 : i32
          %mul3A_55 = arith.muli %scan3A_53, %mul3A_54 : i32
          %add3A_56 = arith.constant 0 : i32
          %add3A_57 = arith.addi %add3A_56, %mul3A_55 : i32
          %add3A_58 = arith.constant 1 : i32
          %add3A_59 = arith.addi %add3A_57, %add3A_58 : i32
          %dma_start3A_60 = arith.constant 1 : i32
          %dma_start3A_61 = arith.constant 0 : i32
          %dma_start3A_62 = arith.constant 0 : i32
          %dma_start3A_63 = tpu.memref_slice %arg9[%dma_start3A_60, %dma_start3A_61, %dma_start3A_62] : memref<2x128x128xf32, #tpu.memory_space<vmem>> -> memref<1x128x128xf32, #tpu.memory_space<vmem>>
          %dma_start3A_64 = tpu.memref_squeeze %dma_start3A_63 : memref<1x128x128xf32, #tpu.memory_space<vmem>> -> memref<128x128xf32, #tpu.memory_space<vmem>>
          %dma_start3A_65 = arith.constant 0 : i32
          %dma_start3A_66 = tpu.memref_slice %arg7[%add3A_59, %dma_start3A_65] : memref<40x128xi32, #tpu.memory_space<vmem>> -> memref<1x128xi32, #tpu.memory_space<vmem>>
          %dma_start3A_67 = tpu.memref_squeeze %dma_start3A_66 : memref<1x128xi32, #tpu.memory_space<vmem>> -> memref<128xi32, #tpu.memory_space<vmem>>
          %dma_start3A_68 = arith.constant 0 : i32
          %dma_start3A_69 = arith.constant 0 : i32
          %dma_start3A_70 = tpu.memref_slice %arg2[%dma_start3A_68, %dma_start3A_69] : memref<10000x128xf32, #tpu.memory_space<hbm>> -> memref<10000x128xf32, #tpu.memory_space<hbm>>
          tpu.enqueue_indirect_dma source(%dma_start3A_70 : memref<10000x128xf32, #tpu.memory_space<hbm>>) target(%dma_start3A_64 : memref<128x128xf32, #tpu.memory_space<vmem>>) offsets(%dma_start3A_67 : memref<128xi32, #tpu.memory_space<vmem>>) semaphore(%arg12 : memref<!tpu.dma_semaphore, #tpu.memory_space<semaphore_mem>>)
          %dma_wait3A = arith.constant 0 : i32
          %dma_wait3A_71 = arith.constant 0 : i32
          %dma_wait3A_72 = arith.constant 0 : i32
          %dma_wait3A_73 = tpu.memref_slice %arg9[%dma_wait3A, %dma_wait3A_71, %dma_wait3A_72] : memref<2x128x128xf32, #tpu.memory_space<vmem>> -> memref<1x128x128xf32, #tpu.memory_space<vmem>>
          %dma_wait3A_74 = tpu.memref_squeeze %dma_wait3A_73 : memref<1x128x128xf32, #tpu.memory_space<vmem>> -> memref<128x128xf32, #tpu.memory_space<vmem>>
          %dma_wait3A_75 = arith.constant 0 : i32
          %dma_wait3A_76 = arith.constant 0 : i32
          %dma_wait3A_77 = tpu.memref_slice %arg2[%dma_wait3A_75, %dma_wait3A_76] : memref<10000x128xf32, #tpu.memory_space<hbm>> -> memref<128x128xf32, #tpu.memory_space<hbm>>
          %dma_wait3A_78 = arith.constant 0 : i32
          %dma_wait3A_79 = arith.constant 0 : i32
          %dma_wait3A_80 = tpu.memref_slice %arg9[%dma_wait3A, %dma_wait3A_78, %dma_wait3A_79] : memref<2x128x128xf32, #tpu.memory_space<vmem>> -> memref<1x128x128xf32, #tpu.memory_space<vmem>>
          %dma_wait3A_81 = tpu.memref_squeeze %dma_wait3A_80 : memref<1x128x128xf32, #tpu.memory_space<vmem>> -> memref<128x128xf32, #tpu.memory_space<vmem>>
          %dma_wait3A_82 = arith.constant 0 : i32
          %dma_wait3A_83 = arith.constant 0 : i32
          %dma_wait3A_84 = tpu.memref_slice %arg2[%dma_wait3A_82, %dma_wait3A_83] : memref<10000x128xf32, #tpu.memory_space<hbm>> -> memref<128x128xf32, #tpu.memory_space<hbm>>
          tpu.wait_dma2 semaphore(%arg11 : memref<!tpu.dma_semaphore, #tpu.memory_space<semaphore_mem>>) src(%dma_wait3A_84 : memref<128x128xf32, #tpu.memory_space<hbm>>) dst(%dma_wait3A_81 : memref<128x128xf32, #tpu.memory_space<vmem>>)
          %dma_start3A_85 = arith.constant 0 : i32
          %dma_start3A_86 = arith.constant 0 : i32
          %dma_start3A_87 = arith.constant 0 : i32
          %dma_start3A_88 = tpu.memref_slice %arg9[%dma_start3A_85, %dma_start3A_86, %dma_start3A_87] : memref<2x128x128xf32, #tpu.memory_space<vmem>> -> memref<1x128x128xf32, #tpu.memory_space<vmem>>
          %dma_start3A_89 = tpu.memref_squeeze %dma_start3A_88 : memref<1x128x128xf32, #tpu.memory_space<vmem>> -> memref<128x128xf32, #tpu.memory_space<vmem>>
          %dma_start3A_90 = arith.constant 0 : i32
          %dma_start3A_91 = tpu.memref_slice %arg8[%add3A_57, %dma_start3A_90] : memref<40x128xi32, #tpu.memory_space<vmem>> -> memref<1x128xi32, #tpu.memory_space<vmem>>
          %dma_start3A_92 = tpu.memref_squeeze %dma_start3A_91 : memref<1x128xi32, #tpu.memory_space<vmem>> -> memref<128xi32, #tpu.memory_space<vmem>>
          %dma_start3A_93 = arith.constant 0 : i32
          %dma_start3A_94 = arith.constant 0 : i32
          %dma_start3A_95 = tpu.memref_slice %arg10[%dma_start3A_93, %dma_start3A_94] : memref<10240x128xf32, #tpu.memory_space<vmem_shared>> -> memref<10240x128xf32, #tpu.memory_space<vmem_shared>>
          tpu.enqueue_indirect_dma source(%dma_start3A_89 : memref<128x128xf32, #tpu.memory_space<vmem>>) target(%dma_start3A_95 : memref<10240x128xf32, #tpu.memory_space<vmem_shared>>) offsets(%dma_start3A_92 : memref<128xi32, #tpu.memory_space<vmem>>) semaphore(%arg13 : memref<!tpu.dma_semaphore, #tpu.memory_space<semaphore_mem>>) {add = true}
          %dma_wait3A_96 = arith.constant 0 : i32
          %dma_wait3A_97 = arith.constant 0 : i32
          %dma_wait3A_98 = arith.constant 0 : i32
          %dma_wait3A_99 = tpu.memref_slice %arg9[%dma_wait3A_96, %dma_wait3A_97, %dma_wait3A_98] : memref<2x128x128xf32, #tpu.memory_space<vmem>> -> memref<1x128x128xf32, #tpu.memory_space<vmem>>
          %dma_wait3A_100 = tpu.memref_squeeze %dma_wait3A_99 : memref<1x128x128xf32, #tpu.memory_space<vmem>> -> memref<128x128xf32, #tpu.memory_space<vmem>>
          %dma_wait3A_101 = arith.constant 0 : i32
          %dma_wait3A_102 = arith.constant 0 : i32
          %dma_wait3A_103 = tpu.memref_slice %arg10[%dma_wait3A_101, %dma_wait3A_102] : memref<10240x128xf32, #tpu.memory_space<vmem_shared>> -> memref<128x128xf32, #tpu.memory_space<vmem_shared>>
          %dma_wait3A_104 = arith.constant 0 : i32
          %dma_wait3A_105 = arith.constant 0 : i32
          %dma_wait3A_106 = tpu.memref_slice %arg10[%dma_wait3A_104, %dma_wait3A_105] : memref<10240x128xf32, #tpu.memory_space<vmem_shared>> -> memref<128x128xf32, #tpu.memory_space<vmem_shared>>
          %dma_wait3A_107 = arith.constant 0 : i32
          %dma_wait3A_108 = arith.constant 0 : i32
          %dma_wait3A_109 = tpu.memref_slice %arg9[%dma_wait3A_96, %dma_wait3A_107, %dma_wait3A_108] : memref<2x128x128xf32, #tpu.memory_space<vmem>> -> memref<1x128x128xf32, #tpu.memory_space<vmem>>
          %dma_wait3A_110 = tpu.memref_squeeze %dma_wait3A_109 : memref<1x128x128xf32, #tpu.memory_space<vmem>> -> memref<128x128xf32, #tpu.memory_space<vmem>>
          tpu.wait_dma2 semaphore(%arg13 : memref<!tpu.dma_semaphore, #tpu.memory_space<semaphore_mem>>) src(%dma_wait3A_110 : memref<128x128xf32, #tpu.memory_space<vmem>>) dst(%dma_wait3A_106 : memref<128x128xf32, #tpu.memory_space<vmem_shared>>)
          %add3A_111 = arith.constant 2 : i32
          %add3A_112 = arith.addi %add3A_57, %add3A_111 : i32
          %lt3A = arith.constant 40 : i32
          %lt3A_113 = arith.cmpi slt, %add3A_112, %lt3A : i32
          %convert_element_type3A_114 = arith.extui %lt3A_113 : i1 to i32
          %cond3A_115 = arith.constant 0 : i32
          %cond3A_116 = arith.cmpi ne, %convert_element_type3A_114, %cond3A_115 : i32
          scf.if %cond3A_116 {
            %add3A_160 = arith.constant 2 : i32
            %add3A_161 = arith.addi %add3A_57, %add3A_160 : i32
            %dma_start3A_162 = arith.constant 0 : i32
            %dma_start3A_163 = arith.constant 0 : i32
            %dma_start3A_164 = arith.constant 0 : i32
            %dma_start3A_165 = tpu.memref_slice %arg9[%dma_start3A_162, %dma_start3A_163, %dma_start3A_164] : memref<2x128x128xf32, #tpu.memory_space<vmem>> -> memref<1x128x128xf32, #tpu.memory_space<vmem>>
            %dma_start3A_166 = tpu.memref_squeeze %dma_start3A_165 : memref<1x128x128xf32, #tpu.memory_space<vmem>> -> memref<128x128xf32, #tpu.memory_space<vmem>>
            %dma_start3A_167 = arith.constant 0 : i32
            %dma_start3A_168 = tpu.memref_slice %arg7[%add3A_161, %dma_start3A_167] : memref<40x128xi32, #tpu.memory_space<vmem>> -> memref<1x128xi32, #tpu.memory_space<vmem>>
            %dma_start3A_169 = tpu.memref_squeeze %dma_start3A_168 : memref<1x128xi32, #tpu.memory_space<vmem>> -> memref<128xi32, #tpu.memory_space<vmem>>
            %dma_start3A_170 = arith.constant 0 : i32
            %dma_start3A_171 = arith.constant 0 : i32
            %dma_start3A_172 = tpu.memref_slice %arg2[%dma_start3A_170, %dma_start3A_171] : memref<10000x128xf32, #tpu.memory_space<hbm>> -> memref<10000x128xf32, #tpu.memory_space<hbm>>
            tpu.enqueue_indirect_dma source(%dma_start3A_172 : memref<10000x128xf32, #tpu.memory_space<hbm>>) target(%dma_start3A_166 : memref<128x128xf32, #tpu.memory_space<vmem>>) offsets(%dma_start3A_169 : memref<128xi32, #tpu.memory_space<vmem>>) semaphore(%arg11 : memref<!tpu.dma_semaphore, #tpu.memory_space<semaphore_mem>>)
          } else {
          }
          %dma_wait3A_117 = arith.constant 1 : i32
          %dma_wait3A_118 = arith.constant 0 : i32
          %dma_wait3A_119 = arith.constant 0 : i32
          %dma_wait3A_120 = tpu.memref_slice %arg9[%dma_wait3A_117, %dma_wait3A_118, %dma_wait3A_119] : memref<2x128x128xf32, #tpu.memory_space<vmem>> -> memref<1x128x128xf32, #tpu.memory_space<vmem>>
          %dma_wait3A_121 = tpu.memref_squeeze %dma_wait3A_120 : memref<1x128x128xf32, #tpu.memory_space<vmem>> -> memref<128x128xf32, #tpu.memory_space<vmem>>
          %dma_wait3A_122 = arith.constant 0 : i32
          %dma_wait3A_123 = arith.constant 0 : i32
          %dma_wait3A_124 = tpu.memref_slice %arg2[%dma_wait3A_122, %dma_wait3A_123] : memref<10000x128xf32, #tpu.memory_space<hbm>> -> memref<128x128xf32, #tpu.memory_space<hbm>>
          %dma_wait3A_125 = arith.constant 0 : i32
          %dma_wait3A_126 = arith.constant 0 : i32
          %dma_wait3A_127 = tpu.memref_slice %arg9[%dma_wait3A_117, %dma_wait3A_125, %dma_wait3A_126] : memref<2x128x128xf32, #tpu.memory_space<vmem>> -> memref<1x128x128xf32, #tpu.memory_space<vmem>>
          %dma_wait3A_128 = tpu.memref_squeeze %dma_wait3A_127 : memref<1x128x128xf32, #tpu.memory_space<vmem>> -> memref<128x128xf32, #tpu.memory_space<vmem>>
          %dma_wait3A_129 = arith.constant 0 : i32
          %dma_wait3A_130 = arith.constant 0 : i32
          %dma_wait3A_131 = tpu.memref_slice %arg2[%dma_wait3A_129, %dma_wait3A_130] : memref<10000x128xf32, #tpu.memory_space<hbm>> -> memref<128x128xf32, #tpu.memory_space<hbm>>
          tpu.wait_dma2 semaphore(%arg12 : memref<!tpu.dma_semaphore, #tpu.memory_space<semaphore_mem>>) src(%dma_wait3A_131 : memref<128x128xf32, #tpu.memory_space<hbm>>) dst(%dma_wait3A_128 : memref<128x128xf32, #tpu.memory_space<vmem>>)
          %add3A_132 = arith.constant 1 : i32
          %add3A_133 = arith.addi %add3A_57, %add3A_132 : i32
          %dma_start3A_134 = arith.constant 1 : i32
          %dma_start3A_135 = arith.constant 0 : i32
          %dma_start3A_136 = arith.constant 0 : i32
          %dma_start3A_137 = tpu.memref_slice %arg9[%dma_start3A_134, %dma_start3A_135, %dma_start3A_136] : memref<2x128x128xf32, #tpu.memory_space<vmem>> -> memref<1x128x128xf32, #tpu.memory_space<vmem>>
          %dma_start3A_138 = tpu.memref_squeeze %dma_start3A_137 : memref<1x128x128xf32, #tpu.memory_space<vmem>> -> memref<128x128xf32, #tpu.memory_space<vmem>>
          %dma_start3A_139 = arith.constant 0 : i32
          %dma_start3A_140 = tpu.memref_slice %arg8[%add3A_133, %dma_start3A_139] : memref<40x128xi32, #tpu.memory_space<vmem>> -> memref<1x128xi32, #tpu.memory_space<vmem>>
          %dma_start3A_141 = tpu.memref_squeeze %dma_start3A_140 : memref<1x128xi32, #tpu.memory_space<vmem>> -> memref<128xi32, #tpu.memory_space<vmem>>
          %dma_start3A_142 = arith.constant 0 : i32
          %dma_start3A_143 = arith.constant 0 : i32
          %dma_start3A_144 = tpu.memref_slice %arg10[%dma_start3A_142, %dma_start3A_143] : memref<10240x128xf32, #tpu.memory_space<vmem_shared>> -> memref<10240x128xf32, #tpu.memory_space<vmem_shared>>
          tpu.enqueue_indirect_dma source(%dma_start3A_138 : memref<128x128xf32, #tpu.memory_space<vmem>>) target(%dma_start3A_144 : memref<10240x128xf32, #tpu.memory_space<vmem_shared>>) offsets(%dma_start3A_141 : memref<128xi32, #tpu.memory_space<vmem>>) semaphore(%arg14 : memref<!tpu.dma_semaphore, #tpu.memory_space<semaphore_mem>>) {add = true}
          %dma_wait3A_145 = arith.constant 1 : i32
          %dma_wait3A_146 = arith.constant 0 : i32
          %dma_wait3A_147 = arith.constant 0 : i32
          %dma_wait3A_148 = tpu.memref_slice %arg9[%dma_wait3A_145, %dma_wait3A_146, %dma_wait3A_147] : memref<2x128x128xf32, #tpu.memory_space<vmem>> -> memref<1x128x128xf32, #tpu.memory_space<vmem>>
          %dma_wait3A_149 = tpu.memref_squeeze %dma_wait3A_148 : memref<1x128x128xf32, #tpu.memory_space<vmem>> -> memref<128x128xf32, #tpu.memory_space<vmem>>
          %dma_wait3A_150 = arith.constant 0 : i32
          %dma_wait3A_151 = arith.constant 0 : i32
          %dma_wait3A_152 = tpu.memref_slice %arg10[%dma_wait3A_150, %dma_wait3A_151] : memref<10240x128xf32, #tpu.memory_space<vmem_shared>> -> memref<128x128xf32, #tpu.memory_space<vmem_shared>>
          %dma_wait3A_153 = arith.constant 0 : i32
          %dma_wait3A_154 = arith.constant 0 : i32
          %dma_wait3A_155 = tpu.memref_slice %arg10[%dma_wait3A_153, %dma_wait3A_154] : memref<10240x128xf32, #tpu.memory_space<vmem_shared>> -> memref<128x128xf32, #tpu.memory_space<vmem_shared>>
          %dma_wait3A_156 = arith.constant 0 : i32
          %dma_wait3A_157 = arith.constant 0 : i32
          %dma_wait3A_158 = tpu.memref_slice %arg9[%dma_wait3A_145, %dma_wait3A_156, %dma_wait3A_157] : memref<2x128x128xf32, #tpu.memory_space<vmem>> -> memref<1x128x128xf32, #tpu.memory_space<vmem>>
          %dma_wait3A_159 = tpu.memref_squeeze %dma_wait3A_158 : memref<1x128x128xf32, #tpu.memory_space<vmem>> -> memref<128x128xf32, #tpu.memory_space<vmem>>
          tpu.wait_dma2 semaphore(%arg14 : memref<!tpu.dma_semaphore, #tpu.memory_space<semaphore_mem>>) src(%dma_wait3A_159 : memref<128x128xf32, #tpu.memory_space<vmem>>) dst(%dma_wait3A_155 : memref<128x128xf32, #tpu.memory_space<vmem_shared>>)
        }
        %scan3A_52 = arith.constant 20 : i32
      }
      %scan3A_31 = arith.constant 2 : i32
    } else {
    }
    %eq3A_21 = arith.constant 1 : i32
    %eq3A_22 = arith.cmpi eq, %arg0, %eq3A_21 : i32
    %convert_element_type3A_23 = arith.extui %eq3A_22 : i1 to i32
    %cond3A_24 = arith.constant 0 : i32
    %cond3A_25 = arith.cmpi ne, %convert_element_type3A_23, %cond3A_24 : i32
    scf.if %cond3A_25 {
      %scan3A_27 = arith.constant 0 : i32
      %scan3A_28 = arith.constant 2 : i32
      %scan3A_29 = arith.addi %scan3A_27, %scan3A_28 : i32
      %scan3A_30 = arith.constant 1 : i32
      scf.for %scan3A_32 = %scan3A_27 to %scan3A_29 step %scan3A_30  : i32 {
        %mul3A_33 = arith.constant 1 : i32
        %mul3A_34 = arith.muli %scan3A_32, %mul3A_33 : i32
        %add3A_35 = arith.constant 0 : i32
        %add3A_36 = arith.addi %add3A_35, %mul3A_34 : i32
        "tpu.region"() ({
          %run_scoped3A_53 = tpu.sem_alloc : memref<!tpu.dma_semaphore, #tpu.memory_space<semaphore_mem>>
          %dma_start3A_54 = arith.constant 0 : i32
          %dma_start3A_55 = arith.constant 0 : i32
          %dma_start3A_56 = tpu.memref_slice %arg4[%add3A_36, %arg1, %dma_start3A_54, %dma_start3A_55] : memref<2x16x40x128xi32, #tpu.memory_space<hbm>> -> memref<1x1x40x128xi32, #tpu.memory_space<hbm>>
          %dma_start3A_57 = tpu.memref_squeeze %dma_start3A_56 : memref<1x1x40x128xi32, #tpu.memory_space<hbm>> -> memref<40x128xi32, #tpu.memory_space<hbm>>
          %dma_start3A_58 = arith.constant 0 : i32
          %dma_start3A_59 = arith.constant 0 : i32
          %dma_start3A_60 = tpu.memref_slice %arg4[%add3A_36, %arg1, %dma_start3A_58, %dma_start3A_59] : memref<2x16x40x128xi32, #tpu.memory_space<hbm>> -> memref<1x1x40x128xi32, #tpu.memory_space<hbm>>
          %dma_start3A_61 = tpu.memref_squeeze %dma_start3A_60 : memref<1x1x40x128xi32, #tpu.memory_space<hbm>> -> memref<40x128xi32, #tpu.memory_space<hbm>>
          tpu.enqueue_dma source(%dma_start3A_61 : memref<40x128xi32, #tpu.memory_space<hbm>>) target(%arg7 : memref<40x128xi32, #tpu.memory_space<vmem>>) target_semaphore(%run_scoped3A_53 : memref<!tpu.dma_semaphore, #tpu.memory_space<semaphore_mem>>)
          %dma_wait3A = arith.constant 0 : i32
          %dma_wait3A_62 = arith.constant 0 : i32
          %dma_wait3A_63 = tpu.memref_slice %arg4[%add3A_36, %arg1, %dma_wait3A, %dma_wait3A_62] : memref<2x16x40x128xi32, #tpu.memory_space<hbm>> -> memref<1x1x40x128xi32, #tpu.memory_space<hbm>>
          %dma_wait3A_64 = tpu.memref_squeeze %dma_wait3A_63 : memref<1x1x40x128xi32, #tpu.memory_space<hbm>> -> memref<40x128xi32, #tpu.memory_space<hbm>>
          %dma_wait3A_65 = arith.constant 0 : i32
          %dma_wait3A_66 = arith.constant 0 : i32
          %dma_wait3A_67 = tpu.memref_slice %arg4[%add3A_36, %arg1, %dma_wait3A_65, %dma_wait3A_66] : memref<2x16x40x128xi32, #tpu.memory_space<hbm>> -> memref<1x1x40x128xi32, #tpu.memory_space<hbm>>
          %dma_wait3A_68 = tpu.memref_squeeze %dma_wait3A_67 : memref<1x1x40x128xi32, #tpu.memory_space<hbm>> -> memref<40x128xi32, #tpu.memory_space<hbm>>
          tpu.wait_dma2 semaphore(%run_scoped3A_53 : memref<!tpu.dma_semaphore, #tpu.memory_space<semaphore_mem>>) src(%dma_wait3A_68 : memref<40x128xi32, #tpu.memory_space<hbm>>) dst(%arg7 : memref<40x128xi32, #tpu.memory_space<vmem>>)
          tpu.yield
        }) : () -> ()
        "tpu.region"() ({
          %run_scoped3A_53 = tpu.sem_alloc : memref<!tpu.dma_semaphore, #tpu.memory_space<semaphore_mem>>
          %dma_start3A_54 = arith.constant 0 : i32
          %dma_start3A_55 = arith.constant 0 : i32
          %dma_start3A_56 = tpu.memref_slice %arg5[%add3A_36, %arg1, %dma_start3A_54, %dma_start3A_55] : memref<2x16x40x128xi32, #tpu.memory_space<hbm>> -> memref<1x1x40x128xi32, #tpu.memory_space<hbm>>
          %dma_start3A_57 = tpu.memref_squeeze %dma_start3A_56 : memref<1x1x40x128xi32, #tpu.memory_space<hbm>> -> memref<40x128xi32, #tpu.memory_space<hbm>>
          %dma_start3A_58 = arith.constant 0 : i32
          %dma_start3A_59 = arith.constant 0 : i32
          %dma_start3A_60 = tpu.memref_slice %arg5[%add3A_36, %arg1, %dma_start3A_58, %dma_start3A_59] : memref<2x16x40x128xi32, #tpu.memory_space<hbm>> -> memref<1x1x40x128xi32, #tpu.memory_space<hbm>>
          %dma_start3A_61 = tpu.memref_squeeze %dma_start3A_60 : memref<1x1x40x128xi32, #tpu.memory_space<hbm>> -> memref<40x128xi32, #tpu.memory_space<hbm>>
          tpu.enqueue_dma source(%dma_start3A_61 : memref<40x128xi32, #tpu.memory_space<hbm>>) target(%arg8 : memref<40x128xi32, #tpu.memory_space<vmem>>) target_semaphore(%run_scoped3A_53 : memref<!tpu.dma_semaphore, #tpu.memory_space<semaphore_mem>>)
          %dma_wait3A = arith.constant 0 : i32
          %dma_wait3A_62 = arith.constant 0 : i32
          %dma_wait3A_63 = tpu.memref_slice %arg5[%add3A_36, %arg1, %dma_wait3A, %dma_wait3A_62] : memref<2x16x40x128xi32, #tpu.memory_space<hbm>> -> memref<1x1x40x128xi32, #tpu.memory_space<hbm>>
          %dma_wait3A_64 = tpu.memref_squeeze %dma_wait3A_63 : memref<1x1x40x128xi32, #tpu.memory_space<hbm>> -> memref<40x128xi32, #tpu.memory_space<hbm>>
          %dma_wait3A_65 = arith.constant 0 : i32
          %dma_wait3A_66 = arith.constant 0 : i32
          %dma_wait3A_67 = tpu.memref_slice %arg5[%add3A_36, %arg1, %dma_wait3A_65, %dma_wait3A_66] : memref<2x16x40x128xi32, #tpu.memory_space<hbm>> -> memref<1x1x40x128xi32, #tpu.memory_space<hbm>>
          %dma_wait3A_68 = tpu.memref_squeeze %dma_wait3A_67 : memref<1x1x40x128xi32, #tpu.memory_space<hbm>> -> memref<40x128xi32, #tpu.memory_space<hbm>>
          tpu.wait_dma2 semaphore(%run_scoped3A_53 : memref<!tpu.dma_semaphore, #tpu.memory_space<semaphore_mem>>) src(%dma_wait3A_68 : memref<40x128xi32, #tpu.memory_space<hbm>>) dst(%arg8 : memref<40x128xi32, #tpu.memory_space<vmem>>)
          tpu.yield
        }) : () -> ()
        %dma_start3A = arith.constant 0 : i32
        %dma_start3A_37 = arith.constant 0 : i32
        %dma_start3A_38 = arith.constant 0 : i32
        %dma_start3A_39 = arith.constant 0 : i32
        %dma_start3A_40 = tpu.memref_slice %arg9[%dma_start3A_37, %dma_start3A_38, %dma_start3A_39] : memref<2x128x128xf32, #tpu.memory_space<vmem>> -> memref<1x128x128xf32, #tpu.memory_space<vmem>>
        %dma_start3A_41 = tpu.memref_squeeze %dma_start3A_40 : memref<1x128x128xf32, #tpu.memory_space<vmem>> -> memref<128x128xf32, #tpu.memory_space<vmem>>
        %dma_start3A_42 = arith.constant 0 : i32
        %dma_start3A_43 = tpu.memref_slice %arg7[%dma_start3A, %dma_start3A_42] : memref<40x128xi32, #tpu.memory_space<vmem>> -> memref<1x128xi32, #tpu.memory_space<vmem>>
        %dma_start3A_44 = tpu.memref_squeeze %dma_start3A_43 : memref<1x128xi32, #tpu.memory_space<vmem>> -> memref<128xi32, #tpu.memory_space<vmem>>
        %dma_start3A_45 = arith.constant 0 : i32
        %dma_start3A_46 = arith.constant 0 : i32
        %dma_start3A_47 = tpu.memref_slice %arg3[%dma_start3A_45, %dma_start3A_46] : memref<10000x128xf32, #tpu.memory_space<hbm>> -> memref<10000x128xf32, #tpu.memory_space<hbm>>
        tpu.enqueue_indirect_dma source(%dma_start3A_47 : memref<10000x128xf32, #tpu.memory_space<hbm>>) target(%dma_start3A_41 : memref<128x128xf32, #tpu.memory_space<vmem>>) offsets(%dma_start3A_44 : memref<128xi32, #tpu.memory_space<vmem>>) semaphore(%arg11 : memref<!tpu.dma_semaphore, #tpu.memory_space<semaphore_mem>>)
        %scan3A_48 = arith.constant 0 : i32
        %scan3A_49 = arith.constant 20 : i32
        %scan3A_50 = arith.addi %scan3A_48, %scan3A_49 : i32
        %scan3A_51 = arith.constant 1 : i32
        scf.for %scan3A_53 = %scan3A_48 to %scan3A_50 step %scan3A_51  : i32 {
          %mul3A_54 = arith.constant 2 : i32
          %mul3A_55 = arith.muli %scan3A_53, %mul3A_54 : i32
          %add3A_56 = arith.constant 0 : i32
          %add3A_57 = arith.addi %add3A_56, %mul3A_55 : i32
          %add3A_58 = arith.constant 1 : i32
          %add3A_59 = arith.addi %add3A_57, %add3A_58 : i32
          %dma_start3A_60 = arith.constant 1 : i32
          %dma_start3A_61 = arith.constant 0 : i32
          %dma_start3A_62 = arith.constant 0 : i32
          %dma_start3A_63 = tpu.memref_slice %arg9[%dma_start3A_60, %dma_start3A_61, %dma_start3A_62] : memref<2x128x128xf32, #tpu.memory_space<vmem>> -> memref<1x128x128xf32, #tpu.memory_space<vmem>>
          %dma_start3A_64 = tpu.memref_squeeze %dma_start3A_63 : memref<1x128x128xf32, #tpu.memory_space<vmem>> -> memref<128x128xf32, #tpu.memory_space<vmem>>
          %dma_start3A_65 = arith.constant 0 : i32
          %dma_start3A_66 = tpu.memref_slice %arg7[%add3A_59, %dma_start3A_65] : memref<40x128xi32, #tpu.memory_space<vmem>> -> memref<1x128xi32, #tpu.memory_space<vmem>>
          %dma_start3A_67 = tpu.memref_squeeze %dma_start3A_66 : memref<1x128xi32, #tpu.memory_space<vmem>> -> memref<128xi32, #tpu.memory_space<vmem>>
          %dma_start3A_68 = arith.constant 0 : i32
          %dma_start3A_69 = arith.constant 0 : i32
          %dma_start3A_70 = tpu.memref_slice %arg3[%dma_start3A_68, %dma_start3A_69] : memref<10000x128xf32, #tpu.memory_space<hbm>> -> memref<10000x128xf32, #tpu.memory_space<hbm>>
          tpu.enqueue_indirect_dma source(%dma_start3A_70 : memref<10000x128xf32, #tpu.memory_space<hbm>>) target(%dma_start3A_64 : memref<128x128xf32, #tpu.memory_space<vmem>>) offsets(%dma_start3A_67 : memref<128xi32, #tpu.memory_space<vmem>>) semaphore(%arg12 : memref<!tpu.dma_semaphore, #tpu.memory_space<semaphore_mem>>)
          %dma_wait3A = arith.constant 0 : i32
          %dma_wait3A_71 = arith.constant 0 : i32
          %dma_wait3A_72 = arith.constant 0 : i32
          %dma_wait3A_73 = tpu.memref_slice %arg9[%dma_wait3A, %dma_wait3A_71, %dma_wait3A_72] : memref<2x128x128xf32, #tpu.memory_space<vmem>> -> memref<1x128x128xf32, #tpu.memory_space<vmem>>
          %dma_wait3A_74 = tpu.memref_squeeze %dma_wait3A_73 : memref<1x128x128xf32, #tpu.memory_space<vmem>> -> memref<128x128xf32, #tpu.memory_space<vmem>>
          %dma_wait3A_75 = arith.constant 0 : i32
          %dma_wait3A_76 = arith.constant 0 : i32
          %dma_wait3A_77 = tpu.memref_slice %arg2[%dma_wait3A_75, %dma_wait3A_76] : memref<10000x128xf32, #tpu.memory_space<hbm>> -> memref<128x128xf32, #tpu.memory_space<hbm>>
          %dma_wait3A_78 = arith.constant 0 : i32
          %dma_wait3A_79 = arith.constant 0 : i32
          %dma_wait3A_80 = tpu.memref_slice %arg9[%dma_wait3A, %dma_wait3A_78, %dma_wait3A_79] : memref<2x128x128xf32, #tpu.memory_space<vmem>> -> memref<1x128x128xf32, #tpu.memory_space<vmem>>
          %dma_wait3A_81 = tpu.memref_squeeze %dma_wait3A_80 : memref<1x128x128xf32, #tpu.memory_space<vmem>> -> memref<128x128xf32, #tpu.memory_space<vmem>>
          %dma_wait3A_82 = arith.constant 0 : i32
          %dma_wait3A_83 = arith.constant 0 : i32
          %dma_wait3A_84 = tpu.memref_slice %arg2[%dma_wait3A_82, %dma_wait3A_83] : memref<10000x128xf32, #tpu.memory_space<hbm>> -> memref<128x128xf32, #tpu.memory_space<hbm>>
          tpu.wait_dma2 semaphore(%arg11 : memref<!tpu.dma_semaphore, #tpu.memory_space<semaphore_mem>>) src(%dma_wait3A_84 : memref<128x128xf32, #tpu.memory_space<hbm>>) dst(%dma_wait3A_81 : memref<128x128xf32, #tpu.memory_space<vmem>>)
          %dma_start3A_85 = arith.constant 0 : i32
          %dma_start3A_86 = arith.constant 0 : i32
          %dma_start3A_87 = arith.constant 0 : i32
          %dma_start3A_88 = tpu.memref_slice %arg9[%dma_start3A_85, %dma_start3A_86, %dma_start3A_87] : memref<2x128x128xf32, #tpu.memory_space<vmem>> -> memref<1x128x128xf32, #tpu.memory_space<vmem>>
          %dma_start3A_89 = tpu.memref_squeeze %dma_start3A_88 : memref<1x128x128xf32, #tpu.memory_space<vmem>> -> memref<128x128xf32, #tpu.memory_space<vmem>>
          %dma_start3A_90 = arith.constant 0 : i32
          %dma_start3A_91 = tpu.memref_slice %arg8[%add3A_57, %dma_start3A_90] : memref<40x128xi32, #tpu.memory_space<vmem>> -> memref<1x128xi32, #tpu.memory_space<vmem>>
          %dma_start3A_92 = tpu.memref_squeeze %dma_start3A_91 : memref<1x128xi32, #tpu.memory_space<vmem>> -> memref<128xi32, #tpu.memory_space<vmem>>
          %dma_start3A_93 = arith.constant 0 : i32
          %dma_start3A_94 = arith.constant 0 : i32
          %dma_start3A_95 = tpu.memref_slice %arg10[%dma_start3A_93, %dma_start3A_94] : memref<10240x128xf32, #tpu.memory_space<vmem_shared>> -> memref<10240x128xf32, #tpu.memory_space<vmem_shared>>
          tpu.enqueue_indirect_dma source(%dma_start3A_89 : memref<128x128xf32, #tpu.memory_space<vmem>>) target(%dma_start3A_95 : memref<10240x128xf32, #tpu.memory_space<vmem_shared>>) offsets(%dma_start3A_92 : memref<128xi32, #tpu.memory_space<vmem>>) semaphore(%arg13 : memref<!tpu.dma_semaphore, #tpu.memory_space<semaphore_mem>>) {add = true}
          %dma_wait3A_96 = arith.constant 0 : i32
          %dma_wait3A_97 = arith.constant 0 : i32
          %dma_wait3A_98 = arith.constant 0 : i32
          %dma_wait3A_99 = tpu.memref_slice %arg9[%dma_wait3A_96, %dma_wait3A_97, %dma_wait3A_98] : memref<2x128x128xf32, #tpu.memory_space<vmem>> -> memref<1x128x128xf32, #tpu.memory_space<vmem>>
          %dma_wait3A_100 = tpu.memref_squeeze %dma_wait3A_99 : memref<1x128x128xf32, #tpu.memory_space<vmem>> -> memref<128x128xf32, #tpu.memory_space<vmem>>
          %dma_wait3A_101 = arith.constant 0 : i32
          %dma_wait3A_102 = arith.constant 0 : i32
          %dma_wait3A_103 = tpu.memref_slice %arg10[%dma_wait3A_101, %dma_wait3A_102] : memref<10240x128xf32, #tpu.memory_space<vmem_shared>> -> memref<128x128xf32, #tpu.memory_space<vmem_shared>>
          %dma_wait3A_104 = arith.constant 0 : i32
          %dma_wait3A_105 = arith.constant 0 : i32
          %dma_wait3A_106 = tpu.memref_slice %arg10[%dma_wait3A_104, %dma_wait3A_105] : memref<10240x128xf32, #tpu.memory_space<vmem_shared>> -> memref<128x128xf32, #tpu.memory_space<vmem_shared>>
          %dma_wait3A_107 = arith.constant 0 : i32
          %dma_wait3A_108 = arith.constant 0 : i32
          %dma_wait3A_109 = tpu.memref_slice %arg9[%dma_wait3A_96, %dma_wait3A_107, %dma_wait3A_108] : memref<2x128x128xf32, #tpu.memory_space<vmem>> -> memref<1x128x128xf32, #tpu.memory_space<vmem>>
          %dma_wait3A_110 = tpu.memref_squeeze %dma_wait3A_109 : memref<1x128x128xf32, #tpu.memory_space<vmem>> -> memref<128x128xf32, #tpu.memory_space<vmem>>
          tpu.wait_dma2 semaphore(%arg13 : memref<!tpu.dma_semaphore, #tpu.memory_space<semaphore_mem>>) src(%dma_wait3A_110 : memref<128x128xf32, #tpu.memory_space<vmem>>) dst(%dma_wait3A_106 : memref<128x128xf32, #tpu.memory_space<vmem_shared>>)
          %add3A_111 = arith.constant 2 : i32
          %add3A_112 = arith.addi %add3A_57, %add3A_111 : i32
          %lt3A = arith.constant 40 : i32
          %lt3A_113 = arith.cmpi slt, %add3A_112, %lt3A : i32
          %convert_element_type3A_114 = arith.extui %lt3A_113 : i1 to i32
          %cond3A_115 = arith.constant 0 : i32
          %cond3A_116 = arith.cmpi ne, %convert_element_type3A_114, %cond3A_115 : i32
          scf.if %cond3A_116 {
            %add3A_160 = arith.constant 2 : i32
            %add3A_161 = arith.addi %add3A_57, %add3A_160 : i32
            %dma_start3A_162 = arith.constant 0 : i32
            %dma_start3A_163 = arith.constant 0 : i32
            %dma_start3A_164 = arith.constant 0 : i32
            %dma_start3A_165 = tpu.memref_slice %arg9[%dma_start3A_162, %dma_start3A_163, %dma_start3A_164] : memref<2x128x128xf32, #tpu.memory_space<vmem>> -> memref<1x128x128xf32, #tpu.memory_space<vmem>>
            %dma_start3A_166 = tpu.memref_squeeze %dma_start3A_165 : memref<1x128x128xf32, #tpu.memory_space<vmem>> -> memref<128x128xf32, #tpu.memory_space<vmem>>
            %dma_start3A_167 = arith.constant 0 : i32
            %dma_start3A_168 = tpu.memref_slice %arg7[%add3A_161, %dma_start3A_167] : memref<40x128xi32, #tpu.memory_space<vmem>> -> memref<1x128xi32, #tpu.memory_space<vmem>>
            %dma_start3A_169 = tpu.memref_squeeze %dma_start3A_168 : memref<1x128xi32, #tpu.memory_space<vmem>> -> memref<128xi32, #tpu.memory_space<vmem>>
            %dma_start3A_170 = arith.constant 0 : i32
            %dma_start3A_171 = arith.constant 0 : i32
            %dma_start3A_172 = tpu.memref_slice %arg3[%dma_start3A_170, %dma_start3A_171] : memref<10000x128xf32, #tpu.memory_space<hbm>> -> memref<10000x128xf32, #tpu.memory_space<hbm>>
            tpu.enqueue_indirect_dma source(%dma_start3A_172 : memref<10000x128xf32, #tpu.memory_space<hbm>>) target(%dma_start3A_166 : memref<128x128xf32, #tpu.memory_space<vmem>>) offsets(%dma_start3A_169 : memref<128xi32, #tpu.memory_space<vmem>>) semaphore(%arg11 : memref<!tpu.dma_semaphore, #tpu.memory_space<semaphore_mem>>)
          } else {
          }
          %dma_wait3A_117 = arith.constant 1 : i32
          %dma_wait3A_118 = arith.constant 0 : i32
          %dma_wait3A_119 = arith.constant 0 : i32
          %dma_wait3A_120 = tpu.memref_slice %arg9[%dma_wait3A_117, %dma_wait3A_118, %dma_wait3A_119] : memref<2x128x128xf32, #tpu.memory_space<vmem>> -> memref<1x128x128xf32, #tpu.memory_space<vmem>>
          %dma_wait3A_121 = tpu.memref_squeeze %dma_wait3A_120 : memref<1x128x128xf32, #tpu.memory_space<vmem>> -> memref<128x128xf32, #tpu.memory_space<vmem>>
          %dma_wait3A_122 = arith.constant 0 : i32
          %dma_wait3A_123 = arith.constant 0 : i32
          %dma_wait3A_124 = tpu.memref_slice %arg2[%dma_wait3A_122, %dma_wait3A_123] : memref<10000x128xf32, #tpu.memory_space<hbm>> -> memref<128x128xf32, #tpu.memory_space<hbm>>
          %dma_wait3A_125 = arith.constant 0 : i32
          %dma_wait3A_126 = arith.constant 0 : i32
          %dma_wait3A_127 = tpu.memref_slice %arg9[%dma_wait3A_117, %dma_wait3A_125, %dma_wait3A_126] : memref<2x128x128xf32, #tpu.memory_space<vmem>> -> memref<1x128x128xf32, #tpu.memory_space<vmem>>
          %dma_wait3A_128 = tpu.memref_squeeze %dma_wait3A_127 : memref<1x128x128xf32, #tpu.memory_space<vmem>> -> memref<128x128xf32, #tpu.memory_space<vmem>>
          %dma_wait3A_129 = arith.constant 0 : i32
          %dma_wait3A_130 = arith.constant 0 : i32
          %dma_wait3A_131 = tpu.memref_slice %arg2[%dma_wait3A_129, %dma_wait3A_130] : memref<10000x128xf32, #tpu.memory_space<hbm>> -> memref<128x128xf32, #tpu.memory_space<hbm>>
          tpu.wait_dma2 semaphore(%arg12 : memref<!tpu.dma_semaphore, #tpu.memory_space<semaphore_mem>>) src(%dma_wait3A_131 : memref<128x128xf32, #tpu.memory_space<hbm>>) dst(%dma_wait3A_128 : memref<128x128xf32, #tpu.memory_space<vmem>>)
          %add3A_132 = arith.constant 1 : i32
          %add3A_133 = arith.addi %add3A_57, %add3A_132 : i32
          %dma_start3A_134 = arith.constant 1 : i32
          %dma_start3A_135 = arith.constant 0 : i32
          %dma_start3A_136 = arith.constant 0 : i32
          %dma_start3A_137 = tpu.memref_slice %arg9[%dma_start3A_134, %dma_start3A_135, %dma_start3A_136] : memref<2x128x128xf32, #tpu.memory_space<vmem>> -> memref<1x128x128xf32, #tpu.memory_space<vmem>>
          %dma_start3A_138 = tpu.memref_squeeze %dma_start3A_137 : memref<1x128x128xf32, #tpu.memory_space<vmem>> -> memref<128x128xf32, #tpu.memory_space<vmem>>
          %dma_start3A_139 = arith.constant 0 : i32
          %dma_start3A_140 = tpu.memref_slice %arg8[%add3A_133, %dma_start3A_139] : memref<40x128xi32, #tpu.memory_space<vmem>> -> memref<1x128xi32, #tpu.memory_space<vmem>>
          %dma_start3A_141 = tpu.memref_squeeze %dma_start3A_140 : memref<1x128xi32, #tpu.memory_space<vmem>> -> memref<128xi32, #tpu.memory_space<vmem>>
          %dma_start3A_142 = arith.constant 0 : i32
          %dma_start3A_143 = arith.constant 0 : i32
          %dma_start3A_144 = tpu.memref_slice %arg10[%dma_start3A_142, %dma_start3A_143] : memref<10240x128xf32, #tpu.memory_space<vmem_shared>> -> memref<10240x128xf32, #tpu.memory_space<vmem_shared>>
          tpu.enqueue_indirect_dma source(%dma_start3A_138 : memref<128x128xf32, #tpu.memory_space<vmem>>) target(%dma_start3A_144 : memref<10240x128xf32, #tpu.memory_space<vmem_shared>>) offsets(%dma_start3A_141 : memref<128xi32, #tpu.memory_space<vmem>>) semaphore(%arg14 : memref<!tpu.dma_semaphore, #tpu.memory_space<semaphore_mem>>) {add = true}
          %dma_wait3A_145 = arith.constant 1 : i32
          %dma_wait3A_146 = arith.constant 0 : i32
          %dma_wait3A_147 = arith.constant 0 : i32
          %dma_wait3A_148 = tpu.memref_slice %arg9[%dma_wait3A_145, %dma_wait3A_146, %dma_wait3A_147] : memref<2x128x128xf32, #tpu.memory_space<vmem>> -> memref<1x128x128xf32, #tpu.memory_space<vmem>>
          %dma_wait3A_149 = tpu.memref_squeeze %dma_wait3A_148 : memref<1x128x128xf32, #tpu.memory_space<vmem>> -> memref<128x128xf32, #tpu.memory_space<vmem>>
          %dma_wait3A_150 = arith.constant 0 : i32
          %dma_wait3A_151 = arith.constant 0 : i32
          %dma_wait3A_152 = tpu.memref_slice %arg10[%dma_wait3A_150, %dma_wait3A_151] : memref<10240x128xf32, #tpu.memory_space<vmem_shared>> -> memref<128x128xf32, #tpu.memory_space<vmem_shared>>
          %dma_wait3A_153 = arith.constant 0 : i32
          %dma_wait3A_154 = arith.constant 0 : i32
          %dma_wait3A_155 = tpu.memref_slice %arg10[%dma_wait3A_153, %dma_wait3A_154] : memref<10240x128xf32, #tpu.memory_space<vmem_shared>> -> memref<128x128xf32, #tpu.memory_space<vmem_shared>>
          %dma_wait3A_156 = arith.constant 0 : i32
          %dma_wait3A_157 = arith.constant 0 : i32
          %dma_wait3A_158 = tpu.memref_slice %arg9[%dma_wait3A_145, %dma_wait3A_156, %dma_wait3A_157] : memref<2x128x128xf32, #tpu.memory_space<vmem>> -> memref<1x128x128xf32, #tpu.memory_space<vmem>>
          %dma_wait3A_159 = tpu.memref_squeeze %dma_wait3A_158 : memref<1x128x128xf32, #tpu.memory_space<vmem>> -> memref<128x128xf32, #tpu.memory_space<vmem>>
          tpu.wait_dma2 semaphore(%arg14 : memref<!tpu.dma_semaphore, #tpu.memory_space<semaphore_mem>>) src(%dma_wait3A_159 : memref<128x128xf32, #tpu.memory_space<vmem>>) dst(%dma_wait3A_155 : memref<128x128xf32, #tpu.memory_space<vmem_shared>>)
        }
        %scan3A_52 = arith.constant 20 : i32
      }
      %scan3A_31 = arith.constant 2 : i32
    } else {
    }
    %barrier3A_26 = arith.constant 0 : index
    tpu.barrier barrier_id(%barrier3A_26)
    "tpu.region"() ({
      %run_scoped3A_27 = tpu.sem_alloc : memref<!tpu.dma_semaphore, #tpu.memory_space<semaphore_mem>>
      %dma_start3A = arith.constant 0 : i32
      %dma_start3A_28 = tpu.memref_slice %arg6[%arg0, %mul3A_0, %dma_start3A] : memref<2x10240x128xf32, #tpu.memory_space<hbm>> -> memref<1x640x128xf32, #tpu.memory_space<hbm>>
      %dma_start3A_29 = tpu.memref_squeeze %dma_start3A_28 : memref<1x640x128xf32, #tpu.memory_space<hbm>> -> memref<640x128xf32, #tpu.memory_space<hbm>>
      %dma_start3A_30 = arith.constant 0 : i32
      %dma_start3A_31 = tpu.memref_slice %arg10[%mul3A_0, %dma_start3A_30] : memref<10240x128xf32, #tpu.memory_space<vmem_shared>> -> memref<640x128xf32, #tpu.memory_space<vmem_shared>>
      tpu.enqueue_dma source(%dma_start3A_31 : memref<640x128xf32, #tpu.memory_space<vmem_shared>>) target(%dma_start3A_29 : memref<640x128xf32, #tpu.memory_space<hbm>>) target_semaphore(%run_scoped3A_27 : memref<!tpu.dma_semaphore, #tpu.memory_space<semaphore_mem>>)
      %dma_wait3A = arith.constant 0 : i32
      %dma_wait3A_32 = tpu.memref_slice %arg6[%arg0, %mul3A_0, %dma_wait3A] : memref<2x10240x128xf32, #tpu.memory_space<hbm>> -> memref<1x640x128xf32, #tpu.memory_space<hbm>>
      %dma_wait3A_33 = tpu.memref_squeeze %dma_wait3A_32 : memref<1x640x128xf32, #tpu.memory_space<hbm>> -> memref<640x128xf32, #tpu.memory_space<hbm>>
      %dma_wait3A_34 = arith.constant 0 : i32
      %dma_wait3A_35 = tpu.memref_slice %arg10[%mul3A_0, %dma_wait3A_34] : memref<10240x128xf32, #tpu.memory_space<vmem_shared>> -> memref<640x128xf32, #tpu.memory_space<vmem_shared>>
      tpu.wait_dma2 semaphore(%run_scoped3A_27 : memref<!tpu.dma_semaphore, #tpu.memory_space<semaphore_mem>>) src(%dma_wait3A_35 : memref<640x128xf32, #tpu.memory_space<vmem_shared>>) dst(%dma_wait3A_33 : memref<640x128xf32, #tpu.memory_space<hbm>>)
      tpu.yield
    }) : () -> ()
    return
  }
}

#map = affine_map<(d0, d1) -> (0, 0)>
#map1 = affine_map<(d0, d1) -> (0, 0, 0, 0)>
#map2 = affine_map<(d0, d1) -> (0, 0, 0)>
module attributes {stable_mosaic.version = 14 : i64} {
  func.func @sage_sc_agg_deg1(%arg0: i32, %arg1: i32, %arg2: memref<10000x128xf32, #tpu.memory_space<hbm>>, %arg3: memref<10000x128xf32, #tpu.memory_space<hbm>>, %arg4: memref<2x16x40x128xi32, #tpu.memory_space<hbm>>, %arg5: memref<2x16x40x128xi32, #tpu.memory_space<hbm>>, %arg6: memref<2x10240x128xf32, #tpu.memory_space<hbm>>, %arg7: memref<10240x128xf32, #tpu.memory_space<hbm>>, %arg8: memref<40x128xi32, #tpu.memory_space<vmem>>, %arg9: memref<40x128xi32, #tpu.memory_space<vmem>>, %arg10: memref<2x128x128xf32, #tpu.memory_space<vmem>>, %arg11: memref<10240x128xf32, #tpu.memory_space<vmem_shared>>, %arg12: memref<!tpu.dma_semaphore, #tpu.memory_space<semaphore_mem>>, %arg13: memref<!tpu.dma_semaphore, #tpu.memory_space<semaphore_mem>>, %arg14: memref<!tpu.dma_semaphore, #tpu.memory_space<semaphore_mem>>, %arg15: memref<!tpu.dma_semaphore, #tpu.memory_space<semaphore_mem>>) attributes {dimension_semantics = [#tpu.dimension_semantics<core_parallel>, #tpu.dimension_semantics<subcore_parallel>], iteration_bounds = array<i64: 2, 16>, scalar_prefetch = 0 : i64, scratch_operands = 8 : i64, tpu.core_type = #tpu.core_type<sc_vector_subcore>, window_params = [{transform_indices = #map}, {transform_indices = #map}, {transform_indices = #map1}, {transform_indices = #map1}, {transform_indices = #map2}, {transform_indices = #map}]} {
    %mul3A = arith.constant 640 : i32
    %mul3A_0 = arith.muli %arg1, %mul3A : i32
    %broadcast_in_dim3A = arith.constant 0.000000e+00 : f32
    %broadcast_in_dim3A_1 = vector.broadcast %broadcast_in_dim3A : f32 to vector<16xf32>
    %scan3A = arith.constant 0 : i32
    %scan3A_2 = arith.constant 128 : i32
    %scan3A_3 = arith.addi %scan3A, %scan3A_2 : i32
    %scan3A_4 = arith.constant 1 : i32
    scf.for %scan3A_62 = %scan3A to %scan3A_3 step %scan3A_4  : i32 {
      %mul3A_63 = arith.constant 1 : i32
      %mul3A_64 = arith.muli %scan3A_62, %mul3A_63 : i32
      %add3A_65 = arith.constant 0 : i32
      %add3A_66 = arith.addi %add3A_65, %mul3A_64 : i32
      %scan3A_67 = arith.constant 0 : i32
      %scan3A_68 = arith.constant 8 : i32
      %scan3A_69 = arith.addi %scan3A_67, %scan3A_68 : i32
      %scan3A_70 = arith.constant 1 : i32
      scf.for %scan3A_72 = %scan3A_67 to %scan3A_69 step %scan3A_70  : i32 {
        %mul3A_73 = arith.constant 1 : i32
        %mul3A_74 = arith.muli %scan3A_72, %mul3A_73 : i32
        %add3A_75 = arith.constant 0 : i32
        %add3A_76 = arith.addi %add3A_75, %mul3A_74 : i32
        %mul3A_77 = arith.constant 16 : i32
        %mul3A_78 = arith.muli %add3A_76, %mul3A_77 : i32
        %swap3A = arith.constant 1 : i32
        %swap3A_79 = arith.index_cast %swap3A : i32 to index
        %swap3A_80 = arith.index_cast %add3A_66 : i32 to index
        %swap3A_81 = arith.index_cast %mul3A_78 : i32 to index
        %swap3A_82 = tpu.vector_load %arg10[%swap3A_79, %swap3A_80, %swap3A_81] {strides = array<i32>} : memref<2x128x128xf32, #tpu.memory_space<vmem>>, vector<16xf32>,
        tpu.vector_store %arg10[%swap3A_79, %swap3A_80, %swap3A_81], %broadcast_in_dim3A_1 {strides = array<i32>} : memref<2x128x128xf32, #tpu.memory_space<vmem>>, vector<16xf32>,
      }
      %scan3A_71 = arith.constant 8 : i32
    }
    %scan3A_5 = arith.constant 128 : i32
    %add3A = arith.constant 0 : i32
    %add3A_6 = arith.addi %mul3A_0, %add3A : i32
    %run_scoped3A = arith.constant 1 : i32
    "tpu.region"() ({
      %run_scoped3A_62 = tpu.sem_alloc : memref<!tpu.dma_semaphore, #tpu.memory_space<semaphore_mem>>
      %dma_start3A = arith.constant 0 : i32
      %dma_start3A_63 = arith.constant 0 : i32
      %dma_start3A_64 = tpu.memref_slice %arg10[%run_scoped3A, %dma_start3A, %dma_start3A_63] : memref<2x128x128xf32, #tpu.memory_space<vmem>> -> memref<1x128x128xf32, #tpu.memory_space<vmem>>
      %dma_start3A_65 = tpu.memref_squeeze %dma_start3A_64 : memref<1x128x128xf32, #tpu.memory_space<vmem>> -> memref<128x128xf32, #tpu.memory_space<vmem>>
      %dma_start3A_66 = arith.constant 0 : i32
      %dma_start3A_67 = tpu.memref_slice %arg11[%add3A_6, %dma_start3A_66] : memref<10240x128xf32, #tpu.memory_space<vmem_shared>> -> memref<128x128xf32, #tpu.memory_space<vmem_shared>>
      %dma_start3A_68 = arith.constant 0 : i32
      %dma_start3A_69 = tpu.memref_slice %arg11[%add3A_6, %dma_start3A_68] : memref<10240x128xf32, #tpu.memory_space<vmem_shared>> -> memref<128x128xf32, #tpu.memory_space<vmem_shared>>
      %dma_start3A_70 = arith.constant 0 : i32
      %dma_start3A_71 = arith.constant 0 : i32
      %dma_start3A_72 = tpu.memref_slice %arg10[%run_scoped3A, %dma_start3A_70, %dma_start3A_71] : memref<2x128x128xf32, #tpu.memory_space<vmem>> -> memref<1x128x128xf32, #tpu.memory_space<vmem>>
      %dma_start3A_73 = tpu.memref_squeeze %dma_start3A_72 : memref<1x128x128xf32, #tpu.memory_space<vmem>> -> memref<128x128xf32, #tpu.memory_space<vmem>>
      tpu.enqueue_dma source(%dma_start3A_73 : memref<128x128xf32, #tpu.memory_space<vmem>>) target(%dma_start3A_69 : memref<128x128xf32, #tpu.memory_space<vmem_shared>>) target_semaphore(%run_scoped3A_62 : memref<!tpu.dma_semaphore, #tpu.memory_space<semaphore_mem>>)
      %dma_wait3A = arith.constant 0 : i32
      %dma_wait3A_74 = arith.constant 0 : i32
      %dma_wait3A_75 = tpu.memref_slice %arg10[%run_scoped3A, %dma_wait3A, %dma_wait3A_74] : memref<2x128x128xf32, #tpu.memory_space<vmem>> -> memref<1x128x128xf32, #tpu.memory_space<vmem>>
      %dma_wait3A_76 = tpu.memref_squeeze %dma_wait3A_75 : memref<1x128x128xf32, #tpu.memory_space<vmem>> -> memref<128x128xf32, #tpu.memory_space<vmem>>
      %dma_wait3A_77 = arith.constant 0 : i32
      %dma_wait3A_78 = tpu.memref_slice %arg11[%add3A_6, %dma_wait3A_77] : memref<10240x128xf32, #tpu.memory_space<vmem_shared>> -> memref<128x128xf32, #tpu.memory_space<vmem_shared>>
      %dma_wait3A_79 = arith.constant 0 : i32
      %dma_wait3A_80 = tpu.memref_slice %arg11[%add3A_6, %dma_wait3A_79] : memref<10240x128xf32, #tpu.memory_space<vmem_shared>> -> memref<128x128xf32, #tpu.memory_space<vmem_shared>>
      %dma_wait3A_81 = arith.constant 0 : i32
      %dma_wait3A_82 = arith.constant 0 : i32
      %dma_wait3A_83 = tpu.memref_slice %arg10[%run_scoped3A, %dma_wait3A_81, %dma_wait3A_82] : memref<2x128x128xf32, #tpu.memory_space<vmem>> -> memref<1x128x128xf32, #tpu.memory_space<vmem>>
      %dma_wait3A_84 = tpu.memref_squeeze %dma_wait3A_83 : memref<1x128x128xf32, #tpu.memory_space<vmem>> -> memref<128x128xf32, #tpu.memory_space<vmem>>
      tpu.wait_dma2 semaphore(%run_scoped3A_62 : memref<!tpu.dma_semaphore, #tpu.memory_space<semaphore_mem>>) src(%dma_wait3A_84 : memref<128x128xf32, #tpu.memory_space<vmem>>) dst(%dma_wait3A_80 : memref<128x128xf32, #tpu.memory_space<vmem_shared>>)
      tpu.yield
    }) : () -> ()
    %add3A_7 = arith.constant 128 : i32
    %add3A_8 = arith.addi %mul3A_0, %add3A_7 : i32
    %run_scoped3A_9 = arith.constant 1 : i32
    "tpu.region"() ({
      %run_scoped3A_62 = tpu.sem_alloc : memref<!tpu.dma_semaphore, #tpu.memory_space<semaphore_mem>>
      %dma_start3A = arith.constant 0 : i32
      %dma_start3A_63 = arith.constant 0 : i32
      %dma_start3A_64 = tpu.memref_slice %arg10[%run_scoped3A_9, %dma_start3A, %dma_start3A_63] : memref<2x128x128xf32, #tpu.memory_space<vmem>> -> memref<1x128x128xf32, #tpu.memory_space<vmem>>
      %dma_start3A_65 = tpu.memref_squeeze %dma_start3A_64 : memref<1x128x128xf32, #tpu.memory_space<vmem>> -> memref<128x128xf32, #tpu.memory_space<vmem>>
      %dma_start3A_66 = arith.constant 0 : i32
      %dma_start3A_67 = tpu.memref_slice %arg11[%add3A_8, %dma_start3A_66] : memref<10240x128xf32, #tpu.memory_space<vmem_shared>> -> memref<128x128xf32, #tpu.memory_space<vmem_shared>>
      %dma_start3A_68 = arith.constant 0 : i32
      %dma_start3A_69 = tpu.memref_slice %arg11[%add3A_8, %dma_start3A_68] : memref<10240x128xf32, #tpu.memory_space<vmem_shared>> -> memref<128x128xf32, #tpu.memory_space<vmem_shared>>
      %dma_start3A_70 = arith.constant 0 : i32
      %dma_start3A_71 = arith.constant 0 : i32
      %dma_start3A_72 = tpu.memref_slice %arg10[%run_scoped3A_9, %dma_start3A_70, %dma_start3A_71] : memref<2x128x128xf32, #tpu.memory_space<vmem>> -> memref<1x128x128xf32, #tpu.memory_space<vmem>>
      %dma_start3A_73 = tpu.memref_squeeze %dma_start3A_72 : memref<1x128x128xf32, #tpu.memory_space<vmem>> -> memref<128x128xf32, #tpu.memory_space<vmem>>
      tpu.enqueue_dma source(%dma_start3A_73 : memref<128x128xf32, #tpu.memory_space<vmem>>) target(%dma_start3A_69 : memref<128x128xf32, #tpu.memory_space<vmem_shared>>) target_semaphore(%run_scoped3A_62 : memref<!tpu.dma_semaphore, #tpu.memory_space<semaphore_mem>>)
      %dma_wait3A = arith.constant 0 : i32
      %dma_wait3A_74 = arith.constant 0 : i32
      %dma_wait3A_75 = tpu.memref_slice %arg10[%run_scoped3A_9, %dma_wait3A, %dma_wait3A_74] : memref<2x128x128xf32, #tpu.memory_space<vmem>> -> memref<1x128x128xf32, #tpu.memory_space<vmem>>
      %dma_wait3A_76 = tpu.memref_squeeze %dma_wait3A_75 : memref<1x128x128xf32, #tpu.memory_space<vmem>> -> memref<128x128xf32, #tpu.memory_space<vmem>>
      %dma_wait3A_77 = arith.constant 0 : i32
      %dma_wait3A_78 = tpu.memref_slice %arg11[%add3A_8, %dma_wait3A_77] : memref<10240x128xf32, #tpu.memory_space<vmem_shared>> -> memref<128x128xf32, #tpu.memory_space<vmem_shared>>
      %dma_wait3A_79 = arith.constant 0 : i32
      %dma_wait3A_80 = tpu.memref_slice %arg11[%add3A_8, %dma_wait3A_79] : memref<10240x128xf32, #tpu.memory_space<vmem_shared>> -> memref<128x128xf32, #tpu.memory_space<vmem_shared>>
      %dma_wait3A_81 = arith.constant 0 : i32
      %dma_wait3A_82 = arith.constant 0 : i32
      %dma_wait3A_83 = tpu.memref_slice %arg10[%run_scoped3A_9, %dma_wait3A_81, %dma_wait3A_82] : memref<2x128x128xf32, #tpu.memory_space<vmem>> -> memref<1x128x128xf32, #tpu.memory_space<vmem>>
      %dma_wait3A_84 = tpu.memref_squeeze %dma_wait3A_83 : memref<1x128x128xf32, #tpu.memory_space<vmem>> -> memref<128x128xf32, #tpu.memory_space<vmem>>
      tpu.wait_dma2 semaphore(%run_scoped3A_62 : memref<!tpu.dma_semaphore, #tpu.memory_space<semaphore_mem>>) src(%dma_wait3A_84 : memref<128x128xf32, #tpu.memory_space<vmem>>) dst(%dma_wait3A_80 : memref<128x128xf32, #tpu.memory_space<vmem_shared>>)
      tpu.yield
    }) : () -> ()
    %add3A_10 = arith.constant 256 : i32
    %add3A_11 = arith.addi %mul3A_0, %add3A_10 : i32
    %run_scoped3A_12 = arith.constant 1 : i32
    "tpu.region"() ({
      %run_scoped3A_62 = tpu.sem_alloc : memref<!tpu.dma_semaphore, #tpu.memory_space<semaphore_mem>>
      %dma_start3A = arith.constant 0 : i32
      %dma_start3A_63 = arith.constant 0 : i32
      %dma_start3A_64 = tpu.memref_slice %arg10[%run_scoped3A_12, %dma_start3A, %dma_start3A_63] : memref<2x128x128xf32, #tpu.memory_space<vmem>> -> memref<1x128x128xf32, #tpu.memory_space<vmem>>
      %dma_start3A_65 = tpu.memref_squeeze %dma_start3A_64 : memref<1x128x128xf32, #tpu.memory_space<vmem>> -> memref<128x128xf32, #tpu.memory_space<vmem>>
      %dma_start3A_66 = arith.constant 0 : i32
      %dma_start3A_67 = tpu.memref_slice %arg11[%add3A_11, %dma_start3A_66] : memref<10240x128xf32, #tpu.memory_space<vmem_shared>> -> memref<128x128xf32, #tpu.memory_space<vmem_shared>>
      %dma_start3A_68 = arith.constant 0 : i32
      %dma_start3A_69 = tpu.memref_slice %arg11[%add3A_11, %dma_start3A_68] : memref<10240x128xf32, #tpu.memory_space<vmem_shared>> -> memref<128x128xf32, #tpu.memory_space<vmem_shared>>
      %dma_start3A_70 = arith.constant 0 : i32
      %dma_start3A_71 = arith.constant 0 : i32
      %dma_start3A_72 = tpu.memref_slice %arg10[%run_scoped3A_12, %dma_start3A_70, %dma_start3A_71] : memref<2x128x128xf32, #tpu.memory_space<vmem>> -> memref<1x128x128xf32, #tpu.memory_space<vmem>>
      %dma_start3A_73 = tpu.memref_squeeze %dma_start3A_72 : memref<1x128x128xf32, #tpu.memory_space<vmem>> -> memref<128x128xf32, #tpu.memory_space<vmem>>
      tpu.enqueue_dma source(%dma_start3A_73 : memref<128x128xf32, #tpu.memory_space<vmem>>) target(%dma_start3A_69 : memref<128x128xf32, #tpu.memory_space<vmem_shared>>) target_semaphore(%run_scoped3A_62 : memref<!tpu.dma_semaphore, #tpu.memory_space<semaphore_mem>>)
      %dma_wait3A = arith.constant 0 : i32
      %dma_wait3A_74 = arith.constant 0 : i32
      %dma_wait3A_75 = tpu.memref_slice %arg10[%run_scoped3A_12, %dma_wait3A, %dma_wait3A_74] : memref<2x128x128xf32, #tpu.memory_space<vmem>> -> memref<1x128x128xf32, #tpu.memory_space<vmem>>
      %dma_wait3A_76 = tpu.memref_squeeze %dma_wait3A_75 : memref<1x128x128xf32, #tpu.memory_space<vmem>> -> memref<128x128xf32, #tpu.memory_space<vmem>>
      %dma_wait3A_77 = arith.constant 0 : i32
      %dma_wait3A_78 = tpu.memref_slice %arg11[%add3A_11, %dma_wait3A_77] : memref<10240x128xf32, #tpu.memory_space<vmem_shared>> -> memref<128x128xf32, #tpu.memory_space<vmem_shared>>
      %dma_wait3A_79 = arith.constant 0 : i32
      %dma_wait3A_80 = tpu.memref_slice %arg11[%add3A_11, %dma_wait3A_79] : memref<10240x128xf32, #tpu.memory_space<vmem_shared>> -> memref<128x128xf32, #tpu.memory_space<vmem_shared>>
      %dma_wait3A_81 = arith.constant 0 : i32
      %dma_wait3A_82 = arith.constant 0 : i32
      %dma_wait3A_83 = tpu.memref_slice %arg10[%run_scoped3A_12, %dma_wait3A_81, %dma_wait3A_82] : memref<2x128x128xf32, #tpu.memory_space<vmem>> -> memref<1x128x128xf32, #tpu.memory_space<vmem>>
      %dma_wait3A_84 = tpu.memref_squeeze %dma_wait3A_83 : memref<1x128x128xf32, #tpu.memory_space<vmem>> -> memref<128x128xf32, #tpu.memory_space<vmem>>
      tpu.wait_dma2 semaphore(%run_scoped3A_62 : memref<!tpu.dma_semaphore, #tpu.memory_space<semaphore_mem>>) src(%dma_wait3A_84 : memref<128x128xf32, #tpu.memory_space<vmem>>) dst(%dma_wait3A_80 : memref<128x128xf32, #tpu.memory_space<vmem_shared>>)
      tpu.yield
    }) : () -> ()
    %add3A_13 = arith.constant 384 : i32
    %add3A_14 = arith.addi %mul3A_0, %add3A_13 : i32
    %run_scoped3A_15 = arith.constant 1 : i32
    "tpu.region"() ({
      %run_scoped3A_62 = tpu.sem_alloc : memref<!tpu.dma_semaphore, #tpu.memory_space<semaphore_mem>>
      %dma_start3A = arith.constant 0 : i32
      %dma_start3A_63 = arith.constant 0 : i32
      %dma_start3A_64 = tpu.memref_slice %arg10[%run_scoped3A_15, %dma_start3A, %dma_start3A_63] : memref<2x128x128xf32, #tpu.memory_space<vmem>> -> memref<1x128x128xf32, #tpu.memory_space<vmem>>
      %dma_start3A_65 = tpu.memref_squeeze %dma_start3A_64 : memref<1x128x128xf32, #tpu.memory_space<vmem>> -> memref<128x128xf32, #tpu.memory_space<vmem>>
      %dma_start3A_66 = arith.constant 0 : i32
      %dma_start3A_67 = tpu.memref_slice %arg11[%add3A_14, %dma_start3A_66] : memref<10240x128xf32, #tpu.memory_space<vmem_shared>> -> memref<128x128xf32, #tpu.memory_space<vmem_shared>>
      %dma_start3A_68 = arith.constant 0 : i32
      %dma_start3A_69 = tpu.memref_slice %arg11[%add3A_14, %dma_start3A_68] : memref<10240x128xf32, #tpu.memory_space<vmem_shared>> -> memref<128x128xf32, #tpu.memory_space<vmem_shared>>
      %dma_start3A_70 = arith.constant 0 : i32
      %dma_start3A_71 = arith.constant 0 : i32
      %dma_start3A_72 = tpu.memref_slice %arg10[%run_scoped3A_15, %dma_start3A_70, %dma_start3A_71] : memref<2x128x128xf32, #tpu.memory_space<vmem>> -> memref<1x128x128xf32, #tpu.memory_space<vmem>>
      %dma_start3A_73 = tpu.memref_squeeze %dma_start3A_72 : memref<1x128x128xf32, #tpu.memory_space<vmem>> -> memref<128x128xf32, #tpu.memory_space<vmem>>
      tpu.enqueue_dma source(%dma_start3A_73 : memref<128x128xf32, #tpu.memory_space<vmem>>) target(%dma_start3A_69 : memref<128x128xf32, #tpu.memory_space<vmem_shared>>) target_semaphore(%run_scoped3A_62 : memref<!tpu.dma_semaphore, #tpu.memory_space<semaphore_mem>>)
      %dma_wait3A = arith.constant 0 : i32
      %dma_wait3A_74 = arith.constant 0 : i32
      %dma_wait3A_75 = tpu.memref_slice %arg10[%run_scoped3A_15, %dma_wait3A, %dma_wait3A_74] : memref<2x128x128xf32, #tpu.memory_space<vmem>> -> memref<1x128x128xf32, #tpu.memory_space<vmem>>
      %dma_wait3A_76 = tpu.memref_squeeze %dma_wait3A_75 : memref<1x128x128xf32, #tpu.memory_space<vmem>> -> memref<128x128xf32, #tpu.memory_space<vmem>>
      %dma_wait3A_77 = arith.constant 0 : i32
      %dma_wait3A_78 = tpu.memref_slice %arg11[%add3A_14, %dma_wait3A_77] : memref<10240x128xf32, #tpu.memory_space<vmem_shared>> -> memref<128x128xf32, #tpu.memory_space<vmem_shared>>
      %dma_wait3A_79 = arith.constant 0 : i32
      %dma_wait3A_80 = tpu.memref_slice %arg11[%add3A_14, %dma_wait3A_79] : memref<10240x128xf32, #tpu.memory_space<vmem_shared>> -> memref<128x128xf32, #tpu.memory_space<vmem_shared>>
      %dma_wait3A_81 = arith.constant 0 : i32
      %dma_wait3A_82 = arith.constant 0 : i32
      %dma_wait3A_83 = tpu.memref_slice %arg10[%run_scoped3A_15, %dma_wait3A_81, %dma_wait3A_82] : memref<2x128x128xf32, #tpu.memory_space<vmem>> -> memref<1x128x128xf32, #tpu.memory_space<vmem>>
      %dma_wait3A_84 = tpu.memref_squeeze %dma_wait3A_83 : memref<1x128x128xf32, #tpu.memory_space<vmem>> -> memref<128x128xf32, #tpu.memory_space<vmem>>
      tpu.wait_dma2 semaphore(%run_scoped3A_62 : memref<!tpu.dma_semaphore, #tpu.memory_space<semaphore_mem>>) src(%dma_wait3A_84 : memref<128x128xf32, #tpu.memory_space<vmem>>) dst(%dma_wait3A_80 : memref<128x128xf32, #tpu.memory_space<vmem_shared>>)
      tpu.yield
    }) : () -> ()
    %add3A_16 = arith.constant 512 : i32
    %add3A_17 = arith.addi %mul3A_0, %add3A_16 : i32
    %run_scoped3A_18 = arith.constant 1 : i32
    "tpu.region"() ({
      %run_scoped3A_62 = tpu.sem_alloc : memref<!tpu.dma_semaphore, #tpu.memory_space<semaphore_mem>>
      %dma_start3A = arith.constant 0 : i32
      %dma_start3A_63 = arith.constant 0 : i32
      %dma_start3A_64 = tpu.memref_slice %arg10[%run_scoped3A_18, %dma_start3A, %dma_start3A_63] : memref<2x128x128xf32, #tpu.memory_space<vmem>> -> memref<1x128x128xf32, #tpu.memory_space<vmem>>
      %dma_start3A_65 = tpu.memref_squeeze %dma_start3A_64 : memref<1x128x128xf32, #tpu.memory_space<vmem>> -> memref<128x128xf32, #tpu.memory_space<vmem>>
      %dma_start3A_66 = arith.constant 0 : i32
      %dma_start3A_67 = tpu.memref_slice %arg11[%add3A_17, %dma_start3A_66] : memref<10240x128xf32, #tpu.memory_space<vmem_shared>> -> memref<128x128xf32, #tpu.memory_space<vmem_shared>>
      %dma_start3A_68 = arith.constant 0 : i32
      %dma_start3A_69 = tpu.memref_slice %arg11[%add3A_17, %dma_start3A_68] : memref<10240x128xf32, #tpu.memory_space<vmem_shared>> -> memref<128x128xf32, #tpu.memory_space<vmem_shared>>
      %dma_start3A_70 = arith.constant 0 : i32
      %dma_start3A_71 = arith.constant 0 : i32
      %dma_start3A_72 = tpu.memref_slice %arg10[%run_scoped3A_18, %dma_start3A_70, %dma_start3A_71] : memref<2x128x128xf32, #tpu.memory_space<vmem>> -> memref<1x128x128xf32, #tpu.memory_space<vmem>>
      %dma_start3A_73 = tpu.memref_squeeze %dma_start3A_72 : memref<1x128x128xf32, #tpu.memory_space<vmem>> -> memref<128x128xf32, #tpu.memory_space<vmem>>
      tpu.enqueue_dma source(%dma_start3A_73 : memref<128x128xf32, #tpu.memory_space<vmem>>) target(%dma_start3A_69 : memref<128x128xf32, #tpu.memory_space<vmem_shared>>) target_semaphore(%run_scoped3A_62 : memref<!tpu.dma_semaphore, #tpu.memory_space<semaphore_mem>>)
      %dma_wait3A = arith.constant 0 : i32
      %dma_wait3A_74 = arith.constant 0 : i32
      %dma_wait3A_75 = tpu.memref_slice %arg10[%run_scoped3A_18, %dma_wait3A, %dma_wait3A_74] : memref<2x128x128xf32, #tpu.memory_space<vmem>> -> memref<1x128x128xf32, #tpu.memory_space<vmem>>
      %dma_wait3A_76 = tpu.memref_squeeze %dma_wait3A_75 : memref<1x128x128xf32, #tpu.memory_space<vmem>> -> memref<128x128xf32, #tpu.memory_space<vmem>>
      %dma_wait3A_77 = arith.constant 0 : i32
      %dma_wait3A_78 = tpu.memref_slice %arg11[%add3A_17, %dma_wait3A_77] : memref<10240x128xf32, #tpu.memory_space<vmem_shared>> -> memref<128x128xf32, #tpu.memory_space<vmem_shared>>
      %dma_wait3A_79 = arith.constant 0 : i32
      %dma_wait3A_80 = tpu.memref_slice %arg11[%add3A_17, %dma_wait3A_79] : memref<10240x128xf32, #tpu.memory_space<vmem_shared>> -> memref<128x128xf32, #tpu.memory_space<vmem_shared>>
      %dma_wait3A_81 = arith.constant 0 : i32
      %dma_wait3A_82 = arith.constant 0 : i32
      %dma_wait3A_83 = tpu.memref_slice %arg10[%run_scoped3A_18, %dma_wait3A_81, %dma_wait3A_82] : memref<2x128x128xf32, #tpu.memory_space<vmem>> -> memref<1x128x128xf32, #tpu.memory_space<vmem>>
      %dma_wait3A_84 = tpu.memref_squeeze %dma_wait3A_83 : memref<1x128x128xf32, #tpu.memory_space<vmem>> -> memref<128x128xf32, #tpu.memory_space<vmem>>
      tpu.wait_dma2 semaphore(%run_scoped3A_62 : memref<!tpu.dma_semaphore, #tpu.memory_space<semaphore_mem>>) src(%dma_wait3A_84 : memref<128x128xf32, #tpu.memory_space<vmem>>) dst(%dma_wait3A_80 : memref<128x128xf32, #tpu.memory_space<vmem_shared>>)
      tpu.yield
    }) : () -> ()
    %barrier3A = arith.constant 0 : index
    tpu.barrier barrier_id(%barrier3A)
    %eq3A = arith.constant 0 : i32
    %eq3A_19 = arith.cmpi eq, %arg0, %eq3A : i32
    %convert_element_type3A = arith.extui %eq3A_19 : i1 to i32
    %cond3A = arith.constant 0 : i32
    %cond3A_20 = arith.cmpi ne, %convert_element_type3A, %cond3A : i32
    scf.if %cond3A_20 {
      %scan3A_62 = arith.constant 0 : i32
      %scan3A_63 = arith.constant 2 : i32
      %scan3A_64 = arith.addi %scan3A_62, %scan3A_63 : i32
      %scan3A_65 = arith.constant 1 : i32
      scf.for %scan3A_67 = %scan3A_62 to %scan3A_64 step %scan3A_65  : i32 {
        %mul3A_68 = arith.constant 1 : i32
        %mul3A_69 = arith.muli %scan3A_67, %mul3A_68 : i32
        %add3A_70 = arith.constant 0 : i32
        %add3A_71 = arith.addi %add3A_70, %mul3A_69 : i32
        "tpu.region"() ({
          %run_scoped3A_88 = tpu.sem_alloc : memref<!tpu.dma_semaphore, #tpu.memory_space<semaphore_mem>>
          %dma_start3A_89 = arith.constant 0 : i32
          %dma_start3A_90 = arith.constant 0 : i32
          %dma_start3A_91 = tpu.memref_slice %arg4[%add3A_71, %arg1, %dma_start3A_89, %dma_start3A_90] : memref<2x16x40x128xi32, #tpu.memory_space<hbm>> -> memref<1x1x40x128xi32, #tpu.memory_space<hbm>>
          %dma_start3A_92 = tpu.memref_squeeze %dma_start3A_91 : memref<1x1x40x128xi32, #tpu.memory_space<hbm>> -> memref<40x128xi32, #tpu.memory_space<hbm>>
          %dma_start3A_93 = arith.constant 0 : i32
          %dma_start3A_94 = arith.constant 0 : i32
          %dma_start3A_95 = tpu.memref_slice %arg4[%add3A_71, %arg1, %dma_start3A_93, %dma_start3A_94] : memref<2x16x40x128xi32, #tpu.memory_space<hbm>> -> memref<1x1x40x128xi32, #tpu.memory_space<hbm>>
          %dma_start3A_96 = tpu.memref_squeeze %dma_start3A_95 : memref<1x1x40x128xi32, #tpu.memory_space<hbm>> -> memref<40x128xi32, #tpu.memory_space<hbm>>
          tpu.enqueue_dma source(%dma_start3A_96 : memref<40x128xi32, #tpu.memory_space<hbm>>) target(%arg8 : memref<40x128xi32, #tpu.memory_space<vmem>>) target_semaphore(%run_scoped3A_88 : memref<!tpu.dma_semaphore, #tpu.memory_space<semaphore_mem>>)
          %dma_wait3A = arith.constant 0 : i32
          %dma_wait3A_97 = arith.constant 0 : i32
          %dma_wait3A_98 = tpu.memref_slice %arg4[%add3A_71, %arg1, %dma_wait3A, %dma_wait3A_97] : memref<2x16x40x128xi32, #tpu.memory_space<hbm>> -> memref<1x1x40x128xi32, #tpu.memory_space<hbm>>
          %dma_wait3A_99 = tpu.memref_squeeze %dma_wait3A_98 : memref<1x1x40x128xi32, #tpu.memory_space<hbm>> -> memref<40x128xi32, #tpu.memory_space<hbm>>
          %dma_wait3A_100 = arith.constant 0 : i32
          %dma_wait3A_101 = arith.constant 0 : i32
          %dma_wait3A_102 = tpu.memref_slice %arg4[%add3A_71, %arg1, %dma_wait3A_100, %dma_wait3A_101] : memref<2x16x40x128xi32, #tpu.memory_space<hbm>> -> memref<1x1x40x128xi32, #tpu.memory_space<hbm>>
          %dma_wait3A_103 = tpu.memref_squeeze %dma_wait3A_102 : memref<1x1x40x128xi32, #tpu.memory_space<hbm>> -> memref<40x128xi32, #tpu.memory_space<hbm>>
          tpu.wait_dma2 semaphore(%run_scoped3A_88 : memref<!tpu.dma_semaphore, #tpu.memory_space<semaphore_mem>>) src(%dma_wait3A_103 : memref<40x128xi32, #tpu.memory_space<hbm>>) dst(%arg8 : memref<40x128xi32, #tpu.memory_space<vmem>>)
          tpu.yield
        }) : () -> ()
        "tpu.region"() ({
          %run_scoped3A_88 = tpu.sem_alloc : memref<!tpu.dma_semaphore, #tpu.memory_space<semaphore_mem>>
          %dma_start3A_89 = arith.constant 0 : i32
          %dma_start3A_90 = arith.constant 0 : i32
          %dma_start3A_91 = tpu.memref_slice %arg5[%add3A_71, %arg1, %dma_start3A_89, %dma_start3A_90] : memref<2x16x40x128xi32, #tpu.memory_space<hbm>> -> memref<1x1x40x128xi32, #tpu.memory_space<hbm>>
          %dma_start3A_92 = tpu.memref_squeeze %dma_start3A_91 : memref<1x1x40x128xi32, #tpu.memory_space<hbm>> -> memref<40x128xi32, #tpu.memory_space<hbm>>
          %dma_start3A_93 = arith.constant 0 : i32
          %dma_start3A_94 = arith.constant 0 : i32
          %dma_start3A_95 = tpu.memref_slice %arg5[%add3A_71, %arg1, %dma_start3A_93, %dma_start3A_94] : memref<2x16x40x128xi32, #tpu.memory_space<hbm>> -> memref<1x1x40x128xi32, #tpu.memory_space<hbm>>
          %dma_start3A_96 = tpu.memref_squeeze %dma_start3A_95 : memref<1x1x40x128xi32, #tpu.memory_space<hbm>> -> memref<40x128xi32, #tpu.memory_space<hbm>>
          tpu.enqueue_dma source(%dma_start3A_96 : memref<40x128xi32, #tpu.memory_space<hbm>>) target(%arg9 : memref<40x128xi32, #tpu.memory_space<vmem>>) target_semaphore(%run_scoped3A_88 : memref<!tpu.dma_semaphore, #tpu.memory_space<semaphore_mem>>)
          %dma_wait3A = arith.constant 0 : i32
          %dma_wait3A_97 = arith.constant 0 : i32
          %dma_wait3A_98 = tpu.memref_slice %arg5[%add3A_71, %arg1, %dma_wait3A, %dma_wait3A_97] : memref<2x16x40x128xi32, #tpu.memory_space<hbm>> -> memref<1x1x40x128xi32, #tpu.memory_space<hbm>>
          %dma_wait3A_99 = tpu.memref_squeeze %dma_wait3A_98 : memref<1x1x40x128xi32, #tpu.memory_space<hbm>> -> memref<40x128xi32, #tpu.memory_space<hbm>>
          %dma_wait3A_100 = arith.constant 0 : i32
          %dma_wait3A_101 = arith.constant 0 : i32
          %dma_wait3A_102 = tpu.memref_slice %arg5[%add3A_71, %arg1, %dma_wait3A_100, %dma_wait3A_101] : memref<2x16x40x128xi32, #tpu.memory_space<hbm>> -> memref<1x1x40x128xi32, #tpu.memory_space<hbm>>
          %dma_wait3A_103 = tpu.memref_squeeze %dma_wait3A_102 : memref<1x1x40x128xi32, #tpu.memory_space<hbm>> -> memref<40x128xi32, #tpu.memory_space<hbm>>
          tpu.wait_dma2 semaphore(%run_scoped3A_88 : memref<!tpu.dma_semaphore, #tpu.memory_space<semaphore_mem>>) src(%dma_wait3A_103 : memref<40x128xi32, #tpu.memory_space<hbm>>) dst(%arg9 : memref<40x128xi32, #tpu.memory_space<vmem>>)
          tpu.yield
        }) : () -> ()
        %dma_start3A = arith.constant 0 : i32
        %dma_start3A_72 = arith.constant 0 : i32
        %dma_start3A_73 = arith.constant 0 : i32
        %dma_start3A_74 = arith.constant 0 : i32
        %dma_start3A_75 = tpu.memref_slice %arg10[%dma_start3A_72, %dma_start3A_73, %dma_start3A_74] : memref<2x128x128xf32, #tpu.memory_space<vmem>> -> memref<1x128x128xf32, #tpu.memory_space<vmem>>
        %dma_start3A_76 = tpu.memref_squeeze %dma_start3A_75 : memref<1x128x128xf32, #tpu.memory_space<vmem>> -> memref<128x128xf32, #tpu.memory_space<vmem>>
        %dma_start3A_77 = arith.constant 0 : i32
        %dma_start3A_78 = tpu.memref_slice %arg8[%dma_start3A, %dma_start3A_77] : memref<40x128xi32, #tpu.memory_space<vmem>> -> memref<1x128xi32, #tpu.memory_space<vmem>>
        %dma_start3A_79 = tpu.memref_squeeze %dma_start3A_78 : memref<1x128xi32, #tpu.memory_space<vmem>> -> memref<128xi32, #tpu.memory_space<vmem>>
        %dma_start3A_80 = arith.constant 0 : i32
        %dma_start3A_81 = arith.constant 0 : i32
        %dma_start3A_82 = tpu.memref_slice %arg2[%dma_start3A_80, %dma_start3A_81] : memref<10000x128xf32, #tpu.memory_space<hbm>> -> memref<10000x128xf32, #tpu.memory_space<hbm>>
        tpu.enqueue_indirect_dma source(%dma_start3A_82 : memref<10000x128xf32, #tpu.memory_space<hbm>>) target(%dma_start3A_76 : memref<128x128xf32, #tpu.memory_space<vmem>>) offsets(%dma_start3A_79 : memref<128xi32, #tpu.memory_space<vmem>>) semaphore(%arg12 : memref<!tpu.dma_semaphore, #tpu.memory_space<semaphore_mem>>)
        %scan3A_83 = arith.constant 0 : i32
        %scan3A_84 = arith.constant 20 : i32
        %scan3A_85 = arith.addi %scan3A_83, %scan3A_84 : i32
        %scan3A_86 = arith.constant 1 : i32
        scf.for %scan3A_88 = %scan3A_83 to %scan3A_85 step %scan3A_86  : i32 {
          %mul3A_89 = arith.constant 2 : i32
          %mul3A_90 = arith.muli %scan3A_88, %mul3A_89 : i32
          %add3A_91 = arith.constant 0 : i32
          %add3A_92 = arith.addi %add3A_91, %mul3A_90 : i32
          %add3A_93 = arith.constant 1 : i32
          %add3A_94 = arith.addi %add3A_92, %add3A_93 : i32
          %dma_start3A_95 = arith.constant 1 : i32
          %dma_start3A_96 = arith.constant 0 : i32
          %dma_start3A_97 = arith.constant 0 : i32
          %dma_start3A_98 = tpu.memref_slice %arg10[%dma_start3A_95, %dma_start3A_96, %dma_start3A_97] : memref<2x128x128xf32, #tpu.memory_space<vmem>> -> memref<1x128x128xf32, #tpu.memory_space<vmem>>
          %dma_start3A_99 = tpu.memref_squeeze %dma_start3A_98 : memref<1x128x128xf32, #tpu.memory_space<vmem>> -> memref<128x128xf32, #tpu.memory_space<vmem>>
          %dma_start3A_100 = arith.constant 0 : i32
          %dma_start3A_101 = tpu.memref_slice %arg8[%add3A_94, %dma_start3A_100] : memref<40x128xi32, #tpu.memory_space<vmem>> -> memref<1x128xi32, #tpu.memory_space<vmem>>
          %dma_start3A_102 = tpu.memref_squeeze %dma_start3A_101 : memref<1x128xi32, #tpu.memory_space<vmem>> -> memref<128xi32, #tpu.memory_space<vmem>>
          %dma_start3A_103 = arith.constant 0 : i32
          %dma_start3A_104 = arith.constant 0 : i32
          %dma_start3A_105 = tpu.memref_slice %arg2[%dma_start3A_103, %dma_start3A_104] : memref<10000x128xf32, #tpu.memory_space<hbm>> -> memref<10000x128xf32, #tpu.memory_space<hbm>>
          tpu.enqueue_indirect_dma source(%dma_start3A_105 : memref<10000x128xf32, #tpu.memory_space<hbm>>) target(%dma_start3A_99 : memref<128x128xf32, #tpu.memory_space<vmem>>) offsets(%dma_start3A_102 : memref<128xi32, #tpu.memory_space<vmem>>) semaphore(%arg13 : memref<!tpu.dma_semaphore, #tpu.memory_space<semaphore_mem>>)
          %dma_wait3A = arith.constant 0 : i32
          %dma_wait3A_106 = arith.constant 0 : i32
          %dma_wait3A_107 = arith.constant 0 : i32
          %dma_wait3A_108 = tpu.memref_slice %arg10[%dma_wait3A, %dma_wait3A_106, %dma_wait3A_107] : memref<2x128x128xf32, #tpu.memory_space<vmem>> -> memref<1x128x128xf32, #tpu.memory_space<vmem>>
          %dma_wait3A_109 = tpu.memref_squeeze %dma_wait3A_108 : memref<1x128x128xf32, #tpu.memory_space<vmem>> -> memref<128x128xf32, #tpu.memory_space<vmem>>
          %dma_wait3A_110 = arith.constant 0 : i32
          %dma_wait3A_111 = arith.constant 0 : i32
          %dma_wait3A_112 = tpu.memref_slice %arg2[%dma_wait3A_110, %dma_wait3A_111] : memref<10000x128xf32, #tpu.memory_space<hbm>> -> memref<128x128xf32, #tpu.memory_space<hbm>>
          %dma_wait3A_113 = arith.constant 0 : i32
          %dma_wait3A_114 = arith.constant 0 : i32
          %dma_wait3A_115 = tpu.memref_slice %arg10[%dma_wait3A, %dma_wait3A_113, %dma_wait3A_114] : memref<2x128x128xf32, #tpu.memory_space<vmem>> -> memref<1x128x128xf32, #tpu.memory_space<vmem>>
          %dma_wait3A_116 = tpu.memref_squeeze %dma_wait3A_115 : memref<1x128x128xf32, #tpu.memory_space<vmem>> -> memref<128x128xf32, #tpu.memory_space<vmem>>
          %dma_wait3A_117 = arith.constant 0 : i32
          %dma_wait3A_118 = arith.constant 0 : i32
          %dma_wait3A_119 = tpu.memref_slice %arg2[%dma_wait3A_117, %dma_wait3A_118] : memref<10000x128xf32, #tpu.memory_space<hbm>> -> memref<128x128xf32, #tpu.memory_space<hbm>>
          tpu.wait_dma2 semaphore(%arg12 : memref<!tpu.dma_semaphore, #tpu.memory_space<semaphore_mem>>) src(%dma_wait3A_119 : memref<128x128xf32, #tpu.memory_space<hbm>>) dst(%dma_wait3A_116 : memref<128x128xf32, #tpu.memory_space<vmem>>)
          %dma_start3A_120 = arith.constant 0 : i32
          %dma_start3A_121 = arith.constant 0 : i32
          %dma_start3A_122 = arith.constant 0 : i32
          %dma_start3A_123 = tpu.memref_slice %arg10[%dma_start3A_120, %dma_start3A_121, %dma_start3A_122] : memref<2x128x128xf32, #tpu.memory_space<vmem>> -> memref<1x128x128xf32, #tpu.memory_space<vmem>>
          %dma_start3A_124 = tpu.memref_squeeze %dma_start3A_123 : memref<1x128x128xf32, #tpu.memory_space<vmem>> -> memref<128x128xf32, #tpu.memory_space<vmem>>
          %dma_start3A_125 = arith.constant 0 : i32
          %dma_start3A_126 = tpu.memref_slice %arg9[%add3A_92, %dma_start3A_125] : memref<40x128xi32, #tpu.memory_space<vmem>> -> memref<1x128xi32, #tpu.memory_space<vmem>>
          %dma_start3A_127 = tpu.memref_squeeze %dma_start3A_126 : memref<1x128xi32, #tpu.memory_space<vmem>> -> memref<128xi32, #tpu.memory_space<vmem>>
          %dma_start3A_128 = arith.constant 0 : i32
          %dma_start3A_129 = arith.constant 0 : i32
          %dma_start3A_130 = tpu.memref_slice %arg11[%dma_start3A_128, %dma_start3A_129] : memref<10240x128xf32, #tpu.memory_space<vmem_shared>> -> memref<10240x128xf32, #tpu.memory_space<vmem_shared>>
          tpu.enqueue_indirect_dma source(%dma_start3A_124 : memref<128x128xf32, #tpu.memory_space<vmem>>) target(%dma_start3A_130 : memref<10240x128xf32, #tpu.memory_space<vmem_shared>>) offsets(%dma_start3A_127 : memref<128xi32, #tpu.memory_space<vmem>>) semaphore(%arg14 : memref<!tpu.dma_semaphore, #tpu.memory_space<semaphore_mem>>) {add = true}
          %dma_wait3A_131 = arith.constant 0 : i32
          %dma_wait3A_132 = arith.constant 0 : i32
          %dma_wait3A_133 = arith.constant 0 : i32
          %dma_wait3A_134 = tpu.memref_slice %arg10[%dma_wait3A_131, %dma_wait3A_132, %dma_wait3A_133] : memref<2x128x128xf32, #tpu.memory_space<vmem>> -> memref<1x128x128xf32, #tpu.memory_space<vmem>>
          %dma_wait3A_135 = tpu.memref_squeeze %dma_wait3A_134 : memref<1x128x128xf32, #tpu.memory_space<vmem>> -> memref<128x128xf32, #tpu.memory_space<vmem>>
          %dma_wait3A_136 = arith.constant 0 : i32
          %dma_wait3A_137 = arith.constant 0 : i32
          %dma_wait3A_138 = tpu.memref_slice %arg11[%dma_wait3A_136, %dma_wait3A_137] : memref<10240x128xf32, #tpu.memory_space<vmem_shared>> -> memref<128x128xf32, #tpu.memory_space<vmem_shared>>
          %dma_wait3A_139 = arith.constant 0 : i32
          %dma_wait3A_140 = arith.constant 0 : i32
          %dma_wait3A_141 = tpu.memref_slice %arg11[%dma_wait3A_139, %dma_wait3A_140] : memref<10240x128xf32, #tpu.memory_space<vmem_shared>> -> memref<128x128xf32, #tpu.memory_space<vmem_shared>>
          %dma_wait3A_142 = arith.constant 0 : i32
          %dma_wait3A_143 = arith.constant 0 : i32
          %dma_wait3A_144 = tpu.memref_slice %arg10[%dma_wait3A_131, %dma_wait3A_142, %dma_wait3A_143] : memref<2x128x128xf32, #tpu.memory_space<vmem>> -> memref<1x128x128xf32, #tpu.memory_space<vmem>>
          %dma_wait3A_145 = tpu.memref_squeeze %dma_wait3A_144 : memref<1x128x128xf32, #tpu.memory_space<vmem>> -> memref<128x128xf32, #tpu.memory_space<vmem>>
          tpu.wait_dma2 semaphore(%arg14 : memref<!tpu.dma_semaphore, #tpu.memory_space<semaphore_mem>>) src(%dma_wait3A_145 : memref<128x128xf32, #tpu.memory_space<vmem>>) dst(%dma_wait3A_141 : memref<128x128xf32, #tpu.memory_space<vmem_shared>>)
          %add3A_146 = arith.constant 2 : i32
          %add3A_147 = arith.addi %add3A_92, %add3A_146 : i32
          %lt3A = arith.constant 40 : i32
          %lt3A_148 = arith.cmpi slt, %add3A_147, %lt3A : i32
          %convert_element_type3A_149 = arith.extui %lt3A_148 : i1 to i32
          %cond3A_150 = arith.constant 0 : i32
          %cond3A_151 = arith.cmpi ne, %convert_element_type3A_149, %cond3A_150 : i32
          scf.if %cond3A_151 {
            %add3A_195 = arith.constant 2 : i32
            %add3A_196 = arith.addi %add3A_92, %add3A_195 : i32
            %dma_start3A_197 = arith.constant 0 : i32
            %dma_start3A_198 = arith.constant 0 : i32
            %dma_start3A_199 = arith.constant 0 : i32
            %dma_start3A_200 = tpu.memref_slice %arg10[%dma_start3A_197, %dma_start3A_198, %dma_start3A_199] : memref<2x128x128xf32, #tpu.memory_space<vmem>> -> memref<1x128x128xf32, #tpu.memory_space<vmem>>
            %dma_start3A_201 = tpu.memref_squeeze %dma_start3A_200 : memref<1x128x128xf32, #tpu.memory_space<vmem>> -> memref<128x128xf32, #tpu.memory_space<vmem>>
            %dma_start3A_202 = arith.constant 0 : i32
            %dma_start3A_203 = tpu.memref_slice %arg8[%add3A_196, %dma_start3A_202] : memref<40x128xi32, #tpu.memory_space<vmem>> -> memref<1x128xi32, #tpu.memory_space<vmem>>
            %dma_start3A_204 = tpu.memref_squeeze %dma_start3A_203 : memref<1x128xi32, #tpu.memory_space<vmem>> -> memref<128xi32, #tpu.memory_space<vmem>>
            %dma_start3A_205 = arith.constant 0 : i32
            %dma_start3A_206 = arith.constant 0 : i32
            %dma_start3A_207 = tpu.memref_slice %arg2[%dma_start3A_205, %dma_start3A_206] : memref<10000x128xf32, #tpu.memory_space<hbm>> -> memref<10000x128xf32, #tpu.memory_space<hbm>>
            tpu.enqueue_indirect_dma source(%dma_start3A_207 : memref<10000x128xf32, #tpu.memory_space<hbm>>) target(%dma_start3A_201 : memref<128x128xf32, #tpu.memory_space<vmem>>) offsets(%dma_start3A_204 : memref<128xi32, #tpu.memory_space<vmem>>) semaphore(%arg12 : memref<!tpu.dma_semaphore, #tpu.memory_space<semaphore_mem>>)
          } else {
          }
          %dma_wait3A_152 = arith.constant 1 : i32
          %dma_wait3A_153 = arith.constant 0 : i32
          %dma_wait3A_154 = arith.constant 0 : i32
          %dma_wait3A_155 = tpu.memref_slice %arg10[%dma_wait3A_152, %dma_wait3A_153, %dma_wait3A_154] : memref<2x128x128xf32, #tpu.memory_space<vmem>> -> memref<1x128x128xf32, #tpu.memory_space<vmem>>
          %dma_wait3A_156 = tpu.memref_squeeze %dma_wait3A_155 : memref<1x128x128xf32, #tpu.memory_space<vmem>> -> memref<128x128xf32, #tpu.memory_space<vmem>>
          %dma_wait3A_157 = arith.constant 0 : i32
          %dma_wait3A_158 = arith.constant 0 : i32
          %dma_wait3A_159 = tpu.memref_slice %arg2[%dma_wait3A_157, %dma_wait3A_158] : memref<10000x128xf32, #tpu.memory_space<hbm>> -> memref<128x128xf32, #tpu.memory_space<hbm>>
          %dma_wait3A_160 = arith.constant 0 : i32
          %dma_wait3A_161 = arith.constant 0 : i32
          %dma_wait3A_162 = tpu.memref_slice %arg10[%dma_wait3A_152, %dma_wait3A_160, %dma_wait3A_161] : memref<2x128x128xf32, #tpu.memory_space<vmem>> -> memref<1x128x128xf32, #tpu.memory_space<vmem>>
          %dma_wait3A_163 = tpu.memref_squeeze %dma_wait3A_162 : memref<1x128x128xf32, #tpu.memory_space<vmem>> -> memref<128x128xf32, #tpu.memory_space<vmem>>
          %dma_wait3A_164 = arith.constant 0 : i32
          %dma_wait3A_165 = arith.constant 0 : i32
          %dma_wait3A_166 = tpu.memref_slice %arg2[%dma_wait3A_164, %dma_wait3A_165] : memref<10000x128xf32, #tpu.memory_space<hbm>> -> memref<128x128xf32, #tpu.memory_space<hbm>>
          tpu.wait_dma2 semaphore(%arg13 : memref<!tpu.dma_semaphore, #tpu.memory_space<semaphore_mem>>) src(%dma_wait3A_166 : memref<128x128xf32, #tpu.memory_space<hbm>>) dst(%dma_wait3A_163 : memref<128x128xf32, #tpu.memory_space<vmem>>)
          %add3A_167 = arith.constant 1 : i32
          %add3A_168 = arith.addi %add3A_92, %add3A_167 : i32
          %dma_start3A_169 = arith.constant 1 : i32
          %dma_start3A_170 = arith.constant 0 : i32
          %dma_start3A_171 = arith.constant 0 : i32
          %dma_start3A_172 = tpu.memref_slice %arg10[%dma_start3A_169, %dma_start3A_170, %dma_start3A_171] : memref<2x128x128xf32, #tpu.memory_space<vmem>> -> memref<1x128x128xf32, #tpu.memory_space<vmem>>
          %dma_start3A_173 = tpu.memref_squeeze %dma_start3A_172 : memref<1x128x128xf32, #tpu.memory_space<vmem>> -> memref<128x128xf32, #tpu.memory_space<vmem>>
          %dma_start3A_174 = arith.constant 0 : i32
          %dma_start3A_175 = tpu.memref_slice %arg9[%add3A_168, %dma_start3A_174] : memref<40x128xi32, #tpu.memory_space<vmem>> -> memref<1x128xi32, #tpu.memory_space<vmem>>
          %dma_start3A_176 = tpu.memref_squeeze %dma_start3A_175 : memref<1x128xi32, #tpu.memory_space<vmem>> -> memref<128xi32, #tpu.memory_space<vmem>>
          %dma_start3A_177 = arith.constant 0 : i32
          %dma_start3A_178 = arith.constant 0 : i32
          %dma_start3A_179 = tpu.memref_slice %arg11[%dma_start3A_177, %dma_start3A_178] : memref<10240x128xf32, #tpu.memory_space<vmem_shared>> -> memref<10240x128xf32, #tpu.memory_space<vmem_shared>>
          tpu.enqueue_indirect_dma source(%dma_start3A_173 : memref<128x128xf32, #tpu.memory_space<vmem>>) target(%dma_start3A_179 : memref<10240x128xf32, #tpu.memory_space<vmem_shared>>) offsets(%dma_start3A_176 : memref<128xi32, #tpu.memory_space<vmem>>) semaphore(%arg15 : memref<!tpu.dma_semaphore, #tpu.memory_space<semaphore_mem>>) {add = true}
          %dma_wait3A_180 = arith.constant 1 : i32
          %dma_wait3A_181 = arith.constant 0 : i32
          %dma_wait3A_182 = arith.constant 0 : i32
          %dma_wait3A_183 = tpu.memref_slice %arg10[%dma_wait3A_180, %dma_wait3A_181, %dma_wait3A_182] : memref<2x128x128xf32, #tpu.memory_space<vmem>> -> memref<1x128x128xf32, #tpu.memory_space<vmem>>
          %dma_wait3A_184 = tpu.memref_squeeze %dma_wait3A_183 : memref<1x128x128xf32, #tpu.memory_space<vmem>> -> memref<128x128xf32, #tpu.memory_space<vmem>>
          %dma_wait3A_185 = arith.constant 0 : i32
          %dma_wait3A_186 = arith.constant 0 : i32
          %dma_wait3A_187 = tpu.memref_slice %arg11[%dma_wait3A_185, %dma_wait3A_186] : memref<10240x128xf32, #tpu.memory_space<vmem_shared>> -> memref<128x128xf32, #tpu.memory_space<vmem_shared>>
          %dma_wait3A_188 = arith.constant 0 : i32
          %dma_wait3A_189 = arith.constant 0 : i32
          %dma_wait3A_190 = tpu.memref_slice %arg11[%dma_wait3A_188, %dma_wait3A_189] : memref<10240x128xf32, #tpu.memory_space<vmem_shared>> -> memref<128x128xf32, #tpu.memory_space<vmem_shared>>
          %dma_wait3A_191 = arith.constant 0 : i32
          %dma_wait3A_192 = arith.constant 0 : i32
          %dma_wait3A_193 = tpu.memref_slice %arg10[%dma_wait3A_180, %dma_wait3A_191, %dma_wait3A_192] : memref<2x128x128xf32, #tpu.memory_space<vmem>> -> memref<1x128x128xf32, #tpu.memory_space<vmem>>
          %dma_wait3A_194 = tpu.memref_squeeze %dma_wait3A_193 : memref<1x128x128xf32, #tpu.memory_space<vmem>> -> memref<128x128xf32, #tpu.memory_space<vmem>>
          tpu.wait_dma2 semaphore(%arg15 : memref<!tpu.dma_semaphore, #tpu.memory_space<semaphore_mem>>) src(%dma_wait3A_194 : memref<128x128xf32, #tpu.memory_space<vmem>>) dst(%dma_wait3A_190 : memref<128x128xf32, #tpu.memory_space<vmem_shared>>)
        }
        %scan3A_87 = arith.constant 20 : i32
      }
      %scan3A_66 = arith.constant 2 : i32
    } else {
    }
    %eq3A_21 = arith.constant 1 : i32
    %eq3A_22 = arith.cmpi eq, %arg0, %eq3A_21 : i32
    %convert_element_type3A_23 = arith.extui %eq3A_22 : i1 to i32
    %cond3A_24 = arith.constant 0 : i32
    %cond3A_25 = arith.cmpi ne, %convert_element_type3A_23, %cond3A_24 : i32
    scf.if %cond3A_25 {
      %scan3A_62 = arith.constant 0 : i32
      %scan3A_63 = arith.constant 2 : i32
      %scan3A_64 = arith.addi %scan3A_62, %scan3A_63 : i32
      %scan3A_65 = arith.constant 1 : i32
      scf.for %scan3A_67 = %scan3A_62 to %scan3A_64 step %scan3A_65  : i32 {
        %mul3A_68 = arith.constant 1 : i32
        %mul3A_69 = arith.muli %scan3A_67, %mul3A_68 : i32
        %add3A_70 = arith.constant 0 : i32
        %add3A_71 = arith.addi %add3A_70, %mul3A_69 : i32
        "tpu.region"() ({
          %run_scoped3A_88 = tpu.sem_alloc : memref<!tpu.dma_semaphore, #tpu.memory_space<semaphore_mem>>
          %dma_start3A_89 = arith.constant 0 : i32
          %dma_start3A_90 = arith.constant 0 : i32
          %dma_start3A_91 = tpu.memref_slice %arg4[%add3A_71, %arg1, %dma_start3A_89, %dma_start3A_90] : memref<2x16x40x128xi32, #tpu.memory_space<hbm>> -> memref<1x1x40x128xi32, #tpu.memory_space<hbm>>
          %dma_start3A_92 = tpu.memref_squeeze %dma_start3A_91 : memref<1x1x40x128xi32, #tpu.memory_space<hbm>> -> memref<40x128xi32, #tpu.memory_space<hbm>>
          %dma_start3A_93 = arith.constant 0 : i32
          %dma_start3A_94 = arith.constant 0 : i32
          %dma_start3A_95 = tpu.memref_slice %arg4[%add3A_71, %arg1, %dma_start3A_93, %dma_start3A_94] : memref<2x16x40x128xi32, #tpu.memory_space<hbm>> -> memref<1x1x40x128xi32, #tpu.memory_space<hbm>>
          %dma_start3A_96 = tpu.memref_squeeze %dma_start3A_95 : memref<1x1x40x128xi32, #tpu.memory_space<hbm>> -> memref<40x128xi32, #tpu.memory_space<hbm>>
          tpu.enqueue_dma source(%dma_start3A_96 : memref<40x128xi32, #tpu.memory_space<hbm>>) target(%arg8 : memref<40x128xi32, #tpu.memory_space<vmem>>) target_semaphore(%run_scoped3A_88 : memref<!tpu.dma_semaphore, #tpu.memory_space<semaphore_mem>>)
          %dma_wait3A = arith.constant 0 : i32
          %dma_wait3A_97 = arith.constant 0 : i32
          %dma_wait3A_98 = tpu.memref_slice %arg4[%add3A_71, %arg1, %dma_wait3A, %dma_wait3A_97] : memref<2x16x40x128xi32, #tpu.memory_space<hbm>> -> memref<1x1x40x128xi32, #tpu.memory_space<hbm>>
          %dma_wait3A_99 = tpu.memref_squeeze %dma_wait3A_98 : memref<1x1x40x128xi32, #tpu.memory_space<hbm>> -> memref<40x128xi32, #tpu.memory_space<hbm>>
          %dma_wait3A_100 = arith.constant 0 : i32
          %dma_wait3A_101 = arith.constant 0 : i32
          %dma_wait3A_102 = tpu.memref_slice %arg4[%add3A_71, %arg1, %dma_wait3A_100, %dma_wait3A_101] : memref<2x16x40x128xi32, #tpu.memory_space<hbm>> -> memref<1x1x40x128xi32, #tpu.memory_space<hbm>>
          %dma_wait3A_103 = tpu.memref_squeeze %dma_wait3A_102 : memref<1x1x40x128xi32, #tpu.memory_space<hbm>> -> memref<40x128xi32, #tpu.memory_space<hbm>>
          tpu.wait_dma2 semaphore(%run_scoped3A_88 : memref<!tpu.dma_semaphore, #tpu.memory_space<semaphore_mem>>) src(%dma_wait3A_103 : memref<40x128xi32, #tpu.memory_space<hbm>>) dst(%arg8 : memref<40x128xi32, #tpu.memory_space<vmem>>)
          tpu.yield
        }) : () -> ()
        "tpu.region"() ({
          %run_scoped3A_88 = tpu.sem_alloc : memref<!tpu.dma_semaphore, #tpu.memory_space<semaphore_mem>>
          %dma_start3A_89 = arith.constant 0 : i32
          %dma_start3A_90 = arith.constant 0 : i32
          %dma_start3A_91 = tpu.memref_slice %arg5[%add3A_71, %arg1, %dma_start3A_89, %dma_start3A_90] : memref<2x16x40x128xi32, #tpu.memory_space<hbm>> -> memref<1x1x40x128xi32, #tpu.memory_space<hbm>>
          %dma_start3A_92 = tpu.memref_squeeze %dma_start3A_91 : memref<1x1x40x128xi32, #tpu.memory_space<hbm>> -> memref<40x128xi32, #tpu.memory_space<hbm>>
          %dma_start3A_93 = arith.constant 0 : i32
          %dma_start3A_94 = arith.constant 0 : i32
          %dma_start3A_95 = tpu.memref_slice %arg5[%add3A_71, %arg1, %dma_start3A_93, %dma_start3A_94] : memref<2x16x40x128xi32, #tpu.memory_space<hbm>> -> memref<1x1x40x128xi32, #tpu.memory_space<hbm>>
          %dma_start3A_96 = tpu.memref_squeeze %dma_start3A_95 : memref<1x1x40x128xi32, #tpu.memory_space<hbm>> -> memref<40x128xi32, #tpu.memory_space<hbm>>
          tpu.enqueue_dma source(%dma_start3A_96 : memref<40x128xi32, #tpu.memory_space<hbm>>) target(%arg9 : memref<40x128xi32, #tpu.memory_space<vmem>>) target_semaphore(%run_scoped3A_88 : memref<!tpu.dma_semaphore, #tpu.memory_space<semaphore_mem>>)
          %dma_wait3A = arith.constant 0 : i32
          %dma_wait3A_97 = arith.constant 0 : i32
          %dma_wait3A_98 = tpu.memref_slice %arg5[%add3A_71, %arg1, %dma_wait3A, %dma_wait3A_97] : memref<2x16x40x128xi32, #tpu.memory_space<hbm>> -> memref<1x1x40x128xi32, #tpu.memory_space<hbm>>
          %dma_wait3A_99 = tpu.memref_squeeze %dma_wait3A_98 : memref<1x1x40x128xi32, #tpu.memory_space<hbm>> -> memref<40x128xi32, #tpu.memory_space<hbm>>
          %dma_wait3A_100 = arith.constant 0 : i32
          %dma_wait3A_101 = arith.constant 0 : i32
          %dma_wait3A_102 = tpu.memref_slice %arg5[%add3A_71, %arg1, %dma_wait3A_100, %dma_wait3A_101] : memref<2x16x40x128xi32, #tpu.memory_space<hbm>> -> memref<1x1x40x128xi32, #tpu.memory_space<hbm>>
          %dma_wait3A_103 = tpu.memref_squeeze %dma_wait3A_102 : memref<1x1x40x128xi32, #tpu.memory_space<hbm>> -> memref<40x128xi32, #tpu.memory_space<hbm>>
          tpu.wait_dma2 semaphore(%run_scoped3A_88 : memref<!tpu.dma_semaphore, #tpu.memory_space<semaphore_mem>>) src(%dma_wait3A_103 : memref<40x128xi32, #tpu.memory_space<hbm>>) dst(%arg9 : memref<40x128xi32, #tpu.memory_space<vmem>>)
          tpu.yield
        }) : () -> ()
        %dma_start3A = arith.constant 0 : i32
        %dma_start3A_72 = arith.constant 0 : i32
        %dma_start3A_73 = arith.constant 0 : i32
        %dma_start3A_74 = arith.constant 0 : i32
        %dma_start3A_75 = tpu.memref_slice %arg10[%dma_start3A_72, %dma_start3A_73, %dma_start3A_74] : memref<2x128x128xf32, #tpu.memory_space<vmem>> -> memref<1x128x128xf32, #tpu.memory_space<vmem>>
        %dma_start3A_76 = tpu.memref_squeeze %dma_start3A_75 : memref<1x128x128xf32, #tpu.memory_space<vmem>> -> memref<128x128xf32, #tpu.memory_space<vmem>>
        %dma_start3A_77 = arith.constant 0 : i32
        %dma_start3A_78 = tpu.memref_slice %arg8[%dma_start3A, %dma_start3A_77] : memref<40x128xi32, #tpu.memory_space<vmem>> -> memref<1x128xi32, #tpu.memory_space<vmem>>
        %dma_start3A_79 = tpu.memref_squeeze %dma_start3A_78 : memref<1x128xi32, #tpu.memory_space<vmem>> -> memref<128xi32, #tpu.memory_space<vmem>>
        %dma_start3A_80 = arith.constant 0 : i32
        %dma_start3A_81 = arith.constant 0 : i32
        %dma_start3A_82 = tpu.memref_slice %arg3[%dma_start3A_80, %dma_start3A_81] : memref<10000x128xf32, #tpu.memory_space<hbm>> -> memref<10000x128xf32, #tpu.memory_space<hbm>>
        tpu.enqueue_indirect_dma source(%dma_start3A_82 : memref<10000x128xf32, #tpu.memory_space<hbm>>) target(%dma_start3A_76 : memref<128x128xf32, #tpu.memory_space<vmem>>) offsets(%dma_start3A_79 : memref<128xi32, #tpu.memory_space<vmem>>) semaphore(%arg12 : memref<!tpu.dma_semaphore, #tpu.memory_space<semaphore_mem>>)
        %scan3A_83 = arith.constant 0 : i32
        %scan3A_84 = arith.constant 20 : i32
        %scan3A_85 = arith.addi %scan3A_83, %scan3A_84 : i32
        %scan3A_86 = arith.constant 1 : i32
        scf.for %scan3A_88 = %scan3A_83 to %scan3A_85 step %scan3A_86  : i32 {
          %mul3A_89 = arith.constant 2 : i32
          %mul3A_90 = arith.muli %scan3A_88, %mul3A_89 : i32
          %add3A_91 = arith.constant 0 : i32
          %add3A_92 = arith.addi %add3A_91, %mul3A_90 : i32
          %add3A_93 = arith.constant 1 : i32
          %add3A_94 = arith.addi %add3A_92, %add3A_93 : i32
          %dma_start3A_95 = arith.constant 1 : i32
          %dma_start3A_96 = arith.constant 0 : i32
          %dma_start3A_97 = arith.constant 0 : i32
          %dma_start3A_98 = tpu.memref_slice %arg10[%dma_start3A_95, %dma_start3A_96, %dma_start3A_97] : memref<2x128x128xf32, #tpu.memory_space<vmem>> -> memref<1x128x128xf32, #tpu.memory_space<vmem>>
          %dma_start3A_99 = tpu.memref_squeeze %dma_start3A_98 : memref<1x128x128xf32, #tpu.memory_space<vmem>> -> memref<128x128xf32, #tpu.memory_space<vmem>>
          %dma_start3A_100 = arith.constant 0 : i32
          %dma_start3A_101 = tpu.memref_slice %arg8[%add3A_94, %dma_start3A_100] : memref<40x128xi32, #tpu.memory_space<vmem>> -> memref<1x128xi32, #tpu.memory_space<vmem>>
          %dma_start3A_102 = tpu.memref_squeeze %dma_start3A_101 : memref<1x128xi32, #tpu.memory_space<vmem>> -> memref<128xi32, #tpu.memory_space<vmem>>
          %dma_start3A_103 = arith.constant 0 : i32
          %dma_start3A_104 = arith.constant 0 : i32
          %dma_start3A_105 = tpu.memref_slice %arg3[%dma_start3A_103, %dma_start3A_104] : memref<10000x128xf32, #tpu.memory_space<hbm>> -> memref<10000x128xf32, #tpu.memory_space<hbm>>
          tpu.enqueue_indirect_dma source(%dma_start3A_105 : memref<10000x128xf32, #tpu.memory_space<hbm>>) target(%dma_start3A_99 : memref<128x128xf32, #tpu.memory_space<vmem>>) offsets(%dma_start3A_102 : memref<128xi32, #tpu.memory_space<vmem>>) semaphore(%arg13 : memref<!tpu.dma_semaphore, #tpu.memory_space<semaphore_mem>>)
          %dma_wait3A = arith.constant 0 : i32
          %dma_wait3A_106 = arith.constant 0 : i32
          %dma_wait3A_107 = arith.constant 0 : i32
          %dma_wait3A_108 = tpu.memref_slice %arg10[%dma_wait3A, %dma_wait3A_106, %dma_wait3A_107] : memref<2x128x128xf32, #tpu.memory_space<vmem>> -> memref<1x128x128xf32, #tpu.memory_space<vmem>>
          %dma_wait3A_109 = tpu.memref_squeeze %dma_wait3A_108 : memref<1x128x128xf32, #tpu.memory_space<vmem>> -> memref<128x128xf32, #tpu.memory_space<vmem>>
          %dma_wait3A_110 = arith.constant 0 : i32
          %dma_wait3A_111 = arith.constant 0 : i32
          %dma_wait3A_112 = tpu.memref_slice %arg2[%dma_wait3A_110, %dma_wait3A_111] : memref<10000x128xf32, #tpu.memory_space<hbm>> -> memref<128x128xf32, #tpu.memory_space<hbm>>
          %dma_wait3A_113 = arith.constant 0 : i32
          %dma_wait3A_114 = arith.constant 0 : i32
          %dma_wait3A_115 = tpu.memref_slice %arg10[%dma_wait3A, %dma_wait3A_113, %dma_wait3A_114] : memref<2x128x128xf32, #tpu.memory_space<vmem>> -> memref<1x128x128xf32, #tpu.memory_space<vmem>>
          %dma_wait3A_116 = tpu.memref_squeeze %dma_wait3A_115 : memref<1x128x128xf32, #tpu.memory_space<vmem>> -> memref<128x128xf32, #tpu.memory_space<vmem>>
          %dma_wait3A_117 = arith.constant 0 : i32
          %dma_wait3A_118 = arith.constant 0 : i32
          %dma_wait3A_119 = tpu.memref_slice %arg2[%dma_wait3A_117, %dma_wait3A_118] : memref<10000x128xf32, #tpu.memory_space<hbm>> -> memref<128x128xf32, #tpu.memory_space<hbm>>
          tpu.wait_dma2 semaphore(%arg12 : memref<!tpu.dma_semaphore, #tpu.memory_space<semaphore_mem>>) src(%dma_wait3A_119 : memref<128x128xf32, #tpu.memory_space<hbm>>) dst(%dma_wait3A_116 : memref<128x128xf32, #tpu.memory_space<vmem>>)
          %dma_start3A_120 = arith.constant 0 : i32
          %dma_start3A_121 = arith.constant 0 : i32
          %dma_start3A_122 = arith.constant 0 : i32
          %dma_start3A_123 = tpu.memref_slice %arg10[%dma_start3A_120, %dma_start3A_121, %dma_start3A_122] : memref<2x128x128xf32, #tpu.memory_space<vmem>> -> memref<1x128x128xf32, #tpu.memory_space<vmem>>
          %dma_start3A_124 = tpu.memref_squeeze %dma_start3A_123 : memref<1x128x128xf32, #tpu.memory_space<vmem>> -> memref<128x128xf32, #tpu.memory_space<vmem>>
          %dma_start3A_125 = arith.constant 0 : i32
          %dma_start3A_126 = tpu.memref_slice %arg9[%add3A_92, %dma_start3A_125] : memref<40x128xi32, #tpu.memory_space<vmem>> -> memref<1x128xi32, #tpu.memory_space<vmem>>
          %dma_start3A_127 = tpu.memref_squeeze %dma_start3A_126 : memref<1x128xi32, #tpu.memory_space<vmem>> -> memref<128xi32, #tpu.memory_space<vmem>>
          %dma_start3A_128 = arith.constant 0 : i32
          %dma_start3A_129 = arith.constant 0 : i32
          %dma_start3A_130 = tpu.memref_slice %arg11[%dma_start3A_128, %dma_start3A_129] : memref<10240x128xf32, #tpu.memory_space<vmem_shared>> -> memref<10240x128xf32, #tpu.memory_space<vmem_shared>>
          tpu.enqueue_indirect_dma source(%dma_start3A_124 : memref<128x128xf32, #tpu.memory_space<vmem>>) target(%dma_start3A_130 : memref<10240x128xf32, #tpu.memory_space<vmem_shared>>) offsets(%dma_start3A_127 : memref<128xi32, #tpu.memory_space<vmem>>) semaphore(%arg14 : memref<!tpu.dma_semaphore, #tpu.memory_space<semaphore_mem>>) {add = true}
          %dma_wait3A_131 = arith.constant 0 : i32
          %dma_wait3A_132 = arith.constant 0 : i32
          %dma_wait3A_133 = arith.constant 0 : i32
          %dma_wait3A_134 = tpu.memref_slice %arg10[%dma_wait3A_131, %dma_wait3A_132, %dma_wait3A_133] : memref<2x128x128xf32, #tpu.memory_space<vmem>> -> memref<1x128x128xf32, #tpu.memory_space<vmem>>
          %dma_wait3A_135 = tpu.memref_squeeze %dma_wait3A_134 : memref<1x128x128xf32, #tpu.memory_space<vmem>> -> memref<128x128xf32, #tpu.memory_space<vmem>>
          %dma_wait3A_136 = arith.constant 0 : i32
          %dma_wait3A_137 = arith.constant 0 : i32
          %dma_wait3A_138 = tpu.memref_slice %arg11[%dma_wait3A_136, %dma_wait3A_137] : memref<10240x128xf32, #tpu.memory_space<vmem_shared>> -> memref<128x128xf32, #tpu.memory_space<vmem_shared>>
          %dma_wait3A_139 = arith.constant 0 : i32
          %dma_wait3A_140 = arith.constant 0 : i32
          %dma_wait3A_141 = tpu.memref_slice %arg11[%dma_wait3A_139, %dma_wait3A_140] : memref<10240x128xf32, #tpu.memory_space<vmem_shared>> -> memref<128x128xf32, #tpu.memory_space<vmem_shared>>
          %dma_wait3A_142 = arith.constant 0 : i32
          %dma_wait3A_143 = arith.constant 0 : i32
          %dma_wait3A_144 = tpu.memref_slice %arg10[%dma_wait3A_131, %dma_wait3A_142, %dma_wait3A_143] : memref<2x128x128xf32, #tpu.memory_space<vmem>> -> memref<1x128x128xf32, #tpu.memory_space<vmem>>
          %dma_wait3A_145 = tpu.memref_squeeze %dma_wait3A_144 : memref<1x128x128xf32, #tpu.memory_space<vmem>> -> memref<128x128xf32, #tpu.memory_space<vmem>>
          tpu.wait_dma2 semaphore(%arg14 : memref<!tpu.dma_semaphore, #tpu.memory_space<semaphore_mem>>) src(%dma_wait3A_145 : memref<128x128xf32, #tpu.memory_space<vmem>>) dst(%dma_wait3A_141 : memref<128x128xf32, #tpu.memory_space<vmem_shared>>)
          %add3A_146 = arith.constant 2 : i32
          %add3A_147 = arith.addi %add3A_92, %add3A_146 : i32
          %lt3A = arith.constant 40 : i32
          %lt3A_148 = arith.cmpi slt, %add3A_147, %lt3A : i32
          %convert_element_type3A_149 = arith.extui %lt3A_148 : i1 to i32
          %cond3A_150 = arith.constant 0 : i32
          %cond3A_151 = arith.cmpi ne, %convert_element_type3A_149, %cond3A_150 : i32
          scf.if %cond3A_151 {
            %add3A_195 = arith.constant 2 : i32
            %add3A_196 = arith.addi %add3A_92, %add3A_195 : i32
            %dma_start3A_197 = arith.constant 0 : i32
            %dma_start3A_198 = arith.constant 0 : i32
            %dma_start3A_199 = arith.constant 0 : i32
            %dma_start3A_200 = tpu.memref_slice %arg10[%dma_start3A_197, %dma_start3A_198, %dma_start3A_199] : memref<2x128x128xf32, #tpu.memory_space<vmem>> -> memref<1x128x128xf32, #tpu.memory_space<vmem>>
            %dma_start3A_201 = tpu.memref_squeeze %dma_start3A_200 : memref<1x128x128xf32, #tpu.memory_space<vmem>> -> memref<128x128xf32, #tpu.memory_space<vmem>>
            %dma_start3A_202 = arith.constant 0 : i32
            %dma_start3A_203 = tpu.memref_slice %arg8[%add3A_196, %dma_start3A_202] : memref<40x128xi32, #tpu.memory_space<vmem>> -> memref<1x128xi32, #tpu.memory_space<vmem>>
            %dma_start3A_204 = tpu.memref_squeeze %dma_start3A_203 : memref<1x128xi32, #tpu.memory_space<vmem>> -> memref<128xi32, #tpu.memory_space<vmem>>
            %dma_start3A_205 = arith.constant 0 : i32
            %dma_start3A_206 = arith.constant 0 : i32
            %dma_start3A_207 = tpu.memref_slice %arg3[%dma_start3A_205, %dma_start3A_206] : memref<10000x128xf32, #tpu.memory_space<hbm>> -> memref<10000x128xf32, #tpu.memory_space<hbm>>
            tpu.enqueue_indirect_dma source(%dma_start3A_207 : memref<10000x128xf32, #tpu.memory_space<hbm>>) target(%dma_start3A_201 : memref<128x128xf32, #tpu.memory_space<vmem>>) offsets(%dma_start3A_204 : memref<128xi32, #tpu.memory_space<vmem>>) semaphore(%arg12 : memref<!tpu.dma_semaphore, #tpu.memory_space<semaphore_mem>>)
          } else {
          }
          %dma_wait3A_152 = arith.constant 1 : i32
          %dma_wait3A_153 = arith.constant 0 : i32
          %dma_wait3A_154 = arith.constant 0 : i32
          %dma_wait3A_155 = tpu.memref_slice %arg10[%dma_wait3A_152, %dma_wait3A_153, %dma_wait3A_154] : memref<2x128x128xf32, #tpu.memory_space<vmem>> -> memref<1x128x128xf32, #tpu.memory_space<vmem>>
          %dma_wait3A_156 = tpu.memref_squeeze %dma_wait3A_155 : memref<1x128x128xf32, #tpu.memory_space<vmem>> -> memref<128x128xf32, #tpu.memory_space<vmem>>
          %dma_wait3A_157 = arith.constant 0 : i32
          %dma_wait3A_158 = arith.constant 0 : i32
          %dma_wait3A_159 = tpu.memref_slice %arg2[%dma_wait3A_157, %dma_wait3A_158] : memref<10000x128xf32, #tpu.memory_space<hbm>> -> memref<128x128xf32, #tpu.memory_space<hbm>>
          %dma_wait3A_160 = arith.constant 0 : i32
          %dma_wait3A_161 = arith.constant 0 : i32
          %dma_wait3A_162 = tpu.memref_slice %arg10[%dma_wait3A_152, %dma_wait3A_160, %dma_wait3A_161] : memref<2x128x128xf32, #tpu.memory_space<vmem>> -> memref<1x128x128xf32, #tpu.memory_space<vmem>>
          %dma_wait3A_163 = tpu.memref_squeeze %dma_wait3A_162 : memref<1x128x128xf32, #tpu.memory_space<vmem>> -> memref<128x128xf32, #tpu.memory_space<vmem>>
          %dma_wait3A_164 = arith.constant 0 : i32
          %dma_wait3A_165 = arith.constant 0 : i32
          %dma_wait3A_166 = tpu.memref_slice %arg2[%dma_wait3A_164, %dma_wait3A_165] : memref<10000x128xf32, #tpu.memory_space<hbm>> -> memref<128x128xf32, #tpu.memory_space<hbm>>
          tpu.wait_dma2 semaphore(%arg13 : memref<!tpu.dma_semaphore, #tpu.memory_space<semaphore_mem>>) src(%dma_wait3A_166 : memref<128x128xf32, #tpu.memory_space<hbm>>) dst(%dma_wait3A_163 : memref<128x128xf32, #tpu.memory_space<vmem>>)
          %add3A_167 = arith.constant 1 : i32
          %add3A_168 = arith.addi %add3A_92, %add3A_167 : i32
          %dma_start3A_169 = arith.constant 1 : i32
          %dma_start3A_170 = arith.constant 0 : i32
          %dma_start3A_171 = arith.constant 0 : i32
          %dma_start3A_172 = tpu.memref_slice %arg10[%dma_start3A_169, %dma_start3A_170, %dma_start3A_171] : memref<2x128x128xf32, #tpu.memory_space<vmem>> -> memref<1x128x128xf32, #tpu.memory_space<vmem>>
          %dma_start3A_173 = tpu.memref_squeeze %dma_start3A_172 : memref<1x128x128xf32, #tpu.memory_space<vmem>> -> memref<128x128xf32, #tpu.memory_space<vmem>>
          %dma_start3A_174 = arith.constant 0 : i32
          %dma_start3A_175 = tpu.memref_slice %arg9[%add3A_168, %dma_start3A_174] : memref<40x128xi32, #tpu.memory_space<vmem>> -> memref<1x128xi32, #tpu.memory_space<vmem>>
          %dma_start3A_176 = tpu.memref_squeeze %dma_start3A_175 : memref<1x128xi32, #tpu.memory_space<vmem>> -> memref<128xi32, #tpu.memory_space<vmem>>
          %dma_start3A_177 = arith.constant 0 : i32
          %dma_start3A_178 = arith.constant 0 : i32
          %dma_start3A_179 = tpu.memref_slice %arg11[%dma_start3A_177, %dma_start3A_178] : memref<10240x128xf32, #tpu.memory_space<vmem_shared>> -> memref<10240x128xf32, #tpu.memory_space<vmem_shared>>
          tpu.enqueue_indirect_dma source(%dma_start3A_173 : memref<128x128xf32, #tpu.memory_space<vmem>>) target(%dma_start3A_179 : memref<10240x128xf32, #tpu.memory_space<vmem_shared>>) offsets(%dma_start3A_176 : memref<128xi32, #tpu.memory_space<vmem>>) semaphore(%arg15 : memref<!tpu.dma_semaphore, #tpu.memory_space<semaphore_mem>>) {add = true}
          %dma_wait3A_180 = arith.constant 1 : i32
          %dma_wait3A_181 = arith.constant 0 : i32
          %dma_wait3A_182 = arith.constant 0 : i32
          %dma_wait3A_183 = tpu.memref_slice %arg10[%dma_wait3A_180, %dma_wait3A_181, %dma_wait3A_182] : memref<2x128x128xf32, #tpu.memory_space<vmem>> -> memref<1x128x128xf32, #tpu.memory_space<vmem>>
          %dma_wait3A_184 = tpu.memref_squeeze %dma_wait3A_183 : memref<1x128x128xf32, #tpu.memory_space<vmem>> -> memref<128x128xf32, #tpu.memory_space<vmem>>
          %dma_wait3A_185 = arith.constant 0 : i32
          %dma_wait3A_186 = arith.constant 0 : i32
          %dma_wait3A_187 = tpu.memref_slice %arg11[%dma_wait3A_185, %dma_wait3A_186] : memref<10240x128xf32, #tpu.memory_space<vmem_shared>> -> memref<128x128xf32, #tpu.memory_space<vmem_shared>>
          %dma_wait3A_188 = arith.constant 0 : i32
          %dma_wait3A_189 = arith.constant 0 : i32
          %dma_wait3A_190 = tpu.memref_slice %arg11[%dma_wait3A_188, %dma_wait3A_189] : memref<10240x128xf32, #tpu.memory_space<vmem_shared>> -> memref<128x128xf32, #tpu.memory_space<vmem_shared>>
          %dma_wait3A_191 = arith.constant 0 : i32
          %dma_wait3A_192 = arith.constant 0 : i32
          %dma_wait3A_193 = tpu.memref_slice %arg10[%dma_wait3A_180, %dma_wait3A_191, %dma_wait3A_192] : memref<2x128x128xf32, #tpu.memory_space<vmem>> -> memref<1x128x128xf32, #tpu.memory_space<vmem>>
          %dma_wait3A_194 = tpu.memref_squeeze %dma_wait3A_193 : memref<1x128x128xf32, #tpu.memory_space<vmem>> -> memref<128x128xf32, #tpu.memory_space<vmem>>
          tpu.wait_dma2 semaphore(%arg15 : memref<!tpu.dma_semaphore, #tpu.memory_space<semaphore_mem>>) src(%dma_wait3A_194 : memref<128x128xf32, #tpu.memory_space<vmem>>) dst(%dma_wait3A_190 : memref<128x128xf32, #tpu.memory_space<vmem_shared>>)
        }
        %scan3A_87 = arith.constant 20 : i32
      }
      %scan3A_66 = arith.constant 2 : i32
    } else {
    }
    %barrier3A_26 = arith.constant 0 : index
    tpu.barrier barrier_id(%barrier3A_26)
    "tpu.region"() ({
      %run_scoped3A_62 = tpu.sem_alloc : memref<!tpu.dma_semaphore, #tpu.memory_space<semaphore_mem>>
      %dma_start3A = arith.constant 0 : i32
      %dma_start3A_63 = tpu.memref_slice %arg6[%arg0, %mul3A_0, %dma_start3A] : memref<2x10240x128xf32, #tpu.memory_space<hbm>> -> memref<1x640x128xf32, #tpu.memory_space<hbm>>
      %dma_start3A_64 = tpu.memref_squeeze %dma_start3A_63 : memref<1x640x128xf32, #tpu.memory_space<hbm>> -> memref<640x128xf32, #tpu.memory_space<hbm>>
      %dma_start3A_65 = arith.constant 0 : i32
      %dma_start3A_66 = tpu.memref_slice %arg11[%mul3A_0, %dma_start3A_65] : memref<10240x128xf32, #tpu.memory_space<vmem_shared>> -> memref<640x128xf32, #tpu.memory_space<vmem_shared>>
      tpu.enqueue_dma source(%dma_start3A_66 : memref<640x128xf32, #tpu.memory_space<vmem_shared>>) target(%dma_start3A_64 : memref<640x128xf32, #tpu.memory_space<hbm>>) target_semaphore(%run_scoped3A_62 : memref<!tpu.dma_semaphore, #tpu.memory_space<semaphore_mem>>)
      %dma_wait3A = arith.constant 0 : i32
      %dma_wait3A_67 = tpu.memref_slice %arg6[%arg0, %mul3A_0, %dma_wait3A] : memref<2x10240x128xf32, #tpu.memory_space<hbm>> -> memref<1x640x128xf32, #tpu.memory_space<hbm>>
      %dma_wait3A_68 = tpu.memref_squeeze %dma_wait3A_67 : memref<1x640x128xf32, #tpu.memory_space<hbm>> -> memref<640x128xf32, #tpu.memory_space<hbm>>
      %dma_wait3A_69 = arith.constant 0 : i32
      %dma_wait3A_70 = tpu.memref_slice %arg11[%mul3A_0, %dma_wait3A_69] : memref<10240x128xf32, #tpu.memory_space<vmem_shared>> -> memref<640x128xf32, #tpu.memory_space<vmem_shared>>
      tpu.wait_dma2 semaphore(%run_scoped3A_62 : memref<!tpu.dma_semaphore, #tpu.memory_space<semaphore_mem>>) src(%dma_wait3A_70 : memref<640x128xf32, #tpu.memory_space<vmem_shared>>) dst(%dma_wait3A_68 : memref<640x128xf32, #tpu.memory_space<hbm>>)
      tpu.yield
    }) : () -> ()
    %broadcast_in_dim3A_27 = arith.constant 0.000000e+00 : f32
    %broadcast_in_dim3A_28 = vector.broadcast %broadcast_in_dim3A_27 : f32 to vector<16xf32>
    %scan3A_29 = arith.constant 0 : i32
    %scan3A_30 = arith.constant 128 : i32
    %scan3A_31 = arith.addi %scan3A_29, %scan3A_30 : i32
    %scan3A_32 = arith.constant 1 : i32
    scf.for %scan3A_62 = %scan3A_29 to %scan3A_31 step %scan3A_32  : i32 {
      %mul3A_63 = arith.constant 1 : i32
      %mul3A_64 = arith.muli %scan3A_62, %mul3A_63 : i32
      %add3A_65 = arith.constant 0 : i32
      %add3A_66 = arith.addi %add3A_65, %mul3A_64 : i32
      %scan3A_67 = arith.constant 0 : i32
      %scan3A_68 = arith.constant 8 : i32
      %scan3A_69 = arith.addi %scan3A_67, %scan3A_68 : i32
      %scan3A_70 = arith.constant 1 : i32
      scf.for %scan3A_72 = %scan3A_67 to %scan3A_69 step %scan3A_70  : i32 {
        %mul3A_73 = arith.constant 1 : i32
        %mul3A_74 = arith.muli %scan3A_72, %mul3A_73 : i32
        %add3A_75 = arith.constant 0 : i32
        %add3A_76 = arith.addi %add3A_75, %mul3A_74 : i32
        %mul3A_77 = arith.constant 16 : i32
        %mul3A_78 = arith.muli %add3A_76, %mul3A_77 : i32
        %swap3A = arith.constant 1 : i32
        %swap3A_79 = arith.index_cast %swap3A : i32 to index
        %swap3A_80 = arith.index_cast %add3A_66 : i32 to index
        %swap3A_81 = arith.index_cast %mul3A_78 : i32 to index
        %swap3A_82 = tpu.vector_load %arg10[%swap3A_79, %swap3A_80, %swap3A_81] {strides = array<i32>} : memref<2x128x128xf32, #tpu.memory_space<vmem>>, vector<16xf32>,
        tpu.vector_store %arg10[%swap3A_79, %swap3A_80, %swap3A_81], %broadcast_in_dim3A_28 {strides = array<i32>} : memref<2x128x128xf32, #tpu.memory_space<vmem>>, vector<16xf32>,
      }
      %scan3A_71 = arith.constant 8 : i32
    }
    %scan3A_33 = arith.constant 128 : i32
    %add3A_34 = arith.constant 0 : i32
    %add3A_35 = arith.addi %mul3A_0, %add3A_34 : i32
    %run_scoped3A_36 = arith.constant 1 : i32
    "tpu.region"() ({
      %run_scoped3A_62 = tpu.sem_alloc : memref<!tpu.dma_semaphore, #tpu.memory_space<semaphore_mem>>
      %dma_start3A = arith.constant 0 : i32
      %dma_start3A_63 = arith.constant 0 : i32
      %dma_start3A_64 = tpu.memref_slice %arg10[%run_scoped3A_36, %dma_start3A, %dma_start3A_63] : memref<2x128x128xf32, #tpu.memory_space<vmem>> -> memref<1x128x128xf32, #tpu.memory_space<vmem>>
      %dma_start3A_65 = tpu.memref_squeeze %dma_start3A_64 : memref<1x128x128xf32, #tpu.memory_space<vmem>> -> memref<128x128xf32, #tpu.memory_space<vmem>>
      %dma_start3A_66 = arith.constant 0 : i32
      %dma_start3A_67 = tpu.memref_slice %arg11[%add3A_35, %dma_start3A_66] : memref<10240x128xf32, #tpu.memory_space<vmem_shared>> -> memref<128x128xf32, #tpu.memory_space<vmem_shared>>
      %dma_start3A_68 = arith.constant 0 : i32
      %dma_start3A_69 = tpu.memref_slice %arg11[%add3A_35, %dma_start3A_68] : memref<10240x128xf32, #tpu.memory_space<vmem_shared>> -> memref<128x128xf32, #tpu.memory_space<vmem_shared>>
      %dma_start3A_70 = arith.constant 0 : i32
      %dma_start3A_71 = arith.constant 0 : i32
      %dma_start3A_72 = tpu.memref_slice %arg10[%run_scoped3A_36, %dma_start3A_70, %dma_start3A_71] : memref<2x128x128xf32, #tpu.memory_space<vmem>> -> memref<1x128x128xf32, #tpu.memory_space<vmem>>
      %dma_start3A_73 = tpu.memref_squeeze %dma_start3A_72 : memref<1x128x128xf32, #tpu.memory_space<vmem>> -> memref<128x128xf32, #tpu.memory_space<vmem>>
      tpu.enqueue_dma source(%dma_start3A_73 : memref<128x128xf32, #tpu.memory_space<vmem>>) target(%dma_start3A_69 : memref<128x128xf32, #tpu.memory_space<vmem_shared>>) target_semaphore(%run_scoped3A_62 : memref<!tpu.dma_semaphore, #tpu.memory_space<semaphore_mem>>)
      %dma_wait3A = arith.constant 0 : i32
      %dma_wait3A_74 = arith.constant 0 : i32
      %dma_wait3A_75 = tpu.memref_slice %arg10[%run_scoped3A_36, %dma_wait3A, %dma_wait3A_74] : memref<2x128x128xf32, #tpu.memory_space<vmem>> -> memref<1x128x128xf32, #tpu.memory_space<vmem>>
      %dma_wait3A_76 = tpu.memref_squeeze %dma_wait3A_75 : memref<1x128x128xf32, #tpu.memory_space<vmem>> -> memref<128x128xf32, #tpu.memory_space<vmem>>
      %dma_wait3A_77 = arith.constant 0 : i32
      %dma_wait3A_78 = tpu.memref_slice %arg11[%add3A_35, %dma_wait3A_77] : memref<10240x128xf32, #tpu.memory_space<vmem_shared>> -> memref<128x128xf32, #tpu.memory_space<vmem_shared>>
      %dma_wait3A_79 = arith.constant 0 : i32
      %dma_wait3A_80 = tpu.memref_slice %arg11[%add3A_35, %dma_wait3A_79] : memref<10240x128xf32, #tpu.memory_space<vmem_shared>> -> memref<128x128xf32, #tpu.memory_space<vmem_shared>>
      %dma_wait3A_81 = arith.constant 0 : i32
      %dma_wait3A_82 = arith.constant 0 : i32
      %dma_wait3A_83 = tpu.memref_slice %arg10[%run_scoped3A_36, %dma_wait3A_81, %dma_wait3A_82] : memref<2x128x128xf32, #tpu.memory_space<vmem>> -> memref<1x128x128xf32, #tpu.memory_space<vmem>>
      %dma_wait3A_84 = tpu.memref_squeeze %dma_wait3A_83 : memref<1x128x128xf32, #tpu.memory_space<vmem>> -> memref<128x128xf32, #tpu.memory_space<vmem>>
      tpu.wait_dma2 semaphore(%run_scoped3A_62 : memref<!tpu.dma_semaphore, #tpu.memory_space<semaphore_mem>>) src(%dma_wait3A_84 : memref<128x128xf32, #tpu.memory_space<vmem>>) dst(%dma_wait3A_80 : memref<128x128xf32, #tpu.memory_space<vmem_shared>>)
      tpu.yield
    }) : () -> ()
    %add3A_37 = arith.constant 128 : i32
    %add3A_38 = arith.addi %mul3A_0, %add3A_37 : i32
    %run_scoped3A_39 = arith.constant 1 : i32
    "tpu.region"() ({
      %run_scoped3A_62 = tpu.sem_alloc : memref<!tpu.dma_semaphore, #tpu.memory_space<semaphore_mem>>
      %dma_start3A = arith.constant 0 : i32
      %dma_start3A_63 = arith.constant 0 : i32
      %dma_start3A_64 = tpu.memref_slice %arg10[%run_scoped3A_39, %dma_start3A, %dma_start3A_63] : memref<2x128x128xf32, #tpu.memory_space<vmem>> -> memref<1x128x128xf32, #tpu.memory_space<vmem>>
      %dma_start3A_65 = tpu.memref_squeeze %dma_start3A_64 : memref<1x128x128xf32, #tpu.memory_space<vmem>> -> memref<128x128xf32, #tpu.memory_space<vmem>>
      %dma_start3A_66 = arith.constant 0 : i32
      %dma_start3A_67 = tpu.memref_slice %arg11[%add3A_38, %dma_start3A_66] : memref<10240x128xf32, #tpu.memory_space<vmem_shared>> -> memref<128x128xf32, #tpu.memory_space<vmem_shared>>
      %dma_start3A_68 = arith.constant 0 : i32
      %dma_start3A_69 = tpu.memref_slice %arg11[%add3A_38, %dma_start3A_68] : memref<10240x128xf32, #tpu.memory_space<vmem_shared>> -> memref<128x128xf32, #tpu.memory_space<vmem_shared>>
      %dma_start3A_70 = arith.constant 0 : i32
      %dma_start3A_71 = arith.constant 0 : i32
      %dma_start3A_72 = tpu.memref_slice %arg10[%run_scoped3A_39, %dma_start3A_70, %dma_start3A_71] : memref<2x128x128xf32, #tpu.memory_space<vmem>> -> memref<1x128x128xf32, #tpu.memory_space<vmem>>
      %dma_start3A_73 = tpu.memref_squeeze %dma_start3A_72 : memref<1x128x128xf32, #tpu.memory_space<vmem>> -> memref<128x128xf32, #tpu.memory_space<vmem>>
      tpu.enqueue_dma source(%dma_start3A_73 : memref<128x128xf32, #tpu.memory_space<vmem>>) target(%dma_start3A_69 : memref<128x128xf32, #tpu.memory_space<vmem_shared>>) target_semaphore(%run_scoped3A_62 : memref<!tpu.dma_semaphore, #tpu.memory_space<semaphore_mem>>)
      %dma_wait3A = arith.constant 0 : i32
      %dma_wait3A_74 = arith.constant 0 : i32
      %dma_wait3A_75 = tpu.memref_slice %arg10[%run_scoped3A_39, %dma_wait3A, %dma_wait3A_74] : memref<2x128x128xf32, #tpu.memory_space<vmem>> -> memref<1x128x128xf32, #tpu.memory_space<vmem>>
      %dma_wait3A_76 = tpu.memref_squeeze %dma_wait3A_75 : memref<1x128x128xf32, #tpu.memory_space<vmem>> -> memref<128x128xf32, #tpu.memory_space<vmem>>
      %dma_wait3A_77 = arith.constant 0 : i32
      %dma_wait3A_78 = tpu.memref_slice %arg11[%add3A_38, %dma_wait3A_77] : memref<10240x128xf32, #tpu.memory_space<vmem_shared>> -> memref<128x128xf32, #tpu.memory_space<vmem_shared>>
      %dma_wait3A_79 = arith.constant 0 : i32
      %dma_wait3A_80 = tpu.memref_slice %arg11[%add3A_38, %dma_wait3A_79] : memref<10240x128xf32, #tpu.memory_space<vmem_shared>> -> memref<128x128xf32, #tpu.memory_space<vmem_shared>>
      %dma_wait3A_81 = arith.constant 0 : i32
      %dma_wait3A_82 = arith.constant 0 : i32
      %dma_wait3A_83 = tpu.memref_slice %arg10[%run_scoped3A_39, %dma_wait3A_81, %dma_wait3A_82] : memref<2x128x128xf32, #tpu.memory_space<vmem>> -> memref<1x128x128xf32, #tpu.memory_space<vmem>>
      %dma_wait3A_84 = tpu.memref_squeeze %dma_wait3A_83 : memref<1x128x128xf32, #tpu.memory_space<vmem>> -> memref<128x128xf32, #tpu.memory_space<vmem>>
      tpu.wait_dma2 semaphore(%run_scoped3A_62 : memref<!tpu.dma_semaphore, #tpu.memory_space<semaphore_mem>>) src(%dma_wait3A_84 : memref<128x128xf32, #tpu.memory_space<vmem>>) dst(%dma_wait3A_80 : memref<128x128xf32, #tpu.memory_space<vmem_shared>>)
      tpu.yield
    }) : () -> ()
    %add3A_40 = arith.constant 256 : i32
    %add3A_41 = arith.addi %mul3A_0, %add3A_40 : i32
    %run_scoped3A_42 = arith.constant 1 : i32
    "tpu.region"() ({
      %run_scoped3A_62 = tpu.sem_alloc : memref<!tpu.dma_semaphore, #tpu.memory_space<semaphore_mem>>
      %dma_start3A = arith.constant 0 : i32
      %dma_start3A_63 = arith.constant 0 : i32
      %dma_start3A_64 = tpu.memref_slice %arg10[%run_scoped3A_42, %dma_start3A, %dma_start3A_63] : memref<2x128x128xf32, #tpu.memory_space<vmem>> -> memref<1x128x128xf32, #tpu.memory_space<vmem>>
      %dma_start3A_65 = tpu.memref_squeeze %dma_start3A_64 : memref<1x128x128xf32, #tpu.memory_space<vmem>> -> memref<128x128xf32, #tpu.memory_space<vmem>>
      %dma_start3A_66 = arith.constant 0 : i32
      %dma_start3A_67 = tpu.memref_slice %arg11[%add3A_41, %dma_start3A_66] : memref<10240x128xf32, #tpu.memory_space<vmem_shared>> -> memref<128x128xf32, #tpu.memory_space<vmem_shared>>
      %dma_start3A_68 = arith.constant 0 : i32
      %dma_start3A_69 = tpu.memref_slice %arg11[%add3A_41, %dma_start3A_68] : memref<10240x128xf32, #tpu.memory_space<vmem_shared>> -> memref<128x128xf32, #tpu.memory_space<vmem_shared>>
      %dma_start3A_70 = arith.constant 0 : i32
      %dma_start3A_71 = arith.constant 0 : i32
      %dma_start3A_72 = tpu.memref_slice %arg10[%run_scoped3A_42, %dma_start3A_70, %dma_start3A_71] : memref<2x128x128xf32, #tpu.memory_space<vmem>> -> memref<1x128x128xf32, #tpu.memory_space<vmem>>
      %dma_start3A_73 = tpu.memref_squeeze %dma_start3A_72 : memref<1x128x128xf32, #tpu.memory_space<vmem>> -> memref<128x128xf32, #tpu.memory_space<vmem>>
      tpu.enqueue_dma source(%dma_start3A_73 : memref<128x128xf32, #tpu.memory_space<vmem>>) target(%dma_start3A_69 : memref<128x128xf32, #tpu.memory_space<vmem_shared>>) target_semaphore(%run_scoped3A_62 : memref<!tpu.dma_semaphore, #tpu.memory_space<semaphore_mem>>)
      %dma_wait3A = arith.constant 0 : i32
      %dma_wait3A_74 = arith.constant 0 : i32
      %dma_wait3A_75 = tpu.memref_slice %arg10[%run_scoped3A_42, %dma_wait3A, %dma_wait3A_74] : memref<2x128x128xf32, #tpu.memory_space<vmem>> -> memref<1x128x128xf32, #tpu.memory_space<vmem>>
      %dma_wait3A_76 = tpu.memref_squeeze %dma_wait3A_75 : memref<1x128x128xf32, #tpu.memory_space<vmem>> -> memref<128x128xf32, #tpu.memory_space<vmem>>
      %dma_wait3A_77 = arith.constant 0 : i32
      %dma_wait3A_78 = tpu.memref_slice %arg11[%add3A_41, %dma_wait3A_77] : memref<10240x128xf32, #tpu.memory_space<vmem_shared>> -> memref<128x128xf32, #tpu.memory_space<vmem_shared>>
      %dma_wait3A_79 = arith.constant 0 : i32
      %dma_wait3A_80 = tpu.memref_slice %arg11[%add3A_41, %dma_wait3A_79] : memref<10240x128xf32, #tpu.memory_space<vmem_shared>> -> memref<128x128xf32, #tpu.memory_space<vmem_shared>>
      %dma_wait3A_81 = arith.constant 0 : i32
      %dma_wait3A_82 = arith.constant 0 : i32
      %dma_wait3A_83 = tpu.memref_slice %arg10[%run_scoped3A_42, %dma_wait3A_81, %dma_wait3A_82] : memref<2x128x128xf32, #tpu.memory_space<vmem>> -> memref<1x128x128xf32, #tpu.memory_space<vmem>>
      %dma_wait3A_84 = tpu.memref_squeeze %dma_wait3A_83 : memref<1x128x128xf32, #tpu.memory_space<vmem>> -> memref<128x128xf32, #tpu.memory_space<vmem>>
      tpu.wait_dma2 semaphore(%run_scoped3A_62 : memref<!tpu.dma_semaphore, #tpu.memory_space<semaphore_mem>>) src(%dma_wait3A_84 : memref<128x128xf32, #tpu.memory_space<vmem>>) dst(%dma_wait3A_80 : memref<128x128xf32, #tpu.memory_space<vmem_shared>>)
      tpu.yield
    }) : () -> ()
    %add3A_43 = arith.constant 384 : i32
    %add3A_44 = arith.addi %mul3A_0, %add3A_43 : i32
    %run_scoped3A_45 = arith.constant 1 : i32
    "tpu.region"() ({
      %run_scoped3A_62 = tpu.sem_alloc : memref<!tpu.dma_semaphore, #tpu.memory_space<semaphore_mem>>
      %dma_start3A = arith.constant 0 : i32
      %dma_start3A_63 = arith.constant 0 : i32
      %dma_start3A_64 = tpu.memref_slice %arg10[%run_scoped3A_45, %dma_start3A, %dma_start3A_63] : memref<2x128x128xf32, #tpu.memory_space<vmem>> -> memref<1x128x128xf32, #tpu.memory_space<vmem>>
      %dma_start3A_65 = tpu.memref_squeeze %dma_start3A_64 : memref<1x128x128xf32, #tpu.memory_space<vmem>> -> memref<128x128xf32, #tpu.memory_space<vmem>>
      %dma_start3A_66 = arith.constant 0 : i32
      %dma_start3A_67 = tpu.memref_slice %arg11[%add3A_44, %dma_start3A_66] : memref<10240x128xf32, #tpu.memory_space<vmem_shared>> -> memref<128x128xf32, #tpu.memory_space<vmem_shared>>
      %dma_start3A_68 = arith.constant 0 : i32
      %dma_start3A_69 = tpu.memref_slice %arg11[%add3A_44, %dma_start3A_68] : memref<10240x128xf32, #tpu.memory_space<vmem_shared>> -> memref<128x128xf32, #tpu.memory_space<vmem_shared>>
      %dma_start3A_70 = arith.constant 0 : i32
      %dma_start3A_71 = arith.constant 0 : i32
      %dma_start3A_72 = tpu.memref_slice %arg10[%run_scoped3A_45, %dma_start3A_70, %dma_start3A_71] : memref<2x128x128xf32, #tpu.memory_space<vmem>> -> memref<1x128x128xf32, #tpu.memory_space<vmem>>
      %dma_start3A_73 = tpu.memref_squeeze %dma_start3A_72 : memref<1x128x128xf32, #tpu.memory_space<vmem>> -> memref<128x128xf32, #tpu.memory_space<vmem>>
      tpu.enqueue_dma source(%dma_start3A_73 : memref<128x128xf32, #tpu.memory_space<vmem>>) target(%dma_start3A_69 : memref<128x128xf32, #tpu.memory_space<vmem_shared>>) target_semaphore(%run_scoped3A_62 : memref<!tpu.dma_semaphore, #tpu.memory_space<semaphore_mem>>)
      %dma_wait3A = arith.constant 0 : i32
      %dma_wait3A_74 = arith.constant 0 : i32
      %dma_wait3A_75 = tpu.memref_slice %arg10[%run_scoped3A_45, %dma_wait3A, %dma_wait3A_74] : memref<2x128x128xf32, #tpu.memory_space<vmem>> -> memref<1x128x128xf32, #tpu.memory_space<vmem>>
      %dma_wait3A_76 = tpu.memref_squeeze %dma_wait3A_75 : memref<1x128x128xf32, #tpu.memory_space<vmem>> -> memref<128x128xf32, #tpu.memory_space<vmem>>
      %dma_wait3A_77 = arith.constant 0 : i32
      %dma_wait3A_78 = tpu.memref_slice %arg11[%add3A_44, %dma_wait3A_77] : memref<10240x128xf32, #tpu.memory_space<vmem_shared>> -> memref<128x128xf32, #tpu.memory_space<vmem_shared>>
      %dma_wait3A_79 = arith.constant 0 : i32
      %dma_wait3A_80 = tpu.memref_slice %arg11[%add3A_44, %dma_wait3A_79] : memref<10240x128xf32, #tpu.memory_space<vmem_shared>> -> memref<128x128xf32, #tpu.memory_space<vmem_shared>>
      %dma_wait3A_81 = arith.constant 0 : i32
      %dma_wait3A_82 = arith.constant 0 : i32
      %dma_wait3A_83 = tpu.memref_slice %arg10[%run_scoped3A_45, %dma_wait3A_81, %dma_wait3A_82] : memref<2x128x128xf32, #tpu.memory_space<vmem>> -> memref<1x128x128xf32, #tpu.memory_space<vmem>>
      %dma_wait3A_84 = tpu.memref_squeeze %dma_wait3A_83 : memref<1x128x128xf32, #tpu.memory_space<vmem>> -> memref<128x128xf32, #tpu.memory_space<vmem>>
      tpu.wait_dma2 semaphore(%run_scoped3A_62 : memref<!tpu.dma_semaphore, #tpu.memory_space<semaphore_mem>>) src(%dma_wait3A_84 : memref<128x128xf32, #tpu.memory_space<vmem>>) dst(%dma_wait3A_80 : memref<128x128xf32, #tpu.memory_space<vmem_shared>>)
      tpu.yield
    }) : () -> ()
    %add3A_46 = arith.constant 512 : i32
    %add3A_47 = arith.addi %mul3A_0, %add3A_46 : i32
    %run_scoped3A_48 = arith.constant 1 : i32
    "tpu.region"() ({
      %run_scoped3A_62 = tpu.sem_alloc : memref<!tpu.dma_semaphore, #tpu.memory_space<semaphore_mem>>
      %dma_start3A = arith.constant 0 : i32
      %dma_start3A_63 = arith.constant 0 : i32
      %dma_start3A_64 = tpu.memref_slice %arg10[%run_scoped3A_48, %dma_start3A, %dma_start3A_63] : memref<2x128x128xf32, #tpu.memory_space<vmem>> -> memref<1x128x128xf32, #tpu.memory_space<vmem>>
      %dma_start3A_65 = tpu.memref_squeeze %dma_start3A_64 : memref<1x128x128xf32, #tpu.memory_space<vmem>> -> memref<128x128xf32, #tpu.memory_space<vmem>>
      %dma_start3A_66 = arith.constant 0 : i32
      %dma_start3A_67 = tpu.memref_slice %arg11[%add3A_47, %dma_start3A_66] : memref<10240x128xf32, #tpu.memory_space<vmem_shared>> -> memref<128x128xf32, #tpu.memory_space<vmem_shared>>
      %dma_start3A_68 = arith.constant 0 : i32
      %dma_start3A_69 = tpu.memref_slice %arg11[%add3A_47, %dma_start3A_68] : memref<10240x128xf32, #tpu.memory_space<vmem_shared>> -> memref<128x128xf32, #tpu.memory_space<vmem_shared>>
      %dma_start3A_70 = arith.constant 0 : i32
      %dma_start3A_71 = arith.constant 0 : i32
      %dma_start3A_72 = tpu.memref_slice %arg10[%run_scoped3A_48, %dma_start3A_70, %dma_start3A_71] : memref<2x128x128xf32, #tpu.memory_space<vmem>> -> memref<1x128x128xf32, #tpu.memory_space<vmem>>
      %dma_start3A_73 = tpu.memref_squeeze %dma_start3A_72 : memref<1x128x128xf32, #tpu.memory_space<vmem>> -> memref<128x128xf32, #tpu.memory_space<vmem>>
      tpu.enqueue_dma source(%dma_start3A_73 : memref<128x128xf32, #tpu.memory_space<vmem>>) target(%dma_start3A_69 : memref<128x128xf32, #tpu.memory_space<vmem_shared>>) target_semaphore(%run_scoped3A_62 : memref<!tpu.dma_semaphore, #tpu.memory_space<semaphore_mem>>)
      %dma_wait3A = arith.constant 0 : i32
      %dma_wait3A_74 = arith.constant 0 : i32
      %dma_wait3A_75 = tpu.memref_slice %arg10[%run_scoped3A_48, %dma_wait3A, %dma_wait3A_74] : memref<2x128x128xf32, #tpu.memory_space<vmem>> -> memref<1x128x128xf32, #tpu.memory_space<vmem>>
      %dma_wait3A_76 = tpu.memref_squeeze %dma_wait3A_75 : memref<1x128x128xf32, #tpu.memory_space<vmem>> -> memref<128x128xf32, #tpu.memory_space<vmem>>
      %dma_wait3A_77 = arith.constant 0 : i32
      %dma_wait3A_78 = tpu.memref_slice %arg11[%add3A_47, %dma_wait3A_77] : memref<10240x128xf32, #tpu.memory_space<vmem_shared>> -> memref<128x128xf32, #tpu.memory_space<vmem_shared>>
      %dma_wait3A_79 = arith.constant 0 : i32
      %dma_wait3A_80 = tpu.memref_slice %arg11[%add3A_47, %dma_wait3A_79] : memref<10240x128xf32, #tpu.memory_space<vmem_shared>> -> memref<128x128xf32, #tpu.memory_space<vmem_shared>>
      %dma_wait3A_81 = arith.constant 0 : i32
      %dma_wait3A_82 = arith.constant 0 : i32
      %dma_wait3A_83 = tpu.memref_slice %arg10[%run_scoped3A_48, %dma_wait3A_81, %dma_wait3A_82] : memref<2x128x128xf32, #tpu.memory_space<vmem>> -> memref<1x128x128xf32, #tpu.memory_space<vmem>>
      %dma_wait3A_84 = tpu.memref_squeeze %dma_wait3A_83 : memref<1x128x128xf32, #tpu.memory_space<vmem>> -> memref<128x128xf32, #tpu.memory_space<vmem>>
      tpu.wait_dma2 semaphore(%run_scoped3A_62 : memref<!tpu.dma_semaphore, #tpu.memory_space<semaphore_mem>>) src(%dma_wait3A_84 : memref<128x128xf32, #tpu.memory_space<vmem>>) dst(%dma_wait3A_80 : memref<128x128xf32, #tpu.memory_space<vmem_shared>>)
      tpu.yield
    }) : () -> ()
    %broadcast_in_dim3A_49 = arith.constant 1.000000e+00 : f32
    %broadcast_in_dim3A_50 = vector.broadcast %broadcast_in_dim3A_49 : f32 to vector<16xf32>
    %scan3A_51 = arith.constant 0 : i32
    %scan3A_52 = arith.constant 128 : i32
    %scan3A_53 = arith.addi %scan3A_51, %scan3A_52 : i32
    %scan3A_54 = arith.constant 1 : i32
    scf.for %scan3A_62 = %scan3A_51 to %scan3A_53 step %scan3A_54  : i32 {
      %mul3A_63 = arith.constant 1 : i32
      %mul3A_64 = arith.muli %scan3A_62, %mul3A_63 : i32
      %add3A_65 = arith.constant 0 : i32
      %add3A_66 = arith.addi %add3A_65, %mul3A_64 : i32
      %scan3A_67 = arith.constant 0 : i32
      %scan3A_68 = arith.constant 8 : i32
      %scan3A_69 = arith.addi %scan3A_67, %scan3A_68 : i32
      %scan3A_70 = arith.constant 1 : i32
      scf.for %scan3A_72 = %scan3A_67 to %scan3A_69 step %scan3A_70  : i32 {
        %mul3A_73 = arith.constant 1 : i32
        %mul3A_74 = arith.muli %scan3A_72, %mul3A_73 : i32
        %add3A_75 = arith.constant 0 : i32
        %add3A_76 = arith.addi %add3A_75, %mul3A_74 : i32
        %mul3A_77 = arith.constant 16 : i32
        %mul3A_78 = arith.muli %add3A_76, %mul3A_77 : i32
        %swap3A = arith.constant 0 : i32
        %swap3A_79 = arith.index_cast %swap3A : i32 to index
        %swap3A_80 = arith.index_cast %add3A_66 : i32 to index
        %swap3A_81 = arith.index_cast %mul3A_78 : i32 to index
        %swap3A_82 = tpu.vector_load %arg10[%swap3A_79, %swap3A_80, %swap3A_81] {strides = array<i32>} : memref<2x128x128xf32, #tpu.memory_space<vmem>>, vector<16xf32>,
        tpu.vector_store %arg10[%swap3A_79, %swap3A_80, %swap3A_81], %broadcast_in_dim3A_50 {strides = array<i32>} : memref<2x128x128xf32, #tpu.memory_space<vmem>>, vector<16xf32>,
      }
      %scan3A_71 = arith.constant 8 : i32
    }
    %scan3A_55 = arith.constant 128 : i32
    %barrier3A_56 = arith.constant 0 : index
    tpu.barrier barrier_id(%barrier3A_56)
    %eq3A_57 = arith.constant 0 : i32
    %eq3A_58 = arith.cmpi eq, %arg0, %eq3A_57 : i32
    %convert_element_type3A_59 = arith.extui %eq3A_58 : i1 to i32
    %cond3A_60 = arith.constant 0 : i32
    %cond3A_61 = arith.cmpi ne, %convert_element_type3A_59, %cond3A_60 : i32
    scf.if %cond3A_61 {
      %scan3A_62 = arith.constant 0 : i32
      %scan3A_63 = arith.constant 2 : i32
      %scan3A_64 = arith.addi %scan3A_62, %scan3A_63 : i32
      %scan3A_65 = arith.constant 1 : i32
      scf.for %scan3A_68 = %scan3A_62 to %scan3A_64 step %scan3A_65  : i32 {
        %mul3A_69 = arith.constant 1 : i32
        %mul3A_70 = arith.muli %scan3A_68, %mul3A_69 : i32
        %add3A_71 = arith.constant 0 : i32
        %add3A_72 = arith.addi %add3A_71, %mul3A_70 : i32
        "tpu.region"() ({
          %run_scoped3A_78 = tpu.sem_alloc : memref<!tpu.dma_semaphore, #tpu.memory_space<semaphore_mem>>
          %dma_start3A = arith.constant 0 : i32
          %dma_start3A_79 = arith.constant 0 : i32
          %dma_start3A_80 = tpu.memref_slice %arg5[%add3A_72, %arg1, %dma_start3A, %dma_start3A_79] : memref<2x16x40x128xi32, #tpu.memory_space<hbm>> -> memref<1x1x40x128xi32, #tpu.memory_space<hbm>>
          %dma_start3A_81 = tpu.memref_squeeze %dma_start3A_80 : memref<1x1x40x128xi32, #tpu.memory_space<hbm>> -> memref<40x128xi32, #tpu.memory_space<hbm>>
          %dma_start3A_82 = arith.constant 0 : i32
          %dma_start3A_83 = arith.constant 0 : i32
          %dma_start3A_84 = tpu.memref_slice %arg5[%add3A_72, %arg1, %dma_start3A_82, %dma_start3A_83] : memref<2x16x40x128xi32, #tpu.memory_space<hbm>> -> memref<1x1x40x128xi32, #tpu.memory_space<hbm>>
          %dma_start3A_85 = tpu.memref_squeeze %dma_start3A_84 : memref<1x1x40x128xi32, #tpu.memory_space<hbm>> -> memref<40x128xi32, #tpu.memory_space<hbm>>
          tpu.enqueue_dma source(%dma_start3A_85 : memref<40x128xi32, #tpu.memory_space<hbm>>) target(%arg9 : memref<40x128xi32, #tpu.memory_space<vmem>>) target_semaphore(%run_scoped3A_78 : memref<!tpu.dma_semaphore, #tpu.memory_space<semaphore_mem>>)
          %dma_wait3A = arith.constant 0 : i32
          %dma_wait3A_86 = arith.constant 0 : i32
          %dma_wait3A_87 = tpu.memref_slice %arg5[%add3A_72, %arg1, %dma_wait3A, %dma_wait3A_86] : memref<2x16x40x128xi32, #tpu.memory_space<hbm>> -> memref<1x1x40x128xi32, #tpu.memory_space<hbm>>
          %dma_wait3A_88 = tpu.memref_squeeze %dma_wait3A_87 : memref<1x1x40x128xi32, #tpu.memory_space<hbm>> -> memref<40x128xi32, #tpu.memory_space<hbm>>
          %dma_wait3A_89 = arith.constant 0 : i32
          %dma_wait3A_90 = arith.constant 0 : i32
          %dma_wait3A_91 = tpu.memref_slice %arg5[%add3A_72, %arg1, %dma_wait3A_89, %dma_wait3A_90] : memref<2x16x40x128xi32, #tpu.memory_space<hbm>> -> memref<1x1x40x128xi32, #tpu.memory_space<hbm>>
          %dma_wait3A_92 = tpu.memref_squeeze %dma_wait3A_91 : memref<1x1x40x128xi32, #tpu.memory_space<hbm>> -> memref<40x128xi32, #tpu.memory_space<hbm>>
          tpu.wait_dma2 semaphore(%run_scoped3A_78 : memref<!tpu.dma_semaphore, #tpu.memory_space<semaphore_mem>>) src(%dma_wait3A_92 : memref<40x128xi32, #tpu.memory_space<hbm>>) dst(%arg9 : memref<40x128xi32, #tpu.memory_space<vmem>>)
          tpu.yield
        }) : () -> ()
        %scan3A_73 = arith.constant 0 : i32
        %scan3A_74 = arith.constant 10 : i32
        %scan3A_75 = arith.addi %scan3A_73, %scan3A_74 : i32
        %scan3A_76 = arith.constant 1 : i32
        scf.for %scan3A_78 = %scan3A_73 to %scan3A_75 step %scan3A_76  : i32 {
          %mul3A_79 = arith.constant 4 : i32
          %mul3A_80 = arith.muli %scan3A_78, %mul3A_79 : i32
          %add3A_81 = arith.constant 0 : i32
          %add3A_82 = arith.addi %add3A_81, %mul3A_80 : i32
          %add3A_83 = arith.constant 0 : i32
          %add3A_84 = arith.addi %add3A_82, %add3A_83 : i32
          %dma_start3A = arith.constant 0 : i32
          %dma_start3A_85 = arith.constant 0 : i32
          %dma_start3A_86 = arith.constant 0 : i32
          %dma_start3A_87 = tpu.memref_slice %arg10[%dma_start3A, %dma_start3A_85, %dma_start3A_86] : memref<2x128x128xf32, #tpu.memory_space<vmem>> -> memref<1x128x128xf32, #tpu.memory_space<vmem>>
          %dma_start3A_88 = tpu.memref_squeeze %dma_start3A_87 : memref<1x128x128xf32, #tpu.memory_space<vmem>> -> memref<128x128xf32, #tpu.memory_space<vmem>>
          %dma_start3A_89 = arith.constant 0 : i32
          %dma_start3A_90 = tpu.memref_slice %arg9[%add3A_84, %dma_start3A_89] : memref<40x128xi32, #tpu.memory_space<vmem>> -> memref<1x128xi32, #tpu.memory_space<vmem>>
          %dma_start3A_91 = tpu.memref_squeeze %dma_start3A_90 : memref<1x128xi32, #tpu.memory_space<vmem>> -> memref<128xi32, #tpu.memory_space<vmem>>
          %dma_start3A_92 = arith.constant 0 : i32
          %dma_start3A_93 = arith.constant 0 : i32
          %dma_start3A_94 = tpu.memref_slice %arg11[%dma_start3A_92, %dma_start3A_93] : memref<10240x128xf32, #tpu.memory_space<vmem_shared>> -> memref<10240x128xf32, #tpu.memory_space<vmem_shared>>
          tpu.enqueue_indirect_dma source(%dma_start3A_88 : memref<128x128xf32, #tpu.memory_space<vmem>>) target(%dma_start3A_94 : memref<10240x128xf32, #tpu.memory_space<vmem_shared>>) offsets(%dma_start3A_91 : memref<128xi32, #tpu.memory_space<vmem>>) semaphore(%arg14 : memref<!tpu.dma_semaphore, #tpu.memory_space<semaphore_mem>>) {add = true}
          %add3A_95 = arith.constant 1 : i32
          %add3A_96 = arith.addi %add3A_82, %add3A_95 : i32
          %dma_start3A_97 = arith.constant 0 : i32
          %dma_start3A_98 = arith.constant 0 : i32
          %dma_start3A_99 = arith.constant 0 : i32
          %dma_start3A_100 = tpu.memref_slice %arg10[%dma_start3A_97, %dma_start3A_98, %dma_start3A_99] : memref<2x128x128xf32, #tpu.memory_space<vmem>> -> memref<1x128x128xf32, #tpu.memory_space<vmem>>
          %dma_start3A_101 = tpu.memref_squeeze %dma_start3A_100 : memref<1x128x128xf32, #tpu.memory_space<vmem>> -> memref<128x128xf32, #tpu.memory_space<vmem>>
          %dma_start3A_102 = arith.constant 0 : i32
          %dma_start3A_103 = tpu.memref_slice %arg9[%add3A_96, %dma_start3A_102] : memref<40x128xi32, #tpu.memory_space<vmem>> -> memref<1x128xi32, #tpu.memory_space<vmem>>
          %dma_start3A_104 = tpu.memref_squeeze %dma_start3A_103 : memref<1x128xi32, #tpu.memory_space<vmem>> -> memref<128xi32, #tpu.memory_space<vmem>>
          %dma_start3A_105 = arith.constant 0 : i32
          %dma_start3A_106 = arith.constant 0 : i32
          %dma_start3A_107 = tpu.memref_slice %arg11[%dma_start3A_105, %dma_start3A_106] : memref<10240x128xf32, #tpu.memory_space<vmem_shared>> -> memref<10240x128xf32, #tpu.memory_space<vmem_shared>>
          tpu.enqueue_indirect_dma source(%dma_start3A_101 : memref<128x128xf32, #tpu.memory_space<vmem>>) target(%dma_start3A_107 : memref<10240x128xf32, #tpu.memory_space<vmem_shared>>) offsets(%dma_start3A_104 : memref<128xi32, #tpu.memory_space<vmem>>) semaphore(%arg14 : memref<!tpu.dma_semaphore, #tpu.memory_space<semaphore_mem>>) {add = true}
          %add3A_108 = arith.constant 2 : i32
          %add3A_109 = arith.addi %add3A_82, %add3A_108 : i32
          %dma_start3A_110 = arith.constant 0 : i32
          %dma_start3A_111 = arith.constant 0 : i32
          %dma_start3A_112 = arith.constant 0 : i32
          %dma_start3A_113 = tpu.memref_slice %arg10[%dma_start3A_110, %dma_start3A_111, %dma_start3A_112] : memref<2x128x128xf32, #tpu.memory_space<vmem>> -> memref<1x128x128xf32, #tpu.memory_space<vmem>>
          %dma_start3A_114 = tpu.memref_squeeze %dma_start3A_113 : memref<1x128x128xf32, #tpu.memory_space<vmem>> -> memref<128x128xf32, #tpu.memory_space<vmem>>
          %dma_start3A_115 = arith.constant 0 : i32
          %dma_start3A_116 = tpu.memref_slice %arg9[%add3A_109, %dma_start3A_115] : memref<40x128xi32, #tpu.memory_space<vmem>> -> memref<1x128xi32, #tpu.memory_space<vmem>>
          %dma_start3A_117 = tpu.memref_squeeze %dma_start3A_116 : memref<1x128xi32, #tpu.memory_space<vmem>> -> memref<128xi32, #tpu.memory_space<vmem>>
          %dma_start3A_118 = arith.constant 0 : i32
          %dma_start3A_119 = arith.constant 0 : i32
          %dma_start3A_120 = tpu.memref_slice %arg11[%dma_start3A_118, %dma_start3A_119] : memref<10240x128xf32, #tpu.memory_space<vmem_shared>> -> memref<10240x128xf32, #tpu.memory_space<vmem_shared>>
          tpu.enqueue_indirect_dma source(%dma_start3A_114 : memref<128x128xf32, #tpu.memory_space<vmem>>) target(%dma_start3A_120 : memref<10240x128xf32, #tpu.memory_space<vmem_shared>>) offsets(%dma_start3A_117 : memref<128xi32, #tpu.memory_space<vmem>>) semaphore(%arg14 : memref<!tpu.dma_semaphore, #tpu.memory_space<semaphore_mem>>) {add = true}
          %add3A_121 = arith.constant 3 : i32
          %add3A_122 = arith.addi %add3A_82, %add3A_121 : i32
          %dma_start3A_123 = arith.constant 0 : i32
          %dma_start3A_124 = arith.constant 0 : i32
          %dma_start3A_125 = arith.constant 0 : i32
          %dma_start3A_126 = tpu.memref_slice %arg10[%dma_start3A_123, %dma_start3A_124, %dma_start3A_125] : memref<2x128x128xf32, #tpu.memory_space<vmem>> -> memref<1x128x128xf32, #tpu.memory_space<vmem>>
          %dma_start3A_127 = tpu.memref_squeeze %dma_start3A_126 : memref<1x128x128xf32, #tpu.memory_space<vmem>> -> memref<128x128xf32, #tpu.memory_space<vmem>>
          %dma_start3A_128 = arith.constant 0 : i32
          %dma_start3A_129 = tpu.memref_slice %arg9[%add3A_122, %dma_start3A_128] : memref<40x128xi32, #tpu.memory_space<vmem>> -> memref<1x128xi32, #tpu.memory_space<vmem>>
          %dma_start3A_130 = tpu.memref_squeeze %dma_start3A_129 : memref<1x128xi32, #tpu.memory_space<vmem>> -> memref<128xi32, #tpu.memory_space<vmem>>
          %dma_start3A_131 = arith.constant 0 : i32
          %dma_start3A_132 = arith.constant 0 : i32
          %dma_start3A_133 = tpu.memref_slice %arg11[%dma_start3A_131, %dma_start3A_132] : memref<10240x128xf32, #tpu.memory_space<vmem_shared>> -> memref<10240x128xf32, #tpu.memory_space<vmem_shared>>
          tpu.enqueue_indirect_dma source(%dma_start3A_127 : memref<128x128xf32, #tpu.memory_space<vmem>>) target(%dma_start3A_133 : memref<10240x128xf32, #tpu.memory_space<vmem_shared>>) offsets(%dma_start3A_130 : memref<128xi32, #tpu.memory_space<vmem>>) semaphore(%arg14 : memref<!tpu.dma_semaphore, #tpu.memory_space<semaphore_mem>>) {add = true}
          %dma_wait3A = arith.constant 0 : i32
          %dma_wait3A_134 = arith.constant 0 : i32
          %dma_wait3A_135 = arith.constant 0 : i32
          %dma_wait3A_136 = tpu.memref_slice %arg10[%dma_wait3A, %dma_wait3A_134, %dma_wait3A_135] : memref<2x128x128xf32, #tpu.memory_space<vmem>> -> memref<1x128x128xf32, #tpu.memory_space<vmem>>
          %dma_wait3A_137 = tpu.memref_squeeze %dma_wait3A_136 : memref<1x128x128xf32, #tpu.memory_space<vmem>> -> memref<128x128xf32, #tpu.memory_space<vmem>>
          %dma_wait3A_138 = arith.constant 0 : i32
          %dma_wait3A_139 = arith.constant 0 : i32
          %dma_wait3A_140 = tpu.memref_slice %arg11[%dma_wait3A_138, %dma_wait3A_139] : memref<10240x128xf32, #tpu.memory_space<vmem_shared>> -> memref<128x128xf32, #tpu.memory_space<vmem_shared>>
          %dma_wait3A_141 = arith.constant 0 : i32
          %dma_wait3A_142 = arith.constant 0 : i32
          %dma_wait3A_143 = tpu.memref_slice %arg11[%dma_wait3A_141, %dma_wait3A_142] : memref<10240x128xf32, #tpu.memory_space<vmem_shared>> -> memref<128x128xf32, #tpu.memory_space<vmem_shared>>
          %dma_wait3A_144 = arith.constant 0 : i32
          %dma_wait3A_145 = arith.constant 0 : i32
          %dma_wait3A_146 = tpu.memref_slice %arg10[%dma_wait3A, %dma_wait3A_144, %dma_wait3A_145] : memref<2x128x128xf32, #tpu.memory_space<vmem>> -> memref<1x128x128xf32, #tpu.memory_space<vmem>>
          %dma_wait3A_147 = tpu.memref_squeeze %dma_wait3A_146 : memref<1x128x128xf32, #tpu.memory_space<vmem>> -> memref<128x128xf32, #tpu.memory_space<vmem>>
          tpu.wait_dma2 semaphore(%arg14 : memref<!tpu.dma_semaphore, #tpu.memory_space<semaphore_mem>>) src(%dma_wait3A_147 : memref<128x128xf32, #tpu.memory_space<vmem>>) dst(%dma_wait3A_143 : memref<128x128xf32, #tpu.memory_space<vmem_shared>>)
          %dma_wait3A_148 = arith.constant 0 : i32
          %dma_wait3A_149 = arith.constant 0 : i32
          %dma_wait3A_150 = arith.constant 0 : i32
          %dma_wait3A_151 = tpu.memref_slice %arg10[%dma_wait3A_148, %dma_wait3A_149, %dma_wait3A_150] : memref<2x128x128xf32, #tpu.memory_space<vmem>> -> memref<1x128x128xf32, #tpu.memory_space<vmem>>
          %dma_wait3A_152 = tpu.memref_squeeze %dma_wait3A_151 : memref<1x128x128xf32, #tpu.memory_space<vmem>> -> memref<128x128xf32, #tpu.memory_space<vmem>>
          %dma_wait3A_153 = arith.constant 0 : i32
          %dma_wait3A_154 = arith.constant 0 : i32
          %dma_wait3A_155 = tpu.memref_slice %arg11[%dma_wait3A_153, %dma_wait3A_154] : memref<10240x128xf32, #tpu.memory_space<vmem_shared>> -> memref<128x128xf32, #tpu.memory_space<vmem_shared>>
          %dma_wait3A_156 = arith.constant 0 : i32
          %dma_wait3A_157 = arith.constant 0 : i32
          %dma_wait3A_158 = tpu.memref_slice %arg11[%dma_wait3A_156, %dma_wait3A_157] : memref<10240x128xf32, #tpu.memory_space<vmem_shared>> -> memref<128x128xf32, #tpu.memory_space<vmem_shared>>
          %dma_wait3A_159 = arith.constant 0 : i32
          %dma_wait3A_160 = arith.constant 0 : i32
          %dma_wait3A_161 = tpu.memref_slice %arg10[%dma_wait3A_148, %dma_wait3A_159, %dma_wait3A_160] : memref<2x128x128xf32, #tpu.memory_space<vmem>> -> memref<1x128x128xf32, #tpu.memory_space<vmem>>
          %dma_wait3A_162 = tpu.memref_squeeze %dma_wait3A_161 : memref<1x128x128xf32, #tpu.memory_space<vmem>> -> memref<128x128xf32, #tpu.memory_space<vmem>>
          tpu.wait_dma2 semaphore(%arg14 : memref<!tpu.dma_semaphore, #tpu.memory_space<semaphore_mem>>) src(%dma_wait3A_162 : memref<128x128xf32, #tpu.memory_space<vmem>>) dst(%dma_wait3A_158 : memref<128x128xf32, #tpu.memory_space<vmem_shared>>)
          %dma_wait3A_163 = arith.constant 0 : i32
          %dma_wait3A_164 = arith.constant 0 : i32
          %dma_wait3A_165 = arith.constant 0 : i32
          %dma_wait3A_166 = tpu.memref_slice %arg10[%dma_wait3A_163, %dma_wait3A_164, %dma_wait3A_165] : memref<2x128x128xf32, #tpu.memory_space<vmem>> -> memref<1x128x128xf32, #tpu.memory_space<vmem>>
          %dma_wait3A_167 = tpu.memref_squeeze %dma_wait3A_166 : memref<1x128x128xf32, #tpu.memory_space<vmem>> -> memref<128x128xf32, #tpu.memory_space<vmem>>
          %dma_wait3A_168 = arith.constant 0 : i32
          %dma_wait3A_169 = arith.constant 0 : i32
          %dma_wait3A_170 = tpu.memref_slice %arg11[%dma_wait3A_168, %dma_wait3A_169] : memref<10240x128xf32, #tpu.memory_space<vmem_shared>> -> memref<128x128xf32, #tpu.memory_space<vmem_shared>>
          %dma_wait3A_171 = arith.constant 0 : i32
          %dma_wait3A_172 = arith.constant 0 : i32
          %dma_wait3A_173 = tpu.memref_slice %arg11[%dma_wait3A_171, %dma_wait3A_172] : memref<10240x128xf32, #tpu.memory_space<vmem_shared>> -> memref<128x128xf32, #tpu.memory_space<vmem_shared>>
          %dma_wait3A_174 = arith.constant 0 : i32
          %dma_wait3A_175 = arith.constant 0 : i32
          %dma_wait3A_176 = tpu.memref_slice %arg10[%dma_wait3A_163, %dma_wait3A_174, %dma_wait3A_175] : memref<2x128x128xf32, #tpu.memory_space<vmem>> -> memref<1x128x128xf32, #tpu.memory_space<vmem>>
          %dma_wait3A_177 = tpu.memref_squeeze %dma_wait3A_176 : memref<1x128x128xf32, #tpu.memory_space<vmem>> -> memref<128x128xf32, #tpu.memory_space<vmem>>
          tpu.wait_dma2 semaphore(%arg14 : memref<!tpu.dma_semaphore, #tpu.memory_space<semaphore_mem>>) src(%dma_wait3A_177 : memref<128x128xf32, #tpu.memory_space<vmem>>) dst(%dma_wait3A_173 : memref<128x128xf32, #tpu.memory_space<vmem_shared>>)
          %dma_wait3A_178 = arith.constant 0 : i32
          %dma_wait3A_179 = arith.constant 0 : i32
          %dma_wait3A_180 = arith.constant 0 : i32
          %dma_wait3A_181 = tpu.memref_slice %arg10[%dma_wait3A_178, %dma_wait3A_179, %dma_wait3A_180] : memref<2x128x128xf32, #tpu.memory_space<vmem>> -> memref<1x128x128xf32, #tpu.memory_space<vmem>>
          %dma_wait3A_182 = tpu.memref_squeeze %dma_wait3A_181 : memref<1x128x128xf32, #tpu.memory_space<vmem>> -> memref<128x128xf32, #tpu.memory_space<vmem>>
          %dma_wait3A_183 = arith.constant 0 : i32
          %dma_wait3A_184 = arith.constant 0 : i32
          %dma_wait3A_185 = tpu.memref_slice %arg11[%dma_wait3A_183, %dma_wait3A_184] : memref<10240x128xf32, #tpu.memory_space<vmem_shared>> -> memref<128x128xf32, #tpu.memory_space<vmem_shared>>
          %dma_wait3A_186 = arith.constant 0 : i32
          %dma_wait3A_187 = arith.constant 0 : i32
          %dma_wait3A_188 = tpu.memref_slice %arg11[%dma_wait3A_186, %dma_wait3A_187] : memref<10240x128xf32, #tpu.memory_space<vmem_shared>> -> memref<128x128xf32, #tpu.memory_space<vmem_shared>>
          %dma_wait3A_189 = arith.constant 0 : i32
          %dma_wait3A_190 = arith.constant 0 : i32
          %dma_wait3A_191 = tpu.memref_slice %arg10[%dma_wait3A_178, %dma_wait3A_189, %dma_wait3A_190] : memref<2x128x128xf32, #tpu.memory_space<vmem>> -> memref<1x128x128xf32, #tpu.memory_space<vmem>>
          %dma_wait3A_192 = tpu.memref_squeeze %dma_wait3A_191 : memref<1x128x128xf32, #tpu.memory_space<vmem>> -> memref<128x128xf32, #tpu.memory_space<vmem>>
          tpu.wait_dma2 semaphore(%arg14 : memref<!tpu.dma_semaphore, #tpu.memory_space<semaphore_mem>>) src(%dma_wait3A_192 : memref<128x128xf32, #tpu.memory_space<vmem>>) dst(%dma_wait3A_188 : memref<128x128xf32, #tpu.memory_space<vmem_shared>>)
        }
        %scan3A_77 = arith.constant 10 : i32
      }
      %scan3A_66 = arith.constant 2 : i32
      %barrier3A_67 = arith.constant 0 : index
      tpu.barrier barrier_id(%barrier3A_67)
      "tpu.region"() ({
        %run_scoped3A_68 = tpu.sem_alloc : memref<!tpu.dma_semaphore, #tpu.memory_space<semaphore_mem>>
        %dma_start3A = arith.constant 0 : i32
        %dma_start3A_69 = tpu.memref_slice %arg7[%mul3A_0, %dma_start3A] : memref<10240x128xf32, #tpu.memory_space<hbm>> -> memref<640x128xf32, #tpu.memory_space<hbm>>
        %dma_start3A_70 = arith.constant 0 : i32
        %dma_start3A_71 = tpu.memref_slice %arg11[%mul3A_0, %dma_start3A_70] : memref<10240x128xf32, #tpu.memory_space<vmem_shared>> -> memref<640x128xf32, #tpu.memory_space<vmem_shared>>
        tpu.enqueue_dma source(%dma_start3A_71 : memref<640x128xf32, #tpu.memory_space<vmem_shared>>) target(%dma_start3A_69 : memref<640x128xf32, #tpu.memory_space<hbm>>) target_semaphore(%run_scoped3A_68 : memref<!tpu.dma_semaphore, #tpu.memory_space<semaphore_mem>>)
        %dma_wait3A = arith.constant 0 : i32
        %dma_wait3A_72 = tpu.memref_slice %arg7[%mul3A_0, %dma_wait3A] : memref<10240x128xf32, #tpu.memory_space<hbm>> -> memref<640x128xf32, #tpu.memory_space<hbm>>
        %dma_wait3A_73 = arith.constant 0 : i32
        %dma_wait3A_74 = tpu.memref_slice %arg11[%mul3A_0, %dma_wait3A_73] : memref<10240x128xf32, #tpu.memory_space<vmem_shared>> -> memref<640x128xf32, #tpu.memory_space<vmem_shared>>
        tpu.wait_dma2 semaphore(%run_scoped3A_68 : memref<!tpu.dma_semaphore, #tpu.memory_space<semaphore_mem>>) src(%dma_wait3A_74 : memref<640x128xf32, #tpu.memory_space<vmem_shared>>) dst(%dma_wait3A_72 : memref<640x128xf32, #tpu.memory_space<hbm>>)
        tpu.yield
      }) : () -> ()
    } else {
    }
    return
  }
}

#map = affine_map<(d0, d1) -> (0, 0)>
#map1 = affine_map<(d0, d1) -> (0, 0, 0, 0)>
#map2 = affine_map<(d0, d1) -> (0, 0, 0)>
module attributes {stable_mosaic.version = 14 : i64} {
  func.func @sage_sc_agg_deg0(%arg0: i32, %arg1: i32, %arg2: memref<10000x128xf32, #tpu.memory_space<hbm>>, %arg3: memref<10000x128xf32, #tpu.memory_space<hbm>>, %arg4: memref<2x16x40x128xi32, #tpu.memory_space<hbm>>, %arg5: memref<2x16x40x128xi32, #tpu.memory_space<hbm>>, %arg6: memref<2x10240x128xf32, #tpu.memory_space<hbm>>, %arg7: memref<40x128xi32, #tpu.memory_space<vmem>>, %arg8: memref<40x128xi32, #tpu.memory_space<vmem>>, %arg9: memref<2x128x128xf32, #tpu.memory_space<vmem>>, %arg10: memref<10240x128xf32, #tpu.memory_space<vmem_shared>>, %arg11: memref<!tpu.dma_semaphore, #tpu.memory_space<semaphore_mem>>, %arg12: memref<!tpu.dma_semaphore, #tpu.memory_space<semaphore_mem>>, %arg13: memref<!tpu.dma_semaphore, #tpu.memory_space<semaphore_mem>>, %arg14: memref<!tpu.dma_semaphore, #tpu.memory_space<semaphore_mem>>) attributes {dimension_semantics = [#tpu.dimension_semantics<core_parallel>, #tpu.dimension_semantics<subcore_parallel>], iteration_bounds = array<i64: 2, 16>, scalar_prefetch = 0 : i64, scratch_operands = 8 : i64, tpu.core_type = #tpu.core_type<sc_vector_subcore>, window_params = [{transform_indices = #map}, {transform_indices = #map}, {transform_indices = #map1}, {transform_indices = #map1}, {transform_indices = #map2}]} {
    %mul3A = arith.constant 640 : i32
    %mul3A_0 = arith.muli %arg1, %mul3A : i32
    %broadcast_in_dim3A = arith.constant 0.000000e+00 : f32
    %broadcast_in_dim3A_1 = vector.broadcast %broadcast_in_dim3A : f32 to vector<16xf32>
    %scan3A = arith.constant 0 : i32
    %scan3A_2 = arith.constant 128 : i32
    %scan3A_3 = arith.addi %scan3A, %scan3A_2 : i32
    %scan3A_4 = arith.constant 1 : i32
    scf.for %scan3A_27 = %scan3A to %scan3A_3 step %scan3A_4  : i32 {
      %mul3A_28 = arith.constant 1 : i32
      %mul3A_29 = arith.muli %scan3A_27, %mul3A_28 : i32
      %add3A_30 = arith.constant 0 : i32
      %add3A_31 = arith.addi %add3A_30, %mul3A_29 : i32
      %scan3A_32 = arith.constant 0 : i32
      %scan3A_33 = arith.constant 8 : i32
      %scan3A_34 = arith.addi %scan3A_32, %scan3A_33 : i32
      %scan3A_35 = arith.constant 1 : i32
      scf.for %scan3A_37 = %scan3A_32 to %scan3A_34 step %scan3A_35  : i32 {
        %mul3A_38 = arith.constant 1 : i32
        %mul3A_39 = arith.muli %scan3A_37, %mul3A_38 : i32
        %add3A_40 = arith.constant 0 : i32
        %add3A_41 = arith.addi %add3A_40, %mul3A_39 : i32
        %mul3A_42 = arith.constant 16 : i32
        %mul3A_43 = arith.muli %add3A_41, %mul3A_42 : i32
        %swap3A = arith.constant 1 : i32
        %swap3A_44 = arith.index_cast %swap3A : i32 to index
        %swap3A_45 = arith.index_cast %add3A_31 : i32 to index
        %swap3A_46 = arith.index_cast %mul3A_43 : i32 to index
        %swap3A_47 = tpu.vector_load %arg9[%swap3A_44, %swap3A_45, %swap3A_46] {strides = array<i32>} : memref<2x128x128xf32, #tpu.memory_space<vmem>>, vector<16xf32>,
        tpu.vector_store %arg9[%swap3A_44, %swap3A_45, %swap3A_46], %broadcast_in_dim3A_1 {strides = array<i32>} : memref<2x128x128xf32, #tpu.memory_space<vmem>>, vector<16xf32>,
      }
      %scan3A_36 = arith.constant 8 : i32
    }
    %scan3A_5 = arith.constant 128 : i32
    %add3A = arith.constant 0 : i32
    %add3A_6 = arith.addi %mul3A_0, %add3A : i32
    %run_scoped3A = arith.constant 1 : i32
    "tpu.region"() ({
      %run_scoped3A_27 = tpu.sem_alloc : memref<!tpu.dma_semaphore, #tpu.memory_space<semaphore_mem>>
      %dma_start3A = arith.constant 0 : i32
      %dma_start3A_28 = arith.constant 0 : i32
      %dma_start3A_29 = tpu.memref_slice %arg9[%run_scoped3A, %dma_start3A, %dma_start3A_28] : memref<2x128x128xf32, #tpu.memory_space<vmem>> -> memref<1x128x128xf32, #tpu.memory_space<vmem>>
      %dma_start3A_30 = tpu.memref_squeeze %dma_start3A_29 : memref<1x128x128xf32, #tpu.memory_space<vmem>> -> memref<128x128xf32, #tpu.memory_space<vmem>>
      %dma_start3A_31 = arith.constant 0 : i32
      %dma_start3A_32 = tpu.memref_slice %arg10[%add3A_6, %dma_start3A_31] : memref<10240x128xf32, #tpu.memory_space<vmem_shared>> -> memref<128x128xf32, #tpu.memory_space<vmem_shared>>
      %dma_start3A_33 = arith.constant 0 : i32
      %dma_start3A_34 = tpu.memref_slice %arg10[%add3A_6, %dma_start3A_33] : memref<10240x128xf32, #tpu.memory_space<vmem_shared>> -> memref<128x128xf32, #tpu.memory_space<vmem_shared>>
      %dma_start3A_35 = arith.constant 0 : i32
      %dma_start3A_36 = arith.constant 0 : i32
      %dma_start3A_37 = tpu.memref_slice %arg9[%run_scoped3A, %dma_start3A_35, %dma_start3A_36] : memref<2x128x128xf32, #tpu.memory_space<vmem>> -> memref<1x128x128xf32, #tpu.memory_space<vmem>>
      %dma_start3A_38 = tpu.memref_squeeze %dma_start3A_37 : memref<1x128x128xf32, #tpu.memory_space<vmem>> -> memref<128x128xf32, #tpu.memory_space<vmem>>
      tpu.enqueue_dma source(%dma_start3A_38 : memref<128x128xf32, #tpu.memory_space<vmem>>) target(%dma_start3A_34 : memref<128x128xf32, #tpu.memory_space<vmem_shared>>) target_semaphore(%run_scoped3A_27 : memref<!tpu.dma_semaphore, #tpu.memory_space<semaphore_mem>>)
      %dma_wait3A = arith.constant 0 : i32
      %dma_wait3A_39 = arith.constant 0 : i32
      %dma_wait3A_40 = tpu.memref_slice %arg9[%run_scoped3A, %dma_wait3A, %dma_wait3A_39] : memref<2x128x128xf32, #tpu.memory_space<vmem>> -> memref<1x128x128xf32, #tpu.memory_space<vmem>>
      %dma_wait3A_41 = tpu.memref_squeeze %dma_wait3A_40 : memref<1x128x128xf32, #tpu.memory_space<vmem>> -> memref<128x128xf32, #tpu.memory_space<vmem>>
      %dma_wait3A_42 = arith.constant 0 : i32
      %dma_wait3A_43 = tpu.memref_slice %arg10[%add3A_6, %dma_wait3A_42] : memref<10240x128xf32, #tpu.memory_space<vmem_shared>> -> memref<128x128xf32, #tpu.memory_space<vmem_shared>>
      %dma_wait3A_44 = arith.constant 0 : i32
      %dma_wait3A_45 = tpu.memref_slice %arg10[%add3A_6, %dma_wait3A_44] : memref<10240x128xf32, #tpu.memory_space<vmem_shared>> -> memref<128x128xf32, #tpu.memory_space<vmem_shared>>
      %dma_wait3A_46 = arith.constant 0 : i32
      %dma_wait3A_47 = arith.constant 0 : i32
      %dma_wait3A_48 = tpu.memref_slice %arg9[%run_scoped3A, %dma_wait3A_46, %dma_wait3A_47] : memref<2x128x128xf32, #tpu.memory_space<vmem>> -> memref<1x128x128xf32, #tpu.memory_space<vmem>>
      %dma_wait3A_49 = tpu.memref_squeeze %dma_wait3A_48 : memref<1x128x128xf32, #tpu.memory_space<vmem>> -> memref<128x128xf32, #tpu.memory_space<vmem>>
      tpu.wait_dma2 semaphore(%run_scoped3A_27 : memref<!tpu.dma_semaphore, #tpu.memory_space<semaphore_mem>>) src(%dma_wait3A_49 : memref<128x128xf32, #tpu.memory_space<vmem>>) dst(%dma_wait3A_45 : memref<128x128xf32, #tpu.memory_space<vmem_shared>>)
      tpu.yield
    }) : () -> ()
    %add3A_7 = arith.constant 128 : i32
    %add3A_8 = arith.addi %mul3A_0, %add3A_7 : i32
    %run_scoped3A_9 = arith.constant 1 : i32
    "tpu.region"() ({
      %run_scoped3A_27 = tpu.sem_alloc : memref<!tpu.dma_semaphore, #tpu.memory_space<semaphore_mem>>
      %dma_start3A = arith.constant 0 : i32
      %dma_start3A_28 = arith.constant 0 : i32
      %dma_start3A_29 = tpu.memref_slice %arg9[%run_scoped3A_9, %dma_start3A, %dma_start3A_28] : memref<2x128x128xf32, #tpu.memory_space<vmem>> -> memref<1x128x128xf32, #tpu.memory_space<vmem>>
      %dma_start3A_30 = tpu.memref_squeeze %dma_start3A_29 : memref<1x128x128xf32, #tpu.memory_space<vmem>> -> memref<128x128xf32, #tpu.memory_space<vmem>>
      %dma_start3A_31 = arith.constant 0 : i32
      %dma_start3A_32 = tpu.memref_slice %arg10[%add3A_8, %dma_start3A_31] : memref<10240x128xf32, #tpu.memory_space<vmem_shared>> -> memref<128x128xf32, #tpu.memory_space<vmem_shared>>
      %dma_start3A_33 = arith.constant 0 : i32
      %dma_start3A_34 = tpu.memref_slice %arg10[%add3A_8, %dma_start3A_33] : memref<10240x128xf32, #tpu.memory_space<vmem_shared>> -> memref<128x128xf32, #tpu.memory_space<vmem_shared>>
      %dma_start3A_35 = arith.constant 0 : i32
      %dma_start3A_36 = arith.constant 0 : i32
      %dma_start3A_37 = tpu.memref_slice %arg9[%run_scoped3A_9, %dma_start3A_35, %dma_start3A_36] : memref<2x128x128xf32, #tpu.memory_space<vmem>> -> memref<1x128x128xf32, #tpu.memory_space<vmem>>
      %dma_start3A_38 = tpu.memref_squeeze %dma_start3A_37 : memref<1x128x128xf32, #tpu.memory_space<vmem>> -> memref<128x128xf32, #tpu.memory_space<vmem>>
      tpu.enqueue_dma source(%dma_start3A_38 : memref<128x128xf32, #tpu.memory_space<vmem>>) target(%dma_start3A_34 : memref<128x128xf32, #tpu.memory_space<vmem_shared>>) target_semaphore(%run_scoped3A_27 : memref<!tpu.dma_semaphore, #tpu.memory_space<semaphore_mem>>)
      %dma_wait3A = arith.constant 0 : i32
      %dma_wait3A_39 = arith.constant 0 : i32
      %dma_wait3A_40 = tpu.memref_slice %arg9[%run_scoped3A_9, %dma_wait3A, %dma_wait3A_39] : memref<2x128x128xf32, #tpu.memory_space<vmem>> -> memref<1x128x128xf32, #tpu.memory_space<vmem>>
      %dma_wait3A_41 = tpu.memref_squeeze %dma_wait3A_40 : memref<1x128x128xf32, #tpu.memory_space<vmem>> -> memref<128x128xf32, #tpu.memory_space<vmem>>
      %dma_wait3A_42 = arith.constant 0 : i32
      %dma_wait3A_43 = tpu.memref_slice %arg10[%add3A_8, %dma_wait3A_42] : memref<10240x128xf32, #tpu.memory_space<vmem_shared>> -> memref<128x128xf32, #tpu.memory_space<vmem_shared>>
      %dma_wait3A_44 = arith.constant 0 : i32
      %dma_wait3A_45 = tpu.memref_slice %arg10[%add3A_8, %dma_wait3A_44] : memref<10240x128xf32, #tpu.memory_space<vmem_shared>> -> memref<128x128xf32, #tpu.memory_space<vmem_shared>>
      %dma_wait3A_46 = arith.constant 0 : i32
      %dma_wait3A_47 = arith.constant 0 : i32
      %dma_wait3A_48 = tpu.memref_slice %arg9[%run_scoped3A_9, %dma_wait3A_46, %dma_wait3A_47] : memref<2x128x128xf32, #tpu.memory_space<vmem>> -> memref<1x128x128xf32, #tpu.memory_space<vmem>>
      %dma_wait3A_49 = tpu.memref_squeeze %dma_wait3A_48 : memref<1x128x128xf32, #tpu.memory_space<vmem>> -> memref<128x128xf32, #tpu.memory_space<vmem>>
      tpu.wait_dma2 semaphore(%run_scoped3A_27 : memref<!tpu.dma_semaphore, #tpu.memory_space<semaphore_mem>>) src(%dma_wait3A_49 : memref<128x128xf32, #tpu.memory_space<vmem>>) dst(%dma_wait3A_45 : memref<128x128xf32, #tpu.memory_space<vmem_shared>>)
      tpu.yield
    }) : () -> ()
    %add3A_10 = arith.constant 256 : i32
    %add3A_11 = arith.addi %mul3A_0, %add3A_10 : i32
    %run_scoped3A_12 = arith.constant 1 : i32
    "tpu.region"() ({
      %run_scoped3A_27 = tpu.sem_alloc : memref<!tpu.dma_semaphore, #tpu.memory_space<semaphore_mem>>
      %dma_start3A = arith.constant 0 : i32
      %dma_start3A_28 = arith.constant 0 : i32
      %dma_start3A_29 = tpu.memref_slice %arg9[%run_scoped3A_12, %dma_start3A, %dma_start3A_28] : memref<2x128x128xf32, #tpu.memory_space<vmem>> -> memref<1x128x128xf32, #tpu.memory_space<vmem>>
      %dma_start3A_30 = tpu.memref_squeeze %dma_start3A_29 : memref<1x128x128xf32, #tpu.memory_space<vmem>> -> memref<128x128xf32, #tpu.memory_space<vmem>>
      %dma_start3A_31 = arith.constant 0 : i32
      %dma_start3A_32 = tpu.memref_slice %arg10[%add3A_11, %dma_start3A_31] : memref<10240x128xf32, #tpu.memory_space<vmem_shared>> -> memref<128x128xf32, #tpu.memory_space<vmem_shared>>
      %dma_start3A_33 = arith.constant 0 : i32
      %dma_start3A_34 = tpu.memref_slice %arg10[%add3A_11, %dma_start3A_33] : memref<10240x128xf32, #tpu.memory_space<vmem_shared>> -> memref<128x128xf32, #tpu.memory_space<vmem_shared>>
      %dma_start3A_35 = arith.constant 0 : i32
      %dma_start3A_36 = arith.constant 0 : i32
      %dma_start3A_37 = tpu.memref_slice %arg9[%run_scoped3A_12, %dma_start3A_35, %dma_start3A_36] : memref<2x128x128xf32, #tpu.memory_space<vmem>> -> memref<1x128x128xf32, #tpu.memory_space<vmem>>
      %dma_start3A_38 = tpu.memref_squeeze %dma_start3A_37 : memref<1x128x128xf32, #tpu.memory_space<vmem>> -> memref<128x128xf32, #tpu.memory_space<vmem>>
      tpu.enqueue_dma source(%dma_start3A_38 : memref<128x128xf32, #tpu.memory_space<vmem>>) target(%dma_start3A_34 : memref<128x128xf32, #tpu.memory_space<vmem_shared>>) target_semaphore(%run_scoped3A_27 : memref<!tpu.dma_semaphore, #tpu.memory_space<semaphore_mem>>)
      %dma_wait3A = arith.constant 0 : i32
      %dma_wait3A_39 = arith.constant 0 : i32
      %dma_wait3A_40 = tpu.memref_slice %arg9[%run_scoped3A_12, %dma_wait3A, %dma_wait3A_39] : memref<2x128x128xf32, #tpu.memory_space<vmem>> -> memref<1x128x128xf32, #tpu.memory_space<vmem>>
      %dma_wait3A_41 = tpu.memref_squeeze %dma_wait3A_40 : memref<1x128x128xf32, #tpu.memory_space<vmem>> -> memref<128x128xf32, #tpu.memory_space<vmem>>
      %dma_wait3A_42 = arith.constant 0 : i32
      %dma_wait3A_43 = tpu.memref_slice %arg10[%add3A_11, %dma_wait3A_42] : memref<10240x128xf32, #tpu.memory_space<vmem_shared>> -> memref<128x128xf32, #tpu.memory_space<vmem_shared>>
      %dma_wait3A_44 = arith.constant 0 : i32
      %dma_wait3A_45 = tpu.memref_slice %arg10[%add3A_11, %dma_wait3A_44] : memref<10240x128xf32, #tpu.memory_space<vmem_shared>> -> memref<128x128xf32, #tpu.memory_space<vmem_shared>>
      %dma_wait3A_46 = arith.constant 0 : i32
      %dma_wait3A_47 = arith.constant 0 : i32
      %dma_wait3A_48 = tpu.memref_slice %arg9[%run_scoped3A_12, %dma_wait3A_46, %dma_wait3A_47] : memref<2x128x128xf32, #tpu.memory_space<vmem>> -> memref<1x128x128xf32, #tpu.memory_space<vmem>>
      %dma_wait3A_49 = tpu.memref_squeeze %dma_wait3A_48 : memref<1x128x128xf32, #tpu.memory_space<vmem>> -> memref<128x128xf32, #tpu.memory_space<vmem>>
      tpu.wait_dma2 semaphore(%run_scoped3A_27 : memref<!tpu.dma_semaphore, #tpu.memory_space<semaphore_mem>>) src(%dma_wait3A_49 : memref<128x128xf32, #tpu.memory_space<vmem>>) dst(%dma_wait3A_45 : memref<128x128xf32, #tpu.memory_space<vmem_shared>>)
      tpu.yield
    }) : () -> ()
    %add3A_13 = arith.constant 384 : i32
    %add3A_14 = arith.addi %mul3A_0, %add3A_13 : i32
    %run_scoped3A_15 = arith.constant 1 : i32
    "tpu.region"() ({
      %run_scoped3A_27 = tpu.sem_alloc : memref<!tpu.dma_semaphore, #tpu.memory_space<semaphore_mem>>
      %dma_start3A = arith.constant 0 : i32
      %dma_start3A_28 = arith.constant 0 : i32
      %dma_start3A_29 = tpu.memref_slice %arg9[%run_scoped3A_15, %dma_start3A, %dma_start3A_28] : memref<2x128x128xf32, #tpu.memory_space<vmem>> -> memref<1x128x128xf32, #tpu.memory_space<vmem>>
      %dma_start3A_30 = tpu.memref_squeeze %dma_start3A_29 : memref<1x128x128xf32, #tpu.memory_space<vmem>> -> memref<128x128xf32, #tpu.memory_space<vmem>>
      %dma_start3A_31 = arith.constant 0 : i32
      %dma_start3A_32 = tpu.memref_slice %arg10[%add3A_14, %dma_start3A_31] : memref<10240x128xf32, #tpu.memory_space<vmem_shared>> -> memref<128x128xf32, #tpu.memory_space<vmem_shared>>
      %dma_start3A_33 = arith.constant 0 : i32
      %dma_start3A_34 = tpu.memref_slice %arg10[%add3A_14, %dma_start3A_33] : memref<10240x128xf32, #tpu.memory_space<vmem_shared>> -> memref<128x128xf32, #tpu.memory_space<vmem_shared>>
      %dma_start3A_35 = arith.constant 0 : i32
      %dma_start3A_36 = arith.constant 0 : i32
      %dma_start3A_37 = tpu.memref_slice %arg9[%run_scoped3A_15, %dma_start3A_35, %dma_start3A_36] : memref<2x128x128xf32, #tpu.memory_space<vmem>> -> memref<1x128x128xf32, #tpu.memory_space<vmem>>
      %dma_start3A_38 = tpu.memref_squeeze %dma_start3A_37 : memref<1x128x128xf32, #tpu.memory_space<vmem>> -> memref<128x128xf32, #tpu.memory_space<vmem>>
      tpu.enqueue_dma source(%dma_start3A_38 : memref<128x128xf32, #tpu.memory_space<vmem>>) target(%dma_start3A_34 : memref<128x128xf32, #tpu.memory_space<vmem_shared>>) target_semaphore(%run_scoped3A_27 : memref<!tpu.dma_semaphore, #tpu.memory_space<semaphore_mem>>)
      %dma_wait3A = arith.constant 0 : i32
      %dma_wait3A_39 = arith.constant 0 : i32
      %dma_wait3A_40 = tpu.memref_slice %arg9[%run_scoped3A_15, %dma_wait3A, %dma_wait3A_39] : memref<2x128x128xf32, #tpu.memory_space<vmem>> -> memref<1x128x128xf32, #tpu.memory_space<vmem>>
      %dma_wait3A_41 = tpu.memref_squeeze %dma_wait3A_40 : memref<1x128x128xf32, #tpu.memory_space<vmem>> -> memref<128x128xf32, #tpu.memory_space<vmem>>
      %dma_wait3A_42 = arith.constant 0 : i32
      %dma_wait3A_43 = tpu.memref_slice %arg10[%add3A_14, %dma_wait3A_42] : memref<10240x128xf32, #tpu.memory_space<vmem_shared>> -> memref<128x128xf32, #tpu.memory_space<vmem_shared>>
      %dma_wait3A_44 = arith.constant 0 : i32
      %dma_wait3A_45 = tpu.memref_slice %arg10[%add3A_14, %dma_wait3A_44] : memref<10240x128xf32, #tpu.memory_space<vmem_shared>> -> memref<128x128xf32, #tpu.memory_space<vmem_shared>>
      %dma_wait3A_46 = arith.constant 0 : i32
      %dma_wait3A_47 = arith.constant 0 : i32
      %dma_wait3A_48 = tpu.memref_slice %arg9[%run_scoped3A_15, %dma_wait3A_46, %dma_wait3A_47] : memref<2x128x128xf32, #tpu.memory_space<vmem>> -> memref<1x128x128xf32, #tpu.memory_space<vmem>>
      %dma_wait3A_49 = tpu.memref_squeeze %dma_wait3A_48 : memref<1x128x128xf32, #tpu.memory_space<vmem>> -> memref<128x128xf32, #tpu.memory_space<vmem>>
      tpu.wait_dma2 semaphore(%run_scoped3A_27 : memref<!tpu.dma_semaphore, #tpu.memory_space<semaphore_mem>>) src(%dma_wait3A_49 : memref<128x128xf32, #tpu.memory_space<vmem>>) dst(%dma_wait3A_45 : memref<128x128xf32, #tpu.memory_space<vmem_shared>>)
      tpu.yield
    }) : () -> ()
    %add3A_16 = arith.constant 512 : i32
    %add3A_17 = arith.addi %mul3A_0, %add3A_16 : i32
    %run_scoped3A_18 = arith.constant 1 : i32
    "tpu.region"() ({
      %run_scoped3A_27 = tpu.sem_alloc : memref<!tpu.dma_semaphore, #tpu.memory_space<semaphore_mem>>
      %dma_start3A = arith.constant 0 : i32
      %dma_start3A_28 = arith.constant 0 : i32
      %dma_start3A_29 = tpu.memref_slice %arg9[%run_scoped3A_18, %dma_start3A, %dma_start3A_28] : memref<2x128x128xf32, #tpu.memory_space<vmem>> -> memref<1x128x128xf32, #tpu.memory_space<vmem>>
      %dma_start3A_30 = tpu.memref_squeeze %dma_start3A_29 : memref<1x128x128xf32, #tpu.memory_space<vmem>> -> memref<128x128xf32, #tpu.memory_space<vmem>>
      %dma_start3A_31 = arith.constant 0 : i32
      %dma_start3A_32 = tpu.memref_slice %arg10[%add3A_17, %dma_start3A_31] : memref<10240x128xf32, #tpu.memory_space<vmem_shared>> -> memref<128x128xf32, #tpu.memory_space<vmem_shared>>
      %dma_start3A_33 = arith.constant 0 : i32
      %dma_start3A_34 = tpu.memref_slice %arg10[%add3A_17, %dma_start3A_33] : memref<10240x128xf32, #tpu.memory_space<vmem_shared>> -> memref<128x128xf32, #tpu.memory_space<vmem_shared>>
      %dma_start3A_35 = arith.constant 0 : i32
      %dma_start3A_36 = arith.constant 0 : i32
      %dma_start3A_37 = tpu.memref_slice %arg9[%run_scoped3A_18, %dma_start3A_35, %dma_start3A_36] : memref<2x128x128xf32, #tpu.memory_space<vmem>> -> memref<1x128x128xf32, #tpu.memory_space<vmem>>
      %dma_start3A_38 = tpu.memref_squeeze %dma_start3A_37 : memref<1x128x128xf32, #tpu.memory_space<vmem>> -> memref<128x128xf32, #tpu.memory_space<vmem>>
      tpu.enqueue_dma source(%dma_start3A_38 : memref<128x128xf32, #tpu.memory_space<vmem>>) target(%dma_start3A_34 : memref<128x128xf32, #tpu.memory_space<vmem_shared>>) target_semaphore(%run_scoped3A_27 : memref<!tpu.dma_semaphore, #tpu.memory_space<semaphore_mem>>)
      %dma_wait3A = arith.constant 0 : i32
      %dma_wait3A_39 = arith.constant 0 : i32
      %dma_wait3A_40 = tpu.memref_slice %arg9[%run_scoped3A_18, %dma_wait3A, %dma_wait3A_39] : memref<2x128x128xf32, #tpu.memory_space<vmem>> -> memref<1x128x128xf32, #tpu.memory_space<vmem>>
      %dma_wait3A_41 = tpu.memref_squeeze %dma_wait3A_40 : memref<1x128x128xf32, #tpu.memory_space<vmem>> -> memref<128x128xf32, #tpu.memory_space<vmem>>
      %dma_wait3A_42 = arith.constant 0 : i32
      %dma_wait3A_43 = tpu.memref_slice %arg10[%add3A_17, %dma_wait3A_42] : memref<10240x128xf32, #tpu.memory_space<vmem_shared>> -> memref<128x128xf32, #tpu.memory_space<vmem_shared>>
      %dma_wait3A_44 = arith.constant 0 : i32
      %dma_wait3A_45 = tpu.memref_slice %arg10[%add3A_17, %dma_wait3A_44] : memref<10240x128xf32, #tpu.memory_space<vmem_shared>> -> memref<128x128xf32, #tpu.memory_space<vmem_shared>>
      %dma_wait3A_46 = arith.constant 0 : i32
      %dma_wait3A_47 = arith.constant 0 : i32
      %dma_wait3A_48 = tpu.memref_slice %arg9[%run_scoped3A_18, %dma_wait3A_46, %dma_wait3A_47] : memref<2x128x128xf32, #tpu.memory_space<vmem>> -> memref<1x128x128xf32, #tpu.memory_space<vmem>>
      %dma_wait3A_49 = tpu.memref_squeeze %dma_wait3A_48 : memref<1x128x128xf32, #tpu.memory_space<vmem>> -> memref<128x128xf32, #tpu.memory_space<vmem>>
      tpu.wait_dma2 semaphore(%run_scoped3A_27 : memref<!tpu.dma_semaphore, #tpu.memory_space<semaphore_mem>>) src(%dma_wait3A_49 : memref<128x128xf32, #tpu.memory_space<vmem>>) dst(%dma_wait3A_45 : memref<128x128xf32, #tpu.memory_space<vmem_shared>>)
      tpu.yield
    }) : () -> ()
    %barrier3A = arith.constant 0 : index
    tpu.barrier barrier_id(%barrier3A)
    %eq3A = arith.constant 0 : i32
    %eq3A_19 = arith.cmpi eq, %arg0, %eq3A : i32
    %convert_element_type3A = arith.extui %eq3A_19 : i1 to i32
    %cond3A = arith.constant 0 : i32
    %cond3A_20 = arith.cmpi ne, %convert_element_type3A, %cond3A : i32
    scf.if %cond3A_20 {
      %scan3A_27 = arith.constant 0 : i32
      %scan3A_28 = arith.constant 2 : i32
      %scan3A_29 = arith.addi %scan3A_27, %scan3A_28 : i32
      %scan3A_30 = arith.constant 1 : i32
      scf.for %scan3A_32 = %scan3A_27 to %scan3A_29 step %scan3A_30  : i32 {
        %mul3A_33 = arith.constant 1 : i32
        %mul3A_34 = arith.muli %scan3A_32, %mul3A_33 : i32
        %add3A_35 = arith.constant 0 : i32
        %add3A_36 = arith.addi %add3A_35, %mul3A_34 : i32
        "tpu.region"() ({
          %run_scoped3A_53 = tpu.sem_alloc : memref<!tpu.dma_semaphore, #tpu.memory_space<semaphore_mem>>
          %dma_start3A_54 = arith.constant 0 : i32
          %dma_start3A_55 = arith.constant 0 : i32
          %dma_start3A_56 = tpu.memref_slice %arg4[%add3A_36, %arg1, %dma_start3A_54, %dma_start3A_55] : memref<2x16x40x128xi32, #tpu.memory_space<hbm>> -> memref<1x1x40x128xi32, #tpu.memory_space<hbm>>
          %dma_start3A_57 = tpu.memref_squeeze %dma_start3A_56 : memref<1x1x40x128xi32, #tpu.memory_space<hbm>> -> memref<40x128xi32, #tpu.memory_space<hbm>>
          %dma_start3A_58 = arith.constant 0 : i32
          %dma_start3A_59 = arith.constant 0 : i32
          %dma_start3A_60 = tpu.memref_slice %arg4[%add3A_36, %arg1, %dma_start3A_58, %dma_start3A_59] : memref<2x16x40x128xi32, #tpu.memory_space<hbm>> -> memref<1x1x40x128xi32, #tpu.memory_space<hbm>>
          %dma_start3A_61 = tpu.memref_squeeze %dma_start3A_60 : memref<1x1x40x128xi32, #tpu.memory_space<hbm>> -> memref<40x128xi32, #tpu.memory_space<hbm>>
          tpu.enqueue_dma source(%dma_start3A_61 : memref<40x128xi32, #tpu.memory_space<hbm>>) target(%arg7 : memref<40x128xi32, #tpu.memory_space<vmem>>) target_semaphore(%run_scoped3A_53 : memref<!tpu.dma_semaphore, #tpu.memory_space<semaphore_mem>>)
          %dma_wait3A = arith.constant 0 : i32
          %dma_wait3A_62 = arith.constant 0 : i32
          %dma_wait3A_63 = tpu.memref_slice %arg4[%add3A_36, %arg1, %dma_wait3A, %dma_wait3A_62] : memref<2x16x40x128xi32, #tpu.memory_space<hbm>> -> memref<1x1x40x128xi32, #tpu.memory_space<hbm>>
          %dma_wait3A_64 = tpu.memref_squeeze %dma_wait3A_63 : memref<1x1x40x128xi32, #tpu.memory_space<hbm>> -> memref<40x128xi32, #tpu.memory_space<hbm>>
          %dma_wait3A_65 = arith.constant 0 : i32
          %dma_wait3A_66 = arith.constant 0 : i32
          %dma_wait3A_67 = tpu.memref_slice %arg4[%add3A_36, %arg1, %dma_wait3A_65, %dma_wait3A_66] : memref<2x16x40x128xi32, #tpu.memory_space<hbm>> -> memref<1x1x40x128xi32, #tpu.memory_space<hbm>>
          %dma_wait3A_68 = tpu.memref_squeeze %dma_wait3A_67 : memref<1x1x40x128xi32, #tpu.memory_space<hbm>> -> memref<40x128xi32, #tpu.memory_space<hbm>>
          tpu.wait_dma2 semaphore(%run_scoped3A_53 : memref<!tpu.dma_semaphore, #tpu.memory_space<semaphore_mem>>) src(%dma_wait3A_68 : memref<40x128xi32, #tpu.memory_space<hbm>>) dst(%arg7 : memref<40x128xi32, #tpu.memory_space<vmem>>)
          tpu.yield
        }) : () -> ()
        "tpu.region"() ({
          %run_scoped3A_53 = tpu.sem_alloc : memref<!tpu.dma_semaphore, #tpu.memory_space<semaphore_mem>>
          %dma_start3A_54 = arith.constant 0 : i32
          %dma_start3A_55 = arith.constant 0 : i32
          %dma_start3A_56 = tpu.memref_slice %arg5[%add3A_36, %arg1, %dma_start3A_54, %dma_start3A_55] : memref<2x16x40x128xi32, #tpu.memory_space<hbm>> -> memref<1x1x40x128xi32, #tpu.memory_space<hbm>>
          %dma_start3A_57 = tpu.memref_squeeze %dma_start3A_56 : memref<1x1x40x128xi32, #tpu.memory_space<hbm>> -> memref<40x128xi32, #tpu.memory_space<hbm>>
          %dma_start3A_58 = arith.constant 0 : i32
          %dma_start3A_59 = arith.constant 0 : i32
          %dma_start3A_60 = tpu.memref_slice %arg5[%add3A_36, %arg1, %dma_start3A_58, %dma_start3A_59] : memref<2x16x40x128xi32, #tpu.memory_space<hbm>> -> memref<1x1x40x128xi32, #tpu.memory_space<hbm>>
          %dma_start3A_61 = tpu.memref_squeeze %dma_start3A_60 : memref<1x1x40x128xi32, #tpu.memory_space<hbm>> -> memref<40x128xi32, #tpu.memory_space<hbm>>
          tpu.enqueue_dma source(%dma_start3A_61 : memref<40x128xi32, #tpu.memory_space<hbm>>) target(%arg8 : memref<40x128xi32, #tpu.memory_space<vmem>>) target_semaphore(%run_scoped3A_53 : memref<!tpu.dma_semaphore, #tpu.memory_space<semaphore_mem>>)
          %dma_wait3A = arith.constant 0 : i32
          %dma_wait3A_62 = arith.constant 0 : i32
          %dma_wait3A_63 = tpu.memref_slice %arg5[%add3A_36, %arg1, %dma_wait3A, %dma_wait3A_62] : memref<2x16x40x128xi32, #tpu.memory_space<hbm>> -> memref<1x1x40x128xi32, #tpu.memory_space<hbm>>
          %dma_wait3A_64 = tpu.memref_squeeze %dma_wait3A_63 : memref<1x1x40x128xi32, #tpu.memory_space<hbm>> -> memref<40x128xi32, #tpu.memory_space<hbm>>
          %dma_wait3A_65 = arith.constant 0 : i32
          %dma_wait3A_66 = arith.constant 0 : i32
          %dma_wait3A_67 = tpu.memref_slice %arg5[%add3A_36, %arg1, %dma_wait3A_65, %dma_wait3A_66] : memref<2x16x40x128xi32, #tpu.memory_space<hbm>> -> memref<1x1x40x128xi32, #tpu.memory_space<hbm>>
          %dma_wait3A_68 = tpu.memref_squeeze %dma_wait3A_67 : memref<1x1x40x128xi32, #tpu.memory_space<hbm>> -> memref<40x128xi32, #tpu.memory_space<hbm>>
          tpu.wait_dma2 semaphore(%run_scoped3A_53 : memref<!tpu.dma_semaphore, #tpu.memory_space<semaphore_mem>>) src(%dma_wait3A_68 : memref<40x128xi32, #tpu.memory_space<hbm>>) dst(%arg8 : memref<40x128xi32, #tpu.memory_space<vmem>>)
          tpu.yield
        }) : () -> ()
        %dma_start3A = arith.constant 0 : i32
        %dma_start3A_37 = arith.constant 0 : i32
        %dma_start3A_38 = arith.constant 0 : i32
        %dma_start3A_39 = arith.constant 0 : i32
        %dma_start3A_40 = tpu.memref_slice %arg9[%dma_start3A_37, %dma_start3A_38, %dma_start3A_39] : memref<2x128x128xf32, #tpu.memory_space<vmem>> -> memref<1x128x128xf32, #tpu.memory_space<vmem>>
        %dma_start3A_41 = tpu.memref_squeeze %dma_start3A_40 : memref<1x128x128xf32, #tpu.memory_space<vmem>> -> memref<128x128xf32, #tpu.memory_space<vmem>>
        %dma_start3A_42 = arith.constant 0 : i32
        %dma_start3A_43 = tpu.memref_slice %arg7[%dma_start3A, %dma_start3A_42] : memref<40x128xi32, #tpu.memory_space<vmem>> -> memref<1x128xi32, #tpu.memory_space<vmem>>
        %dma_start3A_44 = tpu.memref_squeeze %dma_start3A_43 : memref<1x128xi32, #tpu.memory_space<vmem>> -> memref<128xi32, #tpu.memory_space<vmem>>
        %dma_start3A_45 = arith.constant 0 : i32
        %dma_start3A_46 = arith.constant 0 : i32
        %dma_start3A_47 = tpu.memref_slice %arg2[%dma_start3A_45, %dma_start3A_46] : memref<10000x128xf32, #tpu.memory_space<hbm>> -> memref<10000x128xf32, #tpu.memory_space<hbm>>
        tpu.enqueue_indirect_dma source(%dma_start3A_47 : memref<10000x128xf32, #tpu.memory_space<hbm>>) target(%dma_start3A_41 : memref<128x128xf32, #tpu.memory_space<vmem>>) offsets(%dma_start3A_44 : memref<128xi32, #tpu.memory_space<vmem>>) semaphore(%arg11 : memref<!tpu.dma_semaphore, #tpu.memory_space<semaphore_mem>>)
        %scan3A_48 = arith.constant 0 : i32
        %scan3A_49 = arith.constant 20 : i32
        %scan3A_50 = arith.addi %scan3A_48, %scan3A_49 : i32
        %scan3A_51 = arith.constant 1 : i32
        scf.for %scan3A_53 = %scan3A_48 to %scan3A_50 step %scan3A_51  : i32 {
          %mul3A_54 = arith.constant 2 : i32
          %mul3A_55 = arith.muli %scan3A_53, %mul3A_54 : i32
          %add3A_56 = arith.constant 0 : i32
          %add3A_57 = arith.addi %add3A_56, %mul3A_55 : i32
          %add3A_58 = arith.constant 1 : i32
          %add3A_59 = arith.addi %add3A_57, %add3A_58 : i32
          %dma_start3A_60 = arith.constant 1 : i32
          %dma_start3A_61 = arith.constant 0 : i32
          %dma_start3A_62 = arith.constant 0 : i32
          %dma_start3A_63 = tpu.memref_slice %arg9[%dma_start3A_60, %dma_start3A_61, %dma_start3A_62] : memref<2x128x128xf32, #tpu.memory_space<vmem>> -> memref<1x128x128xf32, #tpu.memory_space<vmem>>
          %dma_start3A_64 = tpu.memref_squeeze %dma_start3A_63 : memref<1x128x128xf32, #tpu.memory_space<vmem>> -> memref<128x128xf32, #tpu.memory_space<vmem>>
          %dma_start3A_65 = arith.constant 0 : i32
          %dma_start3A_66 = tpu.memref_slice %arg7[%add3A_59, %dma_start3A_65] : memref<40x128xi32, #tpu.memory_space<vmem>> -> memref<1x128xi32, #tpu.memory_space<vmem>>
          %dma_start3A_67 = tpu.memref_squeeze %dma_start3A_66 : memref<1x128xi32, #tpu.memory_space<vmem>> -> memref<128xi32, #tpu.memory_space<vmem>>
          %dma_start3A_68 = arith.constant 0 : i32
          %dma_start3A_69 = arith.constant 0 : i32
          %dma_start3A_70 = tpu.memref_slice %arg2[%dma_start3A_68, %dma_start3A_69] : memref<10000x128xf32, #tpu.memory_space<hbm>> -> memref<10000x128xf32, #tpu.memory_space<hbm>>
          tpu.enqueue_indirect_dma source(%dma_start3A_70 : memref<10000x128xf32, #tpu.memory_space<hbm>>) target(%dma_start3A_64 : memref<128x128xf32, #tpu.memory_space<vmem>>) offsets(%dma_start3A_67 : memref<128xi32, #tpu.memory_space<vmem>>) semaphore(%arg12 : memref<!tpu.dma_semaphore, #tpu.memory_space<semaphore_mem>>)
          %dma_wait3A = arith.constant 0 : i32
          %dma_wait3A_71 = arith.constant 0 : i32
          %dma_wait3A_72 = arith.constant 0 : i32
          %dma_wait3A_73 = tpu.memref_slice %arg9[%dma_wait3A, %dma_wait3A_71, %dma_wait3A_72] : memref<2x128x128xf32, #tpu.memory_space<vmem>> -> memref<1x128x128xf32, #tpu.memory_space<vmem>>
          %dma_wait3A_74 = tpu.memref_squeeze %dma_wait3A_73 : memref<1x128x128xf32, #tpu.memory_space<vmem>> -> memref<128x128xf32, #tpu.memory_space<vmem>>
          %dma_wait3A_75 = arith.constant 0 : i32
          %dma_wait3A_76 = arith.constant 0 : i32
          %dma_wait3A_77 = tpu.memref_slice %arg2[%dma_wait3A_75, %dma_wait3A_76] : memref<10000x128xf32, #tpu.memory_space<hbm>> -> memref<128x128xf32, #tpu.memory_space<hbm>>
          %dma_wait3A_78 = arith.constant 0 : i32
          %dma_wait3A_79 = arith.constant 0 : i32
          %dma_wait3A_80 = tpu.memref_slice %arg9[%dma_wait3A, %dma_wait3A_78, %dma_wait3A_79] : memref<2x128x128xf32, #tpu.memory_space<vmem>> -> memref<1x128x128xf32, #tpu.memory_space<vmem>>
          %dma_wait3A_81 = tpu.memref_squeeze %dma_wait3A_80 : memref<1x128x128xf32, #tpu.memory_space<vmem>> -> memref<128x128xf32, #tpu.memory_space<vmem>>
          %dma_wait3A_82 = arith.constant 0 : i32
          %dma_wait3A_83 = arith.constant 0 : i32
          %dma_wait3A_84 = tpu.memref_slice %arg2[%dma_wait3A_82, %dma_wait3A_83] : memref<10000x128xf32, #tpu.memory_space<hbm>> -> memref<128x128xf32, #tpu.memory_space<hbm>>
          tpu.wait_dma2 semaphore(%arg11 : memref<!tpu.dma_semaphore, #tpu.memory_space<semaphore_mem>>) src(%dma_wait3A_84 : memref<128x128xf32, #tpu.memory_space<hbm>>) dst(%dma_wait3A_81 : memref<128x128xf32, #tpu.memory_space<vmem>>)
          %dma_start3A_85 = arith.constant 0 : i32
          %dma_start3A_86 = arith.constant 0 : i32
          %dma_start3A_87 = arith.constant 0 : i32
          %dma_start3A_88 = tpu.memref_slice %arg9[%dma_start3A_85, %dma_start3A_86, %dma_start3A_87] : memref<2x128x128xf32, #tpu.memory_space<vmem>> -> memref<1x128x128xf32, #tpu.memory_space<vmem>>
          %dma_start3A_89 = tpu.memref_squeeze %dma_start3A_88 : memref<1x128x128xf32, #tpu.memory_space<vmem>> -> memref<128x128xf32, #tpu.memory_space<vmem>>
          %dma_start3A_90 = arith.constant 0 : i32
          %dma_start3A_91 = tpu.memref_slice %arg8[%add3A_57, %dma_start3A_90] : memref<40x128xi32, #tpu.memory_space<vmem>> -> memref<1x128xi32, #tpu.memory_space<vmem>>
          %dma_start3A_92 = tpu.memref_squeeze %dma_start3A_91 : memref<1x128xi32, #tpu.memory_space<vmem>> -> memref<128xi32, #tpu.memory_space<vmem>>
          %dma_start3A_93 = arith.constant 0 : i32
          %dma_start3A_94 = arith.constant 0 : i32
          %dma_start3A_95 = tpu.memref_slice %arg10[%dma_start3A_93, %dma_start3A_94] : memref<10240x128xf32, #tpu.memory_space<vmem_shared>> -> memref<10240x128xf32, #tpu.memory_space<vmem_shared>>
          tpu.enqueue_indirect_dma source(%dma_start3A_89 : memref<128x128xf32, #tpu.memory_space<vmem>>) target(%dma_start3A_95 : memref<10240x128xf32, #tpu.memory_space<vmem_shared>>) offsets(%dma_start3A_92 : memref<128xi32, #tpu.memory_space<vmem>>) semaphore(%arg13 : memref<!tpu.dma_semaphore, #tpu.memory_space<semaphore_mem>>) {add = true}
          %dma_wait3A_96 = arith.constant 0 : i32
          %dma_wait3A_97 = arith.constant 0 : i32
          %dma_wait3A_98 = arith.constant 0 : i32
          %dma_wait3A_99 = tpu.memref_slice %arg9[%dma_wait3A_96, %dma_wait3A_97, %dma_wait3A_98] : memref<2x128x128xf32, #tpu.memory_space<vmem>> -> memref<1x128x128xf32, #tpu.memory_space<vmem>>
          %dma_wait3A_100 = tpu.memref_squeeze %dma_wait3A_99 : memref<1x128x128xf32, #tpu.memory_space<vmem>> -> memref<128x128xf32, #tpu.memory_space<vmem>>
          %dma_wait3A_101 = arith.constant 0 : i32
          %dma_wait3A_102 = arith.constant 0 : i32
          %dma_wait3A_103 = tpu.memref_slice %arg10[%dma_wait3A_101, %dma_wait3A_102] : memref<10240x128xf32, #tpu.memory_space<vmem_shared>> -> memref<128x128xf32, #tpu.memory_space<vmem_shared>>
          %dma_wait3A_104 = arith.constant 0 : i32
          %dma_wait3A_105 = arith.constant 0 : i32
          %dma_wait3A_106 = tpu.memref_slice %arg10[%dma_wait3A_104, %dma_wait3A_105] : memref<10240x128xf32, #tpu.memory_space<vmem_shared>> -> memref<128x128xf32, #tpu.memory_space<vmem_shared>>
          %dma_wait3A_107 = arith.constant 0 : i32
          %dma_wait3A_108 = arith.constant 0 : i32
          %dma_wait3A_109 = tpu.memref_slice %arg9[%dma_wait3A_96, %dma_wait3A_107, %dma_wait3A_108] : memref<2x128x128xf32, #tpu.memory_space<vmem>> -> memref<1x128x128xf32, #tpu.memory_space<vmem>>
          %dma_wait3A_110 = tpu.memref_squeeze %dma_wait3A_109 : memref<1x128x128xf32, #tpu.memory_space<vmem>> -> memref<128x128xf32, #tpu.memory_space<vmem>>
          tpu.wait_dma2 semaphore(%arg13 : memref<!tpu.dma_semaphore, #tpu.memory_space<semaphore_mem>>) src(%dma_wait3A_110 : memref<128x128xf32, #tpu.memory_space<vmem>>) dst(%dma_wait3A_106 : memref<128x128xf32, #tpu.memory_space<vmem_shared>>)
          %add3A_111 = arith.constant 2 : i32
          %add3A_112 = arith.addi %add3A_57, %add3A_111 : i32
          %lt3A = arith.constant 40 : i32
          %lt3A_113 = arith.cmpi slt, %add3A_112, %lt3A : i32
          %convert_element_type3A_114 = arith.extui %lt3A_113 : i1 to i32
          %cond3A_115 = arith.constant 0 : i32
          %cond3A_116 = arith.cmpi ne, %convert_element_type3A_114, %cond3A_115 : i32
          scf.if %cond3A_116 {
            %add3A_160 = arith.constant 2 : i32
            %add3A_161 = arith.addi %add3A_57, %add3A_160 : i32
            %dma_start3A_162 = arith.constant 0 : i32
            %dma_start3A_163 = arith.constant 0 : i32
            %dma_start3A_164 = arith.constant 0 : i32
            %dma_start3A_165 = tpu.memref_slice %arg9[%dma_start3A_162, %dma_start3A_163, %dma_start3A_164] : memref<2x128x128xf32, #tpu.memory_space<vmem>> -> memref<1x128x128xf32, #tpu.memory_space<vmem>>
            %dma_start3A_166 = tpu.memref_squeeze %dma_start3A_165 : memref<1x128x128xf32, #tpu.memory_space<vmem>> -> memref<128x128xf32, #tpu.memory_space<vmem>>
            %dma_start3A_167 = arith.constant 0 : i32
            %dma_start3A_168 = tpu.memref_slice %arg7[%add3A_161, %dma_start3A_167] : memref<40x128xi32, #tpu.memory_space<vmem>> -> memref<1x128xi32, #tpu.memory_space<vmem>>
            %dma_start3A_169 = tpu.memref_squeeze %dma_start3A_168 : memref<1x128xi32, #tpu.memory_space<vmem>> -> memref<128xi32, #tpu.memory_space<vmem>>
            %dma_start3A_170 = arith.constant 0 : i32
            %dma_start3A_171 = arith.constant 0 : i32
            %dma_start3A_172 = tpu.memref_slice %arg2[%dma_start3A_170, %dma_start3A_171] : memref<10000x128xf32, #tpu.memory_space<hbm>> -> memref<10000x128xf32, #tpu.memory_space<hbm>>
            tpu.enqueue_indirect_dma source(%dma_start3A_172 : memref<10000x128xf32, #tpu.memory_space<hbm>>) target(%dma_start3A_166 : memref<128x128xf32, #tpu.memory_space<vmem>>) offsets(%dma_start3A_169 : memref<128xi32, #tpu.memory_space<vmem>>) semaphore(%arg11 : memref<!tpu.dma_semaphore, #tpu.memory_space<semaphore_mem>>)
          } else {
          }
          %dma_wait3A_117 = arith.constant 1 : i32
          %dma_wait3A_118 = arith.constant 0 : i32
          %dma_wait3A_119 = arith.constant 0 : i32
          %dma_wait3A_120 = tpu.memref_slice %arg9[%dma_wait3A_117, %dma_wait3A_118, %dma_wait3A_119] : memref<2x128x128xf32, #tpu.memory_space<vmem>> -> memref<1x128x128xf32, #tpu.memory_space<vmem>>
          %dma_wait3A_121 = tpu.memref_squeeze %dma_wait3A_120 : memref<1x128x128xf32, #tpu.memory_space<vmem>> -> memref<128x128xf32, #tpu.memory_space<vmem>>
          %dma_wait3A_122 = arith.constant 0 : i32
          %dma_wait3A_123 = arith.constant 0 : i32
          %dma_wait3A_124 = tpu.memref_slice %arg2[%dma_wait3A_122, %dma_wait3A_123] : memref<10000x128xf32, #tpu.memory_space<hbm>> -> memref<128x128xf32, #tpu.memory_space<hbm>>
          %dma_wait3A_125 = arith.constant 0 : i32
          %dma_wait3A_126 = arith.constant 0 : i32
          %dma_wait3A_127 = tpu.memref_slice %arg9[%dma_wait3A_117, %dma_wait3A_125, %dma_wait3A_126] : memref<2x128x128xf32, #tpu.memory_space<vmem>> -> memref<1x128x128xf32, #tpu.memory_space<vmem>>
          %dma_wait3A_128 = tpu.memref_squeeze %dma_wait3A_127 : memref<1x128x128xf32, #tpu.memory_space<vmem>> -> memref<128x128xf32, #tpu.memory_space<vmem>>
          %dma_wait3A_129 = arith.constant 0 : i32
          %dma_wait3A_130 = arith.constant 0 : i32
          %dma_wait3A_131 = tpu.memref_slice %arg2[%dma_wait3A_129, %dma_wait3A_130] : memref<10000x128xf32, #tpu.memory_space<hbm>> -> memref<128x128xf32, #tpu.memory_space<hbm>>
          tpu.wait_dma2 semaphore(%arg12 : memref<!tpu.dma_semaphore, #tpu.memory_space<semaphore_mem>>) src(%dma_wait3A_131 : memref<128x128xf32, #tpu.memory_space<hbm>>) dst(%dma_wait3A_128 : memref<128x128xf32, #tpu.memory_space<vmem>>)
          %add3A_132 = arith.constant 1 : i32
          %add3A_133 = arith.addi %add3A_57, %add3A_132 : i32
          %dma_start3A_134 = arith.constant 1 : i32
          %dma_start3A_135 = arith.constant 0 : i32
          %dma_start3A_136 = arith.constant 0 : i32
          %dma_start3A_137 = tpu.memref_slice %arg9[%dma_start3A_134, %dma_start3A_135, %dma_start3A_136] : memref<2x128x128xf32, #tpu.memory_space<vmem>> -> memref<1x128x128xf32, #tpu.memory_space<vmem>>
          %dma_start3A_138 = tpu.memref_squeeze %dma_start3A_137 : memref<1x128x128xf32, #tpu.memory_space<vmem>> -> memref<128x128xf32, #tpu.memory_space<vmem>>
          %dma_start3A_139 = arith.constant 0 : i32
          %dma_start3A_140 = tpu.memref_slice %arg8[%add3A_133, %dma_start3A_139] : memref<40x128xi32, #tpu.memory_space<vmem>> -> memref<1x128xi32, #tpu.memory_space<vmem>>
          %dma_start3A_141 = tpu.memref_squeeze %dma_start3A_140 : memref<1x128xi32, #tpu.memory_space<vmem>> -> memref<128xi32, #tpu.memory_space<vmem>>
          %dma_start3A_142 = arith.constant 0 : i32
          %dma_start3A_143 = arith.constant 0 : i32
          %dma_start3A_144 = tpu.memref_slice %arg10[%dma_start3A_142, %dma_start3A_143] : memref<10240x128xf32, #tpu.memory_space<vmem_shared>> -> memref<10240x128xf32, #tpu.memory_space<vmem_shared>>
          tpu.enqueue_indirect_dma source(%dma_start3A_138 : memref<128x128xf32, #tpu.memory_space<vmem>>) target(%dma_start3A_144 : memref<10240x128xf32, #tpu.memory_space<vmem_shared>>) offsets(%dma_start3A_141 : memref<128xi32, #tpu.memory_space<vmem>>) semaphore(%arg14 : memref<!tpu.dma_semaphore, #tpu.memory_space<semaphore_mem>>) {add = true}
          %dma_wait3A_145 = arith.constant 1 : i32
          %dma_wait3A_146 = arith.constant 0 : i32
          %dma_wait3A_147 = arith.constant 0 : i32
          %dma_wait3A_148 = tpu.memref_slice %arg9[%dma_wait3A_145, %dma_wait3A_146, %dma_wait3A_147] : memref<2x128x128xf32, #tpu.memory_space<vmem>> -> memref<1x128x128xf32, #tpu.memory_space<vmem>>
          %dma_wait3A_149 = tpu.memref_squeeze %dma_wait3A_148 : memref<1x128x128xf32, #tpu.memory_space<vmem>> -> memref<128x128xf32, #tpu.memory_space<vmem>>
          %dma_wait3A_150 = arith.constant 0 : i32
          %dma_wait3A_151 = arith.constant 0 : i32
          %dma_wait3A_152 = tpu.memref_slice %arg10[%dma_wait3A_150, %dma_wait3A_151] : memref<10240x128xf32, #tpu.memory_space<vmem_shared>> -> memref<128x128xf32, #tpu.memory_space<vmem_shared>>
          %dma_wait3A_153 = arith.constant 0 : i32
          %dma_wait3A_154 = arith.constant 0 : i32
          %dma_wait3A_155 = tpu.memref_slice %arg10[%dma_wait3A_153, %dma_wait3A_154] : memref<10240x128xf32, #tpu.memory_space<vmem_shared>> -> memref<128x128xf32, #tpu.memory_space<vmem_shared>>
          %dma_wait3A_156 = arith.constant 0 : i32
          %dma_wait3A_157 = arith.constant 0 : i32
          %dma_wait3A_158 = tpu.memref_slice %arg9[%dma_wait3A_145, %dma_wait3A_156, %dma_wait3A_157] : memref<2x128x128xf32, #tpu.memory_space<vmem>> -> memref<1x128x128xf32, #tpu.memory_space<vmem>>
          %dma_wait3A_159 = tpu.memref_squeeze %dma_wait3A_158 : memref<1x128x128xf32, #tpu.memory_space<vmem>> -> memref<128x128xf32, #tpu.memory_space<vmem>>
          tpu.wait_dma2 semaphore(%arg14 : memref<!tpu.dma_semaphore, #tpu.memory_space<semaphore_mem>>) src(%dma_wait3A_159 : memref<128x128xf32, #tpu.memory_space<vmem>>) dst(%dma_wait3A_155 : memref<128x128xf32, #tpu.memory_space<vmem_shared>>)
        }
        %scan3A_52 = arith.constant 20 : i32
      }
      %scan3A_31 = arith.constant 2 : i32
    } else {
    }
    %eq3A_21 = arith.constant 1 : i32
    %eq3A_22 = arith.cmpi eq, %arg0, %eq3A_21 : i32
    %convert_element_type3A_23 = arith.extui %eq3A_22 : i1 to i32
    %cond3A_24 = arith.constant 0 : i32
    %cond3A_25 = arith.cmpi ne, %convert_element_type3A_23, %cond3A_24 : i32
    scf.if %cond3A_25 {
      %scan3A_27 = arith.constant 0 : i32
      %scan3A_28 = arith.constant 2 : i32
      %scan3A_29 = arith.addi %scan3A_27, %scan3A_28 : i32
      %scan3A_30 = arith.constant 1 : i32
      scf.for %scan3A_32 = %scan3A_27 to %scan3A_29 step %scan3A_30  : i32 {
        %mul3A_33 = arith.constant 1 : i32
        %mul3A_34 = arith.muli %scan3A_32, %mul3A_33 : i32
        %add3A_35 = arith.constant 0 : i32
        %add3A_36 = arith.addi %add3A_35, %mul3A_34 : i32
        "tpu.region"() ({
          %run_scoped3A_53 = tpu.sem_alloc : memref<!tpu.dma_semaphore, #tpu.memory_space<semaphore_mem>>
          %dma_start3A_54 = arith.constant 0 : i32
          %dma_start3A_55 = arith.constant 0 : i32
          %dma_start3A_56 = tpu.memref_slice %arg4[%add3A_36, %arg1, %dma_start3A_54, %dma_start3A_55] : memref<2x16x40x128xi32, #tpu.memory_space<hbm>> -> memref<1x1x40x128xi32, #tpu.memory_space<hbm>>
          %dma_start3A_57 = tpu.memref_squeeze %dma_start3A_56 : memref<1x1x40x128xi32, #tpu.memory_space<hbm>> -> memref<40x128xi32, #tpu.memory_space<hbm>>
          %dma_start3A_58 = arith.constant 0 : i32
          %dma_start3A_59 = arith.constant 0 : i32
          %dma_start3A_60 = tpu.memref_slice %arg4[%add3A_36, %arg1, %dma_start3A_58, %dma_start3A_59] : memref<2x16x40x128xi32, #tpu.memory_space<hbm>> -> memref<1x1x40x128xi32, #tpu.memory_space<hbm>>
          %dma_start3A_61 = tpu.memref_squeeze %dma_start3A_60 : memref<1x1x40x128xi32, #tpu.memory_space<hbm>> -> memref<40x128xi32, #tpu.memory_space<hbm>>
          tpu.enqueue_dma source(%dma_start3A_61 : memref<40x128xi32, #tpu.memory_space<hbm>>) target(%arg7 : memref<40x128xi32, #tpu.memory_space<vmem>>) target_semaphore(%run_scoped3A_53 : memref<!tpu.dma_semaphore, #tpu.memory_space<semaphore_mem>>)
          %dma_wait3A = arith.constant 0 : i32
          %dma_wait3A_62 = arith.constant 0 : i32
          %dma_wait3A_63 = tpu.memref_slice %arg4[%add3A_36, %arg1, %dma_wait3A, %dma_wait3A_62] : memref<2x16x40x128xi32, #tpu.memory_space<hbm>> -> memref<1x1x40x128xi32, #tpu.memory_space<hbm>>
          %dma_wait3A_64 = tpu.memref_squeeze %dma_wait3A_63 : memref<1x1x40x128xi32, #tpu.memory_space<hbm>> -> memref<40x128xi32, #tpu.memory_space<hbm>>
          %dma_wait3A_65 = arith.constant 0 : i32
          %dma_wait3A_66 = arith.constant 0 : i32
          %dma_wait3A_67 = tpu.memref_slice %arg4[%add3A_36, %arg1, %dma_wait3A_65, %dma_wait3A_66] : memref<2x16x40x128xi32, #tpu.memory_space<hbm>> -> memref<1x1x40x128xi32, #tpu.memory_space<hbm>>
          %dma_wait3A_68 = tpu.memref_squeeze %dma_wait3A_67 : memref<1x1x40x128xi32, #tpu.memory_space<hbm>> -> memref<40x128xi32, #tpu.memory_space<hbm>>
          tpu.wait_dma2 semaphore(%run_scoped3A_53 : memref<!tpu.dma_semaphore, #tpu.memory_space<semaphore_mem>>) src(%dma_wait3A_68 : memref<40x128xi32, #tpu.memory_space<hbm>>) dst(%arg7 : memref<40x128xi32, #tpu.memory_space<vmem>>)
          tpu.yield
        }) : () -> ()
        "tpu.region"() ({
          %run_scoped3A_53 = tpu.sem_alloc : memref<!tpu.dma_semaphore, #tpu.memory_space<semaphore_mem>>
          %dma_start3A_54 = arith.constant 0 : i32
          %dma_start3A_55 = arith.constant 0 : i32
          %dma_start3A_56 = tpu.memref_slice %arg5[%add3A_36, %arg1, %dma_start3A_54, %dma_start3A_55] : memref<2x16x40x128xi32, #tpu.memory_space<hbm>> -> memref<1x1x40x128xi32, #tpu.memory_space<hbm>>
          %dma_start3A_57 = tpu.memref_squeeze %dma_start3A_56 : memref<1x1x40x128xi32, #tpu.memory_space<hbm>> -> memref<40x128xi32, #tpu.memory_space<hbm>>
          %dma_start3A_58 = arith.constant 0 : i32
          %dma_start3A_59 = arith.constant 0 : i32
          %dma_start3A_60 = tpu.memref_slice %arg5[%add3A_36, %arg1, %dma_start3A_58, %dma_start3A_59] : memref<2x16x40x128xi32, #tpu.memory_space<hbm>> -> memref<1x1x40x128xi32, #tpu.memory_space<hbm>>
          %dma_start3A_61 = tpu.memref_squeeze %dma_start3A_60 : memref<1x1x40x128xi32, #tpu.memory_space<hbm>> -> memref<40x128xi32, #tpu.memory_space<hbm>>
          tpu.enqueue_dma source(%dma_start3A_61 : memref<40x128xi32, #tpu.memory_space<hbm>>) target(%arg8 : memref<40x128xi32, #tpu.memory_space<vmem>>) target_semaphore(%run_scoped3A_53 : memref<!tpu.dma_semaphore, #tpu.memory_space<semaphore_mem>>)
          %dma_wait3A = arith.constant 0 : i32
          %dma_wait3A_62 = arith.constant 0 : i32
          %dma_wait3A_63 = tpu.memref_slice %arg5[%add3A_36, %arg1, %dma_wait3A, %dma_wait3A_62] : memref<2x16x40x128xi32, #tpu.memory_space<hbm>> -> memref<1x1x40x128xi32, #tpu.memory_space<hbm>>
          %dma_wait3A_64 = tpu.memref_squeeze %dma_wait3A_63 : memref<1x1x40x128xi32, #tpu.memory_space<hbm>> -> memref<40x128xi32, #tpu.memory_space<hbm>>
          %dma_wait3A_65 = arith.constant 0 : i32
          %dma_wait3A_66 = arith.constant 0 : i32
          %dma_wait3A_67 = tpu.memref_slice %arg5[%add3A_36, %arg1, %dma_wait3A_65, %dma_wait3A_66] : memref<2x16x40x128xi32, #tpu.memory_space<hbm>> -> memref<1x1x40x128xi32, #tpu.memory_space<hbm>>
          %dma_wait3A_68 = tpu.memref_squeeze %dma_wait3A_67 : memref<1x1x40x128xi32, #tpu.memory_space<hbm>> -> memref<40x128xi32, #tpu.memory_space<hbm>>
          tpu.wait_dma2 semaphore(%run_scoped3A_53 : memref<!tpu.dma_semaphore, #tpu.memory_space<semaphore_mem>>) src(%dma_wait3A_68 : memref<40x128xi32, #tpu.memory_space<hbm>>) dst(%arg8 : memref<40x128xi32, #tpu.memory_space<vmem>>)
          tpu.yield
        }) : () -> ()
        %dma_start3A = arith.constant 0 : i32
        %dma_start3A_37 = arith.constant 0 : i32
        %dma_start3A_38 = arith.constant 0 : i32
        %dma_start3A_39 = arith.constant 0 : i32
        %dma_start3A_40 = tpu.memref_slice %arg9[%dma_start3A_37, %dma_start3A_38, %dma_start3A_39] : memref<2x128x128xf32, #tpu.memory_space<vmem>> -> memref<1x128x128xf32, #tpu.memory_space<vmem>>
        %dma_start3A_41 = tpu.memref_squeeze %dma_start3A_40 : memref<1x128x128xf32, #tpu.memory_space<vmem>> -> memref<128x128xf32, #tpu.memory_space<vmem>>
        %dma_start3A_42 = arith.constant 0 : i32
        %dma_start3A_43 = tpu.memref_slice %arg7[%dma_start3A, %dma_start3A_42] : memref<40x128xi32, #tpu.memory_space<vmem>> -> memref<1x128xi32, #tpu.memory_space<vmem>>
        %dma_start3A_44 = tpu.memref_squeeze %dma_start3A_43 : memref<1x128xi32, #tpu.memory_space<vmem>> -> memref<128xi32, #tpu.memory_space<vmem>>
        %dma_start3A_45 = arith.constant 0 : i32
        %dma_start3A_46 = arith.constant 0 : i32
        %dma_start3A_47 = tpu.memref_slice %arg3[%dma_start3A_45, %dma_start3A_46] : memref<10000x128xf32, #tpu.memory_space<hbm>> -> memref<10000x128xf32, #tpu.memory_space<hbm>>
        tpu.enqueue_indirect_dma source(%dma_start3A_47 : memref<10000x128xf32, #tpu.memory_space<hbm>>) target(%dma_start3A_41 : memref<128x128xf32, #tpu.memory_space<vmem>>) offsets(%dma_start3A_44 : memref<128xi32, #tpu.memory_space<vmem>>) semaphore(%arg11 : memref<!tpu.dma_semaphore, #tpu.memory_space<semaphore_mem>>)
        %scan3A_48 = arith.constant 0 : i32
        %scan3A_49 = arith.constant 20 : i32
        %scan3A_50 = arith.addi %scan3A_48, %scan3A_49 : i32
        %scan3A_51 = arith.constant 1 : i32
        scf.for %scan3A_53 = %scan3A_48 to %scan3A_50 step %scan3A_51  : i32 {
          %mul3A_54 = arith.constant 2 : i32
          %mul3A_55 = arith.muli %scan3A_53, %mul3A_54 : i32
          %add3A_56 = arith.constant 0 : i32
          %add3A_57 = arith.addi %add3A_56, %mul3A_55 : i32
          %add3A_58 = arith.constant 1 : i32
          %add3A_59 = arith.addi %add3A_57, %add3A_58 : i32
          %dma_start3A_60 = arith.constant 1 : i32
          %dma_start3A_61 = arith.constant 0 : i32
          %dma_start3A_62 = arith.constant 0 : i32
          %dma_start3A_63 = tpu.memref_slice %arg9[%dma_start3A_60, %dma_start3A_61, %dma_start3A_62] : memref<2x128x128xf32, #tpu.memory_space<vmem>> -> memref<1x128x128xf32, #tpu.memory_space<vmem>>
          %dma_start3A_64 = tpu.memref_squeeze %dma_start3A_63 : memref<1x128x128xf32, #tpu.memory_space<vmem>> -> memref<128x128xf32, #tpu.memory_space<vmem>>
          %dma_start3A_65 = arith.constant 0 : i32
          %dma_start3A_66 = tpu.memref_slice %arg7[%add3A_59, %dma_start3A_65] : memref<40x128xi32, #tpu.memory_space<vmem>> -> memref<1x128xi32, #tpu.memory_space<vmem>>
          %dma_start3A_67 = tpu.memref_squeeze %dma_start3A_66 : memref<1x128xi32, #tpu.memory_space<vmem>> -> memref<128xi32, #tpu.memory_space<vmem>>
          %dma_start3A_68 = arith.constant 0 : i32
          %dma_start3A_69 = arith.constant 0 : i32
          %dma_start3A_70 = tpu.memref_slice %arg3[%dma_start3A_68, %dma_start3A_69] : memref<10000x128xf32, #tpu.memory_space<hbm>> -> memref<10000x128xf32, #tpu.memory_space<hbm>>
          tpu.enqueue_indirect_dma source(%dma_start3A_70 : memref<10000x128xf32, #tpu.memory_space<hbm>>) target(%dma_start3A_64 : memref<128x128xf32, #tpu.memory_space<vmem>>) offsets(%dma_start3A_67 : memref<128xi32, #tpu.memory_space<vmem>>) semaphore(%arg12 : memref<!tpu.dma_semaphore, #tpu.memory_space<semaphore_mem>>)
          %dma_wait3A = arith.constant 0 : i32
          %dma_wait3A_71 = arith.constant 0 : i32
          %dma_wait3A_72 = arith.constant 0 : i32
          %dma_wait3A_73 = tpu.memref_slice %arg9[%dma_wait3A, %dma_wait3A_71, %dma_wait3A_72] : memref<2x128x128xf32, #tpu.memory_space<vmem>> -> memref<1x128x128xf32, #tpu.memory_space<vmem>>
          %dma_wait3A_74 = tpu.memref_squeeze %dma_wait3A_73 : memref<1x128x128xf32, #tpu.memory_space<vmem>> -> memref<128x128xf32, #tpu.memory_space<vmem>>
          %dma_wait3A_75 = arith.constant 0 : i32
          %dma_wait3A_76 = arith.constant 0 : i32
          %dma_wait3A_77 = tpu.memref_slice %arg2[%dma_wait3A_75, %dma_wait3A_76] : memref<10000x128xf32, #tpu.memory_space<hbm>> -> memref<128x128xf32, #tpu.memory_space<hbm>>
          %dma_wait3A_78 = arith.constant 0 : i32
          %dma_wait3A_79 = arith.constant 0 : i32
          %dma_wait3A_80 = tpu.memref_slice %arg9[%dma_wait3A, %dma_wait3A_78, %dma_wait3A_79] : memref<2x128x128xf32, #tpu.memory_space<vmem>> -> memref<1x128x128xf32, #tpu.memory_space<vmem>>
          %dma_wait3A_81 = tpu.memref_squeeze %dma_wait3A_80 : memref<1x128x128xf32, #tpu.memory_space<vmem>> -> memref<128x128xf32, #tpu.memory_space<vmem>>
          %dma_wait3A_82 = arith.constant 0 : i32
          %dma_wait3A_83 = arith.constant 0 : i32
          %dma_wait3A_84 = tpu.memref_slice %arg2[%dma_wait3A_82, %dma_wait3A_83] : memref<10000x128xf32, #tpu.memory_space<hbm>> -> memref<128x128xf32, #tpu.memory_space<hbm>>
          tpu.wait_dma2 semaphore(%arg11 : memref<!tpu.dma_semaphore, #tpu.memory_space<semaphore_mem>>) src(%dma_wait3A_84 : memref<128x128xf32, #tpu.memory_space<hbm>>) dst(%dma_wait3A_81 : memref<128x128xf32, #tpu.memory_space<vmem>>)
          %dma_start3A_85 = arith.constant 0 : i32
          %dma_start3A_86 = arith.constant 0 : i32
          %dma_start3A_87 = arith.constant 0 : i32
          %dma_start3A_88 = tpu.memref_slice %arg9[%dma_start3A_85, %dma_start3A_86, %dma_start3A_87] : memref<2x128x128xf32, #tpu.memory_space<vmem>> -> memref<1x128x128xf32, #tpu.memory_space<vmem>>
          %dma_start3A_89 = tpu.memref_squeeze %dma_start3A_88 : memref<1x128x128xf32, #tpu.memory_space<vmem>> -> memref<128x128xf32, #tpu.memory_space<vmem>>
          %dma_start3A_90 = arith.constant 0 : i32
          %dma_start3A_91 = tpu.memref_slice %arg8[%add3A_57, %dma_start3A_90] : memref<40x128xi32, #tpu.memory_space<vmem>> -> memref<1x128xi32, #tpu.memory_space<vmem>>
          %dma_start3A_92 = tpu.memref_squeeze %dma_start3A_91 : memref<1x128xi32, #tpu.memory_space<vmem>> -> memref<128xi32, #tpu.memory_space<vmem>>
          %dma_start3A_93 = arith.constant 0 : i32
          %dma_start3A_94 = arith.constant 0 : i32
          %dma_start3A_95 = tpu.memref_slice %arg10[%dma_start3A_93, %dma_start3A_94] : memref<10240x128xf32, #tpu.memory_space<vmem_shared>> -> memref<10240x128xf32, #tpu.memory_space<vmem_shared>>
          tpu.enqueue_indirect_dma source(%dma_start3A_89 : memref<128x128xf32, #tpu.memory_space<vmem>>) target(%dma_start3A_95 : memref<10240x128xf32, #tpu.memory_space<vmem_shared>>) offsets(%dma_start3A_92 : memref<128xi32, #tpu.memory_space<vmem>>) semaphore(%arg13 : memref<!tpu.dma_semaphore, #tpu.memory_space<semaphore_mem>>) {add = true}
          %dma_wait3A_96 = arith.constant 0 : i32
          %dma_wait3A_97 = arith.constant 0 : i32
          %dma_wait3A_98 = arith.constant 0 : i32
          %dma_wait3A_99 = tpu.memref_slice %arg9[%dma_wait3A_96, %dma_wait3A_97, %dma_wait3A_98] : memref<2x128x128xf32, #tpu.memory_space<vmem>> -> memref<1x128x128xf32, #tpu.memory_space<vmem>>
          %dma_wait3A_100 = tpu.memref_squeeze %dma_wait3A_99 : memref<1x128x128xf32, #tpu.memory_space<vmem>> -> memref<128x128xf32, #tpu.memory_space<vmem>>
          %dma_wait3A_101 = arith.constant 0 : i32
          %dma_wait3A_102 = arith.constant 0 : i32
          %dma_wait3A_103 = tpu.memref_slice %arg10[%dma_wait3A_101, %dma_wait3A_102] : memref<10240x128xf32, #tpu.memory_space<vmem_shared>> -> memref<128x128xf32, #tpu.memory_space<vmem_shared>>
          %dma_wait3A_104 = arith.constant 0 : i32
          %dma_wait3A_105 = arith.constant 0 : i32
          %dma_wait3A_106 = tpu.memref_slice %arg10[%dma_wait3A_104, %dma_wait3A_105] : memref<10240x128xf32, #tpu.memory_space<vmem_shared>> -> memref<128x128xf32, #tpu.memory_space<vmem_shared>>
          %dma_wait3A_107 = arith.constant 0 : i32
          %dma_wait3A_108 = arith.constant 0 : i32
          %dma_wait3A_109 = tpu.memref_slice %arg9[%dma_wait3A_96, %dma_wait3A_107, %dma_wait3A_108] : memref<2x128x128xf32, #tpu.memory_space<vmem>> -> memref<1x128x128xf32, #tpu.memory_space<vmem>>
          %dma_wait3A_110 = tpu.memref_squeeze %dma_wait3A_109 : memref<1x128x128xf32, #tpu.memory_space<vmem>> -> memref<128x128xf32, #tpu.memory_space<vmem>>
          tpu.wait_dma2 semaphore(%arg13 : memref<!tpu.dma_semaphore, #tpu.memory_space<semaphore_mem>>) src(%dma_wait3A_110 : memref<128x128xf32, #tpu.memory_space<vmem>>) dst(%dma_wait3A_106 : memref<128x128xf32, #tpu.memory_space<vmem_shared>>)
          %add3A_111 = arith.constant 2 : i32
          %add3A_112 = arith.addi %add3A_57, %add3A_111 : i32
          %lt3A = arith.constant 40 : i32
          %lt3A_113 = arith.cmpi slt, %add3A_112, %lt3A : i32
          %convert_element_type3A_114 = arith.extui %lt3A_113 : i1 to i32
          %cond3A_115 = arith.constant 0 : i32
          %cond3A_116 = arith.cmpi ne, %convert_element_type3A_114, %cond3A_115 : i32
          scf.if %cond3A_116 {
            %add3A_160 = arith.constant 2 : i32
            %add3A_161 = arith.addi %add3A_57, %add3A_160 : i32
            %dma_start3A_162 = arith.constant 0 : i32
            %dma_start3A_163 = arith.constant 0 : i32
            %dma_start3A_164 = arith.constant 0 : i32
            %dma_start3A_165 = tpu.memref_slice %arg9[%dma_start3A_162, %dma_start3A_163, %dma_start3A_164] : memref<2x128x128xf32, #tpu.memory_space<vmem>> -> memref<1x128x128xf32, #tpu.memory_space<vmem>>
            %dma_start3A_166 = tpu.memref_squeeze %dma_start3A_165 : memref<1x128x128xf32, #tpu.memory_space<vmem>> -> memref<128x128xf32, #tpu.memory_space<vmem>>
            %dma_start3A_167 = arith.constant 0 : i32
            %dma_start3A_168 = tpu.memref_slice %arg7[%add3A_161, %dma_start3A_167] : memref<40x128xi32, #tpu.memory_space<vmem>> -> memref<1x128xi32, #tpu.memory_space<vmem>>
            %dma_start3A_169 = tpu.memref_squeeze %dma_start3A_168 : memref<1x128xi32, #tpu.memory_space<vmem>> -> memref<128xi32, #tpu.memory_space<vmem>>
            %dma_start3A_170 = arith.constant 0 : i32
            %dma_start3A_171 = arith.constant 0 : i32
            %dma_start3A_172 = tpu.memref_slice %arg3[%dma_start3A_170, %dma_start3A_171] : memref<10000x128xf32, #tpu.memory_space<hbm>> -> memref<10000x128xf32, #tpu.memory_space<hbm>>
            tpu.enqueue_indirect_dma source(%dma_start3A_172 : memref<10000x128xf32, #tpu.memory_space<hbm>>) target(%dma_start3A_166 : memref<128x128xf32, #tpu.memory_space<vmem>>) offsets(%dma_start3A_169 : memref<128xi32, #tpu.memory_space<vmem>>) semaphore(%arg11 : memref<!tpu.dma_semaphore, #tpu.memory_space<semaphore_mem>>)
          } else {
          }
          %dma_wait3A_117 = arith.constant 1 : i32
          %dma_wait3A_118 = arith.constant 0 : i32
          %dma_wait3A_119 = arith.constant 0 : i32
          %dma_wait3A_120 = tpu.memref_slice %arg9[%dma_wait3A_117, %dma_wait3A_118, %dma_wait3A_119] : memref<2x128x128xf32, #tpu.memory_space<vmem>> -> memref<1x128x128xf32, #tpu.memory_space<vmem>>
          %dma_wait3A_121 = tpu.memref_squeeze %dma_wait3A_120 : memref<1x128x128xf32, #tpu.memory_space<vmem>> -> memref<128x128xf32, #tpu.memory_space<vmem>>
          %dma_wait3A_122 = arith.constant 0 : i32
          %dma_wait3A_123 = arith.constant 0 : i32
          %dma_wait3A_124 = tpu.memref_slice %arg2[%dma_wait3A_122, %dma_wait3A_123] : memref<10000x128xf32, #tpu.memory_space<hbm>> -> memref<128x128xf32, #tpu.memory_space<hbm>>
          %dma_wait3A_125 = arith.constant 0 : i32
          %dma_wait3A_126 = arith.constant 0 : i32
          %dma_wait3A_127 = tpu.memref_slice %arg9[%dma_wait3A_117, %dma_wait3A_125, %dma_wait3A_126] : memref<2x128x128xf32, #tpu.memory_space<vmem>> -> memref<1x128x128xf32, #tpu.memory_space<vmem>>
          %dma_wait3A_128 = tpu.memref_squeeze %dma_wait3A_127 : memref<1x128x128xf32, #tpu.memory_space<vmem>> -> memref<128x128xf32, #tpu.memory_space<vmem>>
          %dma_wait3A_129 = arith.constant 0 : i32
          %dma_wait3A_130 = arith.constant 0 : i32
          %dma_wait3A_131 = tpu.memref_slice %arg2[%dma_wait3A_129, %dma_wait3A_130] : memref<10000x128xf32, #tpu.memory_space<hbm>> -> memref<128x128xf32, #tpu.memory_space<hbm>>
          tpu.wait_dma2 semaphore(%arg12 : memref<!tpu.dma_semaphore, #tpu.memory_space<semaphore_mem>>) src(%dma_wait3A_131 : memref<128x128xf32, #tpu.memory_space<hbm>>) dst(%dma_wait3A_128 : memref<128x128xf32, #tpu.memory_space<vmem>>)
          %add3A_132 = arith.constant 1 : i32
          %add3A_133 = arith.addi %add3A_57, %add3A_132 : i32
          %dma_start3A_134 = arith.constant 1 : i32
          %dma_start3A_135 = arith.constant 0 : i32
          %dma_start3A_136 = arith.constant 0 : i32
          %dma_start3A_137 = tpu.memref_slice %arg9[%dma_start3A_134, %dma_start3A_135, %dma_start3A_136] : memref<2x128x128xf32, #tpu.memory_space<vmem>> -> memref<1x128x128xf32, #tpu.memory_space<vmem>>
          %dma_start3A_138 = tpu.memref_squeeze %dma_start3A_137 : memref<1x128x128xf32, #tpu.memory_space<vmem>> -> memref<128x128xf32, #tpu.memory_space<vmem>>
          %dma_start3A_139 = arith.constant 0 : i32
          %dma_start3A_140 = tpu.memref_slice %arg8[%add3A_133, %dma_start3A_139] : memref<40x128xi32, #tpu.memory_space<vmem>> -> memref<1x128xi32, #tpu.memory_space<vmem>>
          %dma_start3A_141 = tpu.memref_squeeze %dma_start3A_140 : memref<1x128xi32, #tpu.memory_space<vmem>> -> memref<128xi32, #tpu.memory_space<vmem>>
          %dma_start3A_142 = arith.constant 0 : i32
          %dma_start3A_143 = arith.constant 0 : i32
          %dma_start3A_144 = tpu.memref_slice %arg10[%dma_start3A_142, %dma_start3A_143] : memref<10240x128xf32, #tpu.memory_space<vmem_shared>> -> memref<10240x128xf32, #tpu.memory_space<vmem_shared>>
          tpu.enqueue_indirect_dma source(%dma_start3A_138 : memref<128x128xf32, #tpu.memory_space<vmem>>) target(%dma_start3A_144 : memref<10240x128xf32, #tpu.memory_space<vmem_shared>>) offsets(%dma_start3A_141 : memref<128xi32, #tpu.memory_space<vmem>>) semaphore(%arg14 : memref<!tpu.dma_semaphore, #tpu.memory_space<semaphore_mem>>) {add = true}
          %dma_wait3A_145 = arith.constant 1 : i32
          %dma_wait3A_146 = arith.constant 0 : i32
          %dma_wait3A_147 = arith.constant 0 : i32
          %dma_wait3A_148 = tpu.memref_slice %arg9[%dma_wait3A_145, %dma_wait3A_146, %dma_wait3A_147] : memref<2x128x128xf32, #tpu.memory_space<vmem>> -> memref<1x128x128xf32, #tpu.memory_space<vmem>>
          %dma_wait3A_149 = tpu.memref_squeeze %dma_wait3A_148 : memref<1x128x128xf32, #tpu.memory_space<vmem>> -> memref<128x128xf32, #tpu.memory_space<vmem>>
          %dma_wait3A_150 = arith.constant 0 : i32
          %dma_wait3A_151 = arith.constant 0 : i32
          %dma_wait3A_152 = tpu.memref_slice %arg10[%dma_wait3A_150, %dma_wait3A_151] : memref<10240x128xf32, #tpu.memory_space<vmem_shared>> -> memref<128x128xf32, #tpu.memory_space<vmem_shared>>
          %dma_wait3A_153 = arith.constant 0 : i32
          %dma_wait3A_154 = arith.constant 0 : i32
          %dma_wait3A_155 = tpu.memref_slice %arg10[%dma_wait3A_153, %dma_wait3A_154] : memref<10240x128xf32, #tpu.memory_space<vmem_shared>> -> memref<128x128xf32, #tpu.memory_space<vmem_shared>>
          %dma_wait3A_156 = arith.constant 0 : i32
          %dma_wait3A_157 = arith.constant 0 : i32
          %dma_wait3A_158 = tpu.memref_slice %arg9[%dma_wait3A_145, %dma_wait3A_156, %dma_wait3A_157] : memref<2x128x128xf32, #tpu.memory_space<vmem>> -> memref<1x128x128xf32, #tpu.memory_space<vmem>>
          %dma_wait3A_159 = tpu.memref_squeeze %dma_wait3A_158 : memref<1x128x128xf32, #tpu.memory_space<vmem>> -> memref<128x128xf32, #tpu.memory_space<vmem>>
          tpu.wait_dma2 semaphore(%arg14 : memref<!tpu.dma_semaphore, #tpu.memory_space<semaphore_mem>>) src(%dma_wait3A_159 : memref<128x128xf32, #tpu.memory_space<vmem>>) dst(%dma_wait3A_155 : memref<128x128xf32, #tpu.memory_space<vmem_shared>>)
        }
        %scan3A_52 = arith.constant 20 : i32
      }
      %scan3A_31 = arith.constant 2 : i32
    } else {
    }
    %barrier3A_26 = arith.constant 0 : index
    tpu.barrier barrier_id(%barrier3A_26)
    "tpu.region"() ({
      %run_scoped3A_27 = tpu.sem_alloc : memref<!tpu.dma_semaphore, #tpu.memory_space<semaphore_mem>>
      %dma_start3A = arith.constant 0 : i32
      %dma_start3A_28 = tpu.memref_slice %arg6[%arg0, %mul3A_0, %dma_start3A] : memref<2x10240x128xf32, #tpu.memory_space<hbm>> -> memref<1x640x128xf32, #tpu.memory_space<hbm>>
      %dma_start3A_29 = tpu.memref_squeeze %dma_start3A_28 : memref<1x640x128xf32, #tpu.memory_space<hbm>> -> memref<640x128xf32, #tpu.memory_space<hbm>>
      %dma_start3A_30 = arith.constant 0 : i32
      %dma_start3A_31 = tpu.memref_slice %arg10[%mul3A_0, %dma_start3A_30] : memref<10240x128xf32, #tpu.memory_space<vmem_shared>> -> memref<640x128xf32, #tpu.memory_space<vmem_shared>>
      tpu.enqueue_dma source(%dma_start3A_31 : memref<640x128xf32, #tpu.memory_space<vmem_shared>>) target(%dma_start3A_29 : memref<640x128xf32, #tpu.memory_space<hbm>>) target_semaphore(%run_scoped3A_27 : memref<!tpu.dma_semaphore, #tpu.memory_space<semaphore_mem>>)
      %dma_wait3A = arith.constant 0 : i32
      %dma_wait3A_32 = tpu.memref_slice %arg6[%arg0, %mul3A_0, %dma_wait3A] : memref<2x10240x128xf32, #tpu.memory_space<hbm>> -> memref<1x640x128xf32, #tpu.memory_space<hbm>>
      %dma_wait3A_33 = tpu.memref_squeeze %dma_wait3A_32 : memref<1x640x128xf32, #tpu.memory_space<hbm>> -> memref<640x128xf32, #tpu.memory_space<hbm>>
      %dma_wait3A_34 = arith.constant 0 : i32
      %dma_wait3A_35 = tpu.memref_slice %arg10[%mul3A_0, %dma_wait3A_34] : memref<10240x128xf32, #tpu.memory_space<vmem_shared>> -> memref<640x128xf32, #tpu.memory_space<vmem_shared>>
      tpu.wait_dma2 semaphore(%run_scoped3A_27 : memref<!tpu.dma_semaphore, #tpu.memory_space<semaphore_mem>>) src(%dma_wait3A_35 : memref<640x128xf32, #tpu.memory_space<vmem_shared>>) dst(%dma_wait3A_33 : memref<640x128xf32, #tpu.memory_space<hbm>>)
      tpu.yield
    }) : () -> ()
    return
  }
}

module attributes {stable_mosaic.version = 14 : i64} {
  func.func @_mm_body(%arg0: i32, %arg1: memref<2000x256xf32, #tpu.memory_space<vmem>>, %arg2: memref<256x256xf32, #tpu.memory_space<vmem>>, %arg3: memref<256x256xf32, #tpu.memory_space<vmem>>, %arg4: memref<2000x256xf32, #tpu.memory_space<vmem>>, %arg5: memref<2000x128xf32, #tpu.memory_space<vmem>>, %arg6: memref<2000x128xf32, #tpu.memory_space<vmem>>) attributes {dimension_semantics = [#tpu.dimension_semantics<arbitrary>], iteration_bounds = array<i64: 5>, scalar_prefetch = 0 : i64, scratch_operands = 0 : i64, tpu.core_type = #tpu.core_type<tc>, window_params = [{transform_indices = @transform_0, window_bounds = array<i64: 2000, 256>}, {pipeline_mode = #tpu.pipeline_mode<synchronous>, transform_indices = @transform_1, window_bounds = array<i64: 256, 256>}, {pipeline_mode = #tpu.pipeline_mode<synchronous>, transform_indices = @transform_2, window_bounds = array<i64: 256, 256>}, {transform_indices = @transform_3, window_bounds = array<i64: 2000, 256>}, {transform_indices = @transform_4, window_bounds = array<i64: 2000, 128>}, {transform_indices = @transform_5, window_bounds = array<i64: 2000, 128>}]} {
    %get3A = arith.constant 0 : index
    %get3A_0 = arith.constant 0 : index
    %get3A_1 = vector.load %arg1[%get3A, %get3A_0] : memref<2000x256xf32, #tpu.memory_space<vmem>>, vector<2000x256xf32>
    %get3A_2 = arith.constant 0 : index
    %get3A_3 = arith.constant 0 : index
    %get3A_4 = vector.load %arg2[%get3A_2, %get3A_3] : memref<256x256xf32, #tpu.memory_space<vmem>>, vector<256x256xf32>
    %dot_general3A = arith.constant dense<0.000000e+00> : vector<2000x256xf32>
    %dot_general3A_5 = tpu.matmul %get3A_1, %get3A_4, %dot_general3A {dimension_numbers = #tpu.dot_dimension_numbers<[1], [0], [0], [1], [0, 0, 1, 1], [], []>, transpose_lhs_hint = false} : vector<2000x256xf32>, vector<256x256xf32>, vector<2000x256xf32> -> vector<2000x256xf32>
    %swap3A = arith.constant 0 : index
    %swap3A_6 = arith.constant 0 : index
    %swap3A_7 = vector.load %arg4[%swap3A, %swap3A_6] : memref<2000x256xf32, #tpu.memory_space<vmem>>, vector<2000x256xf32>
    tpu.vector_store %arg4[%swap3A, %swap3A_6], %dot_general3A_5 {strides = array<i32>} : memref<2000x256xf32, #tpu.memory_space<vmem>>, vector<2000x256xf32>,
    %get3A_8 = arith.constant 0 : index
    %get3A_9 = arith.constant 0 : index
    %get3A_10 = vector.load %arg3[%get3A_8, %get3A_9] : memref<256x256xf32, #tpu.memory_space<vmem>>, vector<256x256xf32>
    %dot_general3A_11 = arith.constant dense<0.000000e+00> : vector<2000x256xf32>
    %dot_general3A_12 = tpu.matmul %get3A_1, %get3A_10, %dot_general3A_11 {dimension_numbers = #tpu.dot_dimension_numbers<[1], [0], [0], [1], [0, 0, 1, 1], [], []>, transpose_lhs_hint = false} : vector<2000x256xf32>, vector<256x256xf32>, vector<2000x256xf32> -> vector<2000x256xf32>
    %slice3A = vector.extract_strided_slice %dot_general3A_12 {offsets = [0, 0], sizes = [2000, 128], strides = [1, 1]} : vector<2000x256xf32> to vector<2000x128xf32>
    %swap3A_13 = arith.constant 0 : index
    %swap3A_14 = arith.constant 0 : index
    %swap3A_15 = vector.load %arg5[%swap3A_13, %swap3A_14] : memref<2000x128xf32, #tpu.memory_space<vmem>>, vector<2000x128xf32>
    tpu.vector_store %arg5[%swap3A_13, %swap3A_14], %slice3A {strides = array<i32>} : memref<2000x128xf32, #tpu.memory_space<vmem>>, vector<2000x128xf32>,
    %slice3A_16 = vector.extract_strided_slice %dot_general3A_12 {offsets = [0, 128], sizes = [2000, 128], strides = [1, 1]} : vector<2000x256xf32> to vector<2000x128xf32>
    %swap3A_17 = arith.constant 0 : index
    %swap3A_18 = arith.constant 0 : index
    %swap3A_19 = vector.load %arg6[%swap3A_17, %swap3A_18] : memref<2000x128xf32, #tpu.memory_space<vmem>>, vector<2000x128xf32>
    tpu.vector_store %arg6[%swap3A_17, %swap3A_18], %slice3A_16 {strides = array<i32>} : memref<2000x128xf32, #tpu.memory_space<vmem>>, vector<2000x128xf32>,
    return
  }
  func.func @transform_0(%arg0: i32) -> (i32, i32) {
    %c0_i32 = arith.constant 0 : i32
    %c0_i32_0 = arith.constant 0 : i32
    return %arg0, %c0_i32 : i32, i32
  }
  func.func @transform_1(%arg0: i32) -> (i32, i32) {
    %c0_i32 = arith.constant 0 : i32
    %c0_i32_0 = arith.constant 0 : i32
    %c0_i32_1 = arith.constant 0 : i32
    return %c0_i32, %c0_i32_0 : i32, i32
  }
  func.func @transform_2(%arg0: i32) -> (i32, i32) {
    %c0_i32 = arith.constant 0 : i32
    %c0_i32_0 = arith.constant 0 : i32
    %c0_i32_1 = arith.constant 0 : i32
    return %c0_i32, %c0_i32_0 : i32, i32
  }
  func.func @transform_3(%arg0: i32) -> (i32, i32) {
    %c0_i32 = arith.constant 0 : i32
    %c0_i32_0 = arith.constant 0 : i32
    return %arg0, %c0_i32 : i32, i32
  }
  func.func @transform_4(%arg0: i32) -> (i32, i32) {
    %c0_i32 = arith.constant 0 : i32
    %c0_i32_0 = arith.constant 0 : i32
    return %arg0, %c0_i32 : i32, i32
  }
  func.func @transform_5(%arg0: i32) -> (i32, i32) {
    %c0_i32 = arith.constant 0 : i32
    %c0_i32_0 = arith.constant 0 : i32
    return %arg0, %c0_i32 : i32, i32
  }
}

module attributes {stable_mosaic.version = 14 : i64} {
  func.func @_comb_mm_body(%arg0: i32, %arg1: memref<2000x256xf32, #tpu.memory_space<vmem>>, %arg2: memref<2x2000x128xf32, #tpu.memory_space<vmem>>, %arg3: memref<2000x1xf32, #tpu.memory_space<vmem>>, %arg4: memref<256xf32, #tpu.memory_space<vmem>>, %arg5: memref<2000x256xf32, #tpu.memory_space<vmem>>, %arg6: memref<256x256xf32, #tpu.memory_space<vmem>>, %arg7: memref<256x256xf32, #tpu.memory_space<vmem>>, %arg8: memref<2000x256xf32, #tpu.memory_space<vmem>>, %arg9: memref<2000x128xf32, #tpu.memory_space<vmem>>, %arg10: memref<2000x128xf32, #tpu.memory_space<vmem>>) attributes {dimension_semantics = [#tpu.dimension_semantics<arbitrary>], iteration_bounds = array<i64: 5>, scalar_prefetch = 0 : i64, scratch_operands = 0 : i64, tpu.core_type = #tpu.core_type<tc>, window_params = [{transform_indices = @transform_0, window_bounds = array<i64: 2000, 256>}, {transform_indices = @transform_1, window_bounds = array<i64: 2, 2000, 128>}, {transform_indices = @transform_2, window_bounds = array<i64: 2000, 1>}, {pipeline_mode = #tpu.pipeline_mode<synchronous>, transform_indices = @transform_3, window_bounds = array<i64: 256>}, {transform_indices = @transform_4, window_bounds = array<i64: 2000, 256>}, {pipeline_mode = #tpu.pipeline_mode<synchronous>, transform_indices = @transform_5, window_bounds = array<i64: 256, 256>}, {pipeline_mode = #tpu.pipeline_mode<synchronous>, transform_indices = @transform_6, window_bounds = array<i64: 256, 256>}, {transform_indices = @transform_7, window_bounds = array<i64: 2000, 256>}, {transform_indices = @transform_8, window_bounds = array<i64: 2000, 128>}, {transform_indices = @transform_9, window_bounds = array<i64: 2000, 128>}]} {
    %get3A = arith.constant 0 : index
    %get3A_0 = arith.constant 0 : index
    %get3A_1 = arith.constant 0 : index
    %get3A_2 = vector.load %arg2[%get3A, %get3A_0, %get3A_1] : memref<2x2000x128xf32, #tpu.memory_space<vmem>>, vector<2x2000x128xf32>
    %slice3A = vector.extract_strided_slice %get3A_2 {offsets = [0, 0, 0], sizes = [1, 2000, 128], strides = [1, 1, 1]} : vector<2x2000x128xf32> to vector<1x2000x128xf32>
    %squeeze3A = vector.shape_cast %slice3A : vector<1x2000x128xf32> to vector<2000x128xf32>
    %slice3A_3 = vector.extract_strided_slice %get3A_2 {offsets = [1, 0, 0], sizes = [1, 2000, 128], strides = [1, 1, 1]} : vector<2x2000x128xf32> to vector<1x2000x128xf32>
    %squeeze3A_4 = vector.shape_cast %slice3A_3 : vector<1x2000x128xf32> to vector<2000x128xf32>
    %concatenate3A = tpu.concatenate %squeeze3A, %squeeze3A_4 in 1 : vector<2000x128xf32>, vector<2000x128xf32> -> vector<2000x256xf32>
    %get3A_5 = arith.constant 0 : index
    %get3A_6 = arith.constant 0 : index
    %get3A_7 = vector.load %arg3[%get3A_5, %get3A_6] : memref<2000x1xf32, #tpu.memory_space<vmem>>, vector<2000x1xf32>
    %max3A = arith.constant 1.000000e+00 : f32
    %max3A_8 = vector.broadcast %max3A : f32 to vector<2000x1xf32>
    %max3A_9 = arith.maximumf %get3A_7, %max3A_8 : vector<2000x1xf32>
    %div3A = arith.constant 1.000000e+00 : f32
    %div3A_10 = vector.broadcast %div3A : f32 to vector<2000x1xf32>
    %div3A_11 = arith.divf %div3A_10, %max3A_9 : vector<2000x1xf32>
    %get3A_12 = arith.constant 0 : index
    %get3A_13 = arith.constant 0 : index
    %get3A_14 = vector.load %arg1[%get3A_12, %get3A_13] : memref<2000x256xf32, #tpu.memory_space<vmem>>, vector<2000x256xf32>
    %mul3A = vector.broadcast %div3A_11 : vector<2000x1xf32> to vector<2000x256xf32>
    %mul3A_15 = arith.mulf %concatenate3A, %mul3A : vector<2000x256xf32>
    %add3A = arith.addf %get3A_14, %mul3A_15 : vector<2000x256xf32>
    %get3A_16 = arith.constant 0 : index
    %get3A_17 = vector.load %arg4[%get3A_16] : memref<256xf32, #tpu.memory_space<vmem>>, vector<256xf32>
    %broadcast_in_dim3A = vector.shape_cast %get3A_17 : vector<256xf32> to vector<1x256xf32>
    %add3A_18 = vector.broadcast %broadcast_in_dim3A : vector<1x256xf32> to vector<2000x256xf32>
    %add3A_19 = arith.addf %add3A, %add3A_18 : vector<2000x256xf32>
    %tanh3A = math.tanh %add3A_19 : vector<2000x256xf32>
    %get3A_20 = arith.constant 0 : index
    %get3A_21 = arith.constant 0 : index
    %get3A_22 = vector.load %arg5[%get3A_20, %get3A_21] : memref<2000x256xf32, #tpu.memory_space<vmem>>, vector<2000x256xf32>
    %mul3A_23 = arith.mulf %tanh3A, %get3A_22 : vector<2000x256xf32>
    %get3A_24 = arith.constant 0 : index
    %get3A_25 = arith.constant 0 : index
    %get3A_26 = vector.load %arg6[%get3A_24, %get3A_25] : memref<256x256xf32, #tpu.memory_space<vmem>>, vector<256x256xf32>
    %dot_general3A = arith.constant dense<0.000000e+00> : vector<2000x256xf32>
    %dot_general3A_27 = tpu.matmul %mul3A_23, %get3A_26, %dot_general3A {dimension_numbers = #tpu.dot_dimension_numbers<[1], [0], [0], [1], [0, 0, 1, 1], [], []>, transpose_lhs_hint = false} : vector<2000x256xf32>, vector<256x256xf32>, vector<2000x256xf32> -> vector<2000x256xf32>
    %swap3A = arith.constant 0 : index
    %swap3A_28 = arith.constant 0 : index
    %swap3A_29 = vector.load %arg8[%swap3A, %swap3A_28] : memref<2000x256xf32, #tpu.memory_space<vmem>>, vector<2000x256xf32>
    tpu.vector_store %arg8[%swap3A, %swap3A_28], %dot_general3A_27 {strides = array<i32>} : memref<2000x256xf32, #tpu.memory_space<vmem>>, vector<2000x256xf32>,
    %get3A_30 = arith.constant 0 : index
    %get3A_31 = arith.constant 0 : index
    %get3A_32 = vector.load %arg7[%get3A_30, %get3A_31] : memref<256x256xf32, #tpu.memory_space<vmem>>, vector<256x256xf32>
    %dot_general3A_33 = arith.constant dense<0.000000e+00> : vector<2000x256xf32>
    %dot_general3A_34 = tpu.matmul %mul3A_23, %get3A_32, %dot_general3A_33 {dimension_numbers = #tpu.dot_dimension_numbers<[1], [0], [0], [1], [0, 0, 1, 1], [], []>, transpose_lhs_hint = false} : vector<2000x256xf32>, vector<256x256xf32>, vector<2000x256xf32> -> vector<2000x256xf32>
    %slice3A_35 = vector.extract_strided_slice %dot_general3A_34 {offsets = [0, 0], sizes = [2000, 128], strides = [1, 1]} : vector<2000x256xf32> to vector<2000x128xf32>
    %swap3A_36 = arith.constant 0 : index
    %swap3A_37 = arith.constant 0 : index
    %swap3A_38 = vector.load %arg9[%swap3A_36, %swap3A_37] : memref<2000x128xf32, #tpu.memory_space<vmem>>, vector<2000x128xf32>
    tpu.vector_store %arg9[%swap3A_36, %swap3A_37], %slice3A_35 {strides = array<i32>} : memref<2000x128xf32, #tpu.memory_space<vmem>>, vector<2000x128xf32>,
    %slice3A_39 = vector.extract_strided_slice %dot_general3A_34 {offsets = [0, 128], sizes = [2000, 128], strides = [1, 1]} : vector<2000x256xf32> to vector<2000x128xf32>
    %swap3A_40 = arith.constant 0 : index
    %swap3A_41 = arith.constant 0 : index
    %swap3A_42 = vector.load %arg10[%swap3A_40, %swap3A_41] : memref<2000x128xf32, #tpu.memory_space<vmem>>, vector<2000x128xf32>
    tpu.vector_store %arg10[%swap3A_40, %swap3A_41], %slice3A_39 {strides = array<i32>} : memref<2000x128xf32, #tpu.memory_space<vmem>>, vector<2000x128xf32>,
    return
  }
  func.func @transform_0(%arg0: i32) -> (i32, i32) {
    %c0_i32 = arith.constant 0 : i32
    %c0_i32_0 = arith.constant 0 : i32
    return %arg0, %c0_i32 : i32, i32
  }
  func.func @transform_1(%arg0: i32) -> (i32, i32, i32) {
    %c0_i32 = arith.constant 0 : i32
    %c0_i32_0 = arith.constant 0 : i32
    %c0_i32_1 = arith.constant 0 : i32
    return %c0_i32, %arg0, %c0_i32_0 : i32, i32, i32
  }
  func.func @transform_2(%arg0: i32) -> (i32, i32) {
    %c0_i32 = arith.constant 0 : i32
    %c0_i32_0 = arith.constant 0 : i32
    return %arg0, %c0_i32 : i32, i32
  }
  func.func @transform_3(%arg0: i32) -> i32 {
    %c0_i32 = arith.constant 0 : i32
    %c0_i32_0 = arith.constant 0 : i32
    return %c0_i32 : i32
  }
  func.func @transform_4(%arg0: i32) -> (i32, i32) {
    %c0_i32 = arith.constant 0 : i32
    %c0_i32_0 = arith.constant 0 : i32
    return %arg0, %c0_i32 : i32, i32
  }
  func.func @transform_5(%arg0: i32) -> (i32, i32) {
    %c0_i32 = arith.constant 0 : i32
    %c0_i32_0 = arith.constant 0 : i32
    %c0_i32_1 = arith.constant 0 : i32
    return %c0_i32, %c0_i32_0 : i32, i32
  }
  func.func @transform_6(%arg0: i32) -> (i32, i32) {
    %c0_i32 = arith.constant 0 : i32
    %c0_i32_0 = arith.constant 0 : i32
    %c0_i32_1 = arith.constant 0 : i32
    return %c0_i32, %c0_i32_0 : i32, i32
  }
  func.func @transform_7(%arg0: i32) -> (i32, i32) {
    %c0_i32 = arith.constant 0 : i32
    %c0_i32_0 = arith.constant 0 : i32
    return %arg0, %c0_i32 : i32, i32
  }
  func.func @transform_8(%arg0: i32) -> (i32, i32) {
    %c0_i32 = arith.constant 0 : i32
    %c0_i32_0 = arith.constant 0 : i32
    return %arg0, %c0_i32 : i32, i32
  }
  func.func @transform_9(%arg0: i32) -> (i32, i32) {
    %c0_i32 = arith.constant 0 : i32
    %c0_i32_0 = arith.constant 0 : i32
    return %arg0, %c0_i32 : i32, i32
  }
}

module attributes {stable_mosaic.version = 14 : i64} {
  func.func @_comb_mm_body(%arg0: i32, %arg1: memref<2000x256xf32, #tpu.memory_space<vmem>>, %arg2: memref<2x2000x128xf32, #tpu.memory_space<vmem>>, %arg3: memref<2000x1xf32, #tpu.memory_space<vmem>>, %arg4: memref<256xf32, #tpu.memory_space<vmem>>, %arg5: memref<256x256xf32, #tpu.memory_space<vmem>>, %arg6: memref<256x256xf32, #tpu.memory_space<vmem>>, %arg7: memref<2000x256xf32, #tpu.memory_space<vmem>>, %arg8: memref<2000x128xf32, #tpu.memory_space<vmem>>, %arg9: memref<2000x128xf32, #tpu.memory_space<vmem>>) attributes {dimension_semantics = [#tpu.dimension_semantics<arbitrary>], iteration_bounds = array<i64: 5>, scalar_prefetch = 0 : i64, scratch_operands = 0 : i64, tpu.core_type = #tpu.core_type<tc>, window_params = [{transform_indices = @transform_0, window_bounds = array<i64: 2000, 256>}, {transform_indices = @transform_1, window_bounds = array<i64: 2, 2000, 128>}, {transform_indices = @transform_2, window_bounds = array<i64: 2000, 1>}, {pipeline_mode = #tpu.pipeline_mode<synchronous>, transform_indices = @transform_3, window_bounds = array<i64: 256>}, {pipeline_mode = #tpu.pipeline_mode<synchronous>, transform_indices = @transform_4, window_bounds = array<i64: 256, 256>}, {pipeline_mode = #tpu.pipeline_mode<synchronous>, transform_indices = @transform_5, window_bounds = array<i64: 256, 256>}, {transform_indices = @transform_6, window_bounds = array<i64: 2000, 256>}, {transform_indices = @transform_7, window_bounds = array<i64: 2000, 128>}, {transform_indices = @transform_8, window_bounds = array<i64: 2000, 128>}]} {
    %get3A = arith.constant 0 : index
    %get3A_0 = arith.constant 0 : index
    %get3A_1 = arith.constant 0 : index
    %get3A_2 = vector.load %arg2[%get3A, %get3A_0, %get3A_1] : memref<2x2000x128xf32, #tpu.memory_space<vmem>>, vector<2x2000x128xf32>
    %slice3A = vector.extract_strided_slice %get3A_2 {offsets = [0, 0, 0], sizes = [1, 2000, 128], strides = [1, 1, 1]} : vector<2x2000x128xf32> to vector<1x2000x128xf32>
    %squeeze3A = vector.shape_cast %slice3A : vector<1x2000x128xf32> to vector<2000x128xf32>
    %slice3A_3 = vector.extract_strided_slice %get3A_2 {offsets = [1, 0, 0], sizes = [1, 2000, 128], strides = [1, 1, 1]} : vector<2x2000x128xf32> to vector<1x2000x128xf32>
    %squeeze3A_4 = vector.shape_cast %slice3A_3 : vector<1x2000x128xf32> to vector<2000x128xf32>
    %concatenate3A = tpu.concatenate %squeeze3A, %squeeze3A_4 in 1 : vector<2000x128xf32>, vector<2000x128xf32> -> vector<2000x256xf32>
    %get3A_5 = arith.constant 0 : index
    %get3A_6 = arith.constant 0 : index
    %get3A_7 = vector.load %arg3[%get3A_5, %get3A_6] : memref<2000x1xf32, #tpu.memory_space<vmem>>, vector<2000x1xf32>
    %max3A = arith.constant 1.000000e+00 : f32
    %max3A_8 = vector.broadcast %max3A : f32 to vector<2000x1xf32>
    %max3A_9 = arith.maximumf %get3A_7, %max3A_8 : vector<2000x1xf32>
    %div3A = arith.constant 1.000000e+00 : f32
    %div3A_10 = vector.broadcast %div3A : f32 to vector<2000x1xf32>
    %div3A_11 = arith.divf %div3A_10, %max3A_9 : vector<2000x1xf32>
    %get3A_12 = arith.constant 0 : index
    %get3A_13 = arith.constant 0 : index
    %get3A_14 = vector.load %arg1[%get3A_12, %get3A_13] : memref<2000x256xf32, #tpu.memory_space<vmem>>, vector<2000x256xf32>
    %mul3A = vector.broadcast %div3A_11 : vector<2000x1xf32> to vector<2000x256xf32>
    %mul3A_15 = arith.mulf %concatenate3A, %mul3A : vector<2000x256xf32>
    %add3A = arith.addf %get3A_14, %mul3A_15 : vector<2000x256xf32>
    %get3A_16 = arith.constant 0 : index
    %get3A_17 = vector.load %arg4[%get3A_16] : memref<256xf32, #tpu.memory_space<vmem>>, vector<256xf32>
    %broadcast_in_dim3A = vector.shape_cast %get3A_17 : vector<256xf32> to vector<1x256xf32>
    %add3A_18 = vector.broadcast %broadcast_in_dim3A : vector<1x256xf32> to vector<2000x256xf32>
    %add3A_19 = arith.addf %add3A, %add3A_18 : vector<2000x256xf32>
    %tanh3A = math.tanh %add3A_19 : vector<2000x256xf32>
    %get3A_20 = arith.constant 0 : index
    %get3A_21 = arith.constant 0 : index
    %get3A_22 = vector.load %arg5[%get3A_20, %get3A_21] : memref<256x256xf32, #tpu.memory_space<vmem>>, vector<256x256xf32>
    %dot_general3A = arith.constant dense<0.000000e+00> : vector<2000x256xf32>
    %dot_general3A_23 = tpu.matmul %tanh3A, %get3A_22, %dot_general3A {dimension_numbers = #tpu.dot_dimension_numbers<[1], [0], [0], [1], [0, 0, 1, 1], [], []>, transpose_lhs_hint = false} : vector<2000x256xf32>, vector<256x256xf32>, vector<2000x256xf32> -> vector<2000x256xf32>
    %swap3A = arith.constant 0 : index
    %swap3A_24 = arith.constant 0 : index
    %swap3A_25 = vector.load %arg7[%swap3A, %swap3A_24] : memref<2000x256xf32, #tpu.memory_space<vmem>>, vector<2000x256xf32>
    tpu.vector_store %arg7[%swap3A, %swap3A_24], %dot_general3A_23 {strides = array<i32>} : memref<2000x256xf32, #tpu.memory_space<vmem>>, vector<2000x256xf32>,
    %get3A_26 = arith.constant 0 : index
    %get3A_27 = arith.constant 0 : index
    %get3A_28 = vector.load %arg6[%get3A_26, %get3A_27] : memref<256x256xf32, #tpu.memory_space<vmem>>, vector<256x256xf32>
    %dot_general3A_29 = arith.constant dense<0.000000e+00> : vector<2000x256xf32>
    %dot_general3A_30 = tpu.matmul %tanh3A, %get3A_28, %dot_general3A_29 {dimension_numbers = #tpu.dot_dimension_numbers<[1], [0], [0], [1], [0, 0, 1, 1], [], []>, transpose_lhs_hint = false} : vector<2000x256xf32>, vector<256x256xf32>, vector<2000x256xf32> -> vector<2000x256xf32>
    %slice3A_31 = vector.extract_strided_slice %dot_general3A_30 {offsets = [0, 0], sizes = [2000, 128], strides = [1, 1]} : vector<2000x256xf32> to vector<2000x128xf32>
    %swap3A_32 = arith.constant 0 : index
    %swap3A_33 = arith.constant 0 : index
    %swap3A_34 = vector.load %arg8[%swap3A_32, %swap3A_33] : memref<2000x128xf32, #tpu.memory_space<vmem>>, vector<2000x128xf32>
    tpu.vector_store %arg8[%swap3A_32, %swap3A_33], %slice3A_31 {strides = array<i32>} : memref<2000x128xf32, #tpu.memory_space<vmem>>, vector<2000x128xf32>,
    %slice3A_35 = vector.extract_strided_slice %dot_general3A_30 {offsets = [0, 128], sizes = [2000, 128], strides = [1, 1]} : vector<2000x256xf32> to vector<2000x128xf32>
    %swap3A_36 = arith.constant 0 : index
    %swap3A_37 = arith.constant 0 : index
    %swap3A_38 = vector.load %arg9[%swap3A_36, %swap3A_37] : memref<2000x128xf32, #tpu.memory_space<vmem>>, vector<2000x128xf32>
    tpu.vector_store %arg9[%swap3A_36, %swap3A_37], %slice3A_35 {strides = array<i32>} : memref<2000x128xf32, #tpu.memory_space<vmem>>, vector<2000x128xf32>,
    return
  }
  func.func @transform_0(%arg0: i32) -> (i32, i32) {
    %c0_i32 = arith.constant 0 : i32
    %c0_i32_0 = arith.constant 0 : i32
    return %arg0, %c0_i32 : i32, i32
  }
  func.func @transform_1(%arg0: i32) -> (i32, i32, i32) {
    %c0_i32 = arith.constant 0 : i32
    %c0_i32_0 = arith.constant 0 : i32
    %c0_i32_1 = arith.constant 0 : i32
    return %c0_i32, %arg0, %c0_i32_0 : i32, i32, i32
  }
  func.func @transform_2(%arg0: i32) -> (i32, i32) {
    %c0_i32 = arith.constant 0 : i32
    %c0_i32_0 = arith.constant 0 : i32
    return %arg0, %c0_i32 : i32, i32
  }
  func.func @transform_3(%arg0: i32) -> i32 {
    %c0_i32 = arith.constant 0 : i32
    %c0_i32_0 = arith.constant 0 : i32
    return %c0_i32 : i32
  }
  func.func @transform_4(%arg0: i32) -> (i32, i32) {
    %c0_i32 = arith.constant 0 : i32
    %c0_i32_0 = arith.constant 0 : i32
    %c0_i32_1 = arith.constant 0 : i32
    return %c0_i32, %c0_i32_0 : i32, i32
  }
  func.func @transform_5(%arg0: i32) -> (i32, i32) {
    %c0_i32 = arith.constant 0 : i32
    %c0_i32_0 = arith.constant 0 : i32
    %c0_i32_1 = arith.constant 0 : i32
    return %c0_i32, %c0_i32_0 : i32, i32
  }
  func.func @transform_6(%arg0: i32) -> (i32, i32) {
    %c0_i32 = arith.constant 0 : i32
    %c0_i32_0 = arith.constant 0 : i32
    return %arg0, %c0_i32 : i32, i32
  }
  func.func @transform_7(%arg0: i32) -> (i32, i32) {
    %c0_i32 = arith.constant 0 : i32
    %c0_i32_0 = arith.constant 0 : i32
    return %arg0, %c0_i32 : i32, i32
  }
  func.func @transform_8(%arg0: i32) -> (i32, i32) {
    %c0_i32 = arith.constant 0 : i32
    %c0_i32_0 = arith.constant 0 : i32
    return %arg0, %c0_i32 : i32, i32
  }
}

module attributes {stable_mosaic.version = 14 : i64} {
  func.func @_comb_final_body(%arg0: i32, %arg1: memref<2000x256xf32, #tpu.memory_space<vmem>>, %arg2: memref<2x2000x128xf32, #tpu.memory_space<vmem>>, %arg3: memref<2000x1xf32, #tpu.memory_space<vmem>>, %arg4: memref<256xf32, #tpu.memory_space<vmem>>, %arg5: memref<2000x256xf32, #tpu.memory_space<vmem>>) attributes {dimension_semantics = [#tpu.dimension_semantics<arbitrary>], iteration_bounds = array<i64: 5>, scalar_prefetch = 0 : i64, scratch_operands = 0 : i64, tpu.core_type = #tpu.core_type<tc>, window_params = [{transform_indices = @transform_0, window_bounds = array<i64: 2000, 256>}, {transform_indices = @transform_1, window_bounds = array<i64: 2, 2000, 128>}, {transform_indices = @transform_2, window_bounds = array<i64: 2000, 1>}, {pipeline_mode = #tpu.pipeline_mode<synchronous>, transform_indices = @transform_3, window_bounds = array<i64: 256>}, {transform_indices = @transform_4, window_bounds = array<i64: 2000, 256>}]} {
    %get3A = arith.constant 0 : index
    %get3A_0 = arith.constant 0 : index
    %get3A_1 = arith.constant 0 : index
    %get3A_2 = vector.load %arg2[%get3A, %get3A_0, %get3A_1] : memref<2x2000x128xf32, #tpu.memory_space<vmem>>, vector<2x2000x128xf32>
    %slice3A = vector.extract_strided_slice %get3A_2 {offsets = [0, 0, 0], sizes = [1, 2000, 128], strides = [1, 1, 1]} : vector<2x2000x128xf32> to vector<1x2000x128xf32>
    %squeeze3A = vector.shape_cast %slice3A : vector<1x2000x128xf32> to vector<2000x128xf32>
    %slice3A_3 = vector.extract_strided_slice %get3A_2 {offsets = [1, 0, 0], sizes = [1, 2000, 128], strides = [1, 1, 1]} : vector<2x2000x128xf32> to vector<1x2000x128xf32>
    %squeeze3A_4 = vector.shape_cast %slice3A_3 : vector<1x2000x128xf32> to vector<2000x128xf32>
    %concatenate3A = tpu.concatenate %squeeze3A, %squeeze3A_4 in 1 : vector<2000x128xf32>, vector<2000x128xf32> -> vector<2000x256xf32>
    %get3A_5 = arith.constant 0 : index
    %get3A_6 = arith.constant 0 : index
    %get3A_7 = vector.load %arg3[%get3A_5, %get3A_6] : memref<2000x1xf32, #tpu.memory_space<vmem>>, vector<2000x1xf32>
    %max3A = arith.constant 1.000000e+00 : f32
    %max3A_8 = vector.broadcast %max3A : f32 to vector<2000x1xf32>
    %max3A_9 = arith.maximumf %get3A_7, %max3A_8 : vector<2000x1xf32>
    %div3A = arith.constant 1.000000e+00 : f32
    %div3A_10 = vector.broadcast %div3A : f32 to vector<2000x1xf32>
    %div3A_11 = arith.divf %div3A_10, %max3A_9 : vector<2000x1xf32>
    %get3A_12 = arith.constant 0 : index
    %get3A_13 = arith.constant 0 : index
    %get3A_14 = vector.load %arg1[%get3A_12, %get3A_13] : memref<2000x256xf32, #tpu.memory_space<vmem>>, vector<2000x256xf32>
    %mul3A = vector.broadcast %div3A_11 : vector<2000x1xf32> to vector<2000x256xf32>
    %mul3A_15 = arith.mulf %concatenate3A, %mul3A : vector<2000x256xf32>
    %add3A = arith.addf %get3A_14, %mul3A_15 : vector<2000x256xf32>
    %get3A_16 = arith.constant 0 : index
    %get3A_17 = vector.load %arg4[%get3A_16] : memref<256xf32, #tpu.memory_space<vmem>>, vector<256xf32>
    %broadcast_in_dim3A = vector.shape_cast %get3A_17 : vector<256xf32> to vector<1x256xf32>
    %add3A_18 = vector.broadcast %broadcast_in_dim3A : vector<1x256xf32> to vector<2000x256xf32>
    %add3A_19 = arith.addf %add3A, %add3A_18 : vector<2000x256xf32>
    %swap3A = arith.constant 0 : index
    %swap3A_20 = arith.constant 0 : index
    %swap3A_21 = vector.load %arg5[%swap3A, %swap3A_20] : memref<2000x256xf32, #tpu.memory_space<vmem>>, vector<2000x256xf32>
    tpu.vector_store %arg5[%swap3A, %swap3A_20], %add3A_19 {strides = array<i32>} : memref<2000x256xf32, #tpu.memory_space<vmem>>, vector<2000x256xf32>,
    return
  }
  func.func @transform_0(%arg0: i32) -> (i32, i32) {
    %c0_i32 = arith.constant 0 : i32
    %c0_i32_0 = arith.constant 0 : i32
    return %arg0, %c0_i32 : i32, i32
  }
  func.func @transform_1(%arg0: i32) -> (i32, i32, i32) {
    %c0_i32 = arith.constant 0 : i32
    %c0_i32_0 = arith.constant 0 : i32
    %c0_i32_1 = arith.constant 0 : i32
    return %c0_i32, %arg0, %c0_i32_0 : i32, i32, i32
  }
  func.func @transform_2(%arg0: i32) -> (i32, i32) {
    %c0_i32 = arith.constant 0 : i32
    %c0_i32_0 = arith.constant 0 : i32
    return %arg0, %c0_i32 : i32, i32
  }
  func.func @transform_3(%arg0: i32) -> i32 {
    %c0_i32 = arith.constant 0 : i32
    %c0_i32_0 = arith.constant 0 : i32
    return %c0_i32 : i32
  }
  func.func @transform_4(%arg0: i32) -> (i32, i32) {
    %c0_i32 = arith.constant 0 : i32
    %c0_i32_0 = arith.constant 0 : i32
    return %arg0, %c0_i32 : i32, i32
  }
}

</mosaic_0001>

<sc_bundles>
// kernel: sage_sc_agg_deg0.4.cloned.1.call-start
scs
__scs_entry_jumppad:
0x0: {  	(pc) =	sbr.rel $0x88, $3  }
0x1: {  	(tag) =	ssettag $0x0;
	lr =	simm.s32 $0x1  }
0x2: {  	[smem:$0x3F96] =	sst lr;
	_ =	strace $0xD0000000  }
0x3: {  	_ = 	snop  }
0x4: {  	_ = 	snop  }
0x5: {  	_ = 	snop  }
0x6: {  	_ = 	snop  }
0x7: {  	_ = 	snop  }
__scs_overlays_trampoline_lowered:
0x8: {  	[smem:$0x3FA5] =	sst s0  }
0x9: {  	[smem:$0x3FA6] =	sst s1  }
0xa: {  	[smem:$0x3FA7] =	sst s2  }
0xb: {  	[smem:$0x3FA8] =	sst s3  }
0xc: {  	[smem:$0x3FA9] =	sst s4  }
0xd: {  	[smem:$0x3FAA] =	sst s5  }
0xe: {  	[smem:$0x3FAB] =	sst s6  }
0xf: {  	[smem:$0x3FAC] =	sst s7  }
0x10: {  	[smem:$0x3FAD] =	sst s8  }
0x11: {  	[smem:$0x3FAE] =	sst s9;
	s0 =	simm.s32 @!p0 $0x0  }
0x12: {  	s1 =	sld [smem:$0x3F94];
	s0 =	simm.s32 @p0 $0x1  }
0x13: {  	[smem:$0x3FAF] =	sst s0;
	s0 =	simm.s32 @!p1 $0x0  }
0x14: {  	s2 =	sld [smem:$0x3F93];
	s0 =	simm.s32 @p1 $0x1  }
0x15: {  	[smem:$0x3FB0] =	sst s0;
	s0 =	simm.s32 @!p2 $0x0  }
0x16: {  	s3 =	sld [smem:$0x3FDB];
	s0 =	simm.s32 @p2 $0x1  }
0x17: {  	s4 =	simm.s32 $0x1BF5;
	[smem:$0x3FB2] =	sst s0  }
0x18: {  	s0 =	sld [smem:$0x3F95];
	_ =	swait.ge [sflag:s4], $0x0  }
0x19: {  	s7 =	sld [smem:$0x3F96]  }
0x1a: {  	s8 =	sadd.s32 $0xFFFFE003, lr  }
0x1b: {  	s9 =	sadd.s32 $0xFFFFFEF7, lr;
	s5 =	simm.s32 $0xFFFFFFFF;
	p2 =	slt.u32 s8, $0xFFFFF086  }
0x1c: {  	p1 =	slt.u32 s9, $0xF7A;
	s5 =	simm.s32 @!p2 $0x0  }
0x1d: {  	s5 =	simm.s32 @p1 $0x1;
	p0 =	seq.s32 s7, s2  }
0x1e: {  	s7 =	smul.u32 @!p0 $0xF7A, s2;
	p2 =	seq.s32 @!p0 s5, $0x0  }
0x1f: {  	s9 =	smul.u32 $0xF7A, s1;
	s8 =	simm.s32 @!p0 $0x1BF5;
	p2 =	por !p2, p0  }
0x20: {  	[sflag:s8] =	ssyncset.s32 @!p0 $0xFFFFF086;
	s6 =	sadd.s32 @!p0 s3, s7;
	s7 =	simm.s32 @!p0 $0x108  }
0x21: {  	s3 =	sadd.s32 s3, s9;
	s6 =	sadd.s32 @!p0 $0x88, s6;
	s7 =	simm.s32 @p2 $0x1082  }
0x22: {  	[simem:s7], [sflag:s8] =	dma.local @!p0 [hbm:s6], $0xF7A  }
0x23: {  	s9 =	sor.u32 $0xD0000000, s2;
	s6 =	simm.s32 $0x108;
	_ =	swait.ge @!p0 [sflag:s8], $0x0  }
0x24: {  	s3 =	sadd.s32 $0x88, s3;
	s6 =	simm.s32 @!p1 $0x1082;
	[sflag:s4] =	ssyncset.s32 $0xFFFFF086  }
0x25: {  	[simem:s6], [sflag:s4] =	dma.local [hbm:s3], $0xF7A  }
0x26: {  	[smem:$0x3F96] =	sst s1;
	(tag) =	ssettag s2;
	_ =	strace s9  }
0x27: {  	s1 =	sld [smem:$0x3FA6]  }
0x28: {  	s2 =	sld [smem:$0x3FA7]  }
0x29: {  	s4 =	sld [smem:$0x3FA9]  }
0x2a: {  	p0 =	seq.s32 s5, $0x0;
	s5 =	sld [smem:$0x3FAA]  }
0x2b: {  	s6 =	sld [smem:$0x3FAB]  }
0x2c: {  	s7 =	sld [smem:$0x3FAC]  }
0x2d: {  	s3 =	simm.s32 $0x108;
	s8 =	sld [smem:$0x3FAD]  }
0x2e: {  	s3 =	simm.s32 @!p0 $0x1082;
	s9 =	sld [smem:$0x3FAE]  }
0x2f: {  	lr =	sadd.s32 s0, s3;
	s0 =	sld [smem:$0x3FA5]  }
0x30: {  	s3 =	sld [smem:$0x3FA8]  }
0x31: {  	[smem:$0x3FB1] =	sst s10  }
0x32: {  	s10 =	sld [smem:$0x3FAF];
	_ =	sdelay $0x3  }
0x33: {  	p0 =	seq.s32 s10, $0x1;
	s10 =	sld [smem:$0x3FB1];
	_ =	sdelay $0x3  }
0x34: {  	[smem:$0x3FB1] =	sst s10  }
0x35: {  	s10 =	sld [smem:$0x3FB0];
	_ =	sdelay $0x3  }
0x36: {  	p1 =	seq.s32 s10, $0x1;
	s10 =	sld [smem:$0x3FB1];
	_ =	sdelay $0x3  }
0x37: {  	[smem:$0x3FB1] =	sst s10  }
0x38: {  	s10 =	sld [smem:$0x3FB2]  }
0x39: {  	_ = 	snop;
	(pc) =	sbr.ind lr, $3  }
0x3a: {  	_ = 	snop  }
0x3b: {  	_ = 	snop  }
0x3c: {  	p2 =	seq.s32 s10, $0x1;
	s10 =	sld [smem:$0x3FB1]  }
0x3d: {  	_ =	shalt  }
0x3e: {  	_ =	shalt  }
0x3f: {  	_ =	shalt  }
0x40: {  	_ =	shalt  }
0x41: {  	_ =	shalt  }
0x42: {  	_ =	shalt  }
0x43: {  	_ =	shalt  }
0x44: {  	_ =	shalt  }
0x45: {  	_ =	shalt  }
0x46: {  	_ =	shalt  }
0x47: {  	_ =	shalt  }
0x48: {  	_ =	shalt  }
0x49: {  	_ =	shalt  }
0x4a: {  	_ =	shalt  }
0x4b: {  	_ =	shalt  }
0x4c: {  	_ =	shalt  }
0x4d: {  	_ =	shalt  }
0x4e: {  	_ =	shalt  }
0x4f: {  	_ =	shalt  }
0x50: {  	_ =	shalt  }
0x51: {  	_ =	shalt  }
0x52: {  	_ =	shalt  }
0x53: {  	_ =	shalt  }
0x54: {  	_ =	shalt  }
0x55: {  	_ =	shalt  }
0x56: {  	_ =	shalt  }
0x57: {  	_ =	shalt  }
0x58: {  	_ =	shalt  }
0x59: {  	_ =	shalt  }
0x5a: {  	_ =	shalt  }
0x5b: {  	_ =	shalt  }
0x5c: {  	_ =	shalt  }
0x5d: {  	_ =	shalt  }
0x5e: {  	_ =	shalt  }
0x5f: {  	_ =	shalt  }
0x60: {  	_ =	shalt  }
0x61: {  	_ =	shalt  }
0x62: {  	_ =	shalt  }
0x63: {  	_ =	shalt  }
0x64: {  	_ =	shalt  }
0x65: {  	_ =	shalt  }
0x66: {  	_ =	shalt  }
0x67: {  	_ =	shalt  }
0x68: {  	_ =	shalt  }
0x69: {  	_ =	shalt  }
0x6a: {  	_ =	shalt  }
0x6b: {  	_ =	shalt  }
0x6c: {  	_ =	shalt  }
0x6d: {  	_ =	shalt  }
0x6e: {  	_ =	shalt  }
0x6f: {  	_ =	shalt  }
0x70: {  	_ =	shalt  }
0x71: {  	_ =	shalt  }
0x72: {  	_ =	shalt  }
0x73: {  	_ =	shalt  }
0x74: {  	_ =	shalt  }
0x75: {  	_ =	shalt  }
0x76: {  	_ =	shalt  }
0x77: {  	_ =	shalt  }
0x78: {  	_ =	shalt  }
0x79: {  	_ =	shalt  }
0x7a: {  	_ =	shalt  }
0x7b: {  	_ =	shalt  }
0x7c: {  	_ =	shalt  }
0x7d: {  	_ =	shalt  }
0x7e: {  	_ =	shalt  }
0x7f: {  	_ =	shalt  }
0x80: {  	_ =	shalt  }
0x81: {  	_ =	shalt  }
0x82: {  	_ =	shalt  }
0x83: {  	_ =	shalt  }
0x84: {  	_ =	shalt  }
0x85: {  	_ =	shalt  }
0x86: {  	_ =	shalt  }
0x87: {  	_ =	shalt  }
.Lfunc_end0:
.L_simem_size_0:
called_computation.1_lowered:
.L_overlay_start_0:
0x88: {  	s2 =	sld [smem:$0x3FD9]  }
0x89: {  	s3 =	sld [smem:$0x3FFE];
	_ =	sdelay $0x1  }
0x8a: {  	s1 =	srdreg.scid  }
0x8b: {  	s0 =	sand.u32 $0x1, s1  }
0x8c: {  	s17 =	sshll.u32 s0, $0xA;
	s2 =	sadd.s32 s3, s2  }
0x8d: {  	s2 =	sadd.s32 s2, s17  }
0x8e: {  	[smem:$0x3FBD] =	sst s2  }
0x8f: {  	_ = 	snop  }
0x90: {  	s2 =	sld [smem:$0x3FD0];
	(tm) =	ssettm $0x1  }
0x91: {  	s18 =	sld [smem:$0x3FFB];
	_ =	sdelay $0x3  }
0x92: {  	_ =	strace s18  }
0x93: {  	s3 =	sld [smem:$0x3FFC];
	_ =	sdelay $0x3  }
0x94: {  	_ =	strace s3  }
0x95: {  	s3 =	sld [smem:$0x3FFD];
	_ =	sdelay $0x3  }
0x96: {  	_ =	strace s3  }
0x97: {  	_ =	strace $0x8FFFFFFF  }
0x98: {  	s19 =	sld [smem:$0x3FDB];
	_ =	sdelay $0x1  }
0x99: {  	s4 =	simm.s32 $_scs_section_size  }
0x9a: {  	s5 =	simm.s32 $_size__tile_overlayer_lowered;
	s6 =	simm.s32 $_tile_overlayer_lowered  }
0x9b: {  	s22 =	simm.s32 $0x1BFF;
	s21 =	sshll.u32 s6, $0x1;
	s3 =	sadd.s32 s4, s19  }
0x9c: {  	s7 =	simm.s32 $0x0;
	s20 =	sshll.u32 s5, $0x1;
	s5 =	sadd.s32 s21, s3  }
0x9d: {  	[timem:s7], [sflag:s22] =	dma.local [hbm:s5], s20  }
0x9e: {  	_ =	swait.ge [sflag:s22], s20  }
0x9f: {  	s4 =	ssub.s32 $0x0, s20;
	[sflag:s22] =	ssyncset.done $0x0  }
0xa0: {  	[sflag:s22] =	ssyncadd.s32 s4;
	_ =	sdelay $0x1  }
0xa1: {  	s23 =	simm.s32 $0x1B8B  }
0xa2: {  	_ =	swait.ge [sflag:s23], $0x1  }
0xa3: {  	[sflag:s23] =	ssyncset.done $0x0  }
0xa4: {  	s25 =	simm.s32 $0x1B8E;
	s24 =	sld [smem:$0x3FFE];
	[sflag:s23] =	ssyncadd.s32 $0xFFFFFFFF  }
0xa5: {  	s26 =	simm.s32 $execute0_lowered;
	[smem:$0x3FD2] =	sst s25  }
0xa6: {  	s5 =	sshll.u32 s26, $0x1;
	_ =	strace $0x80000049;
	[dreg:$0x1] =	wrdreg $0xFFFFFFFF  }
0xa7: {  	s28 =	simm.s32 $_size_execute0_lowered;
	s3 =	sadd.s32 s3, s5;
	[dreg:$0x0] =	wrdreg $0x0  }
0xa8: {  	s5 =	sshll.u32 s28, $0x1;
	[dreg:$0x2] =	wrdreg s3  }
0xa9: {  	[dreg:$0x3] =	wrdreg s5  }
0xaa: {  	[dreg:$0x4] =	wrdreg $0xC0  }
0xab: {  	_ =	task [dreg:s7], $0x5FFFF  }
0xac: {  	[dreg:$0x1] =	wrdreg $0xFFFFFFFF  }
0xad: {  	[dreg:$0x0] =	wrdreg $0x60  }
0xae: {  	[dreg:$0x2] =	wrdreg s2  }
0xaf: {  	[dreg:$0x3] =	wrdreg s24  }
0xb0: {  	[dreg:$0x4] =	wrdreg $0xA8000  }
0xb1: {  	[dreg:$0x5] =	wrdreg $0x9  }
0xb2: {  	_ =	task.clear_ibuf [dreg:s7], $0x6FFFF;
	_ =	strace $0x90000049  }
0xb3: {  	s29 =	simm.s32 $0x9;
	_ =	strace $0x8000004B  }
0xb4: {  	_ =	swait.ge [sflag:s29], $0x1  }
0xb5: {  	[sflag:s29] =	ssyncadd.s32 $0xFFFFFFFF  }
0xb6: {  	_ =	strace $0x9000004B  }
0xb7: {  	_ =	sfence  }
0xb8: {  	s30 =	sld [smem:$0x0];
	_ =	sdelay $0x2  }
0xb9: {  	s31 =	sshll.u32 s1, $0xD;
	s1 =	sshrl.u32 s1, $0x2  }
0xba: {  	s3 =	sand.u32 $0x4000, s31;
	s1 =	sadd.s32 s1, s30  }
0xbb: {  	s0 =	sor.u32 s3, s0;
	s1 =	sshll.u32 s1, $0x11  }
0xbc: {  	s0 =	sor.u32 s1, s0  }
0xbd: {  	s0 =	sadd.s32 $0x8F2B, s0  }
0xbe: {  	[sflag:s0] =	ssyncadd.remote.s32 $0x1  }
0xbf: {  	_ =	sfence.sel $0xFFFF  }
0xc0: {  	[dreg:$0x0] =	wrdreg $0xFFFFFFFF;
	(pc) =	sbr.abs _section_cstart, $3  }
0xc1: {  	[dreg:$0x1] =	wrdreg $0xFFFFFFFF  }
0xc2: {  	_ =	task.clear_ibuf [dreg:s7], $0x2FFFF;
	_ =	strace $0x9FFFFFFF  }
0xc3: {  	(tm) =	ssettm $0x7FFFFFFF  }
tec
execute0_lowered:
.L_overlay_start_1:
0x0: {  	(tag) =	ssettag $0x1  }
0x1: {  	s1 =	rddreg [dreg:$0x0]  }
0x2: {  	s6 =	rddreg [dreg:$0x1]  }
0x3: {  	s2 =	rddreg [dreg:$0x2]  }
0x4: {  	s3 =	srdreg.scid;
	s4 =	simm.s32 $0x0;
	s0 =	stileid.u32  }
0x5: {  	s18 =	simm.s32 $0x5;
	s19 =	simm.s32 $0x1400;
	s20 =	simm.s32 $0x80  }
0x6: {  	s21 =	simm.s32 $0x2800;
	s22 =	simm.s32 $0x1;
	s23 =	simm.s32 $0x3  }
0x7: {  	s24 =	simm.s32 $0x2;
	s25 =	simm.s32 $0x4;
	s28 =	simm.s32 $0x2700  }
0x8: {  	s29 =	simm.s32 $0x2780;
	s11 =	sand.u32 $0x1, s3;
	s8 =	smul.u32 $0x14000, s0  }
0x9: {  	[smem:$0x7FF] =	sst s4;
	s5 =	sadd.s32 $0x5B800, s6;
	s9 =	smul.u32 $0x50000, s0  }
0xa: {  	s15 =	sadd.s32 $0x51800, s6;
	s16 =	sadd.s32 $0x56800, s6;
	s14 =	smul.u32 $0x1400, s0  }
0xb: {  	s7 =	smul.u32 $0x140000, s11;
	_ =	strace $0x8000004A;
	s26 =	ssub.s32 $0x2, s11  }
0xc: {  	p0 =	seq.s32 s11, $0x1;
	s9 =	sshrl.u32 s9, $0x2;
	s30 =	sshrl.u32 s26, $0x1  }
0xd: {  	s14 =	sshrl.u32 s14, $0x3;
	s7 =	sadd.s32 s8, s7;
	s13 =	ssub.s32 s26, s30  }
0xe: {  	s17 =	sadd.s32 $0x2800, s14;
	s26 =	simm.s32 $0x1380;
	s7 =	sshrl.u32 s7, $0x3  }
.Ltmp0:
0xf: {  	s12 =	sadd.s32 s7, s6;
	s6 =	sadd.s32 s9, s2;
	(pc) =	sbr.rel .LBB2_1-.Ltmp0, $4  }
0x10: {  	s31 =	sadd.s32 $0x4000, s6;
	s8 =	sadd.s32 $0x8000, s6;
	s9 =	sadd.s32 $0xC000, s6  }
0x11: {  	s10 =	sadd.s32 $0x10000, s6;
	s11 =	sadd.s32 $0x82A00, s12;
	s12 =	smax.u32 s13, $0x1  }
0x12: {  	s13 =	sadd.s32 s15, s14;
	s14 =	sadd.s32 s16, s14;
	s15 =	sadd.s32 s15, s17  }
0x13: {  	v0 =	vimm.f32 $0.0e+00;
	s16 =	sadd.s32 s16, s17;
	s17 =	simm.s32 $0x6800;
	[dreg:$0x4] =	wrdreg s31  }
.LBB2_8:
0x14: {  	s0 =	sadd.s32 $0x80, s30;
	[sflag:s25] =	ssyncadd.s32 $0xFFFFC000  }
0x15: {  	[tilespmem:s17], [sflag:$0x2] =	stream.indirect.gather [hbm4b:s1+s20], $0x80, s0, s20, $0xb8;
	[tilespmem:$0x1E800] =	vst v63  }
0x16: {  	_ =	swait.ge [sflag:s22], $0x4000  }
0x17: {  	[sflag:s22] =	ssyncset.done $0x0  }
0x18: {  	s3 =	sadd.s32 $0x1400, s30;
	[sflag:s22] =	ssyncadd.s32 $0xFFFFC000  }
0x19: {  	[spmem:s2] =	stream.indirect.scatter.add.f32 [tilespmem:s21], [sflag:$0x3], $0x80, s3, s20, $0xb8;
	[tilespmem:$0x1E800] =	vst v63  }
0x1a: {  	_ =	swait.ge [sflag:s23], $0x4000  }
0x1b: {  	[sflag:s23] =	ssyncset.done $0x0  }
0x1c: {  	s7 =	sadd.s32 $0x100, s30;
	[sflag:s23] =	ssyncadd.s32 $0xFFFFC000  }
0x1d: {  	[tilespmem:s21], [sflag:$0x1] =	stream.indirect.gather [hbm4b:s1+s20], $0x80, s7, s20, $0xb8;
	[tilespmem:$0x1E800] =	vst v63  }
0x1e: {  	_ =	swait.ge [sflag:s24], $0x4000  }
0x1f: {  	[sflag:s24] =	ssyncset.done $0x0  }
0x20: {  	s31 =	sadd.s32 $0x1480, s30;
	[sflag:s24] =	ssyncadd.s32 $0xFFFFC000  }
0x21: {  	[spmem:s2] =	stream.indirect.scatter.add.f32 [tilespmem:s17], [sflag:$0x4], $0x80, s31, s20, $0xb8;
	[tilespmem:$0x1E800] =	vst v63  }
0x22: {  	_ =	swait.ge [sflag:s25], $0x4000  }
0x23: {  	[sflag:s25] =	ssyncset.done $0x0  }
0x24: {  	[sflag:s25] =	ssyncadd.s32 $0xFFFFC000  }
0x25: {  	[tilespmem:s17], [sflag:$0x2] =	stream.indirect.gather [hbm4b:s1+s20], $0x80, s26, s20, $0xb8;
	[tilespmem:$0x1E800] =	vst v63  }
0x26: {  	_ =	swait.ge [sflag:s22], $0x4000  }
0x27: {  	[sflag:s22] =	ssyncset.done $0x0  }
0x28: {  	[sflag:s22] =	ssyncadd.s32 $0xFFFFC000  }
0x29: {  	[spmem:s2] =	stream.indirect.scatter.add.f32 [tilespmem:s21], [sflag:$0x3], $0x80, s28, s20, $0xb8;
	[tilespmem:$0x1E800] =	vst v63  }
0x2a: {  	_ =	swait.ge [sflag:s23], $0x4000  }
0x2b: {  	[sflag:s23] =	ssyncset.done $0x0  }
0x2c: {  	[sflag:s23] =	ssyncadd.s32 $0xFFFFC000  }
0x2d: {  	_ =	swait.ge [sflag:s24], $0x4000  }
0x2e: {  	[sflag:s24] =	ssyncset.done $0x0  }
0x2f: {  	[sflag:s24] =	ssyncadd.s32 $0xFFFFC000  }
0x30: {  	[spmem:s2] =	stream.indirect.scatter.add.f32 [tilespmem:s17], [sflag:$0x4], $0x80, s29, s20, $0xb8;
	[tilespmem:$0x1E800] =	vst v63  }
0x31: {  	_ =	swait.ge [sflag:s25], $0x4000  }
0x32: {  	[sflag:s25] =	ssyncset.done $0x0  }
0x33: {  	[sflag:s25] =	ssyncadd.s32 $0xFFFFC000  }
.LBB2_14:
0x34: {  	s0 =	stileid.u32;
	s4 =	sadd.s32 $0x1, s4  }
0x35: {  	[bflag:$0x0] =	sbarrier.arrive $0xFFFF;
	s0 =	sshll.u32 s0, $0x6;
	p1 =	sne.s32 s4, s12  }
.Ltmp1:
0x36: {  	s3 =	sshrl.u32 s6, $0x3;
	s0 =	sor.u32 $0x1C05, s0;
	(pc) =	sbr.rel @!p1 .LBB2_15-.Ltmp1, $4  }
0x37: {  	[hbm:s11], [sflag:s0] =	dma.local [spmem:s3], $0x2800  }
0x38: {  	_ =	swait.ge [sflag:s18], $0x2800  }
0x39: {  	[sflag:s18] =	ssyncset.done $0x0  }
0x3a: {  	[sflag:s18] =	ssyncadd.s32 $0xFFFFD800  }
.LBB2_1:
0x3b: {  	s30 =	simm.s32 $0x0;
	s31 =	simm.s32 $0x200  }
.LBB2_2:
0x3c: {  	p1 =	sne.s32 s31, $0xFE00;
	[tilespmem:s30+$0x6870] =	vst v0  }
0x3d: {  	[tilespmem:s30+$0x6800] =	vst v0  }
0x3e: {  	[tilespmem:s30+$0x6810] =	vst v0  }
.Ltmp2:
0x3f: {  	[tilespmem:s30+$0x6820] =	vst v0;
	(pc) =	sbr.rel @p1 .LBB2_2-.Ltmp2, $4  }
0x40: {  	[tilespmem:s30+$0x6830] =	vst v0  }
0x41: {  	[tilespmem:s30+$0x6840] =	vst v0  }
0x42: {  	[tilespmem:s30+$0x6850] =	vst v0  }
0x43: {  	[tilespmem:s30+$0x6860] =	vst v0;
	s30 =	sshra.s32 s31, $0x2;
	s31 =	sadd.s32 $0x200, s31  }
0x44: {  	[tilespmem:s30+$0x6870] =	vst v0  }
0x45: {  	[tilespmem:s30+$0x6800] =	vst v0  }
0x46: {  	[tilespmem:s30+$0x6810] =	vst v0  }
0x47: {  	[tilespmem:s30+$0x6820] =	vst v0  }
0x48: {  	[tilespmem:s30+$0x6830] =	vst v0  }
0x49: {  	[tilespmem:s30+$0x6840] =	vst v0  }
0x4a: {  	[tilespmem:s30+$0x6850] =	vst v0  }
0x4b: {  	[tilespmem:s30+$0x6860] =	vst v0  }
0x4c: {  	[spmem:s6] =	stream.linear.scatter [tilespmem:s17], [sflag:$0x5], $0x4000, $0x38;
	[tilespmem:$0x1E800] =	vst v63  }
0x4d: {  	_ =	swait.ge [sflag:s18], $0x4000  }
0x4e: {  	[sflag:s18] =	ssyncset.done $0x0  }
0x4f: {  	s0 =	rddreg [dreg:$0x4];
	[sflag:s18] =	ssyncadd.s32 $0xFFFFC000  }
0x50: {  	[spmem:s0] =	stream.linear.scatter [tilespmem:s17], [sflag:$0x5], $0x4000, $0x38;
	[tilespmem:$0x1E800] =	vst v63  }
0x51: {  	_ =	swait.ge [sflag:s18], $0x4000  }
0x52: {  	[sflag:s18] =	ssyncset.done $0x0  }
0x53: {  	[sflag:s18] =	ssyncadd.s32 $0xFFFFC000  }
0x54: {  	[spmem:s8] =	stream.linear.scatter [tilespmem:s17], [sflag:$0x5], $0x4000, $0x38;
	[tilespmem:$0x1E800] =	vst v63  }
0x55: {  	_ =	swait.ge [sflag:s18], $0x4000  }
0x56: {  	[sflag:s18] =	ssyncset.done $0x0  }
0x57: {  	[sflag:s18] =	ssyncadd.s32 $0xFFFFC000  }
0x58: {  	[spmem:s9] =	stream.linear.scatter [tilespmem:s17], [sflag:$0x5], $0x4000, $0x38;
	[tilespmem:$0x1E800] =	vst v63  }
0x59: {  	_ =	swait.ge [sflag:s18], $0x4000  }
0x5a: {  	[sflag:s18] =	ssyncset.done $0x0  }
0x5b: {  	[sflag:s18] =	ssyncadd.s32 $0xFFFFC000  }
0x5c: {  	[spmem:s10] =	stream.linear.scatter [tilespmem:s17], [sflag:$0x5], $0x4000, $0x38;
	[tilespmem:$0x1E800] =	vst v63  }
.Ltmp3:
0x5d: {  	_ =	swait.ge [sflag:s18], $0x4000;
	(pc) =	sbr.rel @!p0 .LBB2_4-.Ltmp3, $3  }
0x5e: {  	[sflag:s18] =	ssyncset.done $0x0  }
0x5f: {  	[sflag:s18] =	ssyncadd.s32 $0xFFFFC000  }
0x60: {  	[bflag:$0x0] =	sbarrier.arrive $0xFFFF;
	_ =	sdelay $0x1  }
0x61: {  	s0 =	simm.s32 $0x0  }
0x62: {  	[tilespmem:s0], [sflag:$0x5] =	stream.linear.gather [hbm4b:s13+s0], $0x1400, $0x38;
	[tilespmem:$0x1E800] =	vst v63  }
0x63: {  	_ =	swait.ge [sflag:s18], $0x1400  }
0x64: {  	[sflag:s18] =	ssyncset.done $0x0  }
0x65: {  	[sflag:s18] =	ssyncadd.s32 $0xFFFFEC00  }
0x66: {  	[tilespmem:s19], [sflag:$0x5] =	stream.linear.gather [hbm4b:s14+s0], $0x1400, $0x38;
	[tilespmem:$0x1E800] =	vst v63  }
0x67: {  	_ =	swait.ge [sflag:s18], $0x1400  }
0x68: {  	[sflag:s18] =	ssyncset.done $0x0  }
0x69: {  	[sflag:s18] =	ssyncadd.s32 $0xFFFFEC00  }
0x6a: {  	[tilespmem:s21], [sflag:$0x1] =	stream.indirect.gather [hbm4b:s5+s20], $0x80, s0, s20, $0xb8;
	[tilespmem:$0x1E800] =	vst v63  }
0x6b: {  	s3 =	simm.s32 $0x80  }
0x6c: {  	[tilespmem:s17], [sflag:$0x2] =	stream.indirect.gather [hbm4b:s5+s20], $0x80, s3, s20, $0xb8;
	[tilespmem:$0x1E800] =	vst v63  }
0x6d: {  	_ =	swait.ge [sflag:s22], $0x4000  }
0x6e: {  	[sflag:s22] =	ssyncset.done $0x0  }
0x6f: {  	s7 =	simm.s32 $0x1400;
	[sflag:s22] =	ssyncadd.s32 $0xFFFFC000  }
0x70: {  	[spmem:s2] =	stream.indirect.scatter.add.f32 [tilespmem:s21], [sflag:$0x3], $0x80, s7, s20, $0xb8;
	[tilespmem:$0x1E800] =	vst v63  }
0x71: {  	_ =	swait.ge [sflag:s23], $0x4000  }
0x72: {  	[sflag:s23] =	ssyncset.done $0x0  }
0x73: {  	s3 =	simm.s32 $0x100;
	[sflag:s23] =	ssyncadd.s32 $0xFFFFC000  }
0x74: {  	[tilespmem:s21], [sflag:$0x1] =	stream.indirect.gather [hbm4b:s5+s20], $0x80, s3, s20, $0xb8;
	[tilespmem:$0x1E800] =	vst v63  }
0x75: {  	_ =	swait.ge [sflag:s24], $0x4000  }
0x76: {  	[sflag:s24] =	ssyncset.done $0x0  }
0x77: {  	s7 =	simm.s32 $0x1480;
	[sflag:s24] =	ssyncadd.s32 $0xFFFFC000  }
0x78: {  	[spmem:s2] =	stream.indirect.scatter.add.f32 [tilespmem:s17], [sflag:$0x4], $0x80, s7, s20, $0xb8;
	[tilespmem:$0x1E800] =	vst v63  }
0x79: {  	_ =	swait.ge [sflag:s25], $0x4000  }
0x7a: {  	s31 =	simm.s32 $0x800;
	s30 =	simm.s32 $0x100;
	[sflag:s25] =	ssyncset.done $0x0  }
.LBB2_10:
0x7b: {  	s0 =	sadd.s32 $0x80, s30  }
0x7c: {  	[sflag:s25] =	ssyncadd.s32 $0xFFFFC000;
	s3 =	smov.u32 s31;
	s7 =	sadd.s32 $0x400, s31  }
0x7d: {  	[tilespmem:s17], [sflag:$0x2] =	stream.indirect.gather [hbm4b:s5+s20], $0x80, s0, s20, $0xb8;
	[tilespmem:$0x1E800] =	vst v63  }
0x7e: {  	p1 =	sne.s32 s31, $0x4800;
	_ =	swait.ge [sflag:s22], $0x4000  }
0x7f: {  	[sflag:s22] =	ssyncset.done $0x0  }
0x80: {  	s0 =	sadd.s32 $0x1400, s30;
	[sflag:s22] =	ssyncadd.s32 $0xFFFFC000  }
0x81: {  	[spmem:s2] =	stream.indirect.scatter.add.f32 [tilespmem:s21], [sflag:$0x3], $0x80, s0, s20, $0xb8;
	[tilespmem:$0x1E800] =	vst v63  }
0x82: {  	_ =	swait.ge [sflag:s23], $0x4000  }
0x83: {  	[sflag:s23] =	ssyncset.done $0x0  }
0x84: {  	s0 =	sadd.s32 $0x100, s30;
	[sflag:s23] =	ssyncadd.s32 $0xFFFFC000  }
0x85: {  	[tilespmem:s21], [sflag:$0x1] =	stream.indirect.gather [hbm4b:s5+s20], $0x80, s0, s20, $0xb8;
	[tilespmem:$0x1E800] =	vst v63  }
0x86: {  	_ =	swait.ge [sflag:s24], $0x4000  }
.Ltmp4:
0x87: {  	[sflag:s24] =	ssyncset.done $0x0;
	(pc) =	sbr.rel @p1 .LBB2_10-.Ltmp4, $4  }
0x88: {  	s0 =	sadd.s32 $0x1480, s30;
	[sflag:s24] =	ssyncadd.s32 $0xFFFFC000  }
0x89: {  	[spmem:s2] =	stream.indirect.scatter.add.f32 [tilespmem:s17], [sflag:$0x4], $0x80, s0, s20, $0xb8;
	[tilespmem:$0x1E800] =	vst v63  }
0x8a: {  	_ =	swait.ge [sflag:s25], $0x4000  }
0x8b: {  	s31 =	smov.u32 s7;
	s30 =	sshra.s32 s3, $0x2;
	[sflag:s25] =	ssyncset.done $0x0  }
0x8c: {  	s0 =	sadd.s32 $0x80, s30;
	[sflag:s25] =	ssyncadd.s32 $0xFFFFC000  }
0x8d: {  	[tilespmem:s17], [sflag:$0x2] =	stream.indirect.gather [hbm4b:s5+s20], $0x80, s0, s20, $0xb8;
	[tilespmem:$0x1E800] =	vst v63  }
0x8e: {  	_ =	swait.ge [sflag:s22], $0x4000  }
0x8f: {  	[sflag:s22] =	ssyncset.done $0x0  }
0x90: {  	s3 =	sadd.s32 $0x1400, s30;
	[sflag:s22] =	ssyncadd.s32 $0xFFFFC000  }
0x91: {  	[spmem:s2] =	stream.indirect.scatter.add.f32 [tilespmem:s21], [sflag:$0x3], $0x80, s3, s20, $0xb8;
	[tilespmem:$0x1E800] =	vst v63  }
0x92: {  	_ =	swait.ge [sflag:s23], $0x4000  }
0x93: {  	[sflag:s23] =	ssyncset.done $0x0  }
0x94: {  	s7 =	sadd.s32 $0x100, s30;
	[sflag:s23] =	ssyncadd.s32 $0xFFFFC000  }
0x95: {  	[tilespmem:s21], [sflag:$0x1] =	stream.indirect.gather [hbm4b:s5+s20], $0x80, s7, s20, $0xb8;
	[tilespmem:$0x1E800] =	vst v63  }
0x96: {  	_ =	swait.ge [sflag:s24], $0x4000  }
0x97: {  	[sflag:s24] =	ssyncset.done $0x0  }
0x98: {  	s3 =	sadd.s32 $0x1480, s30;
	[sflag:s24] =	ssyncadd.s32 $0xFFFFC000  }
0x99: {  	[spmem:s2] =	stream.indirect.scatter.add.f32 [tilespmem:s17], [sflag:$0x4], $0x80, s3, s20, $0xb8;
	[tilespmem:$0x1E800] =	vst v63  }
0x9a: {  	_ =	swait.ge [sflag:s25], $0x4000  }
0x9b: {  	[sflag:s25] =	ssyncset.done $0x0  }
0x9c: {  	[sflag:s25] =	ssyncadd.s32 $0xFFFFC000  }
0x9d: {  	[tilespmem:s17], [sflag:$0x2] =	stream.indirect.gather [hbm4b:s5+s20], $0x80, s26, s20, $0xb8;
	[tilespmem:$0x1E800] =	vst v63  }
0x9e: {  	_ =	swait.ge [sflag:s22], $0x4000  }
0x9f: {  	[sflag:s22] =	ssyncset.done $0x0  }
0xa0: {  	[sflag:s22] =	ssyncadd.s32 $0xFFFFC000  }
0xa1: {  	[spmem:s2] =	stream.indirect.scatter.add.f32 [tilespmem:s21], [sflag:$0x3], $0x80, s28, s20, $0xb8;
	[tilespmem:$0x1E800] =	vst v63  }
0xa2: {  	_ =	swait.ge [sflag:s23], $0x4000  }
0xa3: {  	[sflag:s23] =	ssyncset.done $0x0  }
0xa4: {  	[sflag:s23] =	ssyncadd.s32 $0xFFFFC000  }
0xa5: {  	_ =	swait.ge [sflag:s24], $0x4000  }
0xa6: {  	[sflag:s24] =	ssyncset.done $0x0  }
0xa7: {  	[sflag:s24] =	ssyncadd.s32 $0xFFFFC000  }
0xa8: {  	[spmem:s2] =	stream.indirect.scatter.add.f32 [tilespmem:s17], [sflag:$0x4], $0x80, s29, s20, $0xb8;
	[tilespmem:$0x1E800] =	vst v63  }
0xa9: {  	_ =	swait.ge [sflag:s25], $0x4000  }
0xaa: {  	[sflag:s25] =	ssyncset.done $0x0  }
0xab: {  	s7 =	simm.s32 $0x0;
	[sflag:s25] =	ssyncadd.s32 $0xFFFFC000  }
0xac: {  	[tilespmem:s7], [sflag:$0x5] =	stream.linear.gather [hbm4b:s15+s7], $0x1400, $0x38;
	[tilespmem:$0x1E800] =	vst v63  }
0xad: {  	_ =	swait.ge [sflag:s18], $0x1400  }
0xae: {  	[sflag:s18] =	ssyncset.done $0x0  }
0xaf: {  	[sflag:s18] =	ssyncadd.s32 $0xFFFFEC00  }
0xb0: {  	[tilespmem:s19], [sflag:$0x5] =	stream.linear.gather [hbm4b:s16+s7], $0x1400, $0x38;
	[tilespmem:$0x1E800] =	vst v63  }
0xb1: {  	_ =	swait.ge [sflag:s18], $0x1400  }
0xb2: {  	[sflag:s18] =	ssyncset.done $0x0  }
0xb3: {  	[sflag:s18] =	ssyncadd.s32 $0xFFFFEC00  }
0xb4: {  	[tilespmem:s21], [sflag:$0x1] =	stream.indirect.gather [hbm4b:s5+s20], $0x80, s7, s20, $0xb8;
	[tilespmem:$0x1E800] =	vst v63  }
0xb5: {  	s3 =	simm.s32 $0x80  }
0xb6: {  	[tilespmem:s17], [sflag:$0x2] =	stream.indirect.gather [hbm4b:s5+s20], $0x80, s3, s20, $0xb8;
	[tilespmem:$0x1E800] =	vst v63  }
0xb7: {  	_ =	swait.ge [sflag:s22], $0x4000  }
0xb8: {  	[sflag:s22] =	ssyncset.done $0x0  }
0xb9: {  	s7 =	simm.s32 $0x1400;
	[sflag:s22] =	ssyncadd.s32 $0xFFFFC000  }
0xba: {  	[spmem:s2] =	stream.indirect.scatter.add.f32 [tilespmem:s21], [sflag:$0x3], $0x80, s7, s20, $0xb8;
	[tilespmem:$0x1E800] =	vst v63  }
0xbb: {  	_ =	swait.ge [sflag:s23], $0x4000  }
0xbc: {  	[sflag:s23] =	ssyncset.done $0x0  }
0xbd: {  	s3 =	simm.s32 $0x100;
	[sflag:s23] =	ssyncadd.s32 $0xFFFFC000  }
0xbe: {  	[tilespmem:s21], [sflag:$0x1] =	stream.indirect.gather [hbm4b:s5+s20], $0x80, s3, s20, $0xb8;
	[tilespmem:$0x1E800] =	vst v63  }
0xbf: {  	_ =	swait.ge [sflag:s24], $0x4000  }
0xc0: {  	[sflag:s24] =	ssyncset.done $0x0  }
0xc1: {  	s7 =	simm.s32 $0x1480;
	[sflag:s24] =	ssyncadd.s32 $0xFFFFC000  }
0xc2: {  	[spmem:s2] =	stream.indirect.scatter.add.f32 [tilespmem:s17], [sflag:$0x4], $0x80, s7, s20, $0xb8;
	[tilespmem:$0x1E800] =	vst v63  }
0xc3: {  	_ =	swait.ge [sflag:s25], $0x4000  }
0xc4: {  	s31 =	simm.s32 $0x800;
	s30 =	simm.s32 $0x100;
	[sflag:s25] =	ssyncset.done $0x0  }
.LBB2_12:
0xc5: {  	s0 =	sadd.s32 $0x80, s30  }
0xc6: {  	[sflag:s25] =	ssyncadd.s32 $0xFFFFC000;
	s3 =	smov.u32 s31;
	s7 =	sadd.s32 $0x400, s31  }
0xc7: {  	[tilespmem:s17], [sflag:$0x2] =	stream.indirect.gather [hbm4b:s5+s20], $0x80, s0, s20, $0xb8;
	[tilespmem:$0x1E800] =	vst v63  }
0xc8: {  	p1 =	sne.s32 s31, $0x4800;
	_ =	swait.ge [sflag:s22], $0x4000  }
0xc9: {  	[sflag:s22] =	ssyncset.done $0x0  }
0xca: {  	s0 =	sadd.s32 $0x1400, s30;
	[sflag:s22] =	ssyncadd.s32 $0xFFFFC000  }
0xcb: {  	[spmem:s2] =	stream.indirect.scatter.add.f32 [tilespmem:s21], [sflag:$0x3], $0x80, s0, s20, $0xb8;
	[tilespmem:$0x1E800] =	vst v63  }
0xcc: {  	_ =	swait.ge [sflag:s23], $0x4000  }
0xcd: {  	[sflag:s23] =	ssyncset.done $0x0  }
0xce: {  	s0 =	sadd.s32 $0x100, s30;
	[sflag:s23] =	ssyncadd.s32 $0xFFFFC000  }
0xcf: {  	[tilespmem:s21], [sflag:$0x1] =	stream.indirect.gather [hbm4b:s5+s20], $0x80, s0, s20, $0xb8;
	[tilespmem:$0x1E800] =	vst v63  }
0xd0: {  	_ =	swait.ge [sflag:s24], $0x4000  }
.Ltmp5:
0xd1: {  	[sflag:s24] =	ssyncset.done $0x0;
	(pc) =	sbr.rel @p1 .LBB2_12-.Ltmp5, $4  }
0xd2: {  	s0 =	sadd.s32 $0x1480, s30;
	[sflag:s24] =	ssyncadd.s32 $0xFFFFC000  }
0xd3: {  	[spmem:s2] =	stream.indirect.scatter.add.f32 [tilespmem:s17], [sflag:$0x4], $0x80, s0, s20, $0xb8;
	[tilespmem:$0x1E800] =	vst v63  }
0xd4: {  	_ =	swait.ge [sflag:s25], $0x4000  }
0xd5: {  	s31 =	smov.u32 s7;
	s30 =	sshra.s32 s3, $0x2;
	[sflag:s25] =	ssyncset.done $0x0  }
0xd6: {  	s0 =	sadd.s32 $0x80, s30;
	[sflag:s25] =	ssyncadd.s32 $0xFFFFC000  }
0xd7: {  	[tilespmem:s17], [sflag:$0x2] =	stream.indirect.gather [hbm4b:s5+s20], $0x80, s0, s20, $0xb8;
	[tilespmem:$0x1E800] =	vst v63  }
0xd8: {  	_ =	swait.ge [sflag:s22], $0x4000  }
0xd9: {  	[sflag:s22] =	ssyncset.done $0x0  }
0xda: {  	s3 =	sadd.s32 $0x1400, s30;
	[sflag:s22] =	ssyncadd.s32 $0xFFFFC000  }
0xdb: {  	[spmem:s2] =	stream.indirect.scatter.add.f32 [tilespmem:s21], [sflag:$0x3], $0x80, s3, s20, $0xb8;
	[tilespmem:$0x1E800] =	vst v63  }
0xdc: {  	_ =	swait.ge [sflag:s23], $0x4000  }
0xdd: {  	[sflag:s23] =	ssyncset.done $0x0  }
0xde: {  	s7 =	sadd.s32 $0x100, s30;
	[sflag:s23] =	ssyncadd.s32 $0xFFFFC000  }
0xdf: {  	[tilespmem:s21], [sflag:$0x1] =	stream.indirect.gather [hbm4b:s5+s20], $0x80, s7, s20, $0xb8;
	[tilespmem:$0x1E800] =	vst v63  }
0xe0: {  	_ =	swait.ge [sflag:s24], $0x4000  }
0xe1: {  	[sflag:s24] =	ssyncset.done $0x0  }
0xe2: {  	s31 =	sadd.s32 $0x1480, s30;
	[sflag:s24] =	ssyncadd.s32 $0xFFFFC000  }
0xe3: {  	[spmem:s2] =	stream.indirect.scatter.add.f32 [tilespmem:s17], [sflag:$0x4], $0x80, s31, s20, $0xb8;
	[tilespmem:$0x1E800] =	vst v63  }
0xe4: {  	_ =	swait.ge [sflag:s25], $0x4000  }
0xe5: {  	[sflag:s25] =	ssyncset.done $0x0  }
0xe6: {  	[sflag:s25] =	ssyncadd.s32 $0xFFFFC000  }
0xe7: {  	[tilespmem:s17], [sflag:$0x2] =	stream.indirect.gather [hbm4b:s5+s20], $0x80, s26, s20, $0xb8;
	[tilespmem:$0x1E800] =	vst v63  }
0xe8: {  	_ =	swait.ge [sflag:s22], $0x4000  }
0xe9: {  	[sflag:s22] =	ssyncset.done $0x0  }
0xea: {  	[sflag:s22] =	ssyncadd.s32 $0xFFFFC000  }
0xeb: {  	[spmem:s2] =	stream.indirect.scatter.add.f32 [tilespmem:s21], [sflag:$0x3], $0x80, s28, s20, $0xb8;
	[tilespmem:$0x1E800] =	vst v63  }
0xec: {  	_ =	swait.ge [sflag:s23], $0x4000  }
0xed: {  	[sflag:s23] =	ssyncset.done $0x0  }
0xee: {  	[sflag:s23] =	ssyncadd.s32 $0xFFFFC000  }
0xef: {  	_ =	swait.ge [sflag:s24], $0x4000  }
0xf0: {  	[sflag:s24] =	ssyncset.done $0x0  }
.Ltmp6:
0xf1: {  	[sflag:s24] =	ssyncadd.s32 $0xFFFFC000;
	(pc) =	sbr.rel .LBB2_14-.Ltmp6, $4  }
0xf2: {  	[spmem:s2] =	stream.indirect.scatter.add.f32 [tilespmem:s17], [sflag:$0x4], $0x80, s29, s20, $0xb8;
	[tilespmem:$0x1E800] =	vst v63  }
0xf3: {  	_ =	swait.ge [sflag:s25], $0x4000  }
0xf4: {  	[sflag:s25] =	ssyncset.done $0x0  }
0xf5: {  	[sflag:s25] =	ssyncadd.s32 $0xFFFFC000  }
.LBB2_4:
0xf6: {  	s30 =	simm.s32 $0x0  }
0xf7: {  	[tilespmem:s30], [sflag:$0x5] =	stream.linear.gather [hbm4b:s13+s30], $0x1400, $0x38;
	[tilespmem:$0x1E800] =	vst v63  }
0xf8: {  	_ =	swait.ge [sflag:s18], $0x1400  }
0xf9: {  	[sflag:s18] =	ssyncset.done $0x0  }
0xfa: {  	[sflag:s18] =	ssyncadd.s32 $0xFFFFEC00  }
0xfb: {  	[tilespmem:s19], [sflag:$0x5] =	stream.linear.gather [hbm4b:s14+s30], $0x1400, $0x38;
	[tilespmem:$0x1E800] =	vst v63  }
0xfc: {  	_ =	swait.ge [sflag:s18], $0x1400  }
0xfd: {  	[sflag:s18] =	ssyncset.done $0x0  }
0xfe: {  	[sflag:s18] =	ssyncadd.s32 $0xFFFFEC00  }
0xff: {  	[tilespmem:s21], [sflag:$0x1] =	stream.indirect.gather [hbm4b:s1+s20], $0x80, s30, s20, $0xb8;
	[tilespmem:$0x1E800] =	vst v63  }
0x100: {  	s30 =	simm.s32 $0x80  }
0x101: {  	[tilespmem:s17], [sflag:$0x2] =	stream.indirect.gather [hbm4b:s1+s20], $0x80, s30, s20, $0xb8;
	[tilespmem:$0x1E800] =	vst v63  }
0x102: {  	_ =	swait.ge [sflag:s22], $0x4000  }
0x103: {  	[sflag:s22] =	ssyncset.done $0x0  }
0x104: {  	s30 =	simm.s32 $0x1400;
	[sflag:s22] =	ssyncadd.s32 $0xFFFFC000  }
0x105: {  	[spmem:s2] =	stream.indirect.scatter.add.f32 [tilespmem:s21], [sflag:$0x3], $0x80, s30, s20, $0xb8;
	[tilespmem:$0x1E800] =	vst v63  }
0x106: {  	_ =	swait.ge [sflag:s23], $0x4000  }
0x107: {  	[sflag:s23] =	ssyncset.done $0x0  }
0x108: {  	s30 =	simm.s32 $0x100;
	[sflag:s23] =	ssyncadd.s32 $0xFFFFC000  }
0x109: {  	[tilespmem:s21], [sflag:$0x1] =	stream.indirect.gather [hbm4b:s1+s20], $0x80, s30, s20, $0xb8;
	[tilespmem:$0x1E800] =	vst v63  }
0x10a: {  	_ =	swait.ge [sflag:s24], $0x4000  }
0x10b: {  	[sflag:s24] =	ssyncset.done $0x0  }
0x10c: {  	s30 =	simm.s32 $0x1480;
	[sflag:s24] =	ssyncadd.s32 $0xFFFFC000  }
0x10d: {  	[spmem:s2] =	stream.indirect.scatter.add.f32 [tilespmem:s17], [sflag:$0x4], $0x80, s30, s20, $0xb8;
	[tilespmem:$0x1E800] =	vst v63  }
0x10e: {  	_ =	swait.ge [sflag:s25], $0x4000  }
0x10f: {  	s31 =	simm.s32 $0x800;
	s30 =	simm.s32 $0x100;
	[sflag:s25] =	ssyncset.done $0x0  }
.LBB2_5:
0x110: {  	s0 =	sadd.s32 $0x80, s30  }
0x111: {  	[sflag:s25] =	ssyncadd.s32 $0xFFFFC000;
	s3 =	smov.u32 s31;
	s7 =	sadd.s32 $0x400, s31  }
0x112: {  	[tilespmem:s17], [sflag:$0x2] =	stream.indirect.gather [hbm4b:s1+s20], $0x80, s0, s20, $0xb8;
	[tilespmem:$0x1E800] =	vst v63  }
0x113: {  	p1 =	sne.s32 s31, $0x4800;
	_ =	swait.ge [sflag:s22], $0x4000  }
0x114: {  	[sflag:s22] =	ssyncset.done $0x0  }
0x115: {  	s0 =	sadd.s32 $0x1400, s30;
	[sflag:s22] =	ssyncadd.s32 $0xFFFFC000  }
0x116: {  	[spmem:s2] =	stream.indirect.scatter.add.f32 [tilespmem:s21], [sflag:$0x3], $0x80, s0, s20, $0xb8;
	[tilespmem:$0x1E800] =	vst v63  }
0x117: {  	_ =	swait.ge [sflag:s23], $0x4000  }
0x118: {  	[sflag:s23] =	ssyncset.done $0x0  }
0x119: {  	s0 =	sadd.s32 $0x100, s30;
	[sflag:s23] =	ssyncadd.s32 $0xFFFFC000  }
0x11a: {  	[tilespmem:s21], [sflag:$0x1] =	stream.indirect.gather [hbm4b:s1+s20], $0x80, s0, s20, $0xb8;
	[tilespmem:$0x1E800] =	vst v63  }
0x11b: {  	_ =	swait.ge [sflag:s24], $0x4000  }
.Ltmp7:
0x11c: {  	[sflag:s24] =	ssyncset.done $0x0;
	(pc) =	sbr.rel @p1 .LBB2_5-.Ltmp7, $4  }
0x11d: {  	s0 =	sadd.s32 $0x1480, s30;
	[sflag:s24] =	ssyncadd.s32 $0xFFFFC000  }
0x11e: {  	[spmem:s2] =	stream.indirect.scatter.add.f32 [tilespmem:s17], [sflag:$0x4], $0x80, s0, s20, $0xb8;
	[tilespmem:$0x1E800] =	vst v63  }
0x11f: {  	_ =	swait.ge [sflag:s25], $0x4000  }
0x120: {  	s31 =	smov.u32 s7;
	s30 =	sshra.s32 s3, $0x2;
	[sflag:s25] =	ssyncset.done $0x0  }
0x121: {  	s0 =	sadd.s32 $0x80, s30;
	[sflag:s25] =	ssyncadd.s32 $0xFFFFC000  }
0x122: {  	[tilespmem:s17], [sflag:$0x2] =	stream.indirect.gather [hbm4b:s1+s20], $0x80, s0, s20, $0xb8;
	[tilespmem:$0x1E800] =	vst v63  }
0x123: {  	_ =	swait.ge [sflag:s22], $0x4000  }
0x124: {  	[sflag:s22] =	ssyncset.done $0x0  }
0x125: {  	s3 =	sadd.s32 $0x1400, s30;
	[sflag:s22] =	ssyncadd.s32 $0xFFFFC000  }
0x126: {  	[spmem:s2] =	stream.indirect.scatter.add.f32 [tilespmem:s21], [sflag:$0x3], $0x80, s3, s20, $0xb8;
	[tilespmem:$0x1E800] =	vst v63  }
0x127: {  	_ =	swait.ge [sflag:s23], $0x4000  }
0x128: {  	[sflag:s23] =	ssyncset.done $0x0  }
0x129: {  	s7 =	sadd.s32 $0x100, s30;
	[sflag:s23] =	ssyncadd.s32 $0xFFFFC000  }
0x12a: {  	[tilespmem:s21], [sflag:$0x1] =	stream.indirect.gather [hbm4b:s1+s20], $0x80, s7, s20, $0xb8;
	[tilespmem:$0x1E800] =	vst v63  }
0x12b: {  	_ =	swait.ge [sflag:s24], $0x4000  }
0x12c: {  	[sflag:s24] =	ssyncset.done $0x0  }
0x12d: {  	s3 =	sadd.s32 $0x1480, s30;
	[sflag:s24] =	ssyncadd.s32 $0xFFFFC000  }
0x12e: {  	[spmem:s2] =	stream.indirect.scatter.add.f32 [tilespmem:s17], [sflag:$0x4], $0x80, s3, s20, $0xb8;
	[tilespmem:$0x1E800] =	vst v63  }
0x12f: {  	_ =	swait.ge [sflag:s25], $0x4000  }
0x130: {  	[sflag:s25] =	ssyncset.done $0x0  }
0x131: {  	[sflag:s25] =	ssyncadd.s32 $0xFFFFC000  }
0x132: {  	[tilespmem:s17], [sflag:$0x2] =	stream.indirect.gather [hbm4b:s1+s20], $0x80, s26, s20, $0xb8;
	[tilespmem:$0x1E800] =	vst v63  }
0x133: {  	_ =	swait.ge [sflag:s22], $0x4000  }
0x134: {  	[sflag:s22] =	ssyncset.done $0x0  }
0x135: {  	[sflag:s22] =	ssyncadd.s32 $0xFFFFC000  }
0x136: {  	[spmem:s2] =	stream.indirect.scatter.add.f32 [tilespmem:s21], [sflag:$0x3], $0x80, s28, s20, $0xb8;
	[tilespmem:$0x1E800] =	vst v63  }
0x137: {  	_ =	swait.ge [sflag:s23], $0x4000  }
0x138: {  	[sflag:s23] =	ssyncset.done $0x0  }
0x139: {  	[sflag:s23] =	ssyncadd.s32 $0xFFFFC000  }
0x13a: {  	_ =	swait.ge [sflag:s24], $0x4000  }
0x13b: {  	[sflag:s24] =	ssyncset.done $0x0  }
0x13c: {  	[sflag:s24] =	ssyncadd.s32 $0xFFFFC000  }
0x13d: {  	[spmem:s2] =	stream.indirect.scatter.add.f32 [tilespmem:s17], [sflag:$0x4], $0x80, s29, s20, $0xb8;
	[tilespmem:$0x1E800] =	vst v63  }
0x13e: {  	_ =	swait.ge [sflag:s25], $0x4000  }
0x13f: {  	[sflag:s25] =	ssyncset.done $0x0  }
0x140: {  	s7 =	simm.s32 $0x0;
	[sflag:s25] =	ssyncadd.s32 $0xFFFFC000  }
0x141: {  	[tilespmem:s7], [sflag:$0x5] =	stream.linear.gather [hbm4b:s15+s7], $0x1400, $0x38;
	[tilespmem:$0x1E800] =	vst v63  }
0x142: {  	_ =	swait.ge [sflag:s18], $0x1400  }
0x143: {  	[sflag:s18] =	ssyncset.done $0x0  }
0x144: {  	[sflag:s18] =	ssyncadd.s32 $0xFFFFEC00  }
0x145: {  	[tilespmem:s19], [sflag:$0x5] =	stream.linear.gather [hbm4b:s16+s7], $0x1400, $0x38;
	[tilespmem:$0x1E800] =	vst v63  }
0x146: {  	_ =	swait.ge [sflag:s18], $0x1400  }
0x147: {  	[sflag:s18] =	ssyncset.done $0x0  }
0x148: {  	[sflag:s18] =	ssyncadd.s32 $0xFFFFEC00  }
0x149: {  	[tilespmem:s21], [sflag:$0x1] =	stream.indirect.gather [hbm4b:s1+s20], $0x80, s7, s20, $0xb8;
	[tilespmem:$0x1E800] =	vst v63  }
0x14a: {  	s3 =	simm.s32 $0x80  }
0x14b: {  	[tilespmem:s17], [sflag:$0x2] =	stream.indirect.gather [hbm4b:s1+s20], $0x80, s3, s20, $0xb8;
	[tilespmem:$0x1E800] =	vst v63  }
0x14c: {  	_ =	swait.ge [sflag:s22], $0x4000  }
0x14d: {  	[sflag:s22] =	ssyncset.done $0x0  }
0x14e: {  	s7 =	simm.s32 $0x1400;
	[sflag:s22] =	ssyncadd.s32 $0xFFFFC000  }
0x14f: {  	[spmem:s2] =	stream.indirect.scatter.add.f32 [tilespmem:s21], [sflag:$0x3], $0x80, s7, s20, $0xb8;
	[tilespmem:$0x1E800] =	vst v63  }
0x150: {  	_ =	swait.ge [sflag:s23], $0x4000  }
0x151: {  	[sflag:s23] =	ssyncset.done $0x0  }
0x152: {  	s3 =	simm.s32 $0x100;
	[sflag:s23] =	ssyncadd.s32 $0xFFFFC000  }
0x153: {  	[tilespmem:s21], [sflag:$0x1] =	stream.indirect.gather [hbm4b:s1+s20], $0x80, s3, s20, $0xb8;
	[tilespmem:$0x1E800] =	vst v63  }
0x154: {  	_ =	swait.ge [sflag:s24], $0x4000  }
0x155: {  	[sflag:s24] =	ssyncset.done $0x0  }
0x156: {  	s7 =	simm.s32 $0x1480;
	[sflag:s24] =	ssyncadd.s32 $0xFFFFC000  }
0x157: {  	[spmem:s2] =	stream.indirect.scatter.add.f32 [tilespmem:s17], [sflag:$0x4], $0x80, s7, s20, $0xb8;
	[tilespmem:$0x1E800] =	vst v63  }
0x158: {  	_ =	swait.ge [sflag:s25], $0x4000  }
0x159: {  	s31 =	simm.s32 $0x800;
	s30 =	simm.s32 $0x100;
	[sflag:s25] =	ssyncset.done $0x0  }
.LBB2_7:
0x15a: {  	s0 =	sadd.s32 $0x80, s30  }
0x15b: {  	[sflag:s25] =	ssyncadd.s32 $0xFFFFC000;
	s3 =	smov.u32 s31;
	s7 =	sadd.s32 $0x400, s31  }
0x15c: {  	[tilespmem:s17], [sflag:$0x2] =	stream.indirect.gather [hbm4b:s1+s20], $0x80, s0, s20, $0xb8;
	[tilespmem:$0x1E800] =	vst v63  }
0x15d: {  	p1 =	sne.s32 s31, $0x4800;
	_ =	swait.ge [sflag:s22], $0x4000  }
0x15e: {  	[sflag:s22] =	ssyncset.done $0x0  }
0x15f: {  	s0 =	sadd.s32 $0x1400, s30;
	[sflag:s22] =	ssyncadd.s32 $0xFFFFC000  }
0x160: {  	[spmem:s2] =	stream.indirect.scatter.add.f32 [tilespmem:s21], [sflag:$0x3], $0x80, s0, s20, $0xb8;
	[tilespmem:$0x1E800] =	vst v63  }
0x161: {  	_ =	swait.ge [sflag:s23], $0x4000  }
0x162: {  	[sflag:s23] =	ssyncset.done $0x0  }
0x163: {  	s0 =	sadd.s32 $0x100, s30;
	[sflag:s23] =	ssyncadd.s32 $0xFFFFC000  }
0x164: {  	[tilespmem:s21], [sflag:$0x1] =	stream.indirect.gather [hbm4b:s1+s20], $0x80, s0, s20, $0xb8;
	[tilespmem:$0x1E800] =	vst v63  }
0x165: {  	_ =	swait.ge [sflag:s24], $0x4000  }
.Ltmp8:
0x166: {  	[sflag:s24] =	ssyncset.done $0x0;
	(pc) =	sbr.rel @p1 .LBB2_7-.Ltmp8, $4  }
0x167: {  	s0 =	sadd.s32 $0x1480, s30;
	[sflag:s24] =	ssyncadd.s32 $0xFFFFC000  }
0x168: {  	[spmem:s2] =	stream.indirect.scatter.add.f32 [tilespmem:s17], [sflag:$0x4], $0x80, s0, s20, $0xb8;
	[tilespmem:$0x1E800] =	vst v63  }
0x169: {  	_ =	swait.ge [sflag:s25], $0x4000  }
0x16a: {  	s31 =	smov.u32 s7;
	s30 =	sshra.s32 s3, $0x2;
	[sflag:s25] =	ssyncset.done $0x0  }
.Ltmp9:
0x16b: {  	_ = 	snop;
	(pc) =	sbr.rel .LBB2_8-.Ltmp9, $1  }
0x16c: {  	_ =	sdelay $0x3  }
.LBB2_15:
0x16d: {  	_ =	sfence.sel $0x180000  }
0x16e: {  	[bflag:$0x0] =	sbarrier.arrive $0xFFFF  }
0x16f: {  	_ =	strace $0x9000004A  }
0x170: {  	s0 =	stileid.u32;
	[bflag:$0x2] =	sbarrier.arrive $0xFFFF  }
0x171: {  	p0 =	sne.s32 s0, $0x0;
	s0 =	rddreg [dreg:$0x3]  }
0x172: {  	s0 =	sadd.s32 @!p0 $0x100000, s0  }
0x173: {  	[sflag:s0] =	ssyncadd.tile.s32 @!p0 $0x1;
	_ =	shalt  }
.Lfunc_end2:
_tile_overlayer_lowered:
.L_overlay_start_2:
0x174: {  	(tag) =	ssettag $0x2  }
0x175: {  	s0 =	rddreg [dreg:$0x0];
	s2 =	stileid.u32  }
0x176: {  	s1 =	rddreg [dreg:$0x1];
	p0 =	sne.s32 s2, $0x0  }
0x177: {  	s3 =	rddreg [dreg:$0x2];
	[bflag:$0x3] =	sbarrier.arrive $0xFFFF;
	s2 =	simm.s32 @!p0 $0x1C05  }
0x178: {  	[timem:s3], [sflag:s2] =	dma.local @!p0 [hbm:s0], s1  }
0x179: {  	s0 =	simm.s32 @!p0 $0x5  }
0x17a: {  	_ =	swait.ge @!p0 [sflag:s0], s1  }
0x17b: {  	s1 =	ssub.s32 @!p0 $0x0, s1;
	[sflag:s0] =	ssyncset.done @!p0 $0x0  }
0x17c: {  	[sflag:s0] =	ssyncadd.s32 @!p0 s1  }
0x17d: {  	[bflag:$0x3] =	sbarrier.arrive $0xFFFF  }
0x17e: {  	_ =	shalt  }

// kernel: sage_sc_agg_deg0.7.cloned.1.call-start
scs
__scs_entry_jumppad:
0x0: {  	(pc) =	sbr.rel $0x88, $3  }
0x1: {  	(tag) =	ssettag $0x0;
	lr =	simm.s32 $0x1  }
0x2: {  	[smem:$0x3F96] =	sst lr;
	_ =	strace $0xD0000000  }
0x3: {  	_ = 	snop  }
0x4: {  	_ = 	snop  }
0x5: {  	_ = 	snop  }
0x6: {  	_ = 	snop  }
0x7: {  	_ = 	snop  }
__scs_overlays_trampoline_lowered:
0x8: {  	[smem:$0x3FA5] =	sst s0  }
0x9: {  	[smem:$0x3FA6] =	sst s1  }
0xa: {  	[smem:$0x3FA7] =	sst s2  }
0xb: {  	[smem:$0x3FA8] =	sst s3  }
0xc: {  	[smem:$0x3FA9] =	sst s4  }
0xd: {  	[smem:$0x3FAA] =	sst s5  }
0xe: {  	[smem:$0x3FAB] =	sst s6  }
0xf: {  	[smem:$0x3FAC] =	sst s7  }
0x10: {  	[smem:$0x3FAD] =	sst s8  }
0x11: {  	[smem:$0x3FAE] =	sst s9;
	s0 =	simm.s32 @!p0 $0x0  }
0x12: {  	s1 =	sld [smem:$0x3F94];
	s0 =	simm.s32 @p0 $0x1  }
0x13: {  	[smem:$0x3FAF] =	sst s0;
	s0 =	simm.s32 @!p1 $0x0  }
0x14: {  	s2 =	sld [smem:$0x3F93];
	s0 =	simm.s32 @p1 $0x1  }
0x15: {  	[smem:$0x3FB0] =	sst s0;
	s0 =	simm.s32 @!p2 $0x0  }
0x16: {  	s3 =	sld [smem:$0x3FDB];
	s0 =	simm.s32 @p2 $0x1  }
0x17: {  	s4 =	simm.s32 $0x1BF5;
	[smem:$0x3FB2] =	sst s0  }
0x18: {  	s0 =	sld [smem:$0x3F95];
	_ =	swait.ge [sflag:s4], $0x0  }
0x19: {  	s7 =	sld [smem:$0x3F96]  }
0x1a: {  	s8 =	sadd.s32 $0xFFFFE003, lr  }
0x1b: {  	s9 =	sadd.s32 $0xFFFFFEF7, lr;
	s5 =	simm.s32 $0xFFFFFFFF;
	p2 =	slt.u32 s8, $0xFFFFF086  }
0x1c: {  	p1 =	slt.u32 s9, $0xF7A;
	s5 =	simm.s32 @!p2 $0x0  }
0x1d: {  	s5 =	simm.s32 @p1 $0x1;
	p0 =	seq.s32 s7, s2  }
0x1e: {  	s7 =	smul.u32 @!p0 $0xF7A, s2;
	p2 =	seq.s32 @!p0 s5, $0x0  }
0x1f: {  	s9 =	smul.u32 $0xF7A, s1;
	s8 =	simm.s32 @!p0 $0x1BF5;
	p2 =	por !p2, p0  }
0x20: {  	[sflag:s8] =	ssyncset.s32 @!p0 $0xFFFFF086;
	s6 =	sadd.s32 @!p0 s3, s7;
	s7 =	simm.s32 @!p0 $0x108  }
0x21: {  	s3 =	sadd.s32 s3, s9;
	s6 =	sadd.s32 @!p0 $0x88, s6;
	s7 =	simm.s32 @p2 $0x1082  }
0x22: {  	[simem:s7], [sflag:s8] =	dma.local @!p0 [hbm:s6], $0xF7A  }
0x23: {  	s9 =	sor.u32 $0xD0000000, s2;
	s6 =	simm.s32 $0x108;
	_ =	swait.ge @!p0 [sflag:s8], $0x0  }
0x24: {  	s3 =	sadd.s32 $0x88, s3;
	s6 =	simm.s32 @!p1 $0x1082;
	[sflag:s4] =	ssyncset.s32 $0xFFFFF086  }
0x25: {  	[simem:s6], [sflag:s4] =	dma.local [hbm:s3], $0xF7A  }
0x26: {  	[smem:$0x3F96] =	sst s1;
	(tag) =	ssettag s2;
	_ =	strace s9  }
0x27: {  	s1 =	sld [smem:$0x3FA6]  }
0x28: {  	s2 =	sld [smem:$0x3FA7]  }
0x29: {  	s4 =	sld [smem:$0x3FA9]  }
0x2a: {  	p0 =	seq.s32 s5, $0x0;
	s5 =	sld [smem:$0x3FAA]  }
0x2b: {  	s6 =	sld [smem:$0x3FAB]  }
0x2c: {  	s7 =	sld [smem:$0x3FAC]  }
0x2d: {  	s3 =	simm.s32 $0x108;
	s8 =	sld [smem:$0x3FAD]  }
0x2e: {  	s3 =	simm.s32 @!p0 $0x1082;
	s9 =	sld [smem:$0x3FAE]  }
0x2f: {  	lr =	sadd.s32 s0, s3;
	s0 =	sld [smem:$0x3FA5]  }
0x30: {  	s3 =	sld [smem:$0x3FA8]  }
0x31: {  	[smem:$0x3FB1] =	sst s10  }
0x32: {  	s10 =	sld [smem:$0x3FAF];
	_ =	sdelay $0x3  }
0x33: {  	p0 =	seq.s32 s10, $0x1;
	s10 =	sld [smem:$0x3FB1];
	_ =	sdelay $0x3  }
0x34: {  	[smem:$0x3FB1] =	sst s10  }
0x35: {  	s10 =	sld [smem:$0x3FB0];
	_ =	sdelay $0x3  }
0x36: {  	p1 =	seq.s32 s10, $0x1;
	s10 =	sld [smem:$0x3FB1];
	_ =	sdelay $0x3  }
0x37: {  	[smem:$0x3FB1] =	sst s10  }
0x38: {  	s10 =	sld [smem:$0x3FB2]  }
0x39: {  	_ = 	snop;
	(pc) =	sbr.ind lr, $3  }
0x3a: {  	_ = 	snop  }
0x3b: {  	_ = 	snop  }
0x3c: {  	p2 =	seq.s32 s10, $0x1;
	s10 =	sld [smem:$0x3FB1]  }
0x3d: {  	_ =	shalt  }
0x3e: {  	_ =	shalt  }
0x3f: {  	_ =	shalt  }
0x40: {  	_ =	shalt  }
0x41: {  	_ =	shalt  }
0x42: {  	_ =	shalt  }
0x43: {  	_ =	shalt  }
0x44: {  	_ =	shalt  }
0x45: {  	_ =	shalt  }
0x46: {  	_ =	shalt  }
0x47: {  	_ =	shalt  }
0x48: {  	_ =	shalt  }
0x49: {  	_ =	shalt  }
0x4a: {  	_ =	shalt  }
0x4b: {  	_ =	shalt  }
0x4c: {  	_ =	shalt  }
0x4d: {  	_ =	shalt  }
0x4e: {  	_ =	shalt  }
0x4f: {  	_ =	shalt  }
0x50: {  	_ =	shalt  }
0x51: {  	_ =	shalt  }
0x52: {  	_ =	shalt  }
0x53: {  	_ =	shalt  }
0x54: {  	_ =	shalt  }
0x55: {  	_ =	shalt  }
0x56: {  	_ =	shalt  }
0x57: {  	_ =	shalt  }
0x58: {  	_ =	shalt  }
0x59: {  	_ =	shalt  }
0x5a: {  	_ =	shalt  }
0x5b: {  	_ =	shalt  }
0x5c: {  	_ =	shalt  }
0x5d: {  	_ =	shalt  }
0x5e: {  	_ =	shalt  }
0x5f: {  	_ =	shalt  }
0x60: {  	_ =	shalt  }
0x61: {  	_ =	shalt  }
0x62: {  	_ =	shalt  }
0x63: {  	_ =	shalt  }
0x64: {  	_ =	shalt  }
0x65: {  	_ =	shalt  }
0x66: {  	_ =	shalt  }
0x67: {  	_ =	shalt  }
0x68: {  	_ =	shalt  }
0x69: {  	_ =	shalt  }
0x6a: {  	_ =	shalt  }
0x6b: {  	_ =	shalt  }
0x6c: {  	_ =	shalt  }
0x6d: {  	_ =	shalt  }
0x6e: {  	_ =	shalt  }
0x6f: {  	_ =	shalt  }
0x70: {  	_ =	shalt  }
0x71: {  	_ =	shalt  }
0x72: {  	_ =	shalt  }
0x73: {  	_ =	shalt  }
0x74: {  	_ =	shalt  }
0x75: {  	_ =	shalt  }
0x76: {  	_ =	shalt  }
0x77: {  	_ =	shalt  }
0x78: {  	_ =	shalt  }
0x79: {  	_ =	shalt  }
0x7a: {  	_ =	shalt  }
0x7b: {  	_ =	shalt  }
0x7c: {  	_ =	shalt  }
0x7d: {  	_ =	shalt  }
0x7e: {  	_ =	shalt  }
0x7f: {  	_ =	shalt  }
0x80: {  	_ =	shalt  }
0x81: {  	_ =	shalt  }
0x82: {  	_ =	shalt  }
0x83: {  	_ =	shalt  }
0x84: {  	_ =	shalt  }
0x85: {  	_ =	shalt  }
0x86: {  	_ =	shalt  }
0x87: {  	_ =	shalt  }
.Lfunc_end0:
.L_simem_size_0:
called_computation.2_lowered:
.L_overlay_start_0:
0x88: {  	s2 =	sld [smem:$0x3FD9]  }
0x89: {  	s3 =	sld [smem:$0x3FFE];
	_ =	sdelay $0x1  }
0x8a: {  	s1 =	srdreg.scid  }
0x8b: {  	s0 =	sand.u32 $0x1, s1  }
0x8c: {  	s16 =	sshll.u32 s0, $0xA;
	s2 =	sadd.s32 s3, s2  }
0x8d: {  	s2 =	sadd.s32 s2, s16  }
0x8e: {  	[smem:$0x3FBD] =	sst s2  }
0x8f: {  	_ = 	snop  }
0x90: {  	(tm) =	ssettm $0x1  }
0x91: {  	s17 =	sld [smem:$0x3FFB];
	_ =	sdelay $0x3  }
0x92: {  	_ =	strace s17  }
0x93: {  	s2 =	sld [smem:$0x3FFC];
	_ =	sdelay $0x3  }
0x94: {  	_ =	strace s2  }
0x95: {  	s2 =	sld [smem:$0x3FFD];
	_ =	sdelay $0x3  }
0x96: {  	_ =	strace s2  }
0x97: {  	_ =	strace $0x8FFFFFFF  }
0x98: {  	s18 =	sld [smem:$0x3FDB];
	_ =	sdelay $0x1  }
0x99: {  	s19 =	simm.s32 $_scs_section_size  }
0x9a: {  	s4 =	simm.s32 $_size__tile_overlayer_lowered;
	s5 =	simm.s32 $_tile_overlayer_lowered  }
0x9b: {  	s22 =	simm.s32 $0x1BFF;
	s21 =	sshll.u32 s5, $0x1;
	s2 =	sadd.s32 s19, s18  }
0x9c: {  	s6 =	simm.s32 $0x0;
	s20 =	sshll.u32 s4, $0x1;
	s4 =	sadd.s32 s21, s2  }
0x9d: {  	[timem:s6], [sflag:s22] =	dma.local [hbm:s4], s20  }
0x9e: {  	_ =	swait.ge [sflag:s22], s20  }
0x9f: {  	s3 =	ssub.s32 $0x0, s20;
	[sflag:s22] =	ssyncset.done $0x0  }
0xa0: {  	[sflag:s22] =	ssyncadd.s32 s3;
	_ =	sdelay $0x1  }
0xa1: {  	s23 =	simm.s32 $0x1B8B  }
0xa2: {  	_ =	swait.ge [sflag:s23], $0x1  }
0xa3: {  	[sflag:s23] =	ssyncset.done $0x0  }
0xa4: {  	s25 =	simm.s32 $0x1B8E;
	s24 =	sld [smem:$0x3FFE];
	[sflag:s23] =	ssyncadd.s32 $0xFFFFFFFF  }
0xa5: {  	s26 =	simm.s32 $execute0_lowered;
	[smem:$0x3FD2] =	sst s25  }
0xa6: {  	s4 =	sshll.u32 s26, $0x1;
	_ =	strace $0x8000004C;
	[dreg:$0x1] =	wrdreg $0xFFFFFFFF  }
0xa7: {  	s28 =	simm.s32 $_size_execute0_lowered;
	s2 =	sadd.s32 s2, s4;
	[dreg:$0x0] =	wrdreg $0x0  }
0xa8: {  	s4 =	sshll.u32 s28, $0x1;
	[dreg:$0x2] =	wrdreg s2  }
0xa9: {  	[dreg:$0x3] =	wrdreg s4  }
0xaa: {  	[dreg:$0x4] =	wrdreg $0xC0  }
0xab: {  	_ =	task [dreg:s6], $0x5FFFF  }
0xac: {  	[dreg:$0x1] =	wrdreg $0xFFFFFFFF  }
0xad: {  	[dreg:$0x0] =	wrdreg $0x60  }
0xae: {  	[dreg:$0x2] =	wrdreg s24  }
0xaf: {  	[dreg:$0x3] =	wrdreg $0xA8000  }
0xb0: {  	[dreg:$0x4] =	wrdreg $0x9  }
0xb1: {  	_ =	task.clear_ibuf [dreg:s6], $0x5FFFF;
	_ =	strace $0x9000004C  }
0xb2: {  	s29 =	simm.s32 $0x9;
	_ =	strace $0x8000004E  }
0xb3: {  	_ =	swait.ge [sflag:s29], $0x1  }
0xb4: {  	[sflag:s29] =	ssyncadd.s32 $0xFFFFFFFF  }
0xb5: {  	_ =	strace $0x9000004E  }
0xb6: {  	_ =	sfence  }
0xb7: {  	s30 =	sld [smem:$0x0];
	_ =	sdelay $0x2  }
0xb8: {  	s31 =	sshll.u32 s1, $0xD;
	s1 =	sshrl.u32 s1, $0x2  }
0xb9: {  	s3 =	sand.u32 $0x4000, s31;
	s1 =	sadd.s32 s1, s30  }
0xba: {  	s0 =	sor.u32 s3, s0;
	s1 =	sshll.u32 s1, $0x11  }
0xbb: {  	s0 =	sor.u32 s1, s0  }
0xbc: {  	s0 =	sadd.s32 $0x8F2B, s0  }
0xbd: {  	[sflag:s0] =	ssyncadd.remote.s32 $0x1  }
0xbe: {  	_ =	sfence.sel $0xFFFF  }
0xbf: {  	[dreg:$0x0] =	wrdreg $0xFFFFFFFF;
	(pc) =	sbr.abs _section_cstart, $3  }
0xc0: {  	[dreg:$0x1] =	wrdreg $0xFFFFFFFF  }
0xc1: {  	_ =	task.clear_ibuf [dreg:s6], $0x2FFFF;
	_ =	strace $0x9FFFFFFF  }
0xc2: {  	(tm) =	ssettm $0x7FFFFFFF  }
0xc3: {  	_ =	shalt  }
tec
execute0_lowered:
.L_overlay_start_1:
0x0: {  	(tag) =	ssettag $0x1  }
0x1: {  	s6 =	rddreg [dreg:$0x0]  }
0x2: {  	s1 =	rddreg [dreg:$0x1];
	s3 =	simm.s32 $0x0  }
0x3: {  	s2 =	srdreg.scid;
	s0 =	stileid.u32;
	s18 =	simm.s32 $0x5  }
0x4: {  	s19 =	simm.s32 $0x1400;
	s20 =	simm.s32 $0x80;
	s21 =	simm.s32 $0x2800  }
0x5: {  	s22 =	simm.s32 $0x1;
	s23 =	simm.s32 $0x3;
	s24 =	simm.s32 $0x2  }
0x6: {  	s25 =	simm.s32 $0x4;
	s28 =	simm.s32 $0x2700;
	s29 =	simm.s32 $0x2780  }
0x7: {  	[smem:$0x7FF] =	sst s3;
	s11 =	sand.u32 $0x1, s2;
	s8 =	smul.u32 $0x14000, s0  }
0x8: {  	s4 =	sadd.s32 $0x3400, s6;
	s5 =	sadd.s32 $0x2A600, s6;
	s9 =	smul.u32 $0x50000, s0  }
0x9: {  	s15 =	sadd.s32 $0x51800, s6;
	s16 =	sadd.s32 $0x56800, s6;
	s14 =	smul.u32 $0x1400, s0  }
0xa: {  	s7 =	smul.u32 $0x140000, s11;
	_ =	strace $0x8000004D;
	s26 =	ssub.s32 $0x2, s11  }
0xb: {  	p0 =	seq.s32 s11, $0x1;
	s9 =	sshrl.u32 s9, $0x2;
	s30 =	sshrl.u32 s26, $0x1  }
0xc: {  	s14 =	sshrl.u32 s14, $0x3;
	s7 =	sadd.s32 s8, s7;
	s13 =	ssub.s32 s26, s30  }
0xd: {  	s17 =	sadd.s32 $0x2800, s14;
	s26 =	simm.s32 $0x1380;
	s7 =	sshrl.u32 s7, $0x3  }
.Ltmp0:
0xe: {  	s12 =	sadd.s32 s7, s6;
	s6 =	sadd.s32 s9, s1;
	(pc) =	sbr.rel .LBB2_1-.Ltmp0, $4  }
0xf: {  	s31 =	sadd.s32 $0x4000, s6;
	s8 =	sadd.s32 $0x8000, s6;
	s9 =	sadd.s32 $0xC000, s6  }
0x10: {  	s10 =	sadd.s32 $0x10000, s6;
	s11 =	sadd.s32 $0x5B800, s12;
	s12 =	smax.u32 s13, $0x1  }
0x11: {  	s13 =	sadd.s32 s15, s14;
	s14 =	sadd.s32 s16, s14;
	s15 =	sadd.s32 s15, s17  }
0x12: {  	v0 =	vimm.f32 $0.0e+00;
	s16 =	sadd.s32 s16, s17;
	s17 =	simm.s32 $0x6800;
	[dreg:$0x3] =	wrdreg s31  }
.LBB2_8:
0x13: {  	s0 =	sadd.s32 $0x80, s30;
	[sflag:s25] =	ssyncadd.s32 $0xFFFFC000  }
0x14: {  	[tilespmem:s17], [sflag:$0x2] =	stream.indirect.gather [hbm4b:s4+s20], $0x80, s0, s20, $0xb8;
	[tilespmem:$0x1E800] =	vst v63  }
0x15: {  	_ =	swait.ge [sflag:s22], $0x4000  }
0x16: {  	[sflag:s22] =	ssyncset.done $0x0  }
0x17: {  	s2 =	sadd.s32 $0x1400, s30;
	[sflag:s22] =	ssyncadd.s32 $0xFFFFC000  }
0x18: {  	[spmem:s1] =	stream.indirect.scatter.add.f32 [tilespmem:s21], [sflag:$0x3], $0x80, s2, s20, $0xb8;
	[tilespmem:$0x1E800] =	vst v63  }
0x19: {  	_ =	swait.ge [sflag:s23], $0x4000  }
0x1a: {  	[sflag:s23] =	ssyncset.done $0x0  }
0x1b: {  	s7 =	sadd.s32 $0x100, s30;
	[sflag:s23] =	ssyncadd.s32 $0xFFFFC000  }
0x1c: {  	[tilespmem:s21], [sflag:$0x1] =	stream.indirect.gather [hbm4b:s4+s20], $0x80, s7, s20, $0xb8;
	[tilespmem:$0x1E800] =	vst v63  }
0x1d: {  	_ =	swait.ge [sflag:s24], $0x4000  }
0x1e: {  	[sflag:s24] =	ssyncset.done $0x0  }
0x1f: {  	s31 =	sadd.s32 $0x1480, s30;
	[sflag:s24] =	ssyncadd.s32 $0xFFFFC000  }
0x20: {  	[spmem:s1] =	stream.indirect.scatter.add.f32 [tilespmem:s17], [sflag:$0x4], $0x80, s31, s20, $0xb8;
	[tilespmem:$0x1E800] =	vst v63  }
0x21: {  	_ =	swait.ge [sflag:s25], $0x4000  }
0x22: {  	[sflag:s25] =	ssyncset.done $0x0  }
0x23: {  	[sflag:s25] =	ssyncadd.s32 $0xFFFFC000  }
0x24: {  	[tilespmem:s17], [sflag:$0x2] =	stream.indirect.gather [hbm4b:s4+s20], $0x80, s26, s20, $0xb8;
	[tilespmem:$0x1E800] =	vst v63  }
0x25: {  	_ =	swait.ge [sflag:s22], $0x4000  }
0x26: {  	[sflag:s22] =	ssyncset.done $0x0  }
0x27: {  	[sflag:s22] =	ssyncadd.s32 $0xFFFFC000  }
0x28: {  	[spmem:s1] =	stream.indirect.scatter.add.f32 [tilespmem:s21], [sflag:$0x3], $0x80, s28, s20, $0xb8;
	[tilespmem:$0x1E800] =	vst v63  }
0x29: {  	_ =	swait.ge [sflag:s23], $0x4000  }
0x2a: {  	[sflag:s23] =	ssyncset.done $0x0  }
0x2b: {  	[sflag:s23] =	ssyncadd.s32 $0xFFFFC000  }
0x2c: {  	_ =	swait.ge [sflag:s24], $0x4000  }
0x2d: {  	[sflag:s24] =	ssyncset.done $0x0  }
0x2e: {  	[sflag:s24] =	ssyncadd.s32 $0xFFFFC000  }
0x2f: {  	[spmem:s1] =	stream.indirect.scatter.add.f32 [tilespmem:s17], [sflag:$0x4], $0x80, s29, s20, $0xb8;
	[tilespmem:$0x1E800] =	vst v63  }
0x30: {  	_ =	swait.ge [sflag:s25], $0x4000  }
0x31: {  	[sflag:s25] =	ssyncset.done $0x0  }
0x32: {  	[sflag:s25] =	ssyncadd.s32 $0xFFFFC000  }
.LBB2_14:
0x33: {  	s0 =	stileid.u32;
	s3 =	sadd.s32 $0x1, s3  }
0x34: {  	[bflag:$0x0] =	sbarrier.arrive $0xFFFF;
	s0 =	sshll.u32 s0, $0x6;
	p1 =	sne.s32 s3, s12  }
.Ltmp1:
0x35: {  	s2 =	sshrl.u32 s6, $0x3;
	s0 =	sor.u32 $0x1C05, s0;
	(pc) =	sbr.rel @!p1 .LBB2_15-.Ltmp1, $4  }
0x36: {  	[hbm:s11], [sflag:s0] =	dma.local [spmem:s2], $0x2800  }
0x37: {  	_ =	swait.ge [sflag:s18], $0x2800  }
0x38: {  	[sflag:s18] =	ssyncset.done $0x0  }
0x39: {  	[sflag:s18] =	ssyncadd.s32 $0xFFFFD800  }
.LBB2_1:
0x3a: {  	s30 =	simm.s32 $0x0;
	s31 =	simm.s32 $0x200  }
.LBB2_2:
0x3b: {  	p1 =	sne.s32 s31, $0xFE00;
	[tilespmem:s30+$0x6870] =	vst v0  }
0x3c: {  	[tilespmem:s30+$0x6800] =	vst v0  }
0x3d: {  	[tilespmem:s30+$0x6810] =	vst v0  }
.Ltmp2:
0x3e: {  	[tilespmem:s30+$0x6820] =	vst v0;
	(pc) =	sbr.rel @p1 .LBB2_2-.Ltmp2, $4  }
0x3f: {  	[tilespmem:s30+$0x6830] =	vst v0  }
0x40: {  	[tilespmem:s30+$0x6840] =	vst v0  }
0x41: {  	[tilespmem:s30+$0x6850] =	vst v0  }
0x42: {  	[tilespmem:s30+$0x6860] =	vst v0;
	s30 =	sshra.s32 s31, $0x2;
	s31 =	sadd.s32 $0x200, s31  }
0x43: {  	[tilespmem:s30+$0x6870] =	vst v0  }
0x44: {  	[tilespmem:s30+$0x6800] =	vst v0  }
0x45: {  	[tilespmem:s30+$0x6810] =	vst v0  }
0x46: {  	[tilespmem:s30+$0x6820] =	vst v0  }
0x47: {  	[tilespmem:s30+$0x6830] =	vst v0  }
0x48: {  	[tilespmem:s30+$0x6840] =	vst v0  }
0x49: {  	[tilespmem:s30+$0x6850] =	vst v0  }
0x4a: {  	[tilespmem:s30+$0x6860] =	vst v0  }
0x4b: {  	[spmem:s6] =	stream.linear.scatter [tilespmem:s17], [sflag:$0x5], $0x4000, $0x38;
	[tilespmem:$0x1E800] =	vst v63  }
0x4c: {  	_ =	swait.ge [sflag:s18], $0x4000  }
0x4d: {  	[sflag:s18] =	ssyncset.done $0x0  }
0x4e: {  	s0 =	rddreg [dreg:$0x3];
	[sflag:s18] =	ssyncadd.s32 $0xFFFFC000  }
0x4f: {  	[spmem:s0] =	stream.linear.scatter [tilespmem:s17], [sflag:$0x5], $0x4000, $0x38;
	[tilespmem:$0x1E800] =	vst v63  }
0x50: {  	_ =	swait.ge [sflag:s18], $0x4000  }
0x51: {  	[sflag:s18] =	ssyncset.done $0x0  }
0x52: {  	[sflag:s18] =	ssyncadd.s32 $0xFFFFC000  }
0x53: {  	[spmem:s8] =	stream.linear.scatter [tilespmem:s17], [sflag:$0x5], $0x4000, $0x38;
	[tilespmem:$0x1E800] =	vst v63  }
0x54: {  	_ =	swait.ge [sflag:s18], $0x4000  }
0x55: {  	[sflag:s18] =	ssyncset.done $0x0  }
0x56: {  	[sflag:s18] =	ssyncadd.s32 $0xFFFFC000  }
0x57: {  	[spmem:s9] =	stream.linear.scatter [tilespmem:s17], [sflag:$0x5], $0x4000, $0x38;
	[tilespmem:$0x1E800] =	vst v63  }
0x58: {  	_ =	swait.ge [sflag:s18], $0x4000  }
0x59: {  	[sflag:s18] =	ssyncset.done $0x0  }
0x5a: {  	[sflag:s18] =	ssyncadd.s32 $0xFFFFC000  }
0x5b: {  	[spmem:s10] =	stream.linear.scatter [tilespmem:s17], [sflag:$0x5], $0x4000, $0x38;
	[tilespmem:$0x1E800] =	vst v63  }
.Ltmp3:
0x5c: {  	_ =	swait.ge [sflag:s18], $0x4000;
	(pc) =	sbr.rel @!p0 .LBB2_4-.Ltmp3, $3  }
0x5d: {  	[sflag:s18] =	ssyncset.done $0x0  }
0x5e: {  	[sflag:s18] =	ssyncadd.s32 $0xFFFFC000  }
0x5f: {  	[bflag:$0x0] =	sbarrier.arrive $0xFFFF;
	_ =	sdelay $0x1  }
0x60: {  	s0 =	simm.s32 $0x0  }
0x61: {  	[tilespmem:s0], [sflag:$0x5] =	stream.linear.gather [hbm4b:s13+s0], $0x1400, $0x38;
	[tilespmem:$0x1E800] =	vst v63  }
0x62: {  	_ =	swait.ge [sflag:s18], $0x1400  }
0x63: {  	[sflag:s18] =	ssyncset.done $0x0  }
0x64: {  	[sflag:s18] =	ssyncadd.s32 $0xFFFFEC00  }
0x65: {  	[tilespmem:s19], [sflag:$0x5] =	stream.linear.gather [hbm4b:s14+s0], $0x1400, $0x38;
	[tilespmem:$0x1E800] =	vst v63  }
0x66: {  	_ =	swait.ge [sflag:s18], $0x1400  }
0x67: {  	[sflag:s18] =	ssyncset.done $0x0  }
0x68: {  	[sflag:s18] =	ssyncadd.s32 $0xFFFFEC00  }
0x69: {  	[tilespmem:s21], [sflag:$0x1] =	stream.indirect.gather [hbm4b:s5+s20], $0x80, s0, s20, $0xb8;
	[tilespmem:$0x1E800] =	vst v63  }
0x6a: {  	s2 =	simm.s32 $0x80  }
0x6b: {  	[tilespmem:s17], [sflag:$0x2] =	stream.indirect.gather [hbm4b:s5+s20], $0x80, s2, s20, $0xb8;
	[tilespmem:$0x1E800] =	vst v63  }
0x6c: {  	_ =	swait.ge [sflag:s22], $0x4000  }
0x6d: {  	[sflag:s22] =	ssyncset.done $0x0  }
0x6e: {  	s7 =	simm.s32 $0x1400;
	[sflag:s22] =	ssyncadd.s32 $0xFFFFC000  }
0x6f: {  	[spmem:s1] =	stream.indirect.scatter.add.f32 [tilespmem:s21], [sflag:$0x3], $0x80, s7, s20, $0xb8;
	[tilespmem:$0x1E800] =	vst v63  }
0x70: {  	_ =	swait.ge [sflag:s23], $0x4000  }
0x71: {  	[sflag:s23] =	ssyncset.done $0x0  }
0x72: {  	s2 =	simm.s32 $0x100;
	[sflag:s23] =	ssyncadd.s32 $0xFFFFC000  }
0x73: {  	[tilespmem:s21], [sflag:$0x1] =	stream.indirect.gather [hbm4b:s5+s20], $0x80, s2, s20, $0xb8;
	[tilespmem:$0x1E800] =	vst v63  }
0x74: {  	_ =	swait.ge [sflag:s24], $0x4000  }
0x75: {  	[sflag:s24] =	ssyncset.done $0x0  }
0x76: {  	s7 =	simm.s32 $0x1480;
	[sflag:s24] =	ssyncadd.s32 $0xFFFFC000  }
0x77: {  	[spmem:s1] =	stream.indirect.scatter.add.f32 [tilespmem:s17], [sflag:$0x4], $0x80, s7, s20, $0xb8;
	[tilespmem:$0x1E800] =	vst v63  }
0x78: {  	_ =	swait.ge [sflag:s25], $0x4000  }
0x79: {  	s31 =	simm.s32 $0x800;
	s30 =	simm.s32 $0x100;
	[sflag:s25] =	ssyncset.done $0x0  }
.LBB2_10:
0x7a: {  	s0 =	sadd.s32 $0x80, s30  }
0x7b: {  	[sflag:s25] =	ssyncadd.s32 $0xFFFFC000;
	s2 =	smov.u32 s31;
	s7 =	sadd.s32 $0x400, s31  }
0x7c: {  	[tilespmem:s17], [sflag:$0x2] =	stream.indirect.gather [hbm4b:s5+s20], $0x80, s0, s20, $0xb8;
	[tilespmem:$0x1E800] =	vst v63  }
0x7d: {  	p1 =	sne.s32 s31, $0x4800;
	_ =	swait.ge [sflag:s22], $0x4000  }
0x7e: {  	[sflag:s22] =	ssyncset.done $0x0  }
0x7f: {  	s0 =	sadd.s32 $0x1400, s30;
	[sflag:s22] =	ssyncadd.s32 $0xFFFFC000  }
0x80: {  	[spmem:s1] =	stream.indirect.scatter.add.f32 [tilespmem:s21], [sflag:$0x3], $0x80, s0, s20, $0xb8;
	[tilespmem:$0x1E800] =	vst v63  }
0x81: {  	_ =	swait.ge [sflag:s23], $0x4000  }
0x82: {  	[sflag:s23] =	ssyncset.done $0x0  }
0x83: {  	s0 =	sadd.s32 $0x100, s30;
	[sflag:s23] =	ssyncadd.s32 $0xFFFFC000  }
0x84: {  	[tilespmem:s21], [sflag:$0x1] =	stream.indirect.gather [hbm4b:s5+s20], $0x80, s0, s20, $0xb8;
	[tilespmem:$0x1E800] =	vst v63  }
0x85: {  	_ =	swait.ge [sflag:s24], $0x4000  }
.Ltmp4:
0x86: {  	[sflag:s24] =	ssyncset.done $0x0;
	(pc) =	sbr.rel @p1 .LBB2_10-.Ltmp4, $4  }
0x87: {  	s0 =	sadd.s32 $0x1480, s30;
	[sflag:s24] =	ssyncadd.s32 $0xFFFFC000  }
0x88: {  	[spmem:s1] =	stream.indirect.scatter.add.f32 [tilespmem:s17], [sflag:$0x4], $0x80, s0, s20, $0xb8;
	[tilespmem:$0x1E800] =	vst v63  }
0x89: {  	_ =	swait.ge [sflag:s25], $0x4000  }
0x8a: {  	s31 =	smov.u32 s7;
	s30 =	sshra.s32 s2, $0x2;
	[sflag:s25] =	ssyncset.done $0x0  }
0x8b: {  	s0 =	sadd.s32 $0x80, s30;
	[sflag:s25] =	ssyncadd.s32 $0xFFFFC000  }
0x8c: {  	[tilespmem:s17], [sflag:$0x2] =	stream.indirect.gather [hbm4b:s5+s20], $0x80, s0, s20, $0xb8;
	[tilespmem:$0x1E800] =	vst v63  }
0x8d: {  	_ =	swait.ge [sflag:s22], $0x4000  }
0x8e: {  	[sflag:s22] =	ssyncset.done $0x0  }
0x8f: {  	s2 =	sadd.s32 $0x1400, s30;
	[sflag:s22] =	ssyncadd.s32 $0xFFFFC000  }
0x90: {  	[spmem:s1] =	stream.indirect.scatter.add.f32 [tilespmem:s21], [sflag:$0x3], $0x80, s2, s20, $0xb8;
	[tilespmem:$0x1E800] =	vst v63  }
0x91: {  	_ =	swait.ge [sflag:s23], $0x4000  }
0x92: {  	[sflag:s23] =	ssyncset.done $0x0  }
0x93: {  	s7 =	sadd.s32 $0x100, s30;
	[sflag:s23] =	ssyncadd.s32 $0xFFFFC000  }
0x94: {  	[tilespmem:s21], [sflag:$0x1] =	stream.indirect.gather [hbm4b:s5+s20], $0x80, s7, s20, $0xb8;
	[tilespmem:$0x1E800] =	vst v63  }
0x95: {  	_ =	swait.ge [sflag:s24], $0x4000  }
0x96: {  	[sflag:s24] =	ssyncset.done $0x0  }
0x97: {  	s2 =	sadd.s32 $0x1480, s30;
	[sflag:s24] =	ssyncadd.s32 $0xFFFFC000  }
0x98: {  	[spmem:s1] =	stream.indirect.scatter.add.f32 [tilespmem:s17], [sflag:$0x4], $0x80, s2, s20, $0xb8;
	[tilespmem:$0x1E800] =	vst v63  }
0x99: {  	_ =	swait.ge [sflag:s25], $0x4000  }
0x9a: {  	[sflag:s25] =	ssyncset.done $0x0  }
0x9b: {  	[sflag:s25] =	ssyncadd.s32 $0xFFFFC000  }
0x9c: {  	[tilespmem:s17], [sflag:$0x2] =	stream.indirect.gather [hbm4b:s5+s20], $0x80, s26, s20, $0xb8;
	[tilespmem:$0x1E800] =	vst v63  }
0x9d: {  	_ =	swait.ge [sflag:s22], $0x4000  }
0x9e: {  	[sflag:s22] =	ssyncset.done $0x0  }
0x9f: {  	[sflag:s22] =	ssyncadd.s32 $0xFFFFC000  }
0xa0: {  	[spmem:s1] =	stream.indirect.scatter.add.f32 [tilespmem:s21], [sflag:$0x3], $0x80, s28, s20, $0xb8;
	[tilespmem:$0x1E800] =	vst v63  }
0xa1: {  	_ =	swait.ge [sflag:s23], $0x4000  }
0xa2: {  	[sflag:s23] =	ssyncset.done $0x0  }
0xa3: {  	[sflag:s23] =	ssyncadd.s32 $0xFFFFC000  }
0xa4: {  	_ =	swait.ge [sflag:s24], $0x4000  }
0xa5: {  	[sflag:s24] =	ssyncset.done $0x0  }
0xa6: {  	[sflag:s24] =	ssyncadd.s32 $0xFFFFC000  }
0xa7: {  	[spmem:s1] =	stream.indirect.scatter.add.f32 [tilespmem:s17], [sflag:$0x4], $0x80, s29, s20, $0xb8;
	[tilespmem:$0x1E800] =	vst v63  }
0xa8: {  	_ =	swait.ge [sflag:s25], $0x4000  }
0xa9: {  	[sflag:s25] =	ssyncset.done $0x0  }
0xaa: {  	s7 =	simm.s32 $0x0;
	[sflag:s25] =	ssyncadd.s32 $0xFFFFC000  }
0xab: {  	[tilespmem:s7], [sflag:$0x5] =	stream.linear.gather [hbm4b:s15+s7], $0x1400, $0x38;
	[tilespmem:$0x1E800] =	vst v63  }
0xac: {  	_ =	swait.ge [sflag:s18], $0x1400  }
0xad: {  	[sflag:s18] =	ssyncset.done $0x0  }
0xae: {  	[sflag:s18] =	ssyncadd.s32 $0xFFFFEC00  }
0xaf: {  	[tilespmem:s19], [sflag:$0x5] =	stream.linear.gather [hbm4b:s16+s7], $0x1400, $0x38;
	[tilespmem:$0x1E800] =	vst v63  }
0xb0: {  	_ =	swait.ge [sflag:s18], $0x1400  }
0xb1: {  	[sflag:s18] =	ssyncset.done $0x0  }
0xb2: {  	[sflag:s18] =	ssyncadd.s32 $0xFFFFEC00  }
0xb3: {  	[tilespmem:s21], [sflag:$0x1] =	stream.indirect.gather [hbm4b:s5+s20], $0x80, s7, s20, $0xb8;
	[tilespmem:$0x1E800] =	vst v63  }
0xb4: {  	s2 =	simm.s32 $0x80  }
0xb5: {  	[tilespmem:s17], [sflag:$0x2] =	stream.indirect.gather [hbm4b:s5+s20], $0x80, s2, s20, $0xb8;
	[tilespmem:$0x1E800] =	vst v63  }
0xb6: {  	_ =	swait.ge [sflag:s22], $0x4000  }
0xb7: {  	[sflag:s22] =	ssyncset.done $0x0  }
0xb8: {  	s7 =	simm.s32 $0x1400;
	[sflag:s22] =	ssyncadd.s32 $0xFFFFC000  }
0xb9: {  	[spmem:s1] =	stream.indirect.scatter.add.f32 [tilespmem:s21], [sflag:$0x3], $0x80, s7, s20, $0xb8;
	[tilespmem:$0x1E800] =	vst v63  }
0xba: {  	_ =	swait.ge [sflag:s23], $0x4000  }
0xbb: {  	[sflag:s23] =	ssyncset.done $0x0  }
0xbc: {  	s2 =	simm.s32 $0x100;
	[sflag:s23] =	ssyncadd.s32 $0xFFFFC000  }
0xbd: {  	[tilespmem:s21], [sflag:$0x1] =	stream.indirect.gather [hbm4b:s5+s20], $0x80, s2, s20, $0xb8;
	[tilespmem:$0x1E800] =	vst v63  }
0xbe: {  	_ =	swait.ge [sflag:s24], $0x4000  }
0xbf: {  	[sflag:s24] =	ssyncset.done $0x0  }
0xc0: {  	s7 =	simm.s32 $0x1480;
	[sflag:s24] =	ssyncadd.s32 $0xFFFFC000  }
0xc1: {  	[spmem:s1] =	stream.indirect.scatter.add.f32 [tilespmem:s17], [sflag:$0x4], $0x80, s7, s20, $0xb8;
	[tilespmem:$0x1E800] =	vst v63  }
0xc2: {  	_ =	swait.ge [sflag:s25], $0x4000  }
0xc3: {  	s31 =	simm.s32 $0x800;
	s30 =	simm.s32 $0x100;
	[sflag:s25] =	ssyncset.done $0x0  }
.LBB2_12:
0xc4: {  	s0 =	sadd.s32 $0x80, s30  }
0xc5: {  	[sflag:s25] =	ssyncadd.s32 $0xFFFFC000;
	s2 =	smov.u32 s31;
	s7 =	sadd.s32 $0x400, s31  }
0xc6: {  	[tilespmem:s17], [sflag:$0x2] =	stream.indirect.gather [hbm4b:s5+s20], $0x80, s0, s20, $0xb8;
	[tilespmem:$0x1E800] =	vst v63  }
0xc7: {  	p1 =	sne.s32 s31, $0x4800;
	_ =	swait.ge [sflag:s22], $0x4000  }
0xc8: {  	[sflag:s22] =	ssyncset.done $0x0  }
0xc9: {  	s0 =	sadd.s32 $0x1400, s30;
	[sflag:s22] =	ssyncadd.s32 $0xFFFFC000  }
0xca: {  	[spmem:s1] =	stream.indirect.scatter.add.f32 [tilespmem:s21], [sflag:$0x3], $0x80, s0, s20, $0xb8;
	[tilespmem:$0x1E800] =	vst v63  }
0xcb: {  	_ =	swait.ge [sflag:s23], $0x4000  }
0xcc: {  	[sflag:s23] =	ssyncset.done $0x0  }
0xcd: {  	s0 =	sadd.s32 $0x100, s30;
	[sflag:s23] =	ssyncadd.s32 $0xFFFFC000  }
0xce: {  	[tilespmem:s21], [sflag:$0x1] =	stream.indirect.gather [hbm4b:s5+s20], $0x80, s0, s20, $0xb8;
	[tilespmem:$0x1E800] =	vst v63  }
0xcf: {  	_ =	swait.ge [sflag:s24], $0x4000  }
.Ltmp5:
0xd0: {  	[sflag:s24] =	ssyncset.done $0x0;
	(pc) =	sbr.rel @p1 .LBB2_12-.Ltmp5, $4  }
0xd1: {  	s0 =	sadd.s32 $0x1480, s30;
	[sflag:s24] =	ssyncadd.s32 $0xFFFFC000  }
0xd2: {  	[spmem:s1] =	stream.indirect.scatter.add.f32 [tilespmem:s17], [sflag:$0x4], $0x80, s0, s20, $0xb8;
	[tilespmem:$0x1E800] =	vst v63  }
0xd3: {  	_ =	swait.ge [sflag:s25], $0x4000  }
0xd4: {  	s31 =	smov.u32 s7;
	s30 =	sshra.s32 s2, $0x2;
	[sflag:s25] =	ssyncset.done $0x0  }
0xd5: {  	s0 =	sadd.s32 $0x80, s30;
	[sflag:s25] =	ssyncadd.s32 $0xFFFFC000  }
0xd6: {  	[tilespmem:s17], [sflag:$0x2] =	stream.indirect.gather [hbm4b:s5+s20], $0x80, s0, s20, $0xb8;
	[tilespmem:$0x1E800] =	vst v63  }
0xd7: {  	_ =	swait.ge [sflag:s22], $0x4000  }
0xd8: {  	[sflag:s22] =	ssyncset.done $0x0  }
0xd9: {  	s2 =	sadd.s32 $0x1400, s30;
	[sflag:s22] =	ssyncadd.s32 $0xFFFFC000  }
0xda: {  	[spmem:s1] =	stream.indirect.scatter.add.f32 [tilespmem:s21], [sflag:$0x3], $0x80, s2, s20, $0xb8;
	[tilespmem:$0x1E800] =	vst v63  }
0xdb: {  	_ =	swait.ge [sflag:s23], $0x4000  }
0xdc: {  	[sflag:s23] =	ssyncset.done $0x0  }
0xdd: {  	s7 =	sadd.s32 $0x100, s30;
	[sflag:s23] =	ssyncadd.s32 $0xFFFFC000  }
0xde: {  	[tilespmem:s21], [sflag:$0x1] =	stream.indirect.gather [hbm4b:s5+s20], $0x80, s7, s20, $0xb8;
	[tilespmem:$0x1E800] =	vst v63  }
0xdf: {  	_ =	swait.ge [sflag:s24], $0x4000  }
0xe0: {  	[sflag:s24] =	ssyncset.done $0x0  }
0xe1: {  	s31 =	sadd.s32 $0x1480, s30;
	[sflag:s24] =	ssyncadd.s32 $0xFFFFC000  }
0xe2: {  	[spmem:s1] =	stream.indirect.scatter.add.f32 [tilespmem:s17], [sflag:$0x4], $0x80, s31, s20, $0xb8;
	[tilespmem:$0x1E800] =	vst v63  }
0xe3: {  	_ =	swait.ge [sflag:s25], $0x4000  }
0xe4: {  	[sflag:s25] =	ssyncset.done $0x0  }
0xe5: {  	[sflag:s25] =	ssyncadd.s32 $0xFFFFC000  }
0xe6: {  	[tilespmem:s17], [sflag:$0x2] =	stream.indirect.gather [hbm4b:s5+s20], $0x80, s26, s20, $0xb8;
	[tilespmem:$0x1E800] =	vst v63  }
0xe7: {  	_ =	swait.ge [sflag:s22], $0x4000  }
0xe8: {  	[sflag:s22] =	ssyncset.done $0x0  }
0xe9: {  	[sflag:s22] =	ssyncadd.s32 $0xFFFFC000  }
0xea: {  	[spmem:s1] =	stream.indirect.scatter.add.f32 [tilespmem:s21], [sflag:$0x3], $0x80, s28, s20, $0xb8;
	[tilespmem:$0x1E800] =	vst v63  }
0xeb: {  	_ =	swait.ge [sflag:s23], $0x4000  }
0xec: {  	[sflag:s23] =	ssyncset.done $0x0  }
0xed: {  	[sflag:s23] =	ssyncadd.s32 $0xFFFFC000  }
0xee: {  	_ =	swait.ge [sflag:s24], $0x4000  }
0xef: {  	[sflag:s24] =	ssyncset.done $0x0  }
.Ltmp6:
0xf0: {  	[sflag:s24] =	ssyncadd.s32 $0xFFFFC000;
	(pc) =	sbr.rel .LBB2_14-.Ltmp6, $4  }
0xf1: {  	[spmem:s1] =	stream.indirect.scatter.add.f32 [tilespmem:s17], [sflag:$0x4], $0x80, s29, s20, $0xb8;
	[tilespmem:$0x1E800] =	vst v63  }
0xf2: {  	_ =	swait.ge [sflag:s25], $0x4000  }
0xf3: {  	[sflag:s25] =	ssyncset.done $0x0  }
0xf4: {  	[sflag:s25] =	ssyncadd.s32 $0xFFFFC000  }
.LBB2_4:
0xf5: {  	s30 =	simm.s32 $0x0  }
0xf6: {  	[tilespmem:s30], [sflag:$0x5] =	stream.linear.gather [hbm4b:s13+s30], $0x1400, $0x38;
	[tilespmem:$0x1E800] =	vst v63  }
0xf7: {  	_ =	swait.ge [sflag:s18], $0x1400  }
0xf8: {  	[sflag:s18] =	ssyncset.done $0x0  }
0xf9: {  	[sflag:s18] =	ssyncadd.s32 $0xFFFFEC00  }
0xfa: {  	[tilespmem:s19], [sflag:$0x5] =	stream.linear.gather [hbm4b:s14+s30], $0x1400, $0x38;
	[tilespmem:$0x1E800] =	vst v63  }
0xfb: {  	_ =	swait.ge [sflag:s18], $0x1400  }
0xfc: {  	[sflag:s18] =	ssyncset.done $0x0  }
0xfd: {  	[sflag:s18] =	ssyncadd.s32 $0xFFFFEC00  }
0xfe: {  	[tilespmem:s21], [sflag:$0x1] =	stream.indirect.gather [hbm4b:s4+s20], $0x80, s30, s20, $0xb8;
	[tilespmem:$0x1E800] =	vst v63  }
0xff: {  	s30 =	simm.s32 $0x80  }
0x100: {  	[tilespmem:s17], [sflag:$0x2] =	stream.indirect.gather [hbm4b:s4+s20], $0x80, s30, s20, $0xb8;
	[tilespmem:$0x1E800] =	vst v63  }
0x101: {  	_ =	swait.ge [sflag:s22], $0x4000  }
0x102: {  	[sflag:s22] =	ssyncset.done $0x0  }
0x103: {  	s30 =	simm.s32 $0x1400;
	[sflag:s22] =	ssyncadd.s32 $0xFFFFC000  }
0x104: {  	[spmem:s1] =	stream.indirect.scatter.add.f32 [tilespmem:s21], [sflag:$0x3], $0x80, s30, s20, $0xb8;
	[tilespmem:$0x1E800] =	vst v63  }
0x105: {  	_ =	swait.ge [sflag:s23], $0x4000  }
0x106: {  	[sflag:s23] =	ssyncset.done $0x0  }
0x107: {  	s30 =	simm.s32 $0x100;
	[sflag:s23] =	ssyncadd.s32 $0xFFFFC000  }
0x108: {  	[tilespmem:s21], [sflag:$0x1] =	stream.indirect.gather [hbm4b:s4+s20], $0x80, s30, s20, $0xb8;
	[tilespmem:$0x1E800] =	vst v63  }
0x109: {  	_ =	swait.ge [sflag:s24], $0x4000  }
0x10a: {  	[sflag:s24] =	ssyncset.done $0x0  }
0x10b: {  	s30 =	simm.s32 $0x1480;
	[sflag:s24] =	ssyncadd.s32 $0xFFFFC000  }
0x10c: {  	[spmem:s1] =	stream.indirect.scatter.add.f32 [tilespmem:s17], [sflag:$0x4], $0x80, s30, s20, $0xb8;
	[tilespmem:$0x1E800] =	vst v63  }
0x10d: {  	_ =	swait.ge [sflag:s25], $0x4000  }
0x10e: {  	s31 =	simm.s32 $0x800;
	s30 =	simm.s32 $0x100;
	[sflag:s25] =	ssyncset.done $0x0  }
.LBB2_5:
0x10f: {  	s0 =	sadd.s32 $0x80, s30  }
0x110: {  	[sflag:s25] =	ssyncadd.s32 $0xFFFFC000;
	s2 =	smov.u32 s31;
	s7 =	sadd.s32 $0x400, s31  }
0x111: {  	[tilespmem:s17], [sflag:$0x2] =	stream.indirect.gather [hbm4b:s4+s20], $0x80, s0, s20, $0xb8;
	[tilespmem:$0x1E800] =	vst v63  }
0x112: {  	p1 =	sne.s32 s31, $0x4800;
	_ =	swait.ge [sflag:s22], $0x4000  }
0x113: {  	[sflag:s22] =	ssyncset.done $0x0  }
0x114: {  	s0 =	sadd.s32 $0x1400, s30;
	[sflag:s22] =	ssyncadd.s32 $0xFFFFC000  }
0x115: {  	[spmem:s1] =	stream.indirect.scatter.add.f32 [tilespmem:s21], [sflag:$0x3], $0x80, s0, s20, $0xb8;
	[tilespmem:$0x1E800] =	vst v63  }
0x116: {  	_ =	swait.ge [sflag:s23], $0x4000  }
0x117: {  	[sflag:s23] =	ssyncset.done $0x0  }
0x118: {  	s0 =	sadd.s32 $0x100, s30;
	[sflag:s23] =	ssyncadd.s32 $0xFFFFC000  }
0x119: {  	[tilespmem:s21], [sflag:$0x1] =	stream.indirect.gather [hbm4b:s4+s20], $0x80, s0, s20, $0xb8;
	[tilespmem:$0x1E800] =	vst v63  }
0x11a: {  	_ =	swait.ge [sflag:s24], $0x4000  }
.Ltmp7:
0x11b: {  	[sflag:s24] =	ssyncset.done $0x0;
	(pc) =	sbr.rel @p1 .LBB2_5-.Ltmp7, $4  }
0x11c: {  	s0 =	sadd.s32 $0x1480, s30;
	[sflag:s24] =	ssyncadd.s32 $0xFFFFC000  }
0x11d: {  	[spmem:s1] =	stream.indirect.scatter.add.f32 [tilespmem:s17], [sflag:$0x4], $0x80, s0, s20, $0xb8;
	[tilespmem:$0x1E800] =	vst v63  }
0x11e: {  	_ =	swait.ge [sflag:s25], $0x4000  }
0x11f: {  	s31 =	smov.u32 s7;
	s30 =	sshra.s32 s2, $0x2;
	[sflag:s25] =	ssyncset.done $0x0  }
0x120: {  	s0 =	sadd.s32 $0x80, s30;
	[sflag:s25] =	ssyncadd.s32 $0xFFFFC000  }
0x121: {  	[tilespmem:s17], [sflag:$0x2] =	stream.indirect.gather [hbm4b:s4+s20], $0x80, s0, s20, $0xb8;
	[tilespmem:$0x1E800] =	vst v63  }
0x122: {  	_ =	swait.ge [sflag:s22], $0x4000  }
0x123: {  	[sflag:s22] =	ssyncset.done $0x0  }
0x124: {  	s2 =	sadd.s32 $0x1400, s30;
	[sflag:s22] =	ssyncadd.s32 $0xFFFFC000  }
0x125: {  	[spmem:s1] =	stream.indirect.scatter.add.f32 [tilespmem:s21], [sflag:$0x3], $0x80, s2, s20, $0xb8;
	[tilespmem:$0x1E800] =	vst v63  }
0x126: {  	_ =	swait.ge [sflag:s23], $0x4000  }
0x127: {  	[sflag:s23] =	ssyncset.done $0x0  }
0x128: {  	s7 =	sadd.s32 $0x100, s30;
	[sflag:s23] =	ssyncadd.s32 $0xFFFFC000  }
0x129: {  	[tilespmem:s21], [sflag:$0x1] =	stream.indirect.gather [hbm4b:s4+s20], $0x80, s7, s20, $0xb8;
	[tilespmem:$0x1E800] =	vst v63  }
0x12a: {  	_ =	swait.ge [sflag:s24], $0x4000  }
0x12b: {  	[sflag:s24] =	ssyncset.done $0x0  }
0x12c: {  	s2 =	sadd.s32 $0x1480, s30;
	[sflag:s24] =	ssyncadd.s32 $0xFFFFC000  }
0x12d: {  	[spmem:s1] =	stream.indirect.scatter.add.f32 [tilespmem:s17], [sflag:$0x4], $0x80, s2, s20, $0xb8;
	[tilespmem:$0x1E800] =	vst v63  }
0x12e: {  	_ =	swait.ge [sflag:s25], $0x4000  }
0x12f: {  	[sflag:s25] =	ssyncset.done $0x0  }
0x130: {  	[sflag:s25] =	ssyncadd.s32 $0xFFFFC000  }
0x131: {  	[tilespmem:s17], [sflag:$0x2] =	stream.indirect.gather [hbm4b:s4+s20], $0x80, s26, s20, $0xb8;
	[tilespmem:$0x1E800] =	vst v63  }
0x132: {  	_ =	swait.ge [sflag:s22], $0x4000  }
0x133: {  	[sflag:s22] =	ssyncset.done $0x0  }
0x134: {  	[sflag:s22] =	ssyncadd.s32 $0xFFFFC000  }
0x135: {  	[spmem:s1] =	stream.indirect.scatter.add.f32 [tilespmem:s21], [sflag:$0x3], $0x80, s28, s20, $0xb8;
	[tilespmem:$0x1E800] =	vst v63  }
0x136: {  	_ =	swait.ge [sflag:s23], $0x4000  }
0x137: {  	[sflag:s23] =	ssyncset.done $0x0  }
0x138: {  	[sflag:s23] =	ssyncadd.s32 $0xFFFFC000  }
0x139: {  	_ =	swait.ge [sflag:s24], $0x4000  }
0x13a: {  	[sflag:s24] =	ssyncset.done $0x0  }
0x13b: {  	[sflag:s24] =	ssyncadd.s32 $0xFFFFC000  }
0x13c: {  	[spmem:s1] =	stream.indirect.scatter.add.f32 [tilespmem:s17], [sflag:$0x4], $0x80, s29, s20, $0xb8;
	[tilespmem:$0x1E800] =	vst v63  }
0x13d: {  	_ =	swait.ge [sflag:s25], $0x4000  }
0x13e: {  	[sflag:s25] =	ssyncset.done $0x0  }
0x13f: {  	s7 =	simm.s32 $0x0;
	[sflag:s25] =	ssyncadd.s32 $0xFFFFC000  }
0x140: {  	[tilespmem:s7], [sflag:$0x5] =	stream.linear.gather [hbm4b:s15+s7], $0x1400, $0x38;
	[tilespmem:$0x1E800] =	vst v63  }
0x141: {  	_ =	swait.ge [sflag:s18], $0x1400  }
0x142: {  	[sflag:s18] =	ssyncset.done $0x0  }
0x143: {  	[sflag:s18] =	ssyncadd.s32 $0xFFFFEC00  }
0x144: {  	[tilespmem:s19], [sflag:$0x5] =	stream.linear.gather [hbm4b:s16+s7], $0x1400, $0x38;
	[tilespmem:$0x1E800] =	vst v63  }
0x145: {  	_ =	swait.ge [sflag:s18], $0x1400  }
0x146: {  	[sflag:s18] =	ssyncset.done $0x0  }
0x147: {  	[sflag:s18] =	ssyncadd.s32 $0xFFFFEC00  }
0x148: {  	[tilespmem:s21], [sflag:$0x1] =	stream.indirect.gather [hbm4b:s4+s20], $0x80, s7, s20, $0xb8;
	[tilespmem:$0x1E800] =	vst v63  }
0x149: {  	s2 =	simm.s32 $0x80  }
0x14a: {  	[tilespmem:s17], [sflag:$0x2] =	stream.indirect.gather [hbm4b:s4+s20], $0x80, s2, s20, $0xb8;
	[tilespmem:$0x1E800] =	vst v63  }
0x14b: {  	_ =	swait.ge [sflag:s22], $0x4000  }
0x14c: {  	[sflag:s22] =	ssyncset.done $0x0  }
0x14d: {  	s7 =	simm.s32 $0x1400;
	[sflag:s22] =	ssyncadd.s32 $0xFFFFC000  }
0x14e: {  	[spmem:s1] =	stream.indirect.scatter.add.f32 [tilespmem:s21], [sflag:$0x3], $0x80, s7, s20, $0xb8;
	[tilespmem:$0x1E800] =	vst v63  }
0x14f: {  	_ =	swait.ge [sflag:s23], $0x4000  }
0x150: {  	[sflag:s23] =	ssyncset.done $0x0  }
0x151: {  	s2 =	simm.s32 $0x100;
	[sflag:s23] =	ssyncadd.s32 $0xFFFFC000  }
0x152: {  	[tilespmem:s21], [sflag:$0x1] =	stream.indirect.gather [hbm4b:s4+s20], $0x80, s2, s20, $0xb8;
	[tilespmem:$0x1E800] =	vst v63  }
0x153: {  	_ =	swait.ge [sflag:s24], $0x4000  }
0x154: {  	[sflag:s24] =	ssyncset.done $0x0  }
0x155: {  	s7 =	simm.s32 $0x1480;
	[sflag:s24] =	ssyncadd.s32 $0xFFFFC000  }
0x156: {  	[spmem:s1] =	stream.indirect.scatter.add.f32 [tilespmem:s17], [sflag:$0x4], $0x80, s7, s20, $0xb8;
	[tilespmem:$0x1E800] =	vst v63  }
0x157: {  	_ =	swait.ge [sflag:s25], $0x4000  }
0x158: {  	s31 =	simm.s32 $0x800;
	s30 =	simm.s32 $0x100;
	[sflag:s25] =	ssyncset.done $0x0  }
.LBB2_7:
0x159: {  	s0 =	sadd.s32 $0x80, s30  }
0x15a: {  	[sflag:s25] =	ssyncadd.s32 $0xFFFFC000;
	s2 =	smov.u32 s31;
	s7 =	sadd.s32 $0x400, s31  }
0x15b: {  	[tilespmem:s17], [sflag:$0x2] =	stream.indirect.gather [hbm4b:s4+s20], $0x80, s0, s20, $0xb8;
	[tilespmem:$0x1E800] =	vst v63  }
0x15c: {  	p1 =	sne.s32 s31, $0x4800;
	_ =	swait.ge [sflag:s22], $0x4000  }
0x15d: {  	[sflag:s22] =	ssyncset.done $0x0  }
0x15e: {  	s0 =	sadd.s32 $0x1400, s30;
	[sflag:s22] =	ssyncadd.s32 $0xFFFFC000  }
0x15f: {  	[spmem:s1] =	stream.indirect.scatter.add.f32 [tilespmem:s21], [sflag:$0x3], $0x80, s0, s20, $0xb8;
	[tilespmem:$0x1E800] =	vst v63  }
0x160: {  	_ =	swait.ge [sflag:s23], $0x4000  }
0x161: {  	[sflag:s23] =	ssyncset.done $0x0  }
0x162: {  	s0 =	sadd.s32 $0x100, s30;
	[sflag:s23] =	ssyncadd.s32 $0xFFFFC000  }
0x163: {  	[tilespmem:s21], [sflag:$0x1] =	stream.indirect.gather [hbm4b:s4+s20], $0x80, s0, s20, $0xb8;
	[tilespmem:$0x1E800] =	vst v63  }
0x164: {  	_ =	swait.ge [sflag:s24], $0x4000  }
.Ltmp8:
0x165: {  	[sflag:s24] =	ssyncset.done $0x0;
	(pc) =	sbr.rel @p1 .LBB2_7-.Ltmp8, $4  }
0x166: {  	s0 =	sadd.s32 $0x1480, s30;
	[sflag:s24] =	ssyncadd.s32 $0xFFFFC000  }
0x167: {  	[spmem:s1] =	stream.indirect.scatter.add.f32 [tilespmem:s17], [sflag:$0x4], $0x80, s0, s20, $0xb8;
	[tilespmem:$0x1E800] =	vst v63  }
0x168: {  	_ =	swait.ge [sflag:s25], $0x4000  }
0x169: {  	s31 =	smov.u32 s7;
	s30 =	sshra.s32 s2, $0x2;
	[sflag:s25] =	ssyncset.done $0x0  }
.Ltmp9:
0x16a: {  	_ = 	snop;
	(pc) =	sbr.rel .LBB2_8-.Ltmp9, $1  }
0x16b: {  	_ =	sdelay $0x3  }
.LBB2_15:
0x16c: {  	_ =	sfence.sel $0x180000  }
0x16d: {  	[bflag:$0x0] =	sbarrier.arrive $0xFFFF  }
0x16e: {  	_ =	strace $0x9000004D  }
0x16f: {  	s0 =	stileid.u32;
	[bflag:$0x2] =	sbarrier.arrive $0xFFFF  }
0x170: {  	p0 =	sne.s32 s0, $0x0;
	s0 =	rddreg [dreg:$0x2]  }
0x171: {  	s0 =	sadd.s32 @!p0 $0x100000, s0  }
0x172: {  	[sflag:s0] =	ssyncadd.tile.s32 @!p0 $0x1;
	_ =	shalt  }
.Lfunc_end2:
_tile_overlayer_lowered:
.L_overlay_start_2:
0x173: {  	(tag) =	ssettag $0x2  }
0x174: {  	s0 =	rddreg [dreg:$0x0];
	s2 =	stileid.u32  }
0x175: {  	s1 =	rddreg [dreg:$0x1];
	p0 =	sne.s32 s2, $0x0  }
0x176: {  	s3 =	rddreg [dreg:$0x2];
	[bflag:$0x3] =	sbarrier.arrive $0xFFFF;
	s2 =	simm.s32 @!p0 $0x1C05  }
0x177: {  	[timem:s3], [sflag:s2] =	dma.local @!p0 [hbm:s0], s1  }
0x178: {  	s0 =	simm.s32 @!p0 $0x5  }
0x179: {  	_ =	swait.ge @!p0 [sflag:s0], s1  }
0x17a: {  	s1 =	ssub.s32 @!p0 $0x0, s1;
	[sflag:s0] =	ssyncset.done @!p0 $0x0  }
0x17b: {  	[sflag:s0] =	ssyncadd.s32 @!p0 s1  }
0x17c: {  	[bflag:$0x3] =	sbarrier.arrive $0xFFFF  }
0x17d: {  	_ =	shalt  }

// kernel: sage_sc_agg_deg1.3.cloned.1.call-start
scs
__scs_entry_jumppad:
0x0: {  	(pc) =	sbr.rel $0x88, $3  }
0x1: {  	(tag) =	ssettag $0x0;
	lr =	simm.s32 $0x1  }
0x2: {  	[smem:$0x3F96] =	sst lr;
	_ =	strace $0xD0000000  }
0x3: {  	_ = 	snop  }
0x4: {  	_ = 	snop  }
0x5: {  	_ = 	snop  }
0x6: {  	_ = 	snop  }
0x7: {  	_ = 	snop  }
__scs_overlays_trampoline_lowered:
0x8: {  	[smem:$0x3FA5] =	sst s0  }
0x9: {  	[smem:$0x3FA6] =	sst s1  }
0xa: {  	[smem:$0x3FA7] =	sst s2  }
0xb: {  	[smem:$0x3FA8] =	sst s3  }
0xc: {  	[smem:$0x3FA9] =	sst s4  }
0xd: {  	[smem:$0x3FAA] =	sst s5  }
0xe: {  	[smem:$0x3FAB] =	sst s6  }
0xf: {  	[smem:$0x3FAC] =	sst s7  }
0x10: {  	[smem:$0x3FAD] =	sst s8  }
0x11: {  	[smem:$0x3FAE] =	sst s9;
	s0 =	simm.s32 @!p0 $0x0  }
0x12: {  	s1 =	sld [smem:$0x3F94];
	s0 =	simm.s32 @p0 $0x1  }
0x13: {  	[smem:$0x3FAF] =	sst s0;
	s0 =	simm.s32 @!p1 $0x0  }
0x14: {  	s2 =	sld [smem:$0x3F93];
	s0 =	simm.s32 @p1 $0x1  }
0x15: {  	[smem:$0x3FB0] =	sst s0;
	s0 =	simm.s32 @!p2 $0x0  }
0x16: {  	s3 =	sld [smem:$0x3FDB];
	s0 =	simm.s32 @p2 $0x1  }
0x17: {  	s4 =	simm.s32 $0x1BF5;
	[smem:$0x3FB2] =	sst s0  }
0x18: {  	s0 =	sld [smem:$0x3F95];
	_ =	swait.ge [sflag:s4], $0x0  }
0x19: {  	s7 =	sld [smem:$0x3F96]  }
0x1a: {  	s8 =	sadd.s32 $0xFFFFE003, lr  }
0x1b: {  	s9 =	sadd.s32 $0xFFFFFEF7, lr;
	s5 =	simm.s32 $0xFFFFFFFF;
	p2 =	slt.u32 s8, $0xFFFFF086  }
0x1c: {  	p1 =	slt.u32 s9, $0xF7A;
	s5 =	simm.s32 @!p2 $0x0  }
0x1d: {  	s5 =	simm.s32 @p1 $0x1;
	p0 =	seq.s32 s7, s2  }
0x1e: {  	s7 =	smul.u32 @!p0 $0xF7A, s2;
	p2 =	seq.s32 @!p0 s5, $0x0  }
0x1f: {  	s9 =	smul.u32 $0xF7A, s1;
	s8 =	simm.s32 @!p0 $0x1BF5;
	p2 =	por !p2, p0  }
0x20: {  	[sflag:s8] =	ssyncset.s32 @!p0 $0xFFFFF086;
	s6 =	sadd.s32 @!p0 s3, s7;
	s7 =	simm.s32 @!p0 $0x108  }
0x21: {  	s3 =	sadd.s32 s3, s9;
	s6 =	sadd.s32 @!p0 $0x88, s6;
	s7 =	simm.s32 @p2 $0x1082  }
0x22: {  	[simem:s7], [sflag:s8] =	dma.local @!p0 [hbm:s6], $0xF7A  }
0x23: {  	s9 =	sor.u32 $0xD0000000, s2;
	s6 =	simm.s32 $0x108;
	_ =	swait.ge @!p0 [sflag:s8], $0x0  }
0x24: {  	s3 =	sadd.s32 $0x88, s3;
	s6 =	simm.s32 @!p1 $0x1082;
	[sflag:s4] =	ssyncset.s32 $0xFFFFF086  }
0x25: {  	[simem:s6], [sflag:s4] =	dma.local [hbm:s3], $0xF7A  }
0x26: {  	[smem:$0x3F96] =	sst s1;
	(tag) =	ssettag s2;
	_ =	strace s9  }
0x27: {  	s1 =	sld [smem:$0x3FA6]  }
0x28: {  	s2 =	sld [smem:$0x3FA7]  }
0x29: {  	s4 =	sld [smem:$0x3FA9]  }
0x2a: {  	p0 =	seq.s32 s5, $0x0;
	s5 =	sld [smem:$0x3FAA]  }
0x2b: {  	s6 =	sld [smem:$0x3FAB]  }
0x2c: {  	s7 =	sld [smem:$0x3FAC]  }
0x2d: {  	s3 =	simm.s32 $0x108;
	s8 =	sld [smem:$0x3FAD]  }
0x2e: {  	s3 =	simm.s32 @!p0 $0x1082;
	s9 =	sld [smem:$0x3FAE]  }
0x2f: {  	lr =	sadd.s32 s0, s3;
	s0 =	sld [smem:$0x3FA5]  }
0x30: {  	s3 =	sld [smem:$0x3FA8]  }
0x31: {  	[smem:$0x3FB1] =	sst s10  }
0x32: {  	s10 =	sld [smem:$0x3FAF];
	_ =	sdelay $0x3  }
0x33: {  	p0 =	seq.s32 s10, $0x1;
	s10 =	sld [smem:$0x3FB1];
	_ =	sdelay $0x3  }
0x34: {  	[smem:$0x3FB1] =	sst s10  }
0x35: {  	s10 =	sld [smem:$0x3FB0];
	_ =	sdelay $0x3  }
0x36: {  	p1 =	seq.s32 s10, $0x1;
	s10 =	sld [smem:$0x3FB1];
	_ =	sdelay $0x3  }
0x37: {  	[smem:$0x3FB1] =	sst s10  }
0x38: {  	s10 =	sld [smem:$0x3FB2]  }
0x39: {  	_ = 	snop;
	(pc) =	sbr.ind lr, $3  }
0x3a: {  	_ = 	snop  }
0x3b: {  	_ = 	snop  }
0x3c: {  	p2 =	seq.s32 s10, $0x1;
	s10 =	sld [smem:$0x3FB1]  }
0x3d: {  	_ =	shalt  }
0x3e: {  	_ =	shalt  }
0x3f: {  	_ =	shalt  }
0x40: {  	_ =	shalt  }
0x41: {  	_ =	shalt  }
0x42: {  	_ =	shalt  }
0x43: {  	_ =	shalt  }
0x44: {  	_ =	shalt  }
0x45: {  	_ =	shalt  }
0x46: {  	_ =	shalt  }
0x47: {  	_ =	shalt  }
0x48: {  	_ =	shalt  }
0x49: {  	_ =	shalt  }
0x4a: {  	_ =	shalt  }
0x4b: {  	_ =	shalt  }
0x4c: {  	_ =	shalt  }
0x4d: {  	_ =	shalt  }
0x4e: {  	_ =	shalt  }
0x4f: {  	_ =	shalt  }
0x50: {  	_ =	shalt  }
0x51: {  	_ =	shalt  }
0x52: {  	_ =	shalt  }
0x53: {  	_ =	shalt  }
0x54: {  	_ =	shalt  }
0x55: {  	_ =	shalt  }
0x56: {  	_ =	shalt  }
0x57: {  	_ =	shalt  }
0x58: {  	_ =	shalt  }
0x59: {  	_ =	shalt  }
0x5a: {  	_ =	shalt  }
0x5b: {  	_ =	shalt  }
0x5c: {  	_ =	shalt  }
0x5d: {  	_ =	shalt  }
0x5e: {  	_ =	shalt  }
0x5f: {  	_ =	shalt  }
0x60: {  	_ =	shalt  }
0x61: {  	_ =	shalt  }
0x62: {  	_ =	shalt  }
0x63: {  	_ =	shalt  }
0x64: {  	_ =	shalt  }
0x65: {  	_ =	shalt  }
0x66: {  	_ =	shalt  }
0x67: {  	_ =	shalt  }
0x68: {  	_ =	shalt  }
0x69: {  	_ =	shalt  }
0x6a: {  	_ =	shalt  }
0x6b: {  	_ =	shalt  }
0x6c: {  	_ =	shalt  }
0x6d: {  	_ =	shalt  }
0x6e: {  	_ =	shalt  }
0x6f: {  	_ =	shalt  }
0x70: {  	_ =	shalt  }
0x71: {  	_ =	shalt  }
0x72: {  	_ =	shalt  }
0x73: {  	_ =	shalt  }
0x74: {  	_ =	shalt  }
0x75: {  	_ =	shalt  }
0x76: {  	_ =	shalt  }
0x77: {  	_ =	shalt  }
0x78: {  	_ =	shalt  }
0x79: {  	_ =	shalt  }
0x7a: {  	_ =	shalt  }
0x7b: {  	_ =	shalt  }
0x7c: {  	_ =	shalt  }
0x7d: {  	_ =	shalt  }
0x7e: {  	_ =	shalt  }
0x7f: {  	_ =	shalt  }
0x80: {  	_ =	shalt  }
0x81: {  	_ =	shalt  }
0x82: {  	_ =	shalt  }
0x83: {  	_ =	shalt  }
0x84: {  	_ =	shalt  }
0x85: {  	_ =	shalt  }
0x86: {  	_ =	shalt  }
0x87: {  	_ =	shalt  }
.Lfunc_end0:
.L_simem_size_0:
called_computation_lowered:
.L_overlay_start_0:
0x88: {  	s2 =	sld [smem:$0x3FD9]  }
0x89: {  	s3 =	sld [smem:$0x3FFE];
	_ =	sdelay $0x1  }
0x8a: {  	s1 =	srdreg.scid  }
0x8b: {  	s0 =	sand.u32 $0x1, s1  }
0x8c: {  	s16 =	sshll.u32 s0, $0xA;
	s2 =	sadd.s32 s3, s2  }
0x8d: {  	s2 =	sadd.s32 s2, s16  }
0x8e: {  	[smem:$0x3FBD] =	sst s2  }
0x8f: {  	_ = 	snop  }
0x90: {  	(tm) =	ssettm $0x1  }
0x91: {  	s17 =	sld [smem:$0x3FFB];
	_ =	sdelay $0x3  }
0x92: {  	_ =	strace s17  }
0x93: {  	s2 =	sld [smem:$0x3FFC];
	_ =	sdelay $0x3  }
0x94: {  	_ =	strace s2  }
0x95: {  	s2 =	sld [smem:$0x3FFD];
	_ =	sdelay $0x3  }
0x96: {  	_ =	strace s2  }
0x97: {  	_ =	strace $0x8FFFFFFF  }
0x98: {  	s18 =	sld [smem:$0x3FDB];
	_ =	sdelay $0x1  }
0x99: {  	s19 =	simm.s32 $_scs_section_size  }
0x9a: {  	s4 =	simm.s32 $_size__tile_overlayer_lowered;
	s5 =	simm.s32 $_tile_overlayer_lowered  }
0x9b: {  	s22 =	simm.s32 $0x1BFF;
	s21 =	sshll.u32 s5, $0x1;
	s2 =	sadd.s32 s19, s18  }
0x9c: {  	s6 =	simm.s32 $0x0;
	s20 =	sshll.u32 s4, $0x1;
	s4 =	sadd.s32 s21, s2  }
0x9d: {  	[timem:s6], [sflag:s22] =	dma.local [hbm:s4], s20  }
0x9e: {  	_ =	swait.ge [sflag:s22], s20  }
0x9f: {  	s3 =	ssub.s32 $0x0, s20;
	[sflag:s22] =	ssyncset.done $0x0  }
0xa0: {  	[sflag:s22] =	ssyncadd.s32 s3;
	_ =	sdelay $0x1  }
0xa1: {  	s23 =	simm.s32 $0x1B8B  }
0xa2: {  	_ =	swait.ge [sflag:s23], $0x1  }
0xa3: {  	[sflag:s23] =	ssyncset.done $0x0  }
0xa4: {  	s25 =	simm.s32 $0x1B8E;
	s24 =	sld [smem:$0x3FFE];
	[sflag:s23] =	ssyncadd.s32 $0xFFFFFFFF  }
0xa5: {  	s26 =	simm.s32 $execute0_lowered;
	[smem:$0x3FD2] =	sst s25  }
0xa6: {  	s4 =	sshll.u32 s26, $0x1;
	_ =	strace $0x80000046;
	[dreg:$0x1] =	wrdreg $0xFFFFFFFF  }
0xa7: {  	s28 =	simm.s32 $_size_execute0_lowered;
	s2 =	sadd.s32 s2, s4;
	[dreg:$0x0] =	wrdreg $0x0  }
0xa8: {  	s4 =	sshll.u32 s28, $0x1;
	[dreg:$0x2] =	wrdreg s2  }
0xa9: {  	[dreg:$0x3] =	wrdreg s4  }
0xaa: {  	[dreg:$0x4] =	wrdreg $0xC0  }
0xab: {  	_ =	task [dreg:s6], $0x5FFFF  }
0xac: {  	[dreg:$0x1] =	wrdreg $0xFFFFFFFF  }
0xad: {  	[dreg:$0x0] =	wrdreg $0x60  }
0xae: {  	[dreg:$0x2] =	wrdreg s24  }
0xaf: {  	[dreg:$0x3] =	wrdreg $0xA8000  }
0xb0: {  	[dreg:$0x4] =	wrdreg $0x9  }
0xb1: {  	_ =	task.clear_ibuf [dreg:s6], $0x5FFFF;
	_ =	strace $0x90000046  }
0xb2: {  	s29 =	simm.s32 $0x9;
	_ =	strace $0x80000048  }
0xb3: {  	_ =	swait.ge [sflag:s29], $0x1  }
0xb4: {  	[sflag:s29] =	ssyncadd.s32 $0xFFFFFFFF  }
0xb5: {  	_ =	strace $0x90000048  }
0xb6: {  	_ =	sfence  }
0xb7: {  	s30 =	sld [smem:$0x0];
	_ =	sdelay $0x2  }
0xb8: {  	s31 =	sshll.u32 s1, $0xD;
	s1 =	sshrl.u32 s1, $0x2  }
0xb9: {  	s3 =	sand.u32 $0x4000, s31;
	s1 =	sadd.s32 s1, s30  }
0xba: {  	s0 =	sor.u32 s3, s0;
	s1 =	sshll.u32 s1, $0x11  }
0xbb: {  	s0 =	sor.u32 s1, s0  }
0xbc: {  	s0 =	sadd.s32 $0x8F2B, s0  }
0xbd: {  	[sflag:s0] =	ssyncadd.remote.s32 $0x1  }
0xbe: {  	_ =	sfence.sel $0xFFFF  }
0xbf: {  	[dreg:$0x0] =	wrdreg $0xFFFFFFFF;
	(pc) =	sbr.abs _section_cstart, $3  }
0xc0: {  	[dreg:$0x1] =	wrdreg $0xFFFFFFFF  }
0xc1: {  	_ =	task.clear_ibuf [dreg:s6], $0x2FFFF;
	_ =	strace $0x9FFFFFFF  }
0xc2: {  	(tm) =	ssettm $0x7FFFFFFF  }
0xc3: {  	_ =	shalt  }
tec
execute0_lowered:
.L_overlay_start_1:
0x0: {  	(tag) =	ssettag $0x1  }
0x1: {  	s0 =	rddreg [dreg:$0x0];
	s1 =	srdreg.scid  }
0x2: {  	s11 =	stileid.u32;
	s2 =	rddreg [dreg:$0x1];
	s4 =	simm.s32 $0x0  }
0x3: {  	s28 =	simm.s32 $0x2;
	s29 =	simm.s32 $0x4;
	s31 =	simm.s32 $0x2000  }
0x4: {  	s14 =	simm.s32 $0x2280;
	s13 =	simm.s32 $0x2400;
	s3 =	smul.u32 $0x14000, s11  }
0x5: {  	s1 =	sand.u32 $0x1, s1;
	[smem:$0x7FF] =	sst s4;
	s8 =	smul.u32 $0x50000, s11  }
0x6: {  	s4 =	sadd.s32 $0x3400, s0;
	s10 =	sadd.s32 $0x51800, s0;
	s5 =	smul.u32 $0x140000, s1  }
0x7: {  	_ =	strace $0x80000047;
	s9 =	ssub.s32 $0x2, s1;
	s8 =	sshrl.u32 s8, $0x2  }
0x8: {  	s18 =	sshrl.u32 s9, $0x1;
	s6 =	sadd.s32 s3, s5;
	s5 =	sadd.s32 $0x2A600, s0  }
0x9: {  	s3 =	sshrl.u32 s3, $0x3;
	s8 =	sadd.s32 s8, s2;
	s7 =	sshrl.u32 s6, $0x3  }
0xa: {  	s6 =	sadd.s32 $0x56800, s0;
	s19 =	sadd.s32 $0x4000, s8;
	s7 =	sadd.s32 s7, s0  }
0xb: {  	s0 =	sadd.s32 s3, s0;
	s3 =	ssub.s32 s9, s18;
	[dreg:$0x4] =	wrdreg s19  }
0xc: {  	s9 =	smul.u32 $0x1400, s11;
	s11 =	smov.u32 s8;
	s8 =	sadd.s32 $0x8000, s8  }
0xd: {  	s15 =	simm.s32 $0x2500;
	s16 =	simm.s32 $0x2580;
	[dreg:$0x5] =	wrdreg s8  }
0xe: {  	s30 =	simm.s32 $0x2600;
	s20 =	sadd.s32 $0xC000, s11;
	[dreg:$0x3] =	wrdreg s11  }
0xf: {  	s17 =	simm.s32 $0x2680;
	s21 =	sadd.s32 $0x10000, s11;
	[dreg:$0x6] =	wrdreg s20  }
0x10: {  	p0 =	sne.s32 s1, $0x0;
	s7 =	sadd.s32 $0x83800, s7;
	[dreg:$0x7] =	wrdreg s21  }
0x11: {  	s1 =	simm.s32 $0x2780;
	s0 =	sadd.s32 $0x5B800, s0;
	[dreg:$0x8] =	wrdreg s7  }
0x12: {  	s3 =	smax.u32 s3, $0x1;
	[dreg:$0x9] =	wrdreg s0;
	s22 =	sshrl.u32 s9, $0x3  }
0x13: {  	[dreg:$0xa] =	wrdreg s3;
	s20 =	simm.s32 $0x6800;
	s21 =	simm.s32 $0x5  }
0x14: {  	s3 =	simm.s32 $0x1400;
	s7 =	simm.s32 $0x0;
	s23 =	sadd.s32 s10, s22  }
.Ltmp0:
0x15: {  	s0 =	sadd.s32 s6, s22;
	[dreg:$0xb] =	wrdreg s23;
	(pc) =	sbr.rel .LBB2_1-.Ltmp0, $4  }
0x16: {  	s24 =	sadd.s32 $0x2800, s22;
	s22 =	simm.s32 $0x2200;
	[dreg:$0xc] =	wrdreg s0  }
0x17: {  	s25 =	sadd.s32 s10, s24;
	s26 =	sadd.s32 s6, s24;
	s23 =	simm.s32 $0x80  }
0x18: {  	s24 =	simm.s32 $0x2800;
	s0 =	simm.s32 $0x2700;
	[dreg:$0xd] =	wrdreg s25  }
0x19: {  	v0 =	vimm.f32 $0.0e+00;
	v1 =	vimm.f32 $1.000000000e+00;
	[dreg:$0xe] =	wrdreg s26;
	s25 =	simm.s32 $0x1;
	s26 =	simm.s32 $0x3  }
.LBB2_22:
0x1a: {  	s7 =	sadd.s32 $0x1, s7;
	s8 =	rddreg [dreg:$0xa]  }
0x1b: {  	p1 =	sne.s32 s7, s8  }
.Ltmp1:
0x1c: {  	_ = 	snop;
	(pc) =	sbr.rel @!p1 .LBB2_23-.Ltmp1, $1  }
0x1d: {  	_ =	sdelay $0x3  }
.LBB2_1:
0x1e: {  	s18 =	simm.s32 $0x0;
	s19 =	simm.s32 $0x200  }
.LBB2_2:
0x1f: {  	p1 =	sne.s32 s19, $0xFE00;
	[tilespmem:s18+$0x6870] =	vst v0  }
0x20: {  	[tilespmem:s18+$0x6800] =	vst v0  }
0x21: {  	[tilespmem:s18+$0x6810] =	vst v0  }
.Ltmp2:
0x22: {  	[tilespmem:s18+$0x6820] =	vst v0;
	(pc) =	sbr.rel @p1 .LBB2_2-.Ltmp2, $4  }
0x23: {  	[tilespmem:s18+$0x6830] =	vst v0  }
0x24: {  	[tilespmem:s18+$0x6840] =	vst v0  }
0x25: {  	[tilespmem:s18+$0x6850] =	vst v0  }
0x26: {  	[tilespmem:s18+$0x6860] =	vst v0;
	s18 =	sshra.s32 s19, $0x2;
	s19 =	sadd.s32 $0x200, s19  }
0x27: {  	[tilespmem:s18+$0x6870] =	vst v0  }
0x28: {  	[tilespmem:s18+$0x6800] =	vst v0  }
0x29: {  	[tilespmem:s18+$0x6810] =	vst v0  }
0x2a: {  	[tilespmem:s18+$0x6820] =	vst v0  }
0x2b: {  	[tilespmem:s18+$0x6830] =	vst v0  }
0x2c: {  	[tilespmem:s18+$0x6840] =	vst v0  }
0x2d: {  	[tilespmem:s18+$0x6850] =	vst v0  }
0x2e: {  	[tilespmem:s18+$0x6860] =	vst v0  }
0x2f: {  	[spmem:s11] =	stream.linear.scatter [tilespmem:s20], [sflag:$0x5], $0x4000, $0x38;
	[tilespmem:$0x1E800] =	vst v63  }
0x30: {  	_ =	swait.ge [sflag:s21], $0x4000  }
0x31: {  	[sflag:s21] =	ssyncset.done $0x0  }
0x32: {  	s8 =	rddreg [dreg:$0x4];
	[sflag:s21] =	ssyncadd.s32 $0xFFFFC000  }
0x33: {  	[spmem:s8] =	stream.linear.scatter [tilespmem:s20], [sflag:$0x5], $0x4000, $0x38;
	[tilespmem:$0x1E800] =	vst v63  }
0x34: {  	_ =	swait.ge [sflag:s21], $0x4000  }
0x35: {  	[sflag:s21] =	ssyncset.done $0x0  }
0x36: {  	s12 =	rddreg [dreg:$0x5];
	[sflag:s21] =	ssyncadd.s32 $0xFFFFC000  }
0x37: {  	[spmem:s12] =	stream.linear.scatter [tilespmem:s20], [sflag:$0x5], $0x4000, $0x38;
	[tilespmem:$0x1E800] =	vst v63  }
0x38: {  	_ =	swait.ge [sflag:s21], $0x4000  }
0x39: {  	[sflag:s21] =	ssyncset.done $0x0  }
0x3a: {  	s18 =	rddreg [dreg:$0x6];
	[sflag:s21] =	ssyncadd.s32 $0xFFFFC000  }
0x3b: {  	[spmem:s18] =	stream.linear.scatter [tilespmem:s20], [sflag:$0x5], $0x4000, $0x38;
	[tilespmem:$0x1E800] =	vst v63  }
0x3c: {  	_ =	swait.ge [sflag:s21], $0x4000  }
0x3d: {  	[sflag:s21] =	ssyncset.done $0x0  }
0x3e: {  	s19 =	rddreg [dreg:$0x7];
	[sflag:s21] =	ssyncadd.s32 $0xFFFFC000  }
0x3f: {  	[spmem:s19] =	stream.linear.scatter [tilespmem:s20], [sflag:$0x5], $0x4000, $0x38;
	[tilespmem:$0x1E800] =	vst v63  }
.Ltmp3:
0x40: {  	_ =	swait.ge [sflag:s21], $0x4000;
	(pc) =	sbr.rel @p0 .LBB2_9-.Ltmp3, $3  }
0x41: {  	[sflag:s21] =	ssyncset.done $0x0  }
0x42: {  	[sflag:s21] =	ssyncadd.s32 $0xFFFFC000  }
0x43: {  	[bflag:$0x0] =	sbarrier.arrive $0xFFFF;
	_ =	sdelay $0x1  }
0x44: {  	s18 =	simm.s32 $0x0;
	s8 =	rddreg [dreg:$0xb]  }
0x45: {  	[tilespmem:s18], [sflag:$0x5] =	stream.linear.gather [hbm4b:s8+s18], $0x1400, $0x38;
	[tilespmem:$0x1E800] =	vst v63  }
0x46: {  	_ =	swait.ge [sflag:s21], $0x1400  }
0x47: {  	[sflag:s21] =	ssyncset.done $0x0  }
0x48: {  	s19 =	rddreg [dreg:$0xc];
	[sflag:s21] =	ssyncadd.s32 $0xFFFFEC00  }
0x49: {  	[tilespmem:s3], [sflag:$0x5] =	stream.linear.gather [hbm4b:s19+s18], $0x1400, $0x38;
	[tilespmem:$0x1E800] =	vst v63  }
0x4a: {  	_ =	swait.ge [sflag:s21], $0x1400  }
0x4b: {  	[sflag:s21] =	ssyncset.done $0x0  }
0x4c: {  	[sflag:s21] =	ssyncadd.s32 $0xFFFFEC00  }
0x4d: {  	[tilespmem:s24], [sflag:$0x1] =	stream.indirect.gather [hbm4b:s4+s23], $0x80, s18, s23, $0xb8;
	[tilespmem:$0x1E800] =	vst v63  }
0x4e: {  	s10 =	simm.s32 $0x80  }
0x4f: {  	[tilespmem:s20], [sflag:$0x2] =	stream.indirect.gather [hbm4b:s4+s23], $0x80, s10, s23, $0xb8;
	[tilespmem:$0x1E800] =	vst v63  }
0x50: {  	_ =	swait.ge [sflag:s25], $0x4000  }
0x51: {  	[sflag:s25] =	ssyncset.done $0x0  }
0x52: {  	s11 =	simm.s32 $0x1400;
	[sflag:s25] =	ssyncadd.s32 $0xFFFFC000  }
0x53: {  	[spmem:s2] =	stream.indirect.scatter.add.f32 [tilespmem:s24], [sflag:$0x3], $0x80, s11, s23, $0xb8;
	[tilespmem:$0x1E800] =	vst v63  }
0x54: {  	_ =	swait.ge [sflag:s26], $0x4000  }
0x55: {  	[sflag:s26] =	ssyncset.done $0x0  }
0x56: {  	s12 =	simm.s32 $0x100;
	[sflag:s26] =	ssyncadd.s32 $0xFFFFC000  }
0x57: {  	[tilespmem:s24], [sflag:$0x1] =	stream.indirect.gather [hbm4b:s4+s23], $0x80, s12, s23, $0xb8;
	[tilespmem:$0x1E800] =	vst v63  }
0x58: {  	_ =	swait.ge [sflag:s28], $0x4000  }
0x59: {  	[sflag:s28] =	ssyncset.done $0x0  }
0x5a: {  	s19 =	simm.s32 $0x1480;
	[sflag:s28] =	ssyncadd.s32 $0xFFFFC000  }
0x5b: {  	[spmem:s2] =	stream.indirect.scatter.add.f32 [tilespmem:s20], [sflag:$0x4], $0x80, s19, s23, $0xb8;
	[tilespmem:$0x1E800] =	vst v63  }
0x5c: {  	_ =	swait.ge [sflag:s29], $0x4000  }
0x5d: {  	s18 =	simm.s32 $0x100;
	s19 =	simm.s32 $0x800;
	[sflag:s29] =	ssyncset.done $0x0  }
.LBB2_5:
0x5e: {  	s8 =	sadd.s32 $0x80, s18  }
0x5f: {  	[sflag:s29] =	ssyncadd.s32 $0xFFFFC000;
	s10 =	smov.u32 s19;
	s11 =	sadd.s32 $0x400, s19  }
0x60: {  	[tilespmem:s20], [sflag:$0x2] =	stream.indirect.gather [hbm4b:s4+s23], $0x80, s8, s23, $0xb8;
	[tilespmem:$0x1E800] =	vst v63  }
0x61: {  	p1 =	sne.s32 s19, $0x4800;
	_ =	swait.ge [sflag:s25], $0x4000  }
0x62: {  	[sflag:s25] =	ssyncset.done $0x0  }
0x63: {  	s8 =	sadd.s32 $0x1400, s18;
	[sflag:s25] =	ssyncadd.s32 $0xFFFFC000  }
0x64: {  	[spmem:s2] =	stream.indirect.scatter.add.f32 [tilespmem:s24], [sflag:$0x3], $0x80, s8, s23, $0xb8;
	[tilespmem:$0x1E800] =	vst v63  }
0x65: {  	_ =	swait.ge [sflag:s26], $0x4000  }
0x66: {  	[sflag:s26] =	ssyncset.done $0x0  }
0x67: {  	s8 =	sadd.s32 $0x100, s18;
	[sflag:s26] =	ssyncadd.s32 $0xFFFFC000  }
0x68: {  	[tilespmem:s24], [sflag:$0x1] =	stream.indirect.gather [hbm4b:s4+s23], $0x80, s8, s23, $0xb8;
	[tilespmem:$0x1E800] =	vst v63  }
0x69: {  	_ =	swait.ge [sflag:s28], $0x4000  }
.Ltmp4:
0x6a: {  	[sflag:s28] =	ssyncset.done $0x0;
	(pc) =	sbr.rel @p1 .LBB2_5-.Ltmp4, $4  }
0x6b: {  	s8 =	sadd.s32 $0x1480, s18;
	[sflag:s28] =	ssyncadd.s32 $0xFFFFC000  }
0x6c: {  	[spmem:s2] =	stream.indirect.scatter.add.f32 [tilespmem:s20], [sflag:$0x4], $0x80, s8, s23, $0xb8;
	[tilespmem:$0x1E800] =	vst v63  }
0x6d: {  	_ =	swait.ge [sflag:s29], $0x4000  }
0x6e: {  	s19 =	smov.u32 s11;
	s18 =	sshra.s32 s10, $0x2;
	[sflag:s29] =	ssyncset.done $0x0  }
0x6f: {  	s8 =	sadd.s32 $0x80, s18;
	[sflag:s29] =	ssyncadd.s32 $0xFFFFC000  }
0x70: {  	[tilespmem:s20], [sflag:$0x2] =	stream.indirect.gather [hbm4b:s4+s23], $0x80, s8, s23, $0xb8;
	[tilespmem:$0x1E800] =	vst v63  }
0x71: {  	_ =	swait.ge [sflag:s25], $0x4000  }
0x72: {  	[sflag:s25] =	ssyncset.done $0x0  }
0x73: {  	s19 =	sadd.s32 $0x1400, s18;
	[sflag:s25] =	ssyncadd.s32 $0xFFFFC000  }
0x74: {  	[spmem:s2] =	stream.indirect.scatter.add.f32 [tilespmem:s24], [sflag:$0x3], $0x80, s19, s23, $0xb8;
	[tilespmem:$0x1E800] =	vst v63  }
0x75: {  	_ =	swait.ge [sflag:s26], $0x4000  }
0x76: {  	[sflag:s26] =	ssyncset.done $0x0  }
0x77: {  	s10 =	sadd.s32 $0x100, s18;
	[sflag:s26] =	ssyncadd.s32 $0xFFFFC000  }
0x78: {  	[tilespmem:s24], [sflag:$0x1] =	stream.indirect.gather [hbm4b:s4+s23], $0x80, s10, s23, $0xb8;
	[tilespmem:$0x1E800] =	vst v63  }
0x79: {  	_ =	swait.ge [sflag:s28], $0x4000  }
0x7a: {  	[sflag:s28] =	ssyncset.done $0x0  }
0x7b: {  	s11 =	sadd.s32 $0x1480, s18;
	[sflag:s28] =	ssyncadd.s32 $0xFFFFC000  }
0x7c: {  	[spmem:s2] =	stream.indirect.scatter.add.f32 [tilespmem:s20], [sflag:$0x4], $0x80, s11, s23, $0xb8;
	[tilespmem:$0x1E800] =	vst v63  }
0x7d: {  	_ =	swait.ge [sflag:s29], $0x4000  }
0x7e: {  	[sflag:s29] =	ssyncset.done $0x0  }
0x7f: {  	s12 =	simm.s32 $0x1380;
	[sflag:s29] =	ssyncadd.s32 $0xFFFFC000  }
0x80: {  	[tilespmem:s20], [sflag:$0x2] =	stream.indirect.gather [hbm4b:s4+s23], $0x80, s12, s23, $0xb8;
	[tilespmem:$0x1E800] =	vst v63  }
0x81: {  	_ =	swait.ge [sflag:s25], $0x4000  }
0x82: {  	[sflag:s25] =	ssyncset.done $0x0  }
0x83: {  	[sflag:s25] =	ssyncadd.s32 $0xFFFFC000  }
0x84: {  	[spmem:s2] =	stream.indirect.scatter.add.f32 [tilespmem:s24], [sflag:$0x3], $0x80, s0, s23, $0xb8;
	[tilespmem:$0x1E800] =	vst v63  }
0x85: {  	_ =	swait.ge [sflag:s26], $0x4000  }
0x86: {  	[sflag:s26] =	ssyncset.done $0x0  }
0x87: {  	[sflag:s26] =	ssyncadd.s32 $0xFFFFC000  }
0x88: {  	_ =	swait.ge [sflag:s28], $0x4000  }
0x89: {  	[sflag:s28] =	ssyncset.done $0x0  }
0x8a: {  	[sflag:s28] =	ssyncadd.s32 $0xFFFFC000  }
0x8b: {  	[spmem:s2] =	stream.indirect.scatter.add.f32 [tilespmem:s20], [sflag:$0x4], $0x80, s1, s23, $0xb8;
	[tilespmem:$0x1E800] =	vst v63  }
0x8c: {  	_ =	swait.ge [sflag:s29], $0x4000  }
0x8d: {  	[sflag:s29] =	ssyncset.done $0x0  }
0x8e: {  	s18 =	simm.s32 $0x0;
	s10 =	rddreg [dreg:$0xd];
	[sflag:s29] =	ssyncadd.s32 $0xFFFFC000  }
0x8f: {  	[tilespmem:s18], [sflag:$0x5] =	stream.linear.gather [hbm4b:s10+s18], $0x1400, $0x38;
	[tilespmem:$0x1E800] =	vst v63  }
0x90: {  	_ =	swait.ge [sflag:s21], $0x1400  }
0x91: {  	[sflag:s21] =	ssyncset.done $0x0  }
0x92: {  	s19 =	rddreg [dreg:$0xe];
	[sflag:s21] =	ssyncadd.s32 $0xFFFFEC00  }
0x93: {  	[tilespmem:s3], [sflag:$0x5] =	stream.linear.gather [hbm4b:s19+s18], $0x1400, $0x38;
	[tilespmem:$0x1E800] =	vst v63  }
0x94: {  	_ =	swait.ge [sflag:s21], $0x1400  }
0x95: {  	[sflag:s21] =	ssyncset.done $0x0  }
0x96: {  	[sflag:s21] =	ssyncadd.s32 $0xFFFFEC00  }
0x97: {  	[tilespmem:s24], [sflag:$0x1] =	stream.indirect.gather [hbm4b:s4+s23], $0x80, s18, s23, $0xb8;
	[tilespmem:$0x1E800] =	vst v63  }
0x98: {  	s11 =	simm.s32 $0x80  }
0x99: {  	[tilespmem:s20], [sflag:$0x2] =	stream.indirect.gather [hbm4b:s4+s23], $0x80, s11, s23, $0xb8;
	[tilespmem:$0x1E800] =	vst v63  }
0x9a: {  	_ =	swait.ge [sflag:s25], $0x4000  }
0x9b: {  	[sflag:s25] =	ssyncset.done $0x0  }
0x9c: {  	s12 =	simm.s32 $0x1400;
	[sflag:s25] =	ssyncadd.s32 $0xFFFFC000  }
0x9d: {  	[spmem:s2] =	stream.indirect.scatter.add.f32 [tilespmem:s24], [sflag:$0x3], $0x80, s12, s23, $0xb8;
	[tilespmem:$0x1E800] =	vst v63  }
0x9e: {  	_ =	swait.ge [sflag:s26], $0x4000  }
0x9f: {  	[sflag:s26] =	ssyncset.done $0x0  }
0xa0: {  	s18 =	simm.s32 $0x100;
	[sflag:s26] =	ssyncadd.s32 $0xFFFFC000  }
0xa1: {  	[tilespmem:s24], [sflag:$0x1] =	stream.indirect.gather [hbm4b:s4+s23], $0x80, s18, s23, $0xb8;
	[tilespmem:$0x1E800] =	vst v63  }
0xa2: {  	_ =	swait.ge [sflag:s28], $0x4000  }
0xa3: {  	[sflag:s28] =	ssyncset.done $0x0  }
0xa4: {  	s19 =	simm.s32 $0x1480;
	[sflag:s28] =	ssyncadd.s32 $0xFFFFC000  }
0xa5: {  	[spmem:s2] =	stream.indirect.scatter.add.f32 [tilespmem:s20], [sflag:$0x4], $0x80, s19, s23, $0xb8;
	[tilespmem:$0x1E800] =	vst v63  }
0xa6: {  	_ =	swait.ge [sflag:s29], $0x4000  }
0xa7: {  	s18 =	simm.s32 $0x100;
	s19 =	simm.s32 $0x800;
	[sflag:s29] =	ssyncset.done $0x0  }
.LBB2_7:
0xa8: {  	s8 =	sadd.s32 $0x80, s18  }
0xa9: {  	[sflag:s29] =	ssyncadd.s32 $0xFFFFC000;
	s10 =	smov.u32 s19;
	s11 =	sadd.s32 $0x400, s19  }
0xaa: {  	[tilespmem:s20], [sflag:$0x2] =	stream.indirect.gather [hbm4b:s4+s23], $0x80, s8, s23, $0xb8;
	[tilespmem:$0x1E800] =	vst v63  }
0xab: {  	p1 =	sne.s32 s19, $0x4800;
	_ =	swait.ge [sflag:s25], $0x4000  }
0xac: {  	[sflag:s25] =	ssyncset.done $0x0  }
0xad: {  	s8 =	sadd.s32 $0x1400, s18;
	[sflag:s25] =	ssyncadd.s32 $0xFFFFC000  }
0xae: {  	[spmem:s2] =	stream.indirect.scatter.add.f32 [tilespmem:s24], [sflag:$0x3], $0x80, s8, s23, $0xb8;
	[tilespmem:$0x1E800] =	vst v63  }
0xaf: {  	_ =	swait.ge [sflag:s26], $0x4000  }
0xb0: {  	[sflag:s26] =	ssyncset.done $0x0  }
0xb1: {  	s8 =	sadd.s32 $0x100, s18;
	[sflag:s26] =	ssyncadd.s32 $0xFFFFC000  }
0xb2: {  	[tilespmem:s24], [sflag:$0x1] =	stream.indirect.gather [hbm4b:s4+s23], $0x80, s8, s23, $0xb8;
	[tilespmem:$0x1E800] =	vst v63  }
0xb3: {  	_ =	swait.ge [sflag:s28], $0x4000  }
.Ltmp5:
0xb4: {  	[sflag:s28] =	ssyncset.done $0x0;
	(pc) =	sbr.rel @p1 .LBB2_7-.Ltmp5, $4  }
0xb5: {  	s8 =	sadd.s32 $0x1480, s18;
	[sflag:s28] =	ssyncadd.s32 $0xFFFFC000  }
0xb6: {  	[spmem:s2] =	stream.indirect.scatter.add.f32 [tilespmem:s20], [sflag:$0x4], $0x80, s8, s23, $0xb8;
	[tilespmem:$0x1E800] =	vst v63  }
0xb7: {  	_ =	swait.ge [sflag:s29], $0x4000  }
0xb8: {  	s19 =	smov.u32 s11;
	s18 =	sshra.s32 s10, $0x2;
	[sflag:s29] =	ssyncset.done $0x0  }
0xb9: {  	s8 =	sadd.s32 $0x80, s18;
	[sflag:s29] =	ssyncadd.s32 $0xFFFFC000  }
0xba: {  	[tilespmem:s20], [sflag:$0x2] =	stream.indirect.gather [hbm4b:s4+s23], $0x80, s8, s23, $0xb8;
	[tilespmem:$0x1E800] =	vst v63  }
0xbb: {  	_ =	swait.ge [sflag:s25], $0x4000  }
0xbc: {  	[sflag:s25] =	ssyncset.done $0x0  }
0xbd: {  	s11 =	sadd.s32 $0x1400, s18;
	[sflag:s25] =	ssyncadd.s32 $0xFFFFC000  }
0xbe: {  	[spmem:s2] =	stream.indirect.scatter.add.f32 [tilespmem:s24], [sflag:$0x3], $0x80, s11, s23, $0xb8;
	[tilespmem:$0x1E800] =	vst v63  }
0xbf: {  	_ =	swait.ge [sflag:s26], $0x4000  }
0xc0: {  	[sflag:s26] =	ssyncset.done $0x0  }
0xc1: {  	s12 =	sadd.s32 $0x100, s18;
	[sflag:s26] =	ssyncadd.s32 $0xFFFFC000  }
0xc2: {  	[tilespmem:s24], [sflag:$0x1] =	stream.indirect.gather [hbm4b:s4+s23], $0x80, s12, s23, $0xb8;
	[tilespmem:$0x1E800] =	vst v63  }
0xc3: {  	_ =	swait.ge [sflag:s28], $0x4000  }
0xc4: {  	[sflag:s28] =	ssyncset.done $0x0  }
0xc5: {  	s18 =	sadd.s32 $0x1480, s18;
	[sflag:s28] =	ssyncadd.s32 $0xFFFFC000  }
0xc6: {  	[spmem:s2] =	stream.indirect.scatter.add.f32 [tilespmem:s20], [sflag:$0x4], $0x80, s18, s23, $0xb8;
	[tilespmem:$0x1E800] =	vst v63  }
0xc7: {  	_ =	swait.ge [sflag:s29], $0x4000  }
0xc8: {  	[sflag:s29] =	ssyncset.done $0x0  }
0xc9: {  	s19 =	simm.s32 $0x1380;
	[sflag:s29] =	ssyncadd.s32 $0xFFFFC000  }
0xca: {  	[tilespmem:s20], [sflag:$0x2] =	stream.indirect.gather [hbm4b:s4+s23], $0x80, s19, s23, $0xb8;
	[tilespmem:$0x1E800] =	vst v63  }
0xcb: {  	_ =	swait.ge [sflag:s25], $0x4000  }
0xcc: {  	[sflag:s25] =	ssyncset.done $0x0  }
0xcd: {  	[sflag:s25] =	ssyncadd.s32 $0xFFFFC000  }
0xce: {  	[spmem:s2] =	stream.indirect.scatter.add.f32 [tilespmem:s24], [sflag:$0x3], $0x80, s0, s23, $0xb8;
	[tilespmem:$0x1E800] =	vst v63  }
0xcf: {  	_ =	swait.ge [sflag:s26], $0x4000  }
0xd0: {  	[sflag:s26] =	ssyncset.done $0x0  }
0xd1: {  	[sflag:s26] =	ssyncadd.s32 $0xFFFFC000  }
0xd2: {  	_ =	swait.ge [sflag:s28], $0x4000  }
0xd3: {  	[sflag:s28] =	ssyncset.done $0x0  }
.Ltmp6:
0xd4: {  	[sflag:s28] =	ssyncadd.s32 $0xFFFFC000;
	(pc) =	sbr.rel .LBB2_14-.Ltmp6, $4  }
0xd5: {  	[spmem:s2] =	stream.indirect.scatter.add.f32 [tilespmem:s20], [sflag:$0x4], $0x80, s1, s23, $0xb8;
	[tilespmem:$0x1E800] =	vst v63  }
0xd6: {  	_ =	swait.ge [sflag:s29], $0x4000  }
0xd7: {  	[sflag:s29] =	ssyncset.done $0x0  }
0xd8: {  	[sflag:s29] =	ssyncadd.s32 $0xFFFFC000  }
.LBB2_9:
0xd9: {  	s8 =	simm.s32 $0x0;
	s10 =	rddreg [dreg:$0xb]  }
0xda: {  	[tilespmem:s8], [sflag:$0x5] =	stream.linear.gather [hbm4b:s10+s8], $0x1400, $0x38;
	[tilespmem:$0x1E800] =	vst v63  }
0xdb: {  	_ =	swait.ge [sflag:s21], $0x1400  }
0xdc: {  	[sflag:s21] =	ssyncset.done $0x0  }
0xdd: {  	s19 =	rddreg [dreg:$0xc];
	[sflag:s21] =	ssyncadd.s32 $0xFFFFEC00  }
0xde: {  	[tilespmem:s3], [sflag:$0x5] =	stream.linear.gather [hbm4b:s19+s8], $0x1400, $0x38;
	[tilespmem:$0x1E800] =	vst v63  }
0xdf: {  	_ =	swait.ge [sflag:s21], $0x1400  }
0xe0: {  	[sflag:s21] =	ssyncset.done $0x0  }
0xe1: {  	[sflag:s21] =	ssyncadd.s32 $0xFFFFEC00  }
0xe2: {  	[tilespmem:s24], [sflag:$0x1] =	stream.indirect.gather [hbm4b:s5+s23], $0x80, s8, s23, $0xb8;
	[tilespmem:$0x1E800] =	vst v63  }
0xe3: {  	s11 =	simm.s32 $0x80  }
0xe4: {  	[tilespmem:s20], [sflag:$0x2] =	stream.indirect.gather [hbm4b:s5+s23], $0x80, s11, s23, $0xb8;
	[tilespmem:$0x1E800] =	vst v63  }
0xe5: {  	_ =	swait.ge [sflag:s25], $0x4000  }
0xe6: {  	[sflag:s25] =	ssyncset.done $0x0  }
0xe7: {  	s12 =	simm.s32 $0x1400;
	[sflag:s25] =	ssyncadd.s32 $0xFFFFC000  }
0xe8: {  	[spmem:s2] =	stream.indirect.scatter.add.f32 [tilespmem:s24], [sflag:$0x3], $0x80, s12, s23, $0xb8;
	[tilespmem:$0x1E800] =	vst v63  }
0xe9: {  	_ =	swait.ge [sflag:s26], $0x4000  }
0xea: {  	[sflag:s26] =	ssyncset.done $0x0  }
0xeb: {  	s18 =	simm.s32 $0x100;
	[sflag:s26] =	ssyncadd.s32 $0xFFFFC000  }
0xec: {  	[tilespmem:s24], [sflag:$0x1] =	stream.indirect.gather [hbm4b:s5+s23], $0x80, s18, s23, $0xb8;
	[tilespmem:$0x1E800] =	vst v63  }
0xed: {  	_ =	swait.ge [sflag:s28], $0x4000  }
0xee: {  	[sflag:s28] =	ssyncset.done $0x0  }
0xef: {  	s19 =	simm.s32 $0x1480;
	[sflag:s28] =	ssyncadd.s32 $0xFFFFC000  }
0xf0: {  	[spmem:s2] =	stream.indirect.scatter.add.f32 [tilespmem:s20], [sflag:$0x4], $0x80, s19, s23, $0xb8;
	[tilespmem:$0x1E800] =	vst v63  }
0xf1: {  	_ =	swait.ge [sflag:s29], $0x4000  }
0xf2: {  	s18 =	simm.s32 $0x100;
	s19 =	simm.s32 $0x800;
	[sflag:s29] =	ssyncset.done $0x0  }
.LBB2_10:
0xf3: {  	s8 =	sadd.s32 $0x80, s18  }
0xf4: {  	[sflag:s29] =	ssyncadd.s32 $0xFFFFC000;
	s10 =	smov.u32 s19;
	s11 =	sadd.s32 $0x400, s19  }
0xf5: {  	[tilespmem:s20], [sflag:$0x2] =	stream.indirect.gather [hbm4b:s5+s23], $0x80, s8, s23, $0xb8;
	[tilespmem:$0x1E800] =	vst v63  }
0xf6: {  	p1 =	sne.s32 s19, $0x4800;
	_ =	swait.ge [sflag:s25], $0x4000  }
0xf7: {  	[sflag:s25] =	ssyncset.done $0x0  }
0xf8: {  	s8 =	sadd.s32 $0x1400, s18;
	[sflag:s25] =	ssyncadd.s32 $0xFFFFC000  }
0xf9: {  	[spmem:s2] =	stream.indirect.scatter.add.f32 [tilespmem:s24], [sflag:$0x3], $0x80, s8, s23, $0xb8;
	[tilespmem:$0x1E800] =	vst v63  }
0xfa: {  	_ =	swait.ge [sflag:s26], $0x4000  }
0xfb: {  	[sflag:s26] =	ssyncset.done $0x0  }
0xfc: {  	s8 =	sadd.s32 $0x100, s18;
	[sflag:s26] =	ssyncadd.s32 $0xFFFFC000  }
0xfd: {  	[tilespmem:s24], [sflag:$0x1] =	stream.indirect.gather [hbm4b:s5+s23], $0x80, s8, s23, $0xb8;
	[tilespmem:$0x1E800] =	vst v63  }
0xfe: {  	_ =	swait.ge [sflag:s28], $0x4000  }
.Ltmp7:
0xff: {  	[sflag:s28] =	ssyncset.done $0x0;
	(pc) =	sbr.rel @p1 .LBB2_10-.Ltmp7, $4  }
0x100: {  	s8 =	sadd.s32 $0x1480, s18;
	[sflag:s28] =	ssyncadd.s32 $0xFFFFC000  }
0x101: {  	[spmem:s2] =	stream.indirect.scatter.add.f32 [tilespmem:s20], [sflag:$0x4], $0x80, s8, s23, $0xb8;
	[tilespmem:$0x1E800] =	vst v63  }
0x102: {  	_ =	swait.ge [sflag:s29], $0x4000  }
0x103: {  	s19 =	smov.u32 s11;
	s18 =	sshra.s32 s10, $0x2;
	[sflag:s29] =	ssyncset.done $0x0  }
0x104: {  	s8 =	sadd.s32 $0x80, s18;
	[sflag:s29] =	ssyncadd.s32 $0xFFFFC000  }
0x105: {  	[tilespmem:s20], [sflag:$0x2] =	stream.indirect.gather [hbm4b:s5+s23], $0x80, s8, s23, $0xb8;
	[tilespmem:$0x1E800] =	vst v63  }
0x106: {  	_ =	swait.ge [sflag:s25], $0x4000  }
0x107: {  	[sflag:s25] =	ssyncset.done $0x0  }
0x108: {  	s19 =	sadd.s32 $0x1400, s18;
	[sflag:s25] =	ssyncadd.s32 $0xFFFFC000  }
0x109: {  	[spmem:s2] =	stream.indirect.scatter.add.f32 [tilespmem:s24], [sflag:$0x3], $0x80, s19, s23, $0xb8;
	[tilespmem:$0x1E800] =	vst v63  }
0x10a: {  	_ =	swait.ge [sflag:s26], $0x4000  }
0x10b: {  	[sflag:s26] =	ssyncset.done $0x0  }
0x10c: {  	s10 =	sadd.s32 $0x100, s18;
	[sflag:s26] =	ssyncadd.s32 $0xFFFFC000  }
0x10d: {  	[tilespmem:s24], [sflag:$0x1] =	stream.indirect.gather [hbm4b:s5+s23], $0x80, s10, s23, $0xb8;
	[tilespmem:$0x1E800] =	vst v63  }
0x10e: {  	_ =	swait.ge [sflag:s28], $0x4000  }
0x10f: {  	[sflag:s28] =	ssyncset.done $0x0  }
0x110: {  	s11 =	sadd.s32 $0x1480, s18;
	[sflag:s28] =	ssyncadd.s32 $0xFFFFC000  }
0x111: {  	[spmem:s2] =	stream.indirect.scatter.add.f32 [tilespmem:s20], [sflag:$0x4], $0x80, s11, s23, $0xb8;
	[tilespmem:$0x1E800] =	vst v63  }
0x112: {  	_ =	swait.ge [sflag:s29], $0x4000  }
0x113: {  	[sflag:s29] =	ssyncset.done $0x0  }
0x114: {  	s12 =	simm.s32 $0x1380;
	[sflag:s29] =	ssyncadd.s32 $0xFFFFC000  }
0x115: {  	[tilespmem:s20], [sflag:$0x2] =	stream.indirect.gather [hbm4b:s5+s23], $0x80, s12, s23, $0xb8;
	[tilespmem:$0x1E800] =	vst v63  }
0x116: {  	_ =	swait.ge [sflag:s25], $0x4000  }
0x117: {  	[sflag:s25] =	ssyncset.done $0x0  }
0x118: {  	[sflag:s25] =	ssyncadd.s32 $0xFFFFC000  }
0x119: {  	[spmem:s2] =	stream.indirect.scatter.add.f32 [tilespmem:s24], [sflag:$0x3], $0x80, s0, s23, $0xb8;
	[tilespmem:$0x1E800] =	vst v63  }
0x11a: {  	_ =	swait.ge [sflag:s26], $0x4000  }
0x11b: {  	[sflag:s26] =	ssyncset.done $0x0  }
0x11c: {  	[sflag:s26] =	ssyncadd.s32 $0xFFFFC000  }
0x11d: {  	_ =	swait.ge [sflag:s28], $0x4000  }
0x11e: {  	[sflag:s28] =	ssyncset.done $0x0  }
0x11f: {  	[sflag:s28] =	ssyncadd.s32 $0xFFFFC000  }
0x120: {  	[spmem:s2] =	stream.indirect.scatter.add.f32 [tilespmem:s20], [sflag:$0x4], $0x80, s1, s23, $0xb8;
	[tilespmem:$0x1E800] =	vst v63  }
0x121: {  	_ =	swait.ge [sflag:s29], $0x4000  }
0x122: {  	[sflag:s29] =	ssyncset.done $0x0  }
0x123: {  	s18 =	simm.s32 $0x0;
	s10 =	rddreg [dreg:$0xd];
	[sflag:s29] =	ssyncadd.s32 $0xFFFFC000  }
0x124: {  	[tilespmem:s18], [sflag:$0x5] =	stream.linear.gather [hbm4b:s10+s18], $0x1400, $0x38;
	[tilespmem:$0x1E800] =	vst v63  }
0x125: {  	_ =	swait.ge [sflag:s21], $0x1400  }
0x126: {  	[sflag:s21] =	ssyncset.done $0x0  }
0x127: {  	s19 =	rddreg [dreg:$0xe];
	[sflag:s21] =	ssyncadd.s32 $0xFFFFEC00  }
0x128: {  	[tilespmem:s3], [sflag:$0x5] =	stream.linear.gather [hbm4b:s19+s18], $0x1400, $0x38;
	[tilespmem:$0x1E800] =	vst v63  }
0x129: {  	_ =	swait.ge [sflag:s21], $0x1400  }
0x12a: {  	[sflag:s21] =	ssyncset.done $0x0  }
0x12b: {  	[sflag:s21] =	ssyncadd.s32 $0xFFFFEC00  }
0x12c: {  	[tilespmem:s24], [sflag:$0x1] =	stream.indirect.gather [hbm4b:s5+s23], $0x80, s18, s23, $0xb8;
	[tilespmem:$0x1E800] =	vst v63  }
0x12d: {  	s11 =	simm.s32 $0x80  }
0x12e: {  	[tilespmem:s20], [sflag:$0x2] =	stream.indirect.gather [hbm4b:s5+s23], $0x80, s11, s23, $0xb8;
	[tilespmem:$0x1E800] =	vst v63  }
0x12f: {  	_ =	swait.ge [sflag:s25], $0x4000  }
0x130: {  	[sflag:s25] =	ssyncset.done $0x0  }
0x131: {  	s12 =	simm.s32 $0x1400;
	[sflag:s25] =	ssyncadd.s32 $0xFFFFC000  }
0x132: {  	[spmem:s2] =	stream.indirect.scatter.add.f32 [tilespmem:s24], [sflag:$0x3], $0x80, s12, s23, $0xb8;
	[tilespmem:$0x1E800] =	vst v63  }
0x133: {  	_ =	swait.ge [sflag:s26], $0x4000  }
0x134: {  	[sflag:s26] =	ssyncset.done $0x0  }
0x135: {  	s18 =	simm.s32 $0x100;
	[sflag:s26] =	ssyncadd.s32 $0xFFFFC000  }
0x136: {  	[tilespmem:s24], [sflag:$0x1] =	stream.indirect.gather [hbm4b:s5+s23], $0x80, s18, s23, $0xb8;
	[tilespmem:$0x1E800] =	vst v63  }
0x137: {  	_ =	swait.ge [sflag:s28], $0x4000  }
0x138: {  	[sflag:s28] =	ssyncset.done $0x0  }
0x139: {  	s19 =	simm.s32 $0x1480;
	[sflag:s28] =	ssyncadd.s32 $0xFFFFC000  }
0x13a: {  	[spmem:s2] =	stream.indirect.scatter.add.f32 [tilespmem:s20], [sflag:$0x4], $0x80, s19, s23, $0xb8;
	[tilespmem:$0x1E800] =	vst v63  }
0x13b: {  	_ =	swait.ge [sflag:s29], $0x4000  }
0x13c: {  	s18 =	simm.s32 $0x100;
	s19 =	simm.s32 $0x800;
	[sflag:s29] =	ssyncset.done $0x0  }
.LBB2_12:
0x13d: {  	s8 =	sadd.s32 $0x80, s18  }
0x13e: {  	[sflag:s29] =	ssyncadd.s32 $0xFFFFC000;
	s10 =	smov.u32 s19;
	s11 =	sadd.s32 $0x400, s19  }
0x13f: {  	[tilespmem:s20], [sflag:$0x2] =	stream.indirect.gather [hbm4b:s5+s23], $0x80, s8, s23, $0xb8;
	[tilespmem:$0x1E800] =	vst v63  }
0x140: {  	p1 =	sne.s32 s19, $0x4800;
	_ =	swait.ge [sflag:s25], $0x4000  }
0x141: {  	[sflag:s25] =	ssyncset.done $0x0  }
0x142: {  	s8 =	sadd.s32 $0x1400, s18;
	[sflag:s25] =	ssyncadd.s32 $0xFFFFC000  }
0x143: {  	[spmem:s2] =	stream.indirect.scatter.add.f32 [tilespmem:s24], [sflag:$0x3], $0x80, s8, s23, $0xb8;
	[tilespmem:$0x1E800] =	vst v63  }
0x144: {  	_ =	swait.ge [sflag:s26], $0x4000  }
0x145: {  	[sflag:s26] =	ssyncset.done $0x0  }
0x146: {  	s8 =	sadd.s32 $0x100, s18;
	[sflag:s26] =	ssyncadd.s32 $0xFFFFC000  }
0x147: {  	[tilespmem:s24], [sflag:$0x1] =	stream.indirect.gather [hbm4b:s5+s23], $0x80, s8, s23, $0xb8;
	[tilespmem:$0x1E800] =	vst v63  }
0x148: {  	_ =	swait.ge [sflag:s28], $0x4000  }
.Ltmp8:
0x149: {  	[sflag:s28] =	ssyncset.done $0x0;
	(pc) =	sbr.rel @p1 .LBB2_12-.Ltmp8, $4  }
0x14a: {  	s8 =	sadd.s32 $0x1480, s18;
	[sflag:s28] =	ssyncadd.s32 $0xFFFFC000  }
0x14b: {  	[spmem:s2] =	stream.indirect.scatter.add.f32 [tilespmem:s20], [sflag:$0x4], $0x80, s8, s23, $0xb8;
	[tilespmem:$0x1E800] =	vst v63  }
0x14c: {  	_ =	swait.ge [sflag:s29], $0x4000  }
0x14d: {  	s19 =	smov.u32 s11;
	s18 =	sshra.s32 s10, $0x2;
	[sflag:s29] =	ssyncset.done $0x0  }
0x14e: {  	s8 =	sadd.s32 $0x80, s18;
	[sflag:s29] =	ssyncadd.s32 $0xFFFFC000  }
0x14f: {  	[tilespmem:s20], [sflag:$0x2] =	stream.indirect.gather [hbm4b:s5+s23], $0x80, s8, s23, $0xb8;
	[tilespmem:$0x1E800] =	vst v63  }
0x150: {  	_ =	swait.ge [sflag:s25], $0x4000  }
0x151: {  	[sflag:s25] =	ssyncset.done $0x0  }
0x152: {  	s11 =	sadd.s32 $0x1400, s18;
	[sflag:s25] =	ssyncadd.s32 $0xFFFFC000  }
0x153: {  	[spmem:s2] =	stream.indirect.scatter.add.f32 [tilespmem:s24], [sflag:$0x3], $0x80, s11, s23, $0xb8;
	[tilespmem:$0x1E800] =	vst v63  }
0x154: {  	_ =	swait.ge [sflag:s26], $0x4000  }
0x155: {  	[sflag:s26] =	ssyncset.done $0x0  }
0x156: {  	s12 =	sadd.s32 $0x100, s18;
	[sflag:s26] =	ssyncadd.s32 $0xFFFFC000  }
0x157: {  	[tilespmem:s24], [sflag:$0x1] =	stream.indirect.gather [hbm4b:s5+s23], $0x80, s12, s23, $0xb8;
	[tilespmem:$0x1E800] =	vst v63  }
0x158: {  	_ =	swait.ge [sflag:s28], $0x4000  }
0x159: {  	[sflag:s28] =	ssyncset.done $0x0  }
0x15a: {  	s18 =	sadd.s32 $0x1480, s18;
	[sflag:s28] =	ssyncadd.s32 $0xFFFFC000  }
0x15b: {  	[spmem:s2] =	stream.indirect.scatter.add.f32 [tilespmem:s20], [sflag:$0x4], $0x80, s18, s23, $0xb8;
	[tilespmem:$0x1E800] =	vst v63  }
0x15c: {  	_ =	swait.ge [sflag:s29], $0x4000  }
0x15d: {  	[sflag:s29] =	ssyncset.done $0x0  }
0x15e: {  	s19 =	simm.s32 $0x1380;
	[sflag:s29] =	ssyncadd.s32 $0xFFFFC000  }
0x15f: {  	[tilespmem:s20], [sflag:$0x2] =	stream.indirect.gather [hbm4b:s5+s23], $0x80, s19, s23, $0xb8;
	[tilespmem:$0x1E800] =	vst v63  }
0x160: {  	_ =	swait.ge [sflag:s25], $0x4000  }
0x161: {  	[sflag:s25] =	ssyncset.done $0x0  }
0x162: {  	[sflag:s25] =	ssyncadd.s32 $0xFFFFC000  }
0x163: {  	[spmem:s2] =	stream.indirect.scatter.add.f32 [tilespmem:s24], [sflag:$0x3], $0x80, s0, s23, $0xb8;
	[tilespmem:$0x1E800] =	vst v63  }
0x164: {  	_ =	swait.ge [sflag:s26], $0x4000  }
0x165: {  	[sflag:s26] =	ssyncset.done $0x0  }
0x166: {  	[sflag:s26] =	ssyncadd.s32 $0xFFFFC000  }
0x167: {  	_ =	swait.ge [sflag:s28], $0x4000  }
0x168: {  	[sflag:s28] =	ssyncset.done $0x0  }
0x169: {  	[sflag:s28] =	ssyncadd.s32 $0xFFFFC000  }
0x16a: {  	[spmem:s2] =	stream.indirect.scatter.add.f32 [tilespmem:s20], [sflag:$0x4], $0x80, s1, s23, $0xb8;
	[tilespmem:$0x1E800] =	vst v63  }
0x16b: {  	_ =	swait.ge [sflag:s29], $0x4000  }
0x16c: {  	[sflag:s29] =	ssyncset.done $0x0  }
0x16d: {  	[sflag:s29] =	ssyncadd.s32 $0xFFFFC000  }
.LBB2_14:
0x16e: {  	s8 =	stileid.u32;
	[bflag:$0x0] =	sbarrier.arrive $0xFFFF  }
0x16f: {  	s8 =	sshll.u32 s8, $0x6;
	s11 =	rddreg [dreg:$0x3]  }
0x170: {  	s19 =	rddreg [dreg:$0x8];
	s10 =	sor.u32 $0x1C05, s8;
	s12 =	sshrl.u32 s11, $0x3  }
0x171: {  	[hbm:s19], [sflag:s10] =	dma.local [spmem:s12], $0x2800  }
0x172: {  	_ =	swait.ge [sflag:s21], $0x2800  }
0x173: {  	[sflag:s21] =	ssyncset.done $0x0  }
0x174: {  	s18 =	simm.s32 $0x0;
	s19 =	simm.s32 $0x200;
	[sflag:s21] =	ssyncadd.s32 $0xFFFFD800  }
.LBB2_15:
0x175: {  	p1 =	sne.s32 s19, $0xFE00;
	[tilespmem:s18+$0x6870] =	vst v0  }
0x176: {  	[tilespmem:s18+$0x6800] =	vst v0  }
0x177: {  	[tilespmem:s18+$0x6810] =	vst v0  }
.Ltmp9:
0x178: {  	[tilespmem:s18+$0x6820] =	vst v0;
	(pc) =	sbr.rel @p1 .LBB2_15-.Ltmp9, $4  }
0x179: {  	[tilespmem:s18+$0x6830] =	vst v0  }
0x17a: {  	[tilespmem:s18+$0x6840] =	vst v0  }
0x17b: {  	[tilespmem:s18+$0x6850] =	vst v0  }
0x17c: {  	[tilespmem:s18+$0x6860] =	vst v0;
	s18 =	sshra.s32 s19, $0x2;
	s19 =	sadd.s32 $0x200, s19  }
0x17d: {  	[tilespmem:s18+$0x6870] =	vst v0  }
0x17e: {  	[tilespmem:s18+$0x6800] =	vst v0  }
0x17f: {  	[tilespmem:s18+$0x6810] =	vst v0  }
0x180: {  	[tilespmem:s18+$0x6820] =	vst v0  }
0x181: {  	[tilespmem:s18+$0x6830] =	vst v0  }
0x182: {  	[tilespmem:s18+$0x6840] =	vst v0  }
0x183: {  	[tilespmem:s18+$0x6850] =	vst v0  }
0x184: {  	[tilespmem:s18+$0x6860] =	vst v0  }
0x185: {  	[spmem:s11] =	stream.linear.scatter [tilespmem:s20], [sflag:$0x5], $0x4000, $0x38;
	[tilespmem:$0x1E800] =	vst v63  }
0x186: {  	_ =	swait.ge [sflag:s21], $0x4000  }
0x187: {  	[sflag:s21] =	ssyncset.done $0x0  }
0x188: {  	s8 =	rddreg [dreg:$0x4];
	[sflag:s21] =	ssyncadd.s32 $0xFFFFC000  }
0x189: {  	[spmem:s8] =	stream.linear.scatter [tilespmem:s20], [sflag:$0x5], $0x4000, $0x38;
	[tilespmem:$0x1E800] =	vst v63  }
0x18a: {  	_ =	swait.ge [sflag:s21], $0x4000  }
0x18b: {  	[sflag:s21] =	ssyncset.done $0x0  }
0x18c: {  	s19 =	rddreg [dreg:$0x5];
	[sflag:s21] =	ssyncadd.s32 $0xFFFFC000  }
0x18d: {  	[spmem:s19] =	stream.linear.scatter [tilespmem:s20], [sflag:$0x5], $0x4000, $0x38;
	[tilespmem:$0x1E800] =	vst v63  }
0x18e: {  	_ =	swait.ge [sflag:s21], $0x4000  }
0x18f: {  	[sflag:s21] =	ssyncset.done $0x0  }
0x190: {  	s18 =	rddreg [dreg:$0x6];
	[sflag:s21] =	ssyncadd.s32 $0xFFFFC000  }
0x191: {  	[spmem:s18] =	stream.linear.scatter [tilespmem:s20], [sflag:$0x5], $0x4000, $0x38;
	[tilespmem:$0x1E800] =	vst v63  }
0x192: {  	_ =	swait.ge [sflag:s21], $0x4000  }
0x193: {  	[sflag:s21] =	ssyncset.done $0x0  }
0x194: {  	s19 =	rddreg [dreg:$0x7];
	[sflag:s21] =	ssyncadd.s32 $0xFFFFC000  }
0x195: {  	[spmem:s19] =	stream.linear.scatter [tilespmem:s20], [sflag:$0x5], $0x4000, $0x38;
	[tilespmem:$0x1E800] =	vst v63  }
0x196: {  	_ =	swait.ge [sflag:s21], $0x4000  }
0x197: {  	[sflag:s21] =	ssyncset.done $0x0  }
0x198: {  	s18 =	simm.s32 $0x0;
	s19 =	simm.s32 $0x200;
	[sflag:s21] =	ssyncadd.s32 $0xFFFFC000  }
.LBB2_17:
0x199: {  	p1 =	sne.s32 s19, $0xFE00;
	[tilespmem:s18+$0x2870] =	vst v1  }
0x19a: {  	[tilespmem:s18+$0x2800] =	vst v1  }
0x19b: {  	[tilespmem:s18+$0x2810] =	vst v1  }
.Ltmp10:
0x19c: {  	[tilespmem:s18+$0x2820] =	vst v1;
	(pc) =	sbr.rel @p1 .LBB2_17-.Ltmp10, $4  }
0x19d: {  	[tilespmem:s18+$0x2830] =	vst v1  }
0x19e: {  	[tilespmem:s18+$0x2840] =	vst v1  }
0x19f: {  	[tilespmem:s18+$0x2850] =	vst v1  }
0x1a0: {  	[tilespmem:s18+$0x2860] =	vst v1;
	s18 =	sshra.s32 s19, $0x2;
	s19 =	sadd.s32 $0x200, s19  }
0x1a1: {  	[tilespmem:s18+$0x2870] =	vst v1  }
0x1a2: {  	[tilespmem:s18+$0x2800] =	vst v1  }
0x1a3: {  	[tilespmem:s18+$0x2810] =	vst v1  }
0x1a4: {  	[tilespmem:s18+$0x2820] =	vst v1  }
0x1a5: {  	[tilespmem:s18+$0x2830] =	vst v1  }
.Ltmp11:
0x1a6: {  	[tilespmem:s18+$0x2840] =	vst v1;
	(pc) =	sbr.rel @p0 .LBB2_22-.Ltmp11, $3  }
0x1a7: {  	[tilespmem:s18+$0x2850] =	vst v1  }
0x1a8: {  	[tilespmem:s18+$0x2860] =	vst v1  }
0x1a9: {  	[bflag:$0x0] =	sbarrier.arrive $0xFFFF;
	_ =	sdelay $0x1  }
0x1aa: {  	[dreg:$0x11] =	wrdreg s12  }
0x1ab: {  	[dreg:$0x10] =	wrdreg s10  }
0x1ac: {  	[dreg:$0xf] =	wrdreg s7  }
0x1ad: {  	s18 =	simm.s32 $0x0;
	p1 =	por $0x1, $0x1;
	s19 =	simm.s32 $0x2080  }
0x1ae: {  	s1 =	simm.s32 $0x2100;
	s11 =	simm.s32 $0x2180;
	s3 =	simm.s32 $0x2300  }
0x1af: {  	s12 =	simm.s32 $0x2380;
	s0 =	simm.s32 $0x2480;
	s7 =	simm.s32 $0x1400  }
.LBB2_20:
0x1b0: {  	s8 =	sadd.s32 s9, s18  }
0x1b1: {  	s8 =	sshrl.u32 s8, $0x3  }
0x1b2: {  	s10 =	simm.s32 $0x0;
	s8 =	sadd.s32 s6, s8  }
0x1b3: {  	[tilespmem:s7], [sflag:$0x5] =	stream.linear.gather [hbm4b:s8+s10], $0x1400, $0x38;
	[tilespmem:$0x1E800] =	vst v63  }
0x1b4: {  	_ =	swait.ge [sflag:s21], $0x1400  }
0x1b5: {  	[sflag:s21] =	ssyncset.done $0x0  }
0x1b6: {  	[sflag:s21] =	ssyncadd.s32 $0xFFFFEC00  }
0x1b7: {  	[spmem:s2] =	stream.indirect.scatter.add.f32 [tilespmem:s24], [sflag:$0x3], $0x80, s7, s23, $0xb8;
	[tilespmem:$0x1E800] =	vst v63  }
0x1b8: {  	s18 =	simm.s32 $0x1480  }
0x1b9: {  	[spmem:s2] =	stream.indirect.scatter.add.f32 [tilespmem:s24], [sflag:$0x3], $0x80, s18, s23, $0xb8;
	[tilespmem:$0x1E800] =	vst v63  }
0x1ba: {  	s10 =	simm.s32 $0x1500  }
0x1bb: {  	[spmem:s2] =	stream.indirect.scatter.add.f32 [tilespmem:s24], [sflag:$0x3], $0x80, s10, s23, $0xb8;
	[tilespmem:$0x1E800] =	vst v63  }
0x1bc: {  	s18 =	simm.s32 $0x1580  }
0x1bd: {  	[spmem:s2] =	stream.indirect.scatter.add.f32 [tilespmem:s24], [sflag:$0x3], $0x80, s18, s23, $0xb8;
	[tilespmem:$0x1E800] =	vst v63  }
0x1be: {  	_ =	swait.ge [sflag:s26], $0x4000  }
0x1bf: {  	[sflag:s26] =	ssyncset.done $0x0  }
0x1c0: {  	[sflag:s26] =	ssyncadd.s32 $0xFFFFC000  }
0x1c1: {  	_ =	swait.ge [sflag:s26], $0x4000  }
0x1c2: {  	[sflag:s26] =	ssyncset.done $0x0  }
0x1c3: {  	[sflag:s26] =	ssyncadd.s32 $0xFFFFC000  }
0x1c4: {  	_ =	swait.ge [sflag:s26], $0x4000  }
0x1c5: {  	[sflag:s26] =	ssyncset.done $0x0  }
0x1c6: {  	[sflag:s26] =	ssyncadd.s32 $0xFFFFC000  }
0x1c7: {  	_ =	swait.ge [sflag:s26], $0x4000  }
0x1c8: {  	[sflag:s26] =	ssyncset.done $0x0  }
0x1c9: {  	s10 =	simm.s32 $0x1600;
	[sflag:s26] =	ssyncadd.s32 $0xFFFFC000  }
0x1ca: {  	[spmem:s2] =	stream.indirect.scatter.add.f32 [tilespmem:s24], [sflag:$0x3], $0x80, s10, s23, $0xb8;
	[tilespmem:$0x1E800] =	vst v63  }
0x1cb: {  	s18 =	simm.s32 $0x1680  }
0x1cc: {  	[spmem:s2] =	stream.indirect.scatter.add.f32 [tilespmem:s24], [sflag:$0x3], $0x80, s18, s23, $0xb8;
	[tilespmem:$0x1E800] =	vst v63  }
0x1cd: {  	s10 =	simm.s32 $0x1700  }
0x1ce: {  	[spmem:s2] =	stream.indirect.scatter.add.f32 [tilespmem:s24], [sflag:$0x3], $0x80, s10, s23, $0xb8;
	[tilespmem:$0x1E800] =	vst v63  }
0x1cf: {  	s18 =	simm.s32 $0x1780  }
0x1d0: {  	[spmem:s2] =	stream.indirect.scatter.add.f32 [tilespmem:s24], [sflag:$0x3], $0x80, s18, s23, $0xb8;
	[tilespmem:$0x1E800] =	vst v63  }
0x1d1: {  	_ =	swait.ge [sflag:s26], $0x4000  }
0x1d2: {  	[sflag:s26] =	ssyncset.done $0x0  }
0x1d3: {  	[sflag:s26] =	ssyncadd.s32 $0xFFFFC000  }
0x1d4: {  	_ =	swait.ge [sflag:s26], $0x4000  }
0x1d5: {  	[sflag:s26] =	ssyncset.done $0x0  }
0x1d6: {  	[sflag:s26] =	ssyncadd.s32 $0xFFFFC000  }
0x1d7: {  	_ =	swait.ge [sflag:s26], $0x4000  }
0x1d8: {  	[sflag:s26] =	ssyncset.done $0x0  }
0x1d9: {  	[sflag:s26] =	ssyncadd.s32 $0xFFFFC000  }
0x1da: {  	_ =	swait.ge [sflag:s26], $0x4000  }
0x1db: {  	[sflag:s26] =	ssyncset.done $0x0  }
0x1dc: {  	s10 =	simm.s32 $0x1800;
	[sflag:s26] =	ssyncadd.s32 $0xFFFFC000  }
0x1dd: {  	[spmem:s2] =	stream.indirect.scatter.add.f32 [tilespmem:s24], [sflag:$0x3], $0x80, s10, s23, $0xb8;
	[tilespmem:$0x1E800] =	vst v63  }
0x1de: {  	s18 =	simm.s32 $0x1880  }
0x1df: {  	[spmem:s2] =	stream.indirect.scatter.add.f32 [tilespmem:s24], [sflag:$0x3], $0x80, s18, s23, $0xb8;
	[tilespmem:$0x1E800] =	vst v63  }
0x1e0: {  	s10 =	simm.s32 $0x1900  }
0x1e1: {  	[spmem:s2] =	stream.indirect.scatter.add.f32 [tilespmem:s24], [sflag:$0x3], $0x80, s10, s23, $0xb8;
	[tilespmem:$0x1E800] =	vst v63  }
0x1e2: {  	s18 =	simm.s32 $0x1980  }
0x1e3: {  	[spmem:s2] =	stream.indirect.scatter.add.f32 [tilespmem:s24], [sflag:$0x3], $0x80, s18, s23, $0xb8;
	[tilespmem:$0x1E800] =	vst v63  }
0x1e4: {  	_ =	swait.ge [sflag:s26], $0x4000  }
0x1e5: {  	[sflag:s26] =	ssyncset.done $0x0  }
0x1e6: {  	[sflag:s26] =	ssyncadd.s32 $0xFFFFC000  }
0x1e7: {  	_ =	swait.ge [sflag:s26], $0x4000  }
0x1e8: {  	[sflag:s26] =	ssyncset.done $0x0  }
0x1e9: {  	[sflag:s26] =	ssyncadd.s32 $0xFFFFC000  }
0x1ea: {  	_ =	swait.ge [sflag:s26], $0x4000  }
0x1eb: {  	[sflag:s26] =	ssyncset.done $0x0  }
0x1ec: {  	[sflag:s26] =	ssyncadd.s32 $0xFFFFC000  }
0x1ed: {  	_ =	swait.ge [sflag:s26], $0x4000  }
0x1ee: {  	[sflag:s26] =	ssyncset.done $0x0  }
0x1ef: {  	s10 =	simm.s32 $0x1A00;
	[sflag:s26] =	ssyncadd.s32 $0xFFFFC000  }
0x1f0: {  	[spmem:s2] =	stream.indirect.scatter.add.f32 [tilespmem:s24], [sflag:$0x3], $0x80, s10, s23, $0xb8;
	[tilespmem:$0x1E800] =	vst v63  }
0x1f1: {  	s18 =	simm.s32 $0x1A80  }
0x1f2: {  	[spmem:s2] =	stream.indirect.scatter.add.f32 [tilespmem:s24], [sflag:$0x3], $0x80, s18, s23, $0xb8;
	[tilespmem:$0x1E800] =	vst v63  }
0x1f3: {  	s10 =	simm.s32 $0x1B00  }
0x1f4: {  	[spmem:s2] =	stream.indirect.scatter.add.f32 [tilespmem:s24], [sflag:$0x3], $0x80, s10, s23, $0xb8;
	[tilespmem:$0x1E800] =	vst v63  }
0x1f5: {  	s18 =	simm.s32 $0x1B80  }
0x1f6: {  	[spmem:s2] =	stream.indirect.scatter.add.f32 [tilespmem:s24], [sflag:$0x3], $0x80, s18, s23, $0xb8;
	[tilespmem:$0x1E800] =	vst v63  }
0x1f7: {  	_ =	swait.ge [sflag:s26], $0x4000  }
0x1f8: {  	[sflag:s26] =	ssyncset.done $0x0  }
0x1f9: {  	[sflag:s26] =	ssyncadd.s32 $0xFFFFC000  }
0x1fa: {  	_ =	swait.ge [sflag:s26], $0x4000  }
0x1fb: {  	[sflag:s26] =	ssyncset.done $0x0  }
0x1fc: {  	[sflag:s26] =	ssyncadd.s32 $0xFFFFC000  }
0x1fd: {  	_ =	swait.ge [sflag:s26], $0x4000  }
0x1fe: {  	[sflag:s26] =	ssyncset.done $0x0  }
0x1ff: {  	[sflag:s26] =	ssyncadd.s32 $0xFFFFC000  }
0x200: {  	_ =	swait.ge [sflag:s26], $0x4000  }
0x201: {  	[sflag:s26] =	ssyncset.done $0x0  }
0x202: {  	s10 =	simm.s32 $0x1C00;
	[sflag:s26] =	ssyncadd.s32 $0xFFFFC000  }
0x203: {  	[spmem:s2] =	stream.indirect.scatter.add.f32 [tilespmem:s24], [sflag:$0x3], $0x80, s10, s23, $0xb8;
	[tilespmem:$0x1E800] =	vst v63  }
0x204: {  	s18 =	simm.s32 $0x1C80  }
0x205: {  	[spmem:s2] =	stream.indirect.scatter.add.f32 [tilespmem:s24], [sflag:$0x3], $0x80, s18, s23, $0xb8;
	[tilespmem:$0x1E800] =	vst v63  }
0x206: {  	s10 =	simm.s32 $0x1D00  }
0x207: {  	[spmem:s2] =	stream.indirect.scatter.add.f32 [tilespmem:s24], [sflag:$0x3], $0x80, s10, s23, $0xb8;
	[tilespmem:$0x1E800] =	vst v63  }
0x208: {  	s18 =	simm.s32 $0x1D80  }
0x209: {  	[spmem:s2] =	stream.indirect.scatter.add.f32 [tilespmem:s24], [sflag:$0x3], $0x80, s18, s23, $0xb8;
	[tilespmem:$0x1E800] =	vst v63  }
0x20a: {  	_ =	swait.ge [sflag:s26], $0x4000  }
0x20b: {  	[sflag:s26] =	ssyncset.done $0x0  }
0x20c: {  	[sflag:s26] =	ssyncadd.s32 $0xFFFFC000  }
0x20d: {  	_ =	swait.ge [sflag:s26], $0x4000  }
0x20e: {  	[sflag:s26] =	ssyncset.done $0x0  }
0x20f: {  	[sflag:s26] =	ssyncadd.s32 $0xFFFFC000  }
0x210: {  	_ =	swait.ge [sflag:s26], $0x4000  }
0x211: {  	[sflag:s26] =	ssyncset.done $0x0  }
0x212: {  	[sflag:s26] =	ssyncadd.s32 $0xFFFFC000  }
0x213: {  	_ =	swait.ge [sflag:s26], $0x4000  }
0x214: {  	[sflag:s26] =	ssyncset.done $0x0  }
0x215: {  	s10 =	simm.s32 $0x1E00;
	[sflag:s26] =	ssyncadd.s32 $0xFFFFC000  }
0x216: {  	[spmem:s2] =	stream.indirect.scatter.add.f32 [tilespmem:s24], [sflag:$0x3], $0x80, s10, s23, $0xb8;
	[tilespmem:$0x1E800] =	vst v63  }
0x217: {  	s18 =	simm.s32 $0x1E80  }
0x218: {  	[spmem:s2] =	stream.indirect.scatter.add.f32 [tilespmem:s24], [sflag:$0x3], $0x80, s18, s23, $0xb8;
	[tilespmem:$0x1E800] =	vst v63  }
0x219: {  	s10 =	simm.s32 $0x1F00  }
0x21a: {  	[spmem:s2] =	stream.indirect.scatter.add.f32 [tilespmem:s24], [sflag:$0x3], $0x80, s10, s23, $0xb8;
	[tilespmem:$0x1E800] =	vst v63  }
0x21b: {  	s18 =	simm.s32 $0x1F80  }
0x21c: {  	[spmem:s2] =	stream.indirect.scatter.add.f32 [tilespmem:s24], [sflag:$0x3], $0x80, s18, s23, $0xb8;
	[tilespmem:$0x1E800] =	vst v63  }
0x21d: {  	_ =	swait.ge [sflag:s26], $0x4000  }
0x21e: {  	[sflag:s26] =	ssyncset.done $0x0  }
0x21f: {  	[sflag:s26] =	ssyncadd.s32 $0xFFFFC000  }
0x220: {  	_ =	swait.ge [sflag:s26], $0x4000  }
0x221: {  	[sflag:s26] =	ssyncset.done $0x0  }
0x222: {  	[sflag:s26] =	ssyncadd.s32 $0xFFFFC000  }
0x223: {  	_ =	swait.ge [sflag:s26], $0x4000  }
0x224: {  	[sflag:s26] =	ssyncset.done $0x0  }
0x225: {  	[sflag:s26] =	ssyncadd.s32 $0xFFFFC000  }
0x226: {  	_ =	swait.ge [sflag:s26], $0x4000  }
0x227: {  	[sflag:s26] =	ssyncset.done $0x0  }
0x228: {  	[sflag:s26] =	ssyncadd.s32 $0xFFFFC000  }
0x229: {  	[spmem:s2] =	stream.indirect.scatter.add.f32 [tilespmem:s24], [sflag:$0x3], $0x80, s31, s23, $0xb8;
	[tilespmem:$0x1E800] =	vst v63  }
0x22a: {  	_ = 	snop  }
0x22b: {  	[spmem:s2] =	stream.indirect.scatter.add.f32 [tilespmem:s24], [sflag:$0x3], $0x80, s19, s23, $0xb8;
	[tilespmem:$0x1E800] =	vst v63  }
0x22c: {  	_ = 	snop  }
0x22d: {  	[spmem:s2] =	stream.indirect.scatter.add.f32 [tilespmem:s24], [sflag:$0x3], $0x80, s1, s23, $0xb8;
	[tilespmem:$0x1E800] =	vst v63  }
0x22e: {  	_ = 	snop  }
0x22f: {  	[spmem:s2] =	stream.indirect.scatter.add.f32 [tilespmem:s24], [sflag:$0x3], $0x80, s11, s23, $0xb8;
	[tilespmem:$0x1E800] =	vst v63  }
0x230: {  	_ =	swait.ge [sflag:s26], $0x4000  }
0x231: {  	[sflag:s26] =	ssyncset.done $0x0  }
0x232: {  	[sflag:s26] =	ssyncadd.s32 $0xFFFFC000  }
0x233: {  	_ =	swait.ge [sflag:s26], $0x4000  }
0x234: {  	[sflag:s26] =	ssyncset.done $0x0  }
0x235: {  	[sflag:s26] =	ssyncadd.s32 $0xFFFFC000  }
0x236: {  	_ =	swait.ge [sflag:s26], $0x4000  }
0x237: {  	[sflag:s26] =	ssyncset.done $0x0  }
0x238: {  	[sflag:s26] =	ssyncadd.s32 $0xFFFFC000  }
0x239: {  	_ =	swait.ge [sflag:s26], $0x4000  }
0x23a: {  	[sflag:s26] =	ssyncset.done $0x0  }
0x23b: {  	[sflag:s26] =	ssyncadd.s32 $0xFFFFC000  }
0x23c: {  	[spmem:s2] =	stream.indirect.scatter.add.f32 [tilespmem:s24], [sflag:$0x3], $0x80, s22, s23, $0xb8;
	[tilespmem:$0x1E800] =	vst v63  }
0x23d: {  	_ = 	snop  }
0x23e: {  	[spmem:s2] =	stream.indirect.scatter.add.f32 [tilespmem:s24], [sflag:$0x3], $0x80, s14, s23, $0xb8;
	[tilespmem:$0x1E800] =	vst v63  }
0x23f: {  	_ = 	snop  }
0x240: {  	[spmem:s2] =	stream.indirect.scatter.add.f32 [tilespmem:s24], [sflag:$0x3], $0x80, s3, s23, $0xb8;
	[tilespmem:$0x1E800] =	vst v63  }
0x241: {  	_ = 	snop  }
0x242: {  	[spmem:s2] =	stream.indirect.scatter.add.f32 [tilespmem:s24], [sflag:$0x3], $0x80, s12, s23, $0xb8;
	[tilespmem:$0x1E800] =	vst v63  }
0x243: {  	_ =	swait.ge [sflag:s26], $0x4000  }
0x244: {  	[sflag:s26] =	ssyncset.done $0x0  }
0x245: {  	[sflag:s26] =	ssyncadd.s32 $0xFFFFC000  }
0x246: {  	_ =	swait.ge [sflag:s26], $0x4000  }
0x247: {  	[sflag:s26] =	ssyncset.done $0x0  }
0x248: {  	[sflag:s26] =	ssyncadd.s32 $0xFFFFC000  }
0x249: {  	_ =	swait.ge [sflag:s26], $0x4000  }
0x24a: {  	[sflag:s26] =	ssyncset.done $0x0  }
0x24b: {  	[sflag:s26] =	ssyncadd.s32 $0xFFFFC000  }
0x24c: {  	_ =	swait.ge [sflag:s26], $0x4000  }
0x24d: {  	[sflag:s26] =	ssyncset.done $0x0  }
0x24e: {  	[sflag:s26] =	ssyncadd.s32 $0xFFFFC000  }
0x24f: {  	[spmem:s2] =	stream.indirect.scatter.add.f32 [tilespmem:s24], [sflag:$0x3], $0x80, s13, s23, $0xb8;
	[tilespmem:$0x1E800] =	vst v63  }
0x250: {  	_ = 	snop  }
0x251: {  	[spmem:s2] =	stream.indirect.scatter.add.f32 [tilespmem:s24], [sflag:$0x3], $0x80, s0, s23, $0xb8;
	[tilespmem:$0x1E800] =	vst v63  }
0x252: {  	_ = 	snop  }
0x253: {  	[spmem:s2] =	stream.indirect.scatter.add.f32 [tilespmem:s24], [sflag:$0x3], $0x80, s15, s23, $0xb8;
	[tilespmem:$0x1E800] =	vst v63  }
0x254: {  	_ = 	snop  }
0x255: {  	[spmem:s2] =	stream.indirect.scatter.add.f32 [tilespmem:s24], [sflag:$0x3], $0x80, s16, s23, $0xb8;
	[tilespmem:$0x1E800] =	vst v63  }
0x256: {  	_ =	swait.ge [sflag:s26], $0x4000  }
0x257: {  	[sflag:s26] =	ssyncset.done $0x0  }
0x258: {  	[sflag:s26] =	ssyncadd.s32 $0xFFFFC000  }
0x259: {  	_ =	swait.ge [sflag:s26], $0x4000  }
0x25a: {  	[sflag:s26] =	ssyncset.done $0x0  }
0x25b: {  	[sflag:s26] =	ssyncadd.s32 $0xFFFFC000  }
0x25c: {  	_ =	swait.ge [sflag:s26], $0x4000  }
0x25d: {  	[sflag:s26] =	ssyncset.done $0x0  }
0x25e: {  	[sflag:s26] =	ssyncadd.s32 $0xFFFFC000  }
0x25f: {  	_ =	swait.ge [sflag:s26], $0x4000  }
0x260: {  	[sflag:s26] =	ssyncset.done $0x0  }
0x261: {  	[sflag:s26] =	ssyncadd.s32 $0xFFFFC000  }
0x262: {  	[spmem:s2] =	stream.indirect.scatter.add.f32 [tilespmem:s24], [sflag:$0x3], $0x80, s30, s23, $0xb8;
	[tilespmem:$0x1E800] =	vst v63  }
0x263: {  	_ = 	snop  }
0x264: {  	[spmem:s2] =	stream.indirect.scatter.add.f32 [tilespmem:s24], [sflag:$0x3], $0x80, s17, s23, $0xb8;
	[tilespmem:$0x1E800] =	vst v63  }
0x265: {  	s10 =	simm.s32 $0x2700  }
0x266: {  	[spmem:s2] =	stream.indirect.scatter.add.f32 [tilespmem:s24], [sflag:$0x3], $0x80, s10, s23, $0xb8;
	[tilespmem:$0x1E800] =	vst v63  }
0x267: {  	s18 =	simm.s32 $0x2780  }
0x268: {  	[spmem:s2] =	stream.indirect.scatter.add.f32 [tilespmem:s24], [sflag:$0x3], $0x80, s18, s23, $0xb8;
	[tilespmem:$0x1E800] =	vst v63  }
0x269: {  	_ =	swait.ge [sflag:s26], $0x4000  }
0x26a: {  	[sflag:s26] =	ssyncset.done $0x0  }
0x26b: {  	[sflag:s26] =	ssyncadd.s32 $0xFFFFC000  }
0x26c: {  	_ =	swait.ge [sflag:s26], $0x4000  }
0x26d: {  	[sflag:s26] =	ssyncset.done $0x0  }
0x26e: {  	[sflag:s26] =	ssyncadd.s32 $0xFFFFC000  }
0x26f: {  	p2 =	por p1, p1;
	_ =	swait.ge [sflag:s26], $0x4000  }
.Ltmp12:
0x270: {  	[sflag:s26] =	ssyncset.done $0x0;
	(pc) =	sbr.rel @p2 .LBB2_20-.Ltmp12, $4  }
0x271: {  	[sflag:s26] =	ssyncadd.s32 $0xFFFFC000  }
0x272: {  	_ =	swait.ge [sflag:s26], $0x4000  }
0x273: {  	[sflag:s26] =	ssyncset.done $0x0  }
0x274: {  	p1 =	por $0x0, $0x0;
	s18 =	simm.s32 $0x14000;
	[sflag:s26] =	ssyncadd.s32 $0xFFFFC000  }
0x275: {  	[bflag:$0x0] =	sbarrier.arrive $0xFFFF  }
0x276: {  	s8 =	rddreg [dreg:$0x9]  }
0x277: {  	s0 =	rddreg [dreg:$0x10]  }
.Ltmp13:
0x278: {  	s1 =	rddreg [dreg:$0x11];
	(pc) =	sbr.rel .LBB2_22-.Ltmp13, $4  }
0x279: {  	[hbm:s8], [sflag:s0] =	dma.local [spmem:s1], $0x2800  }
0x27a: {  	s3 =	simm.s32 $0x1400;
	_ =	swait.ge [sflag:s21], $0x2800  }
0x27b: {  	s0 =	simm.s32 $0x2700;
	[sflag:s21] =	ssyncset.done $0x0;
	s7 =	rddreg [dreg:$0xf]  }
0x27c: {  	s1 =	simm.s32 $0x2780;
	s11 =	rddreg [dreg:$0x3];
	[sflag:s21] =	ssyncadd.s32 $0xFFFFD800  }
.LBB2_23:
0x27d: {  	_ =	sfence.sel $0x180000  }
0x27e: {  	[bflag:$0x0] =	sbarrier.arrive $0xFFFF  }
0x27f: {  	_ =	strace $0x90000047  }
0x280: {  	s0 =	stileid.u32;
	[bflag:$0x2] =	sbarrier.arrive $0xFFFF  }
0x281: {  	p0 =	sne.s32 s0, $0x0;
	s0 =	rddreg [dreg:$0x2]  }
0x282: {  	s0 =	sadd.s32 @!p0 $0x100000, s0  }
0x283: {  	[sflag:s0] =	ssyncadd.tile.s32 @!p0 $0x1;
	_ =	shalt  }
.Lfunc_end2:
_tile_overlayer_lowered:
.L_overlay_start_2:
0x284: {  	(tag) =	ssettag $0x2  }
0x285: {  	s0 =	rddreg [dreg:$0x0];
	s2 =	stileid.u32  }
0x286: {  	s1 =	rddreg [dreg:$0x1];
	p0 =	sne.s32 s2, $0x0  }
0x287: {  	s3 =	rddreg [dreg:$0x2];
	[bflag:$0x3] =	sbarrier.arrive $0xFFFF;
	s2 =	simm.s32 @!p0 $0x1C05  }
0x288: {  	[timem:s3], [sflag:s2] =	dma.local @!p0 [hbm:s0], s1  }
0x289: {  	s0 =	simm.s32 @!p0 $0x5  }
0x28a: {  	_ =	swait.ge @!p0 [sflag:s0], s1  }
0x28b: {  	s1 =	ssub.s32 @!p0 $0x0, s1;
	[sflag:s0] =	ssyncset.done @!p0 $0x0  }
0x28c: {  	[sflag:s0] =	ssyncadd.s32 @!p0 s1  }
0x28d: {  	[bflag:$0x3] =	sbarrier.arrive $0xFFFF  }
0x28e: {  	_ =	shalt  }

</sc_bundles>
